<compile_context>
chip_gen: v7x
topology: tpu7x:2x2x1
jax: 0.10.2.dev20260603
libtpu: 0.0.44.dev20260713+nightly
codegen_flags: <defaults>
</compile_context>

<pallas_src>
import functools

import jax
import jax.numpy as jnp
from jax import lax
from jax.experimental import pallas as pl
from jax.experimental.pallas import tpu as pltpu
from jax.experimental.pallas import tpu_sc as plsc

E = 320000
N = 10000
D = 128
NC = 2
NS = 16
NW = NC * NS
EPW = E // NW
C = 80
NCHUNK = EPW // C
L = 16

CLIP = 1.0 + 1e-7


def _mdot_body(z_hbm, src_hbm, dst_hbm, out_hbm, zsh, cidx, srowsb, drowsb,
               maccb, tbuf, sem_rows, sem_idx, sem_out):
    sid = lax.axis_index("s")
    wid = sid * NC + lax.axis_index("c")
    base = wid * EPW

    @pl.when(sid == 0)
    def _():
        pltpu.sync_copy(z_hbm, zsh)

    pltpu.sync_copy(src_hbm.at[pl.ds(base, C)], cidx.at[0, 0])
    pltpu.sync_copy(dst_hbm.at[pl.ds(base, C)], cidx.at[0, 1])
    plsc.subcore_barrier()
    pltpu.async_copy(zsh.at[cidx.at[0, 0]], srowsb.at[0], sem_rows)
    pltpu.async_copy(zsh.at[cidx.at[0, 1]], drowsb.at[0], sem_rows)
    pltpu.async_copy(src_hbm.at[pl.ds(base + C, C)], cidx.at[1, 0], sem_idx)
    pltpu.async_copy(dst_hbm.at[pl.ds(base + C, C)], cidx.at[1, 1], sem_idx)

    def chunk_body(ci, _):
        b = lax.rem(ci, 2)
        nb = 1 - b
        pltpu.make_async_copy(zsh.at[cidx.at[b, 0]], srowsb.at[b],
                              sem_rows).wait()
        pltpu.make_async_copy(zsh.at[cidx.at[b, 1]], drowsb.at[b],
                              sem_rows).wait()

        @pl.when(ci + 1 < NCHUNK)
        def _():
            pltpu.make_async_copy(src_hbm.at[pl.ds(base, C)], cidx.at[nb, 0],
                                  sem_idx).wait()
            pltpu.make_async_copy(dst_hbm.at[pl.ds(base, C)], cidx.at[nb, 1],
                                  sem_idx).wait()
            pltpu.async_copy(zsh.at[cidx.at[nb, 0]], srowsb.at[nb], sem_rows)
            pltpu.async_copy(zsh.at[cidx.at[nb, 1]], drowsb.at[nb], sem_rows)

        @pl.when(ci + 2 < NCHUNK)
        def _():
            off2 = base + (ci + 2) * C
            pltpu.async_copy(src_hbm.at[pl.ds(off2, C)], cidx.at[b, 0],
                             sem_idx)
            pltpu.async_copy(dst_hbm.at[pl.ds(off2, C)], cidx.at[b, 1],
                             sem_idx)

        @pl.when(ci >= 2)
        def _():
            pltpu.make_async_copy(maccb.at[b], out_hbm.at[pl.ds(base, C)],
                                  sem_out).wait()

        lane = lax.iota(jnp.int32, L)
        sgn = jnp.where(lane == 0, -1.0, 1.0).astype(jnp.float32)
        bidx = lane * (L + 1)

        def partials(g):
            gbase = g * L
            for j in range(L):
                e = gbase + j
                prods = []
                for q in range(D // L):
                    s = srowsb[b, e, pl.ds(q * L, L)]
                    d = drowsb[b, e, pl.ds(q * L, L)]
                    prods.append(s * d * sgn if q == 0 else s * d)
                while len(prods) > 1:
                    prods = [x + y for x, y in zip(prods[::2], prods[1::2])]
                tbuf[pl.ds(j * (L + 1), L)] = prods[0]

        def transpose_out(g):
            cols = [plsc.load_gather(tbuf, [bidx + q]) for q in range(L)]
            while len(cols) > 1:
                cols = [x + y for x, y in zip(cols[::2], cols[1::2])]
            maccb[b, pl.ds(g * L, L)] = cols[0]

        partials(0)

        def gbody(g, _):
            transpose_out(g - 1)
            partials(g)
            return 0

        lax.fori_loop(1, C // L, gbody, 0)
        transpose_out(C // L - 1)

        pltpu.async_copy(maccb.at[b], out_hbm.at[pl.ds(base + ci * C, C)],
                         sem_out)
        return 0

    lax.fori_loop(0, NCHUNK, chunk_body, 0)

    pltpu.make_async_copy(maccb.at[0], out_hbm.at[pl.ds(base, C)],
                          sem_out).wait()
    pltpu.make_async_copy(maccb.at[1], out_hbm.at[pl.ds(base, C)],
                          sem_out).wait()


@functools.cache
def _mdot_sc():
    return functools.partial(
        pl.kernel,
        out_type=jax.ShapeDtypeStruct((E,), jnp.float32),
        mesh=plsc.VectorSubcoreMesh(
            core_axis_name="c", subcore_axis_name="s",
            num_cores=NC, num_subcores=NS,
        ),
        scratch_types=[
            pltpu.VMEM_SHARED((N, D), jnp.float32),
            pltpu.VMEM((2, 2, C), jnp.int32),
            pltpu.VMEM((2, C, D), jnp.float32),
            pltpu.VMEM((2, C, D), jnp.float32),
            pltpu.VMEM((2, C), jnp.float32),
            pltpu.VMEM((L * (L + 1),), jnp.float32),
            pltpu.SemaphoreType.DMA,
            pltpu.SemaphoreType.DMA,
            pltpu.SemaphoreType.DMA,
        ],
        compiler_params=pltpu.CompilerParams(needs_layout_passes=False),
    )(_mdot_body)


def _tail_body(mdot_ref, out_ref):
    md = mdot_ref[...]
    arg = jnp.maximum(-md, CLIP)
    dist = jnp.log(arg + jnp.sqrt((arg + 1.0) * (arg - 1.0)))
    d = 1.0 / dist
    m = jnp.max(d)
    out_ref[...] = jnp.exp(d - m)


def kernel(z, edge_index, p):
    del p
    mdot = _mdot_sc()(z, edge_index[0], edge_index[1])
    tail = pl.pallas_call(
        _tail_body,
        out_shape=jax.ShapeDtypeStruct((E // D, D), jnp.float32),
    )
    return tail(mdot.reshape(E // D, D)).reshape(E)

# --- scband reference (transcript-rebuilt; emitter-appended) ---
"""Pipeline reference for scband-softmax-decoder-32487132627149 (READ-ONLY COPY).

The authoritative reference and input builder live on the scoring server;
editing this copy changes nothing except your own understanding.
"""

import jax, jax.numpy as jnp
import numpy as np

RADIUS = 1.0


def hyperboloid_dist(x, y, radius):
    # Lorentz / hyperboloid distance: d(x,y) = r * arccosh(-<x,y>_L / r^2)
    # Minkowski inner product: -x0*y0 + sum_i xi*yi
    mdot = -x[:, 0] * y[:, 0] + jnp.sum(x[:, 1:] * y[:, 1:], axis=-1)
    arg = jnp.clip(-mdot / (radius ** 2), 1.0 + 1e-7, None)
    return radius * jnp.arccosh(arg)


def setup_inputs(seed: int = 0) -> dict:
    key = jax.random.key(seed)
    k1, k2 = jax.random.split(key, 2)
    z = jax.random.normal(k1, (10000, 128), dtype=jnp.float32)
    edge_index = jax.random.randint(k2, (2, 320000), 0, 10000, dtype=jnp.int32)
    p = jnp.array(0.5, dtype=jnp.float32)  # learned scalar parameter
    return {"z": z, "edge_index": edge_index, "p": p}


def reference(z, edge_index, p):
    src = jnp.take(z, edge_index[0], axis=0)
    dst = jnp.take(z, edge_index[1], axis=0)
    dist = 1.0 / hyperboloid_dist(src, dst, RADIUS)
    # torch F.softmax with implicit dim on a 1-D tensor -> softmax over dim 0
    scores = jax.nn.sigmoid(p) * jax.nn.softmax(dist, axis=0)
    # python max() over a 1-D torch tensor returns its max element
    probs = scores * (1.0 / jnp.max(scores))
    return jnp.squeeze(probs)

if __name__ == "__main__":
    import jax
    _d = setup_inputs()
    print(jax.jit(kernel)(*tuple(_d.values())))

</pallas_src>

<mosaic_0001>
#map = affine_map<(d0, d1) -> (0, 0)>
#map1 = affine_map<(d0, d1) -> (0)>
module attributes {stable_mosaic.version = 14 : i64} {
  func.func @_mdot_body(%arg0: i32, %arg1: i32, %arg2: memref<10000x128xf32, #tpu.memory_space<hbm>>, %arg3: memref<320000xi32, #tpu.memory_space<hbm>>, %arg4: memref<320000xi32, #tpu.memory_space<hbm>>, %arg5: memref<320000xf32, #tpu.memory_space<hbm>>, %arg6: memref<10000x128xf32, #tpu.memory_space<vmem_shared>>, %arg7: memref<2x2x80xi32, #tpu.memory_space<vmem>>, %arg8: memref<2x80x128xf32, #tpu.memory_space<vmem>>, %arg9: memref<2x80x128xf32, #tpu.memory_space<vmem>>, %arg10: memref<2x80xf32, #tpu.memory_space<vmem>>, %arg11: memref<272xf32, #tpu.memory_space<vmem>>, %arg12: memref<!tpu.dma_semaphore, #tpu.memory_space<semaphore_mem>>, %arg13: memref<!tpu.dma_semaphore, #tpu.memory_space<semaphore_mem>>, %arg14: memref<!tpu.dma_semaphore, #tpu.memory_space<semaphore_mem>>) attributes {dimension_semantics = [#tpu.dimension_semantics<core_parallel>, #tpu.dimension_semantics<subcore_parallel>], iteration_bounds = array<i64: 2, 16>, scalar_prefetch = 0 : i64, scratch_operands = 9 : i64, tpu.core_type = #tpu.core_type<sc_vector_subcore>, window_params = [{transform_indices = #map}, {transform_indices = #map1}, {transform_indices = #map1}, {transform_indices = #map1}]} {
    %mul3A = arith.constant 2 : i32
    %mul3A_0 = arith.muli %arg1, %mul3A : i32
    %add3A = arith.addi %mul3A_0, %arg0 : i32
    %mul3A_1 = arith.constant 10000 : i32
    %mul3A_2 = arith.muli %add3A, %mul3A_1 : i32
    %eq3A = arith.constant 0 : i32
    %eq3A_3 = arith.cmpi eq, %arg1, %eq3A : i32
    %convert_element_type3A = arith.extui %eq3A_3 : i1 to i32
    %cond3A = arith.constant 0 : i32
    %cond3A_4 = arith.cmpi ne, %convert_element_type3A, %cond3A : i32
    scf.if %cond3A_4 {
      "tpu.region"() ({
        %run_scoped3A_80 = tpu.sem_alloc : memref<!tpu.dma_semaphore, #tpu.memory_space<semaphore_mem>>
        tpu.enqueue_dma source(%arg2 : memref<10000x128xf32, #tpu.memory_space<hbm>>) target(%arg6 : memref<10000x128xf32, #tpu.memory_space<vmem_shared>>) target_semaphore(%run_scoped3A_80 : memref<!tpu.dma_semaphore, #tpu.memory_space<semaphore_mem>>)
        tpu.wait_dma2 semaphore(%run_scoped3A_80 : memref<!tpu.dma_semaphore, #tpu.memory_space<semaphore_mem>>) src(%arg2 : memref<10000x128xf32, #tpu.memory_space<hbm>>) dst(%arg6 : memref<10000x128xf32, #tpu.memory_space<vmem_shared>>)
        tpu.yield
      }) : () -> ()
    } else {
    }
    %run_scoped3A = arith.constant 0 : i32
    %run_scoped3A_5 = arith.constant 0 : i32
    "tpu.region"() ({
      %run_scoped3A_80 = tpu.sem_alloc : memref<!tpu.dma_semaphore, #tpu.memory_space<semaphore_mem>>
      %dma_start3A_81 = arith.constant 0 : i32
      %dma_start3A_82 = tpu.memref_slice %arg7[%run_scoped3A, %run_scoped3A_5, %dma_start3A_81] : memref<2x2x80xi32, #tpu.memory_space<vmem>> -> memref<1x1x80xi32, #tpu.memory_space<vmem>>
      %dma_start3A_83 = tpu.memref_squeeze %dma_start3A_82 : memref<1x1x80xi32, #tpu.memory_space<vmem>> -> memref<80xi32, #tpu.memory_space<vmem>>
      %dma_start3A_84 = tpu.memref_slice %arg3[%mul3A_2] : memref<320000xi32, #tpu.memory_space<hbm>> -> memref<80xi32, #tpu.memory_space<hbm>>
      %dma_start3A_85 = arith.constant 0 : i32
      %dma_start3A_86 = tpu.memref_slice %arg7[%run_scoped3A, %run_scoped3A_5, %dma_start3A_85] : memref<2x2x80xi32, #tpu.memory_space<vmem>> -> memref<1x1x80xi32, #tpu.memory_space<vmem>>
      %dma_start3A_87 = tpu.memref_squeeze %dma_start3A_86 : memref<1x1x80xi32, #tpu.memory_space<vmem>> -> memref<80xi32, #tpu.memory_space<vmem>>
      %dma_start3A_88 = tpu.memref_slice %arg3[%mul3A_2] : memref<320000xi32, #tpu.memory_space<hbm>> -> memref<80xi32, #tpu.memory_space<hbm>>
      tpu.enqueue_dma source(%dma_start3A_88 : memref<80xi32, #tpu.memory_space<hbm>>) target(%dma_start3A_87 : memref<80xi32, #tpu.memory_space<vmem>>) target_semaphore(%run_scoped3A_80 : memref<!tpu.dma_semaphore, #tpu.memory_space<semaphore_mem>>)
      %dma_wait3A_89 = arith.constant 0 : i32
      %dma_wait3A_90 = tpu.memref_slice %arg7[%run_scoped3A, %run_scoped3A_5, %dma_wait3A_89] : memref<2x2x80xi32, #tpu.memory_space<vmem>> -> memref<1x1x80xi32, #tpu.memory_space<vmem>>
      %dma_wait3A_91 = tpu.memref_squeeze %dma_wait3A_90 : memref<1x1x80xi32, #tpu.memory_space<vmem>> -> memref<80xi32, #tpu.memory_space<vmem>>
      %dma_wait3A_92 = tpu.memref_slice %arg3[%mul3A_2] : memref<320000xi32, #tpu.memory_space<hbm>> -> memref<80xi32, #tpu.memory_space<hbm>>
      %dma_wait3A_93 = arith.constant 0 : i32
      %dma_wait3A_94 = tpu.memref_slice %arg7[%run_scoped3A, %run_scoped3A_5, %dma_wait3A_93] : memref<2x2x80xi32, #tpu.memory_space<vmem>> -> memref<1x1x80xi32, #tpu.memory_space<vmem>>
      %dma_wait3A_95 = tpu.memref_squeeze %dma_wait3A_94 : memref<1x1x80xi32, #tpu.memory_space<vmem>> -> memref<80xi32, #tpu.memory_space<vmem>>
      %dma_wait3A_96 = tpu.memref_slice %arg3[%mul3A_2] : memref<320000xi32, #tpu.memory_space<hbm>> -> memref<80xi32, #tpu.memory_space<hbm>>
      tpu.wait_dma2 semaphore(%run_scoped3A_80 : memref<!tpu.dma_semaphore, #tpu.memory_space<semaphore_mem>>) src(%dma_wait3A_96 : memref<80xi32, #tpu.memory_space<hbm>>) dst(%dma_wait3A_95 : memref<80xi32, #tpu.memory_space<vmem>>)
      tpu.yield
    }) : () -> ()
    %run_scoped3A_6 = arith.constant 0 : i32
    %run_scoped3A_7 = arith.constant 1 : i32
    "tpu.region"() ({
      %run_scoped3A_80 = tpu.sem_alloc : memref<!tpu.dma_semaphore, #tpu.memory_space<semaphore_mem>>
      %dma_start3A_81 = arith.constant 0 : i32
      %dma_start3A_82 = tpu.memref_slice %arg7[%run_scoped3A_6, %run_scoped3A_7, %dma_start3A_81] : memref<2x2x80xi32, #tpu.memory_space<vmem>> -> memref<1x1x80xi32, #tpu.memory_space<vmem>>
      %dma_start3A_83 = tpu.memref_squeeze %dma_start3A_82 : memref<1x1x80xi32, #tpu.memory_space<vmem>> -> memref<80xi32, #tpu.memory_space<vmem>>
      %dma_start3A_84 = tpu.memref_slice %arg4[%mul3A_2] : memref<320000xi32, #tpu.memory_space<hbm>> -> memref<80xi32, #tpu.memory_space<hbm>>
      %dma_start3A_85 = arith.constant 0 : i32
      %dma_start3A_86 = tpu.memref_slice %arg7[%run_scoped3A_6, %run_scoped3A_7, %dma_start3A_85] : memref<2x2x80xi32, #tpu.memory_space<vmem>> -> memref<1x1x80xi32, #tpu.memory_space<vmem>>
      %dma_start3A_87 = tpu.memref_squeeze %dma_start3A_86 : memref<1x1x80xi32, #tpu.memory_space<vmem>> -> memref<80xi32, #tpu.memory_space<vmem>>
      %dma_start3A_88 = tpu.memref_slice %arg4[%mul3A_2] : memref<320000xi32, #tpu.memory_space<hbm>> -> memref<80xi32, #tpu.memory_space<hbm>>
      tpu.enqueue_dma source(%dma_start3A_88 : memref<80xi32, #tpu.memory_space<hbm>>) target(%dma_start3A_87 : memref<80xi32, #tpu.memory_space<vmem>>) target_semaphore(%run_scoped3A_80 : memref<!tpu.dma_semaphore, #tpu.memory_space<semaphore_mem>>)
      %dma_wait3A_89 = arith.constant 0 : i32
      %dma_wait3A_90 = tpu.memref_slice %arg7[%run_scoped3A_6, %run_scoped3A_7, %dma_wait3A_89] : memref<2x2x80xi32, #tpu.memory_space<vmem>> -> memref<1x1x80xi32, #tpu.memory_space<vmem>>
      %dma_wait3A_91 = tpu.memref_squeeze %dma_wait3A_90 : memref<1x1x80xi32, #tpu.memory_space<vmem>> -> memref<80xi32, #tpu.memory_space<vmem>>
      %dma_wait3A_92 = tpu.memref_slice %arg4[%mul3A_2] : memref<320000xi32, #tpu.memory_space<hbm>> -> memref<80xi32, #tpu.memory_space<hbm>>
      %dma_wait3A_93 = arith.constant 0 : i32
      %dma_wait3A_94 = tpu.memref_slice %arg7[%run_scoped3A_6, %run_scoped3A_7, %dma_wait3A_93] : memref<2x2x80xi32, #tpu.memory_space<vmem>> -> memref<1x1x80xi32, #tpu.memory_space<vmem>>
      %dma_wait3A_95 = tpu.memref_squeeze %dma_wait3A_94 : memref<1x1x80xi32, #tpu.memory_space<vmem>> -> memref<80xi32, #tpu.memory_space<vmem>>
      %dma_wait3A_96 = tpu.memref_slice %arg4[%mul3A_2] : memref<320000xi32, #tpu.memory_space<hbm>> -> memref<80xi32, #tpu.memory_space<hbm>>
      tpu.wait_dma2 semaphore(%run_scoped3A_80 : memref<!tpu.dma_semaphore, #tpu.memory_space<semaphore_mem>>) src(%dma_wait3A_96 : memref<80xi32, #tpu.memory_space<hbm>>) dst(%dma_wait3A_95 : memref<80xi32, #tpu.memory_space<vmem>>)
      tpu.yield
    }) : () -> ()
    %barrier3A = arith.constant 0 : index
    tpu.barrier barrier_id(%barrier3A)
    %dma_start3A = arith.constant 0 : i32
    %dma_start3A_8 = arith.constant 0 : i32
    %dma_start3A_9 = arith.constant 0 : i32
    %dma_start3A_10 = arith.constant 0 : i32
    %dma_start3A_11 = arith.constant 0 : i32
    %dma_start3A_12 = tpu.memref_slice %arg8[%dma_start3A_9, %dma_start3A_10, %dma_start3A_11] : memref<2x80x128xf32, #tpu.memory_space<vmem>> -> memref<1x80x128xf32, #tpu.memory_space<vmem>>
    %dma_start3A_13 = tpu.memref_squeeze %dma_start3A_12 : memref<1x80x128xf32, #tpu.memory_space<vmem>> -> memref<80x128xf32, #tpu.memory_space<vmem>>
    %dma_start3A_14 = arith.constant 0 : i32
    %dma_start3A_15 = tpu.memref_slice %arg7[%dma_start3A, %dma_start3A_8, %dma_start3A_14] : memref<2x2x80xi32, #tpu.memory_space<vmem>> -> memref<1x1x80xi32, #tpu.memory_space<vmem>>
    %dma_start3A_16 = tpu.memref_squeeze %dma_start3A_15 : memref<1x1x80xi32, #tpu.memory_space<vmem>> -> memref<80xi32, #tpu.memory_space<vmem>>
    %dma_start3A_17 = arith.constant 0 : i32
    %dma_start3A_18 = arith.constant 0 : i32
    %dma_start3A_19 = tpu.memref_slice %arg6[%dma_start3A_17, %dma_start3A_18] : memref<10000x128xf32, #tpu.memory_space<vmem_shared>> -> memref<10000x128xf32, #tpu.memory_space<vmem_shared>>
    tpu.enqueue_indirect_dma source(%dma_start3A_19 : memref<10000x128xf32, #tpu.memory_space<vmem_shared>>) target(%dma_start3A_13 : memref<80x128xf32, #tpu.memory_space<vmem>>) offsets(%dma_start3A_16 : memref<80xi32, #tpu.memory_space<vmem>>) semaphore(%arg12 : memref<!tpu.dma_semaphore, #tpu.memory_space<semaphore_mem>>)
    %dma_start3A_20 = arith.constant 0 : i32
    %dma_start3A_21 = arith.constant 1 : i32
    %dma_start3A_22 = arith.constant 0 : i32
    %dma_start3A_23 = arith.constant 0 : i32
    %dma_start3A_24 = arith.constant 0 : i32
    %dma_start3A_25 = tpu.memref_slice %arg9[%dma_start3A_22, %dma_start3A_23, %dma_start3A_24] : memref<2x80x128xf32, #tpu.memory_space<vmem>> -> memref<1x80x128xf32, #tpu.memory_space<vmem>>
    %dma_start3A_26 = tpu.memref_squeeze %dma_start3A_25 : memref<1x80x128xf32, #tpu.memory_space<vmem>> -> memref<80x128xf32, #tpu.memory_space<vmem>>
    %dma_start3A_27 = arith.constant 0 : i32
    %dma_start3A_28 = tpu.memref_slice %arg7[%dma_start3A_20, %dma_start3A_21, %dma_start3A_27] : memref<2x2x80xi32, #tpu.memory_space<vmem>> -> memref<1x1x80xi32, #tpu.memory_space<vmem>>
    %dma_start3A_29 = tpu.memref_squeeze %dma_start3A_28 : memref<1x1x80xi32, #tpu.memory_space<vmem>> -> memref<80xi32, #tpu.memory_space<vmem>>
    %dma_start3A_30 = arith.constant 0 : i32
    %dma_start3A_31 = arith.constant 0 : i32
    %dma_start3A_32 = tpu.memref_slice %arg6[%dma_start3A_30, %dma_start3A_31] : memref<10000x128xf32, #tpu.memory_space<vmem_shared>> -> memref<10000x128xf32, #tpu.memory_space<vmem_shared>>
    tpu.enqueue_indirect_dma source(%dma_start3A_32 : memref<10000x128xf32, #tpu.memory_space<vmem_shared>>) target(%dma_start3A_26 : memref<80x128xf32, #tpu.memory_space<vmem>>) offsets(%dma_start3A_29 : memref<80xi32, #tpu.memory_space<vmem>>) semaphore(%arg12 : memref<!tpu.dma_semaphore, #tpu.memory_space<semaphore_mem>>)
    %add3A_33 = arith.constant 80 : i32
    %add3A_34 = arith.addi %mul3A_2, %add3A_33 : i32
    %dma_start3A_35 = arith.constant 1 : i32
    %dma_start3A_36 = arith.constant 0 : i32
    %dma_start3A_37 = arith.constant 0 : i32
    %dma_start3A_38 = tpu.memref_slice %arg7[%dma_start3A_35, %dma_start3A_36, %dma_start3A_37] : memref<2x2x80xi32, #tpu.memory_space<vmem>> -> memref<1x1x80xi32, #tpu.memory_space<vmem>>
    %dma_start3A_39 = tpu.memref_squeeze %dma_start3A_38 : memref<1x1x80xi32, #tpu.memory_space<vmem>> -> memref<80xi32, #tpu.memory_space<vmem>>
    %dma_start3A_40 = tpu.memref_slice %arg3[%add3A_34] : memref<320000xi32, #tpu.memory_space<hbm>> -> memref<80xi32, #tpu.memory_space<hbm>>
    %dma_start3A_41 = arith.constant 0 : i32
    %dma_start3A_42 = tpu.memref_slice %arg7[%dma_start3A_35, %dma_start3A_36, %dma_start3A_41] : memref<2x2x80xi32, #tpu.memory_space<vmem>> -> memref<1x1x80xi32, #tpu.memory_space<vmem>>
    %dma_start3A_43 = tpu.memref_squeeze %dma_start3A_42 : memref<1x1x80xi32, #tpu.memory_space<vmem>> -> memref<80xi32, #tpu.memory_space<vmem>>
    %dma_start3A_44 = tpu.memref_slice %arg3[%add3A_34] : memref<320000xi32, #tpu.memory_space<hbm>> -> memref<80xi32, #tpu.memory_space<hbm>>
    tpu.enqueue_dma source(%dma_start3A_44 : memref<80xi32, #tpu.memory_space<hbm>>) target(%dma_start3A_43 : memref<80xi32, #tpu.memory_space<vmem>>) target_semaphore(%arg13 : memref<!tpu.dma_semaphore, #tpu.memory_space<semaphore_mem>>)
    %add3A_45 = arith.constant 80 : i32
    %add3A_46 = arith.addi %mul3A_2, %add3A_45 : i32
    %dma_start3A_47 = arith.constant 1 : i32
    %dma_start3A_48 = arith.constant 1 : i32
    %dma_start3A_49 = arith.constant 0 : i32
    %dma_start3A_50 = tpu.memref_slice %arg7[%dma_start3A_47, %dma_start3A_48, %dma_start3A_49] : memref<2x2x80xi32, #tpu.memory_space<vmem>> -> memref<1x1x80xi32, #tpu.memory_space<vmem>>
    %dma_start3A_51 = tpu.memref_squeeze %dma_start3A_50 : memref<1x1x80xi32, #tpu.memory_space<vmem>> -> memref<80xi32, #tpu.memory_space<vmem>>
    %dma_start3A_52 = tpu.memref_slice %arg4[%add3A_46] : memref<320000xi32, #tpu.memory_space<hbm>> -> memref<80xi32, #tpu.memory_space<hbm>>
    %dma_start3A_53 = arith.constant 0 : i32
    %dma_start3A_54 = tpu.memref_slice %arg7[%dma_start3A_47, %dma_start3A_48, %dma_start3A_53] : memref<2x2x80xi32, #tpu.memory_space<vmem>> -> memref<1x1x80xi32, #tpu.memory_space<vmem>>
    %dma_start3A_55 = tpu.memref_squeeze %dma_start3A_54 : memref<1x1x80xi32, #tpu.memory_space<vmem>> -> memref<80xi32, #tpu.memory_space<vmem>>
    %dma_start3A_56 = tpu.memref_slice %arg4[%add3A_46] : memref<320000xi32, #tpu.memory_space<hbm>> -> memref<80xi32, #tpu.memory_space<hbm>>
    tpu.enqueue_dma source(%dma_start3A_56 : memref<80xi32, #tpu.memory_space<hbm>>) target(%dma_start3A_55 : memref<80xi32, #tpu.memory_space<vmem>>) target_semaphore(%arg13 : memref<!tpu.dma_semaphore, #tpu.memory_space<semaphore_mem>>)
    %scan3A = arith.constant 0 : i32
    %scan3A_57 = arith.constant 0 : i32
    %scan3A_58 = arith.constant 125 : i32
    %scan3A_59 = arith.addi %scan3A_57, %scan3A_58 : i32
    %scan3A_60 = arith.constant 1 : i32
    %scan3A_61 = scf.for %scan3A_80 = %scan3A_57 to %scan3A_59 step %scan3A_60 iter_args(%scan3A_81 = %scan3A) -> (i32)  : i32 {
      %rem3A = arith.constant 2 : i32
      %rem3A_82 = arith.remsi %scan3A_80, %rem3A : i32
      %sub3A = arith.constant 1 : i32
      %sub3A_83 = arith.subi %sub3A, %rem3A_82 : i32
      %dma_wait3A_84 = arith.constant 0 : i32
      %dma_wait3A_85 = arith.constant 0 : i32
      %dma_wait3A_86 = arith.constant 0 : i32
      %dma_wait3A_87 = tpu.memref_slice %arg8[%rem3A_82, %dma_wait3A_85, %dma_wait3A_86] : memref<2x80x128xf32, #tpu.memory_space<vmem>> -> memref<1x80x128xf32, #tpu.memory_space<vmem>>
      %dma_wait3A_88 = tpu.memref_squeeze %dma_wait3A_87 : memref<1x80x128xf32, #tpu.memory_space<vmem>> -> memref<80x128xf32, #tpu.memory_space<vmem>>
      %dma_wait3A_89 = arith.constant 0 : i32
      %dma_wait3A_90 = tpu.memref_slice %arg7[%rem3A_82, %dma_wait3A_84, %dma_wait3A_89] : memref<2x2x80xi32, #tpu.memory_space<vmem>> -> memref<1x1x80xi32, #tpu.memory_space<vmem>>
      %dma_wait3A_91 = tpu.memref_squeeze %dma_wait3A_90 : memref<1x1x80xi32, #tpu.memory_space<vmem>> -> memref<80xi32, #tpu.memory_space<vmem>>
      %dma_wait3A_92 = arith.constant 0 : i32
      %dma_wait3A_93 = arith.constant 0 : i32
      %dma_wait3A_94 = tpu.memref_slice %arg6[%dma_wait3A_92, %dma_wait3A_93] : memref<10000x128xf32, #tpu.memory_space<vmem_shared>> -> memref<10000x128xf32, #tpu.memory_space<vmem_shared>>
      tpu.wait_indirect_dma semaphore(%arg12 : memref<!tpu.dma_semaphore, #tpu.memory_space<semaphore_mem>>) src(%dma_wait3A_94 : memref<10000x128xf32, #tpu.memory_space<vmem_shared>>) dst(%dma_wait3A_88 : memref<80x128xf32, #tpu.memory_space<vmem>>)
      %dma_wait3A_95 = arith.constant 1 : i32
      %dma_wait3A_96 = arith.constant 0 : i32
      %dma_wait3A_97 = arith.constant 0 : i32
      %dma_wait3A_98 = tpu.memref_slice %arg9[%rem3A_82, %dma_wait3A_96, %dma_wait3A_97] : memref<2x80x128xf32, #tpu.memory_space<vmem>> -> memref<1x80x128xf32, #tpu.memory_space<vmem>>
      %dma_wait3A_99 = tpu.memref_squeeze %dma_wait3A_98 : memref<1x80x128xf32, #tpu.memory_space<vmem>> -> memref<80x128xf32, #tpu.memory_space<vmem>>
      %dma_wait3A_100 = arith.constant 0 : i32
      %dma_wait3A_101 = tpu.memref_slice %arg7[%rem3A_82, %dma_wait3A_95, %dma_wait3A_100] : memref<2x2x80xi32, #tpu.memory_space<vmem>> -> memref<1x1x80xi32, #tpu.memory_space<vmem>>
      %dma_wait3A_102 = tpu.memref_squeeze %dma_wait3A_101 : memref<1x1x80xi32, #tpu.memory_space<vmem>> -> memref<80xi32, #tpu.memory_space<vmem>>
      %dma_wait3A_103 = arith.constant 0 : i32
      %dma_wait3A_104 = arith.constant 0 : i32
      %dma_wait3A_105 = tpu.memref_slice %arg6[%dma_wait3A_103, %dma_wait3A_104] : memref<10000x128xf32, #tpu.memory_space<vmem_shared>> -> memref<10000x128xf32, #tpu.memory_space<vmem_shared>>
      tpu.wait_indirect_dma semaphore(%arg12 : memref<!tpu.dma_semaphore, #tpu.memory_space<semaphore_mem>>) src(%dma_wait3A_105 : memref<10000x128xf32, #tpu.memory_space<vmem_shared>>) dst(%dma_wait3A_99 : memref<80x128xf32, #tpu.memory_space<vmem>>)
      %add3A_106 = arith.constant 1 : i32
      %add3A_107 = arith.addi %scan3A_80, %add3A_106 : i32
      %lt3A = arith.constant 125 : i32
      %lt3A_108 = arith.cmpi slt, %add3A_107, %lt3A : i32
      %convert_element_type3A_109 = arith.extui %lt3A_108 : i1 to i32
      %cond3A_110 = arith.constant 0 : i32
      %cond3A_111 = arith.cmpi ne, %convert_element_type3A_109, %cond3A_110 : i32
      scf.if %cond3A_111 {
        %dma_wait3A_1797 = arith.constant 0 : i32
        %dma_wait3A_1798 = arith.constant 0 : i32
        %dma_wait3A_1799 = tpu.memref_slice %arg7[%sub3A_83, %dma_wait3A_1797, %dma_wait3A_1798] : memref<2x2x80xi32, #tpu.memory_space<vmem>> -> memref<1x1x80xi32, #tpu.memory_space<vmem>>
        %dma_wait3A_1800 = tpu.memref_squeeze %dma_wait3A_1799 : memref<1x1x80xi32, #tpu.memory_space<vmem>> -> memref<80xi32, #tpu.memory_space<vmem>>
        %dma_wait3A_1801 = tpu.memref_slice %arg3[%mul3A_2] : memref<320000xi32, #tpu.memory_space<hbm>> -> memref<80xi32, #tpu.memory_space<hbm>>
        %dma_wait3A_1802 = arith.constant 0 : i32
        %dma_wait3A_1803 = tpu.memref_slice %arg7[%sub3A_83, %dma_wait3A_1797, %dma_wait3A_1802] : memref<2x2x80xi32, #tpu.memory_space<vmem>> -> memref<1x1x80xi32, #tpu.memory_space<vmem>>
        %dma_wait3A_1804 = tpu.memref_squeeze %dma_wait3A_1803 : memref<1x1x80xi32, #tpu.memory_space<vmem>> -> memref<80xi32, #tpu.memory_space<vmem>>
        %dma_wait3A_1805 = tpu.memref_slice %arg3[%mul3A_2] : memref<320000xi32, #tpu.memory_space<hbm>> -> memref<80xi32, #tpu.memory_space<hbm>>
        tpu.wait_dma2 semaphore(%arg13 : memref<!tpu.dma_semaphore, #tpu.memory_space<semaphore_mem>>) src(%dma_wait3A_1805 : memref<80xi32, #tpu.memory_space<hbm>>) dst(%dma_wait3A_1804 : memref<80xi32, #tpu.memory_space<vmem>>)
        %dma_wait3A_1806 = arith.constant 1 : i32
        %dma_wait3A_1807 = arith.constant 0 : i32
        %dma_wait3A_1808 = tpu.memref_slice %arg7[%sub3A_83, %dma_wait3A_1806, %dma_wait3A_1807] : memref<2x2x80xi32, #tpu.memory_space<vmem>> -> memref<1x1x80xi32, #tpu.memory_space<vmem>>
        %dma_wait3A_1809 = tpu.memref_squeeze %dma_wait3A_1808 : memref<1x1x80xi32, #tpu.memory_space<vmem>> -> memref<80xi32, #tpu.memory_space<vmem>>
        %dma_wait3A_1810 = tpu.memref_slice %arg4[%mul3A_2] : memref<320000xi32, #tpu.memory_space<hbm>> -> memref<80xi32, #tpu.memory_space<hbm>>
        %dma_wait3A_1811 = arith.constant 0 : i32
        %dma_wait3A_1812 = tpu.memref_slice %arg7[%sub3A_83, %dma_wait3A_1806, %dma_wait3A_1811] : memref<2x2x80xi32, #tpu.memory_space<vmem>> -> memref<1x1x80xi32, #tpu.memory_space<vmem>>
        %dma_wait3A_1813 = tpu.memref_squeeze %dma_wait3A_1812 : memref<1x1x80xi32, #tpu.memory_space<vmem>> -> memref<80xi32, #tpu.memory_space<vmem>>
        %dma_wait3A_1814 = tpu.memref_slice %arg4[%mul3A_2] : memref<320000xi32, #tpu.memory_space<hbm>> -> memref<80xi32, #tpu.memory_space<hbm>>
        tpu.wait_dma2 semaphore(%arg13 : memref<!tpu.dma_semaphore, #tpu.memory_space<semaphore_mem>>) src(%dma_wait3A_1814 : memref<80xi32, #tpu.memory_space<hbm>>) dst(%dma_wait3A_1813 : memref<80xi32, #tpu.memory_space<vmem>>)
        %dma_start3A_1815 = arith.constant 0 : i32
        %dma_start3A_1816 = arith.constant 0 : i32
        %dma_start3A_1817 = arith.constant 0 : i32
        %dma_start3A_1818 = tpu.memref_slice %arg8[%sub3A_83, %dma_start3A_1816, %dma_start3A_1817] : memref<2x80x128xf32, #tpu.memory_space<vmem>> -> memref<1x80x128xf32, #tpu.memory_space<vmem>>
        %dma_start3A_1819 = tpu.memref_squeeze %dma_start3A_1818 : memref<1x80x128xf32, #tpu.memory_space<vmem>> -> memref<80x128xf32, #tpu.memory_space<vmem>>
        %dma_start3A_1820 = arith.constant 0 : i32
        %dma_start3A_1821 = tpu.memref_slice %arg7[%sub3A_83, %dma_start3A_1815, %dma_start3A_1820] : memref<2x2x80xi32, #tpu.memory_space<vmem>> -> memref<1x1x80xi32, #tpu.memory_space<vmem>>
        %dma_start3A_1822 = tpu.memref_squeeze %dma_start3A_1821 : memref<1x1x80xi32, #tpu.memory_space<vmem>> -> memref<80xi32, #tpu.memory_space<vmem>>
        %dma_start3A_1823 = arith.constant 0 : i32
        %dma_start3A_1824 = arith.constant 0 : i32
        %dma_start3A_1825 = tpu.memref_slice %arg6[%dma_start3A_1823, %dma_start3A_1824] : memref<10000x128xf32, #tpu.memory_space<vmem_shared>> -> memref<10000x128xf32, #tpu.memory_space<vmem_shared>>
        tpu.enqueue_indirect_dma source(%dma_start3A_1825 : memref<10000x128xf32, #tpu.memory_space<vmem_shared>>) target(%dma_start3A_1819 : memref<80x128xf32, #tpu.memory_space<vmem>>) offsets(%dma_start3A_1822 : memref<80xi32, #tpu.memory_space<vmem>>) semaphore(%arg12 : memref<!tpu.dma_semaphore, #tpu.memory_space<semaphore_mem>>)
        %dma_start3A_1826 = arith.constant 1 : i32
        %dma_start3A_1827 = arith.constant 0 : i32
        %dma_start3A_1828 = arith.constant 0 : i32
        %dma_start3A_1829 = tpu.memref_slice %arg9[%sub3A_83, %dma_start3A_1827, %dma_start3A_1828] : memref<2x80x128xf32, #tpu.memory_space<vmem>> -> memref<1x80x128xf32, #tpu.memory_space<vmem>>
        %dma_start3A_1830 = tpu.memref_squeeze %dma_start3A_1829 : memref<1x80x128xf32, #tpu.memory_space<vmem>> -> memref<80x128xf32, #tpu.memory_space<vmem>>
        %dma_start3A_1831 = arith.constant 0 : i32
        %dma_start3A_1832 = tpu.memref_slice %arg7[%sub3A_83, %dma_start3A_1826, %dma_start3A_1831] : memref<2x2x80xi32, #tpu.memory_space<vmem>> -> memref<1x1x80xi32, #tpu.memory_space<vmem>>
        %dma_start3A_1833 = tpu.memref_squeeze %dma_start3A_1832 : memref<1x1x80xi32, #tpu.memory_space<vmem>> -> memref<80xi32, #tpu.memory_space<vmem>>
        %dma_start3A_1834 = arith.constant 0 : i32
        %dma_start3A_1835 = arith.constant 0 : i32
        %dma_start3A_1836 = tpu.memref_slice %arg6[%dma_start3A_1834, %dma_start3A_1835] : memref<10000x128xf32, #tpu.memory_space<vmem_shared>> -> memref<10000x128xf32, #tpu.memory_space<vmem_shared>>
        tpu.enqueue_indirect_dma source(%dma_start3A_1836 : memref<10000x128xf32, #tpu.memory_space<vmem_shared>>) target(%dma_start3A_1830 : memref<80x128xf32, #tpu.memory_space<vmem>>) offsets(%dma_start3A_1833 : memref<80xi32, #tpu.memory_space<vmem>>) semaphore(%arg12 : memref<!tpu.dma_semaphore, #tpu.memory_space<semaphore_mem>>)
      } else {
      }
      %add3A_112 = arith.constant 2 : i32
      %add3A_113 = arith.addi %scan3A_80, %add3A_112 : i32
      %lt3A_114 = arith.constant 125 : i32
      %lt3A_115 = arith.cmpi slt, %add3A_113, %lt3A_114 : i32
      %convert_element_type3A_116 = arith.extui %lt3A_115 : i1 to i32
      %cond3A_117 = arith.constant 0 : i32
      %cond3A_118 = arith.cmpi ne, %convert_element_type3A_116, %cond3A_117 : i32
      scf.if %cond3A_118 {
        %add3A_1797 = arith.constant 2 : i32
        %add3A_1798 = arith.addi %scan3A_80, %add3A_1797 : i32
        %mul3A_1799 = arith.constant 80 : i32
        %mul3A_1800 = arith.muli %add3A_1798, %mul3A_1799 : i32
        %add3A_1801 = arith.addi %mul3A_2, %mul3A_1800 : i32
        %dma_start3A_1802 = arith.constant 0 : i32
        %dma_start3A_1803 = arith.constant 0 : i32
        %dma_start3A_1804 = tpu.memref_slice %arg7[%rem3A_82, %dma_start3A_1802, %dma_start3A_1803] : memref<2x2x80xi32, #tpu.memory_space<vmem>> -> memref<1x1x80xi32, #tpu.memory_space<vmem>>
        %dma_start3A_1805 = tpu.memref_squeeze %dma_start3A_1804 : memref<1x1x80xi32, #tpu.memory_space<vmem>> -> memref<80xi32, #tpu.memory_space<vmem>>
        %dma_start3A_1806 = tpu.memref_slice %arg3[%add3A_1801] : memref<320000xi32, #tpu.memory_space<hbm>> -> memref<80xi32, #tpu.memory_space<hbm>>
        %dma_start3A_1807 = arith.constant 0 : i32
        %dma_start3A_1808 = tpu.memref_slice %arg7[%rem3A_82, %dma_start3A_1802, %dma_start3A_1807] : memref<2x2x80xi32, #tpu.memory_space<vmem>> -> memref<1x1x80xi32, #tpu.memory_space<vmem>>
        %dma_start3A_1809 = tpu.memref_squeeze %dma_start3A_1808 : memref<1x1x80xi32, #tpu.memory_space<vmem>> -> memref<80xi32, #tpu.memory_space<vmem>>
        %dma_start3A_1810 = tpu.memref_slice %arg3[%add3A_1801] : memref<320000xi32, #tpu.memory_space<hbm>> -> memref<80xi32, #tpu.memory_space<hbm>>
        tpu.enqueue_dma source(%dma_start3A_1810 : memref<80xi32, #tpu.memory_space<hbm>>) target(%dma_start3A_1809 : memref<80xi32, #tpu.memory_space<vmem>>) target_semaphore(%arg13 : memref<!tpu.dma_semaphore, #tpu.memory_space<semaphore_mem>>)
        %dma_start3A_1811 = arith.constant 1 : i32
        %dma_start3A_1812 = arith.constant 0 : i32
        %dma_start3A_1813 = tpu.memref_slice %arg7[%rem3A_82, %dma_start3A_1811, %dma_start3A_1812] : memref<2x2x80xi32, #tpu.memory_space<vmem>> -> memref<1x1x80xi32, #tpu.memory_space<vmem>>
        %dma_start3A_1814 = tpu.memref_squeeze %dma_start3A_1813 : memref<1x1x80xi32, #tpu.memory_space<vmem>> -> memref<80xi32, #tpu.memory_space<vmem>>
        %dma_start3A_1815 = tpu.memref_slice %arg4[%add3A_1801] : memref<320000xi32, #tpu.memory_space<hbm>> -> memref<80xi32, #tpu.memory_space<hbm>>
        %dma_start3A_1816 = arith.constant 0 : i32
        %dma_start3A_1817 = tpu.memref_slice %arg7[%rem3A_82, %dma_start3A_1811, %dma_start3A_1816] : memref<2x2x80xi32, #tpu.memory_space<vmem>> -> memref<1x1x80xi32, #tpu.memory_space<vmem>>
        %dma_start3A_1818 = tpu.memref_squeeze %dma_start3A_1817 : memref<1x1x80xi32, #tpu.memory_space<vmem>> -> memref<80xi32, #tpu.memory_space<vmem>>
        %dma_start3A_1819 = tpu.memref_slice %arg4[%add3A_1801] : memref<320000xi32, #tpu.memory_space<hbm>> -> memref<80xi32, #tpu.memory_space<hbm>>
        tpu.enqueue_dma source(%dma_start3A_1819 : memref<80xi32, #tpu.memory_space<hbm>>) target(%dma_start3A_1818 : memref<80xi32, #tpu.memory_space<vmem>>) target_semaphore(%arg13 : memref<!tpu.dma_semaphore, #tpu.memory_space<semaphore_mem>>)
      } else {
      }
      %ge3A = arith.constant 2 : i32
      %ge3A_119 = arith.cmpi sge, %scan3A_80, %ge3A : i32
      %convert_element_type3A_120 = arith.extui %ge3A_119 : i1 to i32
      %cond3A_121 = arith.constant 0 : i32
      %cond3A_122 = arith.cmpi ne, %convert_element_type3A_120, %cond3A_121 : i32
      scf.if %cond3A_122 {
        %dma_wait3A_1797 = arith.constant 0 : i32
        %dma_wait3A_1798 = tpu.memref_slice %arg10[%rem3A_82, %dma_wait3A_1797] : memref<2x80xf32, #tpu.memory_space<vmem>> -> memref<1x80xf32, #tpu.memory_space<vmem>>
        %dma_wait3A_1799 = tpu.memref_squeeze %dma_wait3A_1798 : memref<1x80xf32, #tpu.memory_space<vmem>> -> memref<80xf32, #tpu.memory_space<vmem>>
        %dma_wait3A_1800 = tpu.memref_slice %arg5[%mul3A_2] : memref<320000xf32, #tpu.memory_space<hbm>> -> memref<80xf32, #tpu.memory_space<hbm>>
        %dma_wait3A_1801 = tpu.memref_slice %arg5[%mul3A_2] : memref<320000xf32, #tpu.memory_space<hbm>> -> memref<80xf32, #tpu.memory_space<hbm>>
        %dma_wait3A_1802 = arith.constant 0 : i32
        %dma_wait3A_1803 = tpu.memref_slice %arg10[%rem3A_82, %dma_wait3A_1802] : memref<2x80xf32, #tpu.memory_space<vmem>> -> memref<1x80xf32, #tpu.memory_space<vmem>>
        %dma_wait3A_1804 = tpu.memref_squeeze %dma_wait3A_1803 : memref<1x80xf32, #tpu.memory_space<vmem>> -> memref<80xf32, #tpu.memory_space<vmem>>
        tpu.wait_dma2 semaphore(%arg14 : memref<!tpu.dma_semaphore, #tpu.memory_space<semaphore_mem>>) src(%dma_wait3A_1804 : memref<80xf32, #tpu.memory_space<vmem>>) dst(%dma_wait3A_1801 : memref<80xf32, #tpu.memory_space<hbm>>)
      } else {
      }
      %iota3A = tpu.iota {dimensions = array<i32: 0>} : vector<16xi32>
      %eq3A_123 = arith.constant 0 : i32
      %eq3A_124 = vector.broadcast %eq3A_123 : i32 to vector<16xi32>
      %eq3A_125 = arith.cmpi eq, %iota3A, %eq3A_124 : vector<16xi32>
      %jit3A = arith.constant -1.000000e+00 : f32
      %jit3A_126 = arith.constant 1.000000e+00 : f32
      %broadcast_in_dim3A = vector.broadcast %jit3A : f32 to vector<16xf32>
      %broadcast_in_dim3A_127 = vector.broadcast %jit3A_126 : f32 to vector<16xf32>
      %select_n3A = arith.select %eq3A_125, %broadcast_in_dim3A, %broadcast_in_dim3A_127 : vector<16xi1>, vector<16xf32>
      %mul3A_128 = arith.constant 17 : i32
      %mul3A_129 = vector.broadcast %mul3A_128 : i32 to vector<16xi32>
      %mul3A_130 = arith.muli %iota3A, %mul3A_129 : vector<16xi32>
      %get3A = arith.constant 0 : i32
      %get3A_131 = arith.index_cast %rem3A_82 : i32 to index
      %get3A_132 = arith.index_cast %get3A : i32 to index
      %get3A_133 = arith.constant 0 : index
      %get3A_134 = tpu.vector_load %arg8[%get3A_131, %get3A_132, %get3A_133] {strides = array<i32>} : memref<2x80x128xf32, #tpu.memory_space<vmem>>, vector<16xf32>,
      %get3A_135 = arith.constant 0 : i32
      %get3A_136 = arith.index_cast %rem3A_82 : i32 to index
      %get3A_137 = arith.index_cast %get3A_135 : i32 to index
      %get3A_138 = arith.constant 0 : index
      %get3A_139 = tpu.vector_load %arg9[%get3A_136, %get3A_137, %get3A_138] {strides = array<i32>} : memref<2x80x128xf32, #tpu.memory_space<vmem>>, vector<16xf32>,
      %mul3A_140 = arith.mulf %get3A_134, %get3A_139 : vector<16xf32>
      %mul3A_141 = arith.mulf %mul3A_140, %select_n3A : vector<16xf32>
      %get3A_142 = arith.constant 0 : i32
      %get3A_143 = arith.index_cast %rem3A_82 : i32 to index
      %get3A_144 = arith.index_cast %get3A_142 : i32 to index
      %get3A_145 = arith.constant 16 : index
      %get3A_146 = tpu.vector_load %arg8[%get3A_143, %get3A_144, %get3A_145] {strides = array<i32>} : memref<2x80x128xf32, #tpu.memory_space<vmem>>, vector<16xf32>,
      %get3A_147 = arith.constant 0 : i32
      %get3A_148 = arith.index_cast %rem3A_82 : i32 to index
      %get3A_149 = arith.index_cast %get3A_147 : i32 to index
      %get3A_150 = arith.constant 16 : index
      %get3A_151 = tpu.vector_load %arg9[%get3A_148, %get3A_149, %get3A_150] {strides = array<i32>} : memref<2x80x128xf32, #tpu.memory_space<vmem>>, vector<16xf32>,
      %mul3A_152 = arith.mulf %get3A_146, %get3A_151 : vector<16xf32>
      %get3A_153 = arith.constant 0 : i32
      %get3A_154 = arith.index_cast %rem3A_82 : i32 to index
      %get3A_155 = arith.index_cast %get3A_153 : i32 to index
      %get3A_156 = arith.constant 32 : index
      %get3A_157 = tpu.vector_load %arg8[%get3A_154, %get3A_155, %get3A_156] {strides = array<i32>} : memref<2x80x128xf32, #tpu.memory_space<vmem>>, vector<16xf32>,
      %get3A_158 = arith.constant 0 : i32
      %get3A_159 = arith.index_cast %rem3A_82 : i32 to index
      %get3A_160 = arith.index_cast %get3A_158 : i32 to index
      %get3A_161 = arith.constant 32 : index
      %get3A_162 = tpu.vector_load %arg9[%get3A_159, %get3A_160, %get3A_161] {strides = array<i32>} : memref<2x80x128xf32, #tpu.memory_space<vmem>>, vector<16xf32>,
      %mul3A_163 = arith.mulf %get3A_157, %get3A_162 : vector<16xf32>
      %get3A_164 = arith.constant 0 : i32
      %get3A_165 = arith.index_cast %rem3A_82 : i32 to index
      %get3A_166 = arith.index_cast %get3A_164 : i32 to index
      %get3A_167 = arith.constant 48 : index
      %get3A_168 = tpu.vector_load %arg8[%get3A_165, %get3A_166, %get3A_167] {strides = array<i32>} : memref<2x80x128xf32, #tpu.memory_space<vmem>>, vector<16xf32>,
      %get3A_169 = arith.constant 0 : i32
      %get3A_170 = arith.index_cast %rem3A_82 : i32 to index
      %get3A_171 = arith.index_cast %get3A_169 : i32 to index
      %get3A_172 = arith.constant 48 : index
      %get3A_173 = tpu.vector_load %arg9[%get3A_170, %get3A_171, %get3A_172] {strides = array<i32>} : memref<2x80x128xf32, #tpu.memory_space<vmem>>, vector<16xf32>,
      %mul3A_174 = arith.mulf %get3A_168, %get3A_173 : vector<16xf32>
      %get3A_175 = arith.constant 0 : i32
      %get3A_176 = arith.index_cast %rem3A_82 : i32 to index
      %get3A_177 = arith.index_cast %get3A_175 : i32 to index
      %get3A_178 = arith.constant 64 : index
      %get3A_179 = tpu.vector_load %arg8[%get3A_176, %get3A_177, %get3A_178] {strides = array<i32>} : memref<2x80x128xf32, #tpu.memory_space<vmem>>, vector<16xf32>,
      %get3A_180 = arith.constant 0 : i32
      %get3A_181 = arith.index_cast %rem3A_82 : i32 to index
      %get3A_182 = arith.index_cast %get3A_180 : i32 to index
      %get3A_183 = arith.constant 64 : index
      %get3A_184 = tpu.vector_load %arg9[%get3A_181, %get3A_182, %get3A_183] {strides = array<i32>} : memref<2x80x128xf32, #tpu.memory_space<vmem>>, vector<16xf32>,
      %mul3A_185 = arith.mulf %get3A_179, %get3A_184 : vector<16xf32>
      %get3A_186 = arith.constant 0 : i32
      %get3A_187 = arith.index_cast %rem3A_82 : i32 to index
      %get3A_188 = arith.index_cast %get3A_186 : i32 to index
      %get3A_189 = arith.constant 80 : index
      %get3A_190 = tpu.vector_load %arg8[%get3A_187, %get3A_188, %get3A_189] {strides = array<i32>} : memref<2x80x128xf32, #tpu.memory_space<vmem>>, vector<16xf32>,
      %get3A_191 = arith.constant 0 : i32
      %get3A_192 = arith.index_cast %rem3A_82 : i32 to index
      %get3A_193 = arith.index_cast %get3A_191 : i32 to index
      %get3A_194 = arith.constant 80 : index
      %get3A_195 = tpu.vector_load %arg9[%get3A_192, %get3A_193, %get3A_194] {strides = array<i32>} : memref<2x80x128xf32, #tpu.memory_space<vmem>>, vector<16xf32>,
      %mul3A_196 = arith.mulf %get3A_190, %get3A_195 : vector<16xf32>
      %get3A_197 = arith.constant 0 : i32
      %get3A_198 = arith.index_cast %rem3A_82 : i32 to index
      %get3A_199 = arith.index_cast %get3A_197 : i32 to index
      %get3A_200 = arith.constant 96 : index
      %get3A_201 = tpu.vector_load %arg8[%get3A_198, %get3A_199, %get3A_200] {strides = array<i32>} : memref<2x80x128xf32, #tpu.memory_space<vmem>>, vector<16xf32>,
      %get3A_202 = arith.constant 0 : i32
      %get3A_203 = arith.index_cast %rem3A_82 : i32 to index
      %get3A_204 = arith.index_cast %get3A_202 : i32 to index
      %get3A_205 = arith.constant 96 : index
      %get3A_206 = tpu.vector_load %arg9[%get3A_203, %get3A_204, %get3A_205] {strides = array<i32>} : memref<2x80x128xf32, #tpu.memory_space<vmem>>, vector<16xf32>,
      %mul3A_207 = arith.mulf %get3A_201, %get3A_206 : vector<16xf32>
      %get3A_208 = arith.constant 0 : i32
      %get3A_209 = arith.index_cast %rem3A_82 : i32 to index
      %get3A_210 = arith.index_cast %get3A_208 : i32 to index
      %get3A_211 = arith.constant 112 : index
      %get3A_212 = tpu.vector_load %arg8[%get3A_209, %get3A_210, %get3A_211] {strides = array<i32>} : memref<2x80x128xf32, #tpu.memory_space<vmem>>, vector<16xf32>,
      %get3A_213 = arith.constant 0 : i32
      %get3A_214 = arith.index_cast %rem3A_82 : i32 to index
      %get3A_215 = arith.index_cast %get3A_213 : i32 to index
      %get3A_216 = arith.constant 112 : index
      %get3A_217 = tpu.vector_load %arg9[%get3A_214, %get3A_215, %get3A_216] {strides = array<i32>} : memref<2x80x128xf32, #tpu.memory_space<vmem>>, vector<16xf32>,
      %mul3A_218 = arith.mulf %get3A_212, %get3A_217 : vector<16xf32>
      %add3A_219 = arith.addf %mul3A_141, %mul3A_152 : vector<16xf32>
      %add3A_220 = arith.addf %mul3A_163, %mul3A_174 : vector<16xf32>
      %add3A_221 = arith.addf %mul3A_185, %mul3A_196 : vector<16xf32>
      %add3A_222 = arith.addf %mul3A_207, %mul3A_218 : vector<16xf32>
      %add3A_223 = arith.addf %add3A_219, %add3A_220 : vector<16xf32>
      %add3A_224 = arith.addf %add3A_221, %add3A_222 : vector<16xf32>
      %add3A_225 = arith.addf %add3A_223, %add3A_224 : vector<16xf32>
      %swap3A = arith.constant 0 : index
      %swap3A_226 = tpu.vector_load %arg11[%swap3A] {strides = array<i32>} : memref<272xf32, #tpu.memory_space<vmem>>, vector<16xf32>,
      tpu.vector_store %arg11[%swap3A], %add3A_225 {strides = array<i32>} : memref<272xf32, #tpu.memory_space<vmem>>, vector<16xf32>,
      %get3A_227 = arith.constant 1 : i32
      %get3A_228 = arith.index_cast %rem3A_82 : i32 to index
      %get3A_229 = arith.index_cast %get3A_227 : i32 to index
      %get3A_230 = arith.constant 0 : index
      %get3A_231 = tpu.vector_load %arg8[%get3A_228, %get3A_229, %get3A_230] {strides = array<i32>} : memref<2x80x128xf32, #tpu.memory_space<vmem>>, vector<16xf32>,
      %get3A_232 = arith.constant 1 : i32
      %get3A_233 = arith.index_cast %rem3A_82 : i32 to index
      %get3A_234 = arith.index_cast %get3A_232 : i32 to index
      %get3A_235 = arith.constant 0 : index
      %get3A_236 = tpu.vector_load %arg9[%get3A_233, %get3A_234, %get3A_235] {strides = array<i32>} : memref<2x80x128xf32, #tpu.memory_space<vmem>>, vector<16xf32>,
      %mul3A_237 = arith.mulf %get3A_231, %get3A_236 : vector<16xf32>
      %mul3A_238 = arith.mulf %mul3A_237, %select_n3A : vector<16xf32>
      %get3A_239 = arith.constant 1 : i32
      %get3A_240 = arith.index_cast %rem3A_82 : i32 to index
      %get3A_241 = arith.index_cast %get3A_239 : i32 to index
      %get3A_242 = arith.constant 16 : index
      %get3A_243 = tpu.vector_load %arg8[%get3A_240, %get3A_241, %get3A_242] {strides = array<i32>} : memref<2x80x128xf32, #tpu.memory_space<vmem>>, vector<16xf32>,
      %get3A_244 = arith.constant 1 : i32
      %get3A_245 = arith.index_cast %rem3A_82 : i32 to index
      %get3A_246 = arith.index_cast %get3A_244 : i32 to index
      %get3A_247 = arith.constant 16 : index
      %get3A_248 = tpu.vector_load %arg9[%get3A_245, %get3A_246, %get3A_247] {strides = array<i32>} : memref<2x80x128xf32, #tpu.memory_space<vmem>>, vector<16xf32>,
      %mul3A_249 = arith.mulf %get3A_243, %get3A_248 : vector<16xf32>
      %get3A_250 = arith.constant 1 : i32
      %get3A_251 = arith.index_cast %rem3A_82 : i32 to index
      %get3A_252 = arith.index_cast %get3A_250 : i32 to index
      %get3A_253 = arith.constant 32 : index
      %get3A_254 = tpu.vector_load %arg8[%get3A_251, %get3A_252, %get3A_253] {strides = array<i32>} : memref<2x80x128xf32, #tpu.memory_space<vmem>>, vector<16xf32>,
      %get3A_255 = arith.constant 1 : i32
      %get3A_256 = arith.index_cast %rem3A_82 : i32 to index
      %get3A_257 = arith.index_cast %get3A_255 : i32 to index
      %get3A_258 = arith.constant 32 : index
      %get3A_259 = tpu.vector_load %arg9[%get3A_256, %get3A_257, %get3A_258] {strides = array<i32>} : memref<2x80x128xf32, #tpu.memory_space<vmem>>, vector<16xf32>,
      %mul3A_260 = arith.mulf %get3A_254, %get3A_259 : vector<16xf32>
      %get3A_261 = arith.constant 1 : i32
      %get3A_262 = arith.index_cast %rem3A_82 : i32 to index
      %get3A_263 = arith.index_cast %get3A_261 : i32 to index
      %get3A_264 = arith.constant 48 : index
      %get3A_265 = tpu.vector_load %arg8[%get3A_262, %get3A_263, %get3A_264] {strides = array<i32>} : memref<2x80x128xf32, #tpu.memory_space<vmem>>, vector<16xf32>,
      %get3A_266 = arith.constant 1 : i32
      %get3A_267 = arith.index_cast %rem3A_82 : i32 to index
      %get3A_268 = arith.index_cast %get3A_266 : i32 to index
      %get3A_269 = arith.constant 48 : index
      %get3A_270 = tpu.vector_load %arg9[%get3A_267, %get3A_268, %get3A_269] {strides = array<i32>} : memref<2x80x128xf32, #tpu.memory_space<vmem>>, vector<16xf32>,
      %mul3A_271 = arith.mulf %get3A_265, %get3A_270 : vector<16xf32>
      %get3A_272 = arith.constant 1 : i32
      %get3A_273 = arith.index_cast %rem3A_82 : i32 to index
      %get3A_274 = arith.index_cast %get3A_272 : i32 to index
      %get3A_275 = arith.constant 64 : index
      %get3A_276 = tpu.vector_load %arg8[%get3A_273, %get3A_274, %get3A_275] {strides = array<i32>} : memref<2x80x128xf32, #tpu.memory_space<vmem>>, vector<16xf32>,
      %get3A_277 = arith.constant 1 : i32
      %get3A_278 = arith.index_cast %rem3A_82 : i32 to index
      %get3A_279 = arith.index_cast %get3A_277 : i32 to index
      %get3A_280 = arith.constant 64 : index
      %get3A_281 = tpu.vector_load %arg9[%get3A_278, %get3A_279, %get3A_280] {strides = array<i32>} : memref<2x80x128xf32, #tpu.memory_space<vmem>>, vector<16xf32>,
      %mul3A_282 = arith.mulf %get3A_276, %get3A_281 : vector<16xf32>
      %get3A_283 = arith.constant 1 : i32
      %get3A_284 = arith.index_cast %rem3A_82 : i32 to index
      %get3A_285 = arith.index_cast %get3A_283 : i32 to index
      %get3A_286 = arith.constant 80 : index
      %get3A_287 = tpu.vector_load %arg8[%get3A_284, %get3A_285, %get3A_286] {strides = array<i32>} : memref<2x80x128xf32, #tpu.memory_space<vmem>>, vector<16xf32>,
      %get3A_288 = arith.constant 1 : i32
      %get3A_289 = arith.index_cast %rem3A_82 : i32 to index
      %get3A_290 = arith.index_cast %get3A_288 : i32 to index
      %get3A_291 = arith.constant 80 : index
      %get3A_292 = tpu.vector_load %arg9[%get3A_289, %get3A_290, %get3A_291] {strides = array<i32>} : memref<2x80x128xf32, #tpu.memory_space<vmem>>, vector<16xf32>,
      %mul3A_293 = arith.mulf %get3A_287, %get3A_292 : vector<16xf32>
      %get3A_294 = arith.constant 1 : i32
      %get3A_295 = arith.index_cast %rem3A_82 : i32 to index
      %get3A_296 = arith.index_cast %get3A_294 : i32 to index
      %get3A_297 = arith.constant 96 : index
      %get3A_298 = tpu.vector_load %arg8[%get3A_295, %get3A_296, %get3A_297] {strides = array<i32>} : memref<2x80x128xf32, #tpu.memory_space<vmem>>, vector<16xf32>,
      %get3A_299 = arith.constant 1 : i32
      %get3A_300 = arith.index_cast %rem3A_82 : i32 to index
      %get3A_301 = arith.index_cast %get3A_299 : i32 to index
      %get3A_302 = arith.constant 96 : index
      %get3A_303 = tpu.vector_load %arg9[%get3A_300, %get3A_301, %get3A_302] {strides = array<i32>} : memref<2x80x128xf32, #tpu.memory_space<vmem>>, vector<16xf32>,
      %mul3A_304 = arith.mulf %get3A_298, %get3A_303 : vector<16xf32>
      %get3A_305 = arith.constant 1 : i32
      %get3A_306 = arith.index_cast %rem3A_82 : i32 to index
      %get3A_307 = arith.index_cast %get3A_305 : i32 to index
      %get3A_308 = arith.constant 112 : index
      %get3A_309 = tpu.vector_load %arg8[%get3A_306, %get3A_307, %get3A_308] {strides = array<i32>} : memref<2x80x128xf32, #tpu.memory_space<vmem>>, vector<16xf32>,
      %get3A_310 = arith.constant 1 : i32
      %get3A_311 = arith.index_cast %rem3A_82 : i32 to index
      %get3A_312 = arith.index_cast %get3A_310 : i32 to index
      %get3A_313 = arith.constant 112 : index
      %get3A_314 = tpu.vector_load %arg9[%get3A_311, %get3A_312, %get3A_313] {strides = array<i32>} : memref<2x80x128xf32, #tpu.memory_space<vmem>>, vector<16xf32>,
      %mul3A_315 = arith.mulf %get3A_309, %get3A_314 : vector<16xf32>
      %add3A_316 = arith.addf %mul3A_238, %mul3A_249 : vector<16xf32>
      %add3A_317 = arith.addf %mul3A_260, %mul3A_271 : vector<16xf32>
      %add3A_318 = arith.addf %mul3A_282, %mul3A_293 : vector<16xf32>
      %add3A_319 = arith.addf %mul3A_304, %mul3A_315 : vector<16xf32>
      %add3A_320 = arith.addf %add3A_316, %add3A_317 : vector<16xf32>
      %add3A_321 = arith.addf %add3A_318, %add3A_319 : vector<16xf32>
      %add3A_322 = arith.addf %add3A_320, %add3A_321 : vector<16xf32>
      %swap3A_323 = arith.constant 17 : index
      %swap3A_324 = tpu.vector_load %arg11[%swap3A_323] {strides = array<i32>} : memref<272xf32, #tpu.memory_space<vmem>>, vector<16xf32>,
      tpu.vector_store %arg11[%swap3A_323], %add3A_322 {strides = array<i32>} : memref<272xf32, #tpu.memory_space<vmem>>, vector<16xf32>,
      %get3A_325 = arith.constant 2 : i32
      %get3A_326 = arith.index_cast %rem3A_82 : i32 to index
      %get3A_327 = arith.index_cast %get3A_325 : i32 to index
      %get3A_328 = arith.constant 0 : index
      %get3A_329 = tpu.vector_load %arg8[%get3A_326, %get3A_327, %get3A_328] {strides = array<i32>} : memref<2x80x128xf32, #tpu.memory_space<vmem>>, vector<16xf32>,
      %get3A_330 = arith.constant 2 : i32
      %get3A_331 = arith.index_cast %rem3A_82 : i32 to index
      %get3A_332 = arith.index_cast %get3A_330 : i32 to index
      %get3A_333 = arith.constant 0 : index
      %get3A_334 = tpu.vector_load %arg9[%get3A_331, %get3A_332, %get3A_333] {strides = array<i32>} : memref<2x80x128xf32, #tpu.memory_space<vmem>>, vector<16xf32>,
      %mul3A_335 = arith.mulf %get3A_329, %get3A_334 : vector<16xf32>
      %mul3A_336 = arith.mulf %mul3A_335, %select_n3A : vector<16xf32>
      %get3A_337 = arith.constant 2 : i32
      %get3A_338 = arith.index_cast %rem3A_82 : i32 to index
      %get3A_339 = arith.index_cast %get3A_337 : i32 to index
      %get3A_340 = arith.constant 16 : index
      %get3A_341 = tpu.vector_load %arg8[%get3A_338, %get3A_339, %get3A_340] {strides = array<i32>} : memref<2x80x128xf32, #tpu.memory_space<vmem>>, vector<16xf32>,
      %get3A_342 = arith.constant 2 : i32
      %get3A_343 = arith.index_cast %rem3A_82 : i32 to index
      %get3A_344 = arith.index_cast %get3A_342 : i32 to index
      %get3A_345 = arith.constant 16 : index
      %get3A_346 = tpu.vector_load %arg9[%get3A_343, %get3A_344, %get3A_345] {strides = array<i32>} : memref<2x80x128xf32, #tpu.memory_space<vmem>>, vector<16xf32>,
      %mul3A_347 = arith.mulf %get3A_341, %get3A_346 : vector<16xf32>
      %get3A_348 = arith.constant 2 : i32
      %get3A_349 = arith.index_cast %rem3A_82 : i32 to index
      %get3A_350 = arith.index_cast %get3A_348 : i32 to index
      %get3A_351 = arith.constant 32 : index
      %get3A_352 = tpu.vector_load %arg8[%get3A_349, %get3A_350, %get3A_351] {strides = array<i32>} : memref<2x80x128xf32, #tpu.memory_space<vmem>>, vector<16xf32>,
      %get3A_353 = arith.constant 2 : i32
      %get3A_354 = arith.index_cast %rem3A_82 : i32 to index
      %get3A_355 = arith.index_cast %get3A_353 : i32 to index
      %get3A_356 = arith.constant 32 : index
      %get3A_357 = tpu.vector_load %arg9[%get3A_354, %get3A_355, %get3A_356] {strides = array<i32>} : memref<2x80x128xf32, #tpu.memory_space<vmem>>, vector<16xf32>,
      %mul3A_358 = arith.mulf %get3A_352, %get3A_357 : vector<16xf32>
      %get3A_359 = arith.constant 2 : i32
      %get3A_360 = arith.index_cast %rem3A_82 : i32 to index
      %get3A_361 = arith.index_cast %get3A_359 : i32 to index
      %get3A_362 = arith.constant 48 : index
      %get3A_363 = tpu.vector_load %arg8[%get3A_360, %get3A_361, %get3A_362] {strides = array<i32>} : memref<2x80x128xf32, #tpu.memory_space<vmem>>, vector<16xf32>,
      %get3A_364 = arith.constant 2 : i32
      %get3A_365 = arith.index_cast %rem3A_82 : i32 to index
      %get3A_366 = arith.index_cast %get3A_364 : i32 to index
      %get3A_367 = arith.constant 48 : index
      %get3A_368 = tpu.vector_load %arg9[%get3A_365, %get3A_366, %get3A_367] {strides = array<i32>} : memref<2x80x128xf32, #tpu.memory_space<vmem>>, vector<16xf32>,
      %mul3A_369 = arith.mulf %get3A_363, %get3A_368 : vector<16xf32>
      %get3A_370 = arith.constant 2 : i32
      %get3A_371 = arith.index_cast %rem3A_82 : i32 to index
      %get3A_372 = arith.index_cast %get3A_370 : i32 to index
      %get3A_373 = arith.constant 64 : index
      %get3A_374 = tpu.vector_load %arg8[%get3A_371, %get3A_372, %get3A_373] {strides = array<i32>} : memref<2x80x128xf32, #tpu.memory_space<vmem>>, vector<16xf32>,
      %get3A_375 = arith.constant 2 : i32
      %get3A_376 = arith.index_cast %rem3A_82 : i32 to index
      %get3A_377 = arith.index_cast %get3A_375 : i32 to index
      %get3A_378 = arith.constant 64 : index
      %get3A_379 = tpu.vector_load %arg9[%get3A_376, %get3A_377, %get3A_378] {strides = array<i32>} : memref<2x80x128xf32, #tpu.memory_space<vmem>>, vector<16xf32>,
      %mul3A_380 = arith.mulf %get3A_374, %get3A_379 : vector<16xf32>
      %get3A_381 = arith.constant 2 : i32
      %get3A_382 = arith.index_cast %rem3A_82 : i32 to index
      %get3A_383 = arith.index_cast %get3A_381 : i32 to index
      %get3A_384 = arith.constant 80 : index
      %get3A_385 = tpu.vector_load %arg8[%get3A_382, %get3A_383, %get3A_384] {strides = array<i32>} : memref<2x80x128xf32, #tpu.memory_space<vmem>>, vector<16xf32>,
      %get3A_386 = arith.constant 2 : i32
      %get3A_387 = arith.index_cast %rem3A_82 : i32 to index
      %get3A_388 = arith.index_cast %get3A_386 : i32 to index
      %get3A_389 = arith.constant 80 : index
      %get3A_390 = tpu.vector_load %arg9[%get3A_387, %get3A_388, %get3A_389] {strides = array<i32>} : memref<2x80x128xf32, #tpu.memory_space<vmem>>, vector<16xf32>,
      %mul3A_391 = arith.mulf %get3A_385, %get3A_390 : vector<16xf32>
      %get3A_392 = arith.constant 2 : i32
      %get3A_393 = arith.index_cast %rem3A_82 : i32 to index
      %get3A_394 = arith.index_cast %get3A_392 : i32 to index
      %get3A_395 = arith.constant 96 : index
      %get3A_396 = tpu.vector_load %arg8[%get3A_393, %get3A_394, %get3A_395] {strides = array<i32>} : memref<2x80x128xf32, #tpu.memory_space<vmem>>, vector<16xf32>,
      %get3A_397 = arith.constant 2 : i32
      %get3A_398 = arith.index_cast %rem3A_82 : i32 to index
      %get3A_399 = arith.index_cast %get3A_397 : i32 to index
      %get3A_400 = arith.constant 96 : index
      %get3A_401 = tpu.vector_load %arg9[%get3A_398, %get3A_399, %get3A_400] {strides = array<i32>} : memref<2x80x128xf32, #tpu.memory_space<vmem>>, vector<16xf32>,
      %mul3A_402 = arith.mulf %get3A_396, %get3A_401 : vector<16xf32>
      %get3A_403 = arith.constant 2 : i32
      %get3A_404 = arith.index_cast %rem3A_82 : i32 to index
      %get3A_405 = arith.index_cast %get3A_403 : i32 to index
      %get3A_406 = arith.constant 112 : index
      %get3A_407 = tpu.vector_load %arg8[%get3A_404, %get3A_405, %get3A_406] {strides = array<i32>} : memref<2x80x128xf32, #tpu.memory_space<vmem>>, vector<16xf32>,
      %get3A_408 = arith.constant 2 : i32
      %get3A_409 = arith.index_cast %rem3A_82 : i32 to index
      %get3A_410 = arith.index_cast %get3A_408 : i32 to index
      %get3A_411 = arith.constant 112 : index
      %get3A_412 = tpu.vector_load %arg9[%get3A_409, %get3A_410, %get3A_411] {strides = array<i32>} : memref<2x80x128xf32, #tpu.memory_space<vmem>>, vector<16xf32>,
      %mul3A_413 = arith.mulf %get3A_407, %get3A_412 : vector<16xf32>
      %add3A_414 = arith.addf %mul3A_336, %mul3A_347 : vector<16xf32>
      %add3A_415 = arith.addf %mul3A_358, %mul3A_369 : vector<16xf32>
      %add3A_416 = arith.addf %mul3A_380, %mul3A_391 : vector<16xf32>
      %add3A_417 = arith.addf %mul3A_402, %mul3A_413 : vector<16xf32>
      %add3A_418 = arith.addf %add3A_414, %add3A_415 : vector<16xf32>
      %add3A_419 = arith.addf %add3A_416, %add3A_417 : vector<16xf32>
      %add3A_420 = arith.addf %add3A_418, %add3A_419 : vector<16xf32>
      %swap3A_421 = arith.constant 34 : index
      %swap3A_422 = tpu.vector_load %arg11[%swap3A_421] {strides = array<i32>} : memref<272xf32, #tpu.memory_space<vmem>>, vector<16xf32>,
      tpu.vector_store %arg11[%swap3A_421], %add3A_420 {strides = array<i32>} : memref<272xf32, #tpu.memory_space<vmem>>, vector<16xf32>,
      %get3A_423 = arith.constant 3 : i32
      %get3A_424 = arith.index_cast %rem3A_82 : i32 to index
      %get3A_425 = arith.index_cast %get3A_423 : i32 to index
      %get3A_426 = arith.constant 0 : index
      %get3A_427 = tpu.vector_load %arg8[%get3A_424, %get3A_425, %get3A_426] {strides = array<i32>} : memref<2x80x128xf32, #tpu.memory_space<vmem>>, vector<16xf32>,
      %get3A_428 = arith.constant 3 : i32
      %get3A_429 = arith.index_cast %rem3A_82 : i32 to index
      %get3A_430 = arith.index_cast %get3A_428 : i32 to index
      %get3A_431 = arith.constant 0 : index
      %get3A_432 = tpu.vector_load %arg9[%get3A_429, %get3A_430, %get3A_431] {strides = array<i32>} : memref<2x80x128xf32, #tpu.memory_space<vmem>>, vector<16xf32>,
      %mul3A_433 = arith.mulf %get3A_427, %get3A_432 : vector<16xf32>
      %mul3A_434 = arith.mulf %mul3A_433, %select_n3A : vector<16xf32>
      %get3A_435 = arith.constant 3 : i32
      %get3A_436 = arith.index_cast %rem3A_82 : i32 to index
      %get3A_437 = arith.index_cast %get3A_435 : i32 to index
      %get3A_438 = arith.constant 16 : index
      %get3A_439 = tpu.vector_load %arg8[%get3A_436, %get3A_437, %get3A_438] {strides = array<i32>} : memref<2x80x128xf32, #tpu.memory_space<vmem>>, vector<16xf32>,
      %get3A_440 = arith.constant 3 : i32
      %get3A_441 = arith.index_cast %rem3A_82 : i32 to index
      %get3A_442 = arith.index_cast %get3A_440 : i32 to index
      %get3A_443 = arith.constant 16 : index
      %get3A_444 = tpu.vector_load %arg9[%get3A_441, %get3A_442, %get3A_443] {strides = array<i32>} : memref<2x80x128xf32, #tpu.memory_space<vmem>>, vector<16xf32>,
      %mul3A_445 = arith.mulf %get3A_439, %get3A_444 : vector<16xf32>
      %get3A_446 = arith.constant 3 : i32
      %get3A_447 = arith.index_cast %rem3A_82 : i32 to index
      %get3A_448 = arith.index_cast %get3A_446 : i32 to index
      %get3A_449 = arith.constant 32 : index
      %get3A_450 = tpu.vector_load %arg8[%get3A_447, %get3A_448, %get3A_449] {strides = array<i32>} : memref<2x80x128xf32, #tpu.memory_space<vmem>>, vector<16xf32>,
      %get3A_451 = arith.constant 3 : i32
      %get3A_452 = arith.index_cast %rem3A_82 : i32 to index
      %get3A_453 = arith.index_cast %get3A_451 : i32 to index
      %get3A_454 = arith.constant 32 : index
      %get3A_455 = tpu.vector_load %arg9[%get3A_452, %get3A_453, %get3A_454] {strides = array<i32>} : memref<2x80x128xf32, #tpu.memory_space<vmem>>, vector<16xf32>,
      %mul3A_456 = arith.mulf %get3A_450, %get3A_455 : vector<16xf32>
      %get3A_457 = arith.constant 3 : i32
      %get3A_458 = arith.index_cast %rem3A_82 : i32 to index
      %get3A_459 = arith.index_cast %get3A_457 : i32 to index
      %get3A_460 = arith.constant 48 : index
      %get3A_461 = tpu.vector_load %arg8[%get3A_458, %get3A_459, %get3A_460] {strides = array<i32>} : memref<2x80x128xf32, #tpu.memory_space<vmem>>, vector<16xf32>,
      %get3A_462 = arith.constant 3 : i32
      %get3A_463 = arith.index_cast %rem3A_82 : i32 to index
      %get3A_464 = arith.index_cast %get3A_462 : i32 to index
      %get3A_465 = arith.constant 48 : index
      %get3A_466 = tpu.vector_load %arg9[%get3A_463, %get3A_464, %get3A_465] {strides = array<i32>} : memref<2x80x128xf32, #tpu.memory_space<vmem>>, vector<16xf32>,
      %mul3A_467 = arith.mulf %get3A_461, %get3A_466 : vector<16xf32>
      %get3A_468 = arith.constant 3 : i32
      %get3A_469 = arith.index_cast %rem3A_82 : i32 to index
      %get3A_470 = arith.index_cast %get3A_468 : i32 to index
      %get3A_471 = arith.constant 64 : index
      %get3A_472 = tpu.vector_load %arg8[%get3A_469, %get3A_470, %get3A_471] {strides = array<i32>} : memref<2x80x128xf32, #tpu.memory_space<vmem>>, vector<16xf32>,
      %get3A_473 = arith.constant 3 : i32
      %get3A_474 = arith.index_cast %rem3A_82 : i32 to index
      %get3A_475 = arith.index_cast %get3A_473 : i32 to index
      %get3A_476 = arith.constant 64 : index
      %get3A_477 = tpu.vector_load %arg9[%get3A_474, %get3A_475, %get3A_476] {strides = array<i32>} : memref<2x80x128xf32, #tpu.memory_space<vmem>>, vector<16xf32>,
      %mul3A_478 = arith.mulf %get3A_472, %get3A_477 : vector<16xf32>
      %get3A_479 = arith.constant 3 : i32
      %get3A_480 = arith.index_cast %rem3A_82 : i32 to index
      %get3A_481 = arith.index_cast %get3A_479 : i32 to index
      %get3A_482 = arith.constant 80 : index
      %get3A_483 = tpu.vector_load %arg8[%get3A_480, %get3A_481, %get3A_482] {strides = array<i32>} : memref<2x80x128xf32, #tpu.memory_space<vmem>>, vector<16xf32>,
      %get3A_484 = arith.constant 3 : i32
      %get3A_485 = arith.index_cast %rem3A_82 : i32 to index
      %get3A_486 = arith.index_cast %get3A_484 : i32 to index
      %get3A_487 = arith.constant 80 : index
      %get3A_488 = tpu.vector_load %arg9[%get3A_485, %get3A_486, %get3A_487] {strides = array<i32>} : memref<2x80x128xf32, #tpu.memory_space<vmem>>, vector<16xf32>,
      %mul3A_489 = arith.mulf %get3A_483, %get3A_488 : vector<16xf32>
      %get3A_490 = arith.constant 3 : i32
      %get3A_491 = arith.index_cast %rem3A_82 : i32 to index
      %get3A_492 = arith.index_cast %get3A_490 : i32 to index
      %get3A_493 = arith.constant 96 : index
      %get3A_494 = tpu.vector_load %arg8[%get3A_491, %get3A_492, %get3A_493] {strides = array<i32>} : memref<2x80x128xf32, #tpu.memory_space<vmem>>, vector<16xf32>,
      %get3A_495 = arith.constant 3 : i32
      %get3A_496 = arith.index_cast %rem3A_82 : i32 to index
      %get3A_497 = arith.index_cast %get3A_495 : i32 to index
      %get3A_498 = arith.constant 96 : index
      %get3A_499 = tpu.vector_load %arg9[%get3A_496, %get3A_497, %get3A_498] {strides = array<i32>} : memref<2x80x128xf32, #tpu.memory_space<vmem>>, vector<16xf32>,
      %mul3A_500 = arith.mulf %get3A_494, %get3A_499 : vector<16xf32>
      %get3A_501 = arith.constant 3 : i32
      %get3A_502 = arith.index_cast %rem3A_82 : i32 to index
      %get3A_503 = arith.index_cast %get3A_501 : i32 to index
      %get3A_504 = arith.constant 112 : index
      %get3A_505 = tpu.vector_load %arg8[%get3A_502, %get3A_503, %get3A_504] {strides = array<i32>} : memref<2x80x128xf32, #tpu.memory_space<vmem>>, vector<16xf32>,
      %get3A_506 = arith.constant 3 : i32
      %get3A_507 = arith.index_cast %rem3A_82 : i32 to index
      %get3A_508 = arith.index_cast %get3A_506 : i32 to index
      %get3A_509 = arith.constant 112 : index
      %get3A_510 = tpu.vector_load %arg9[%get3A_507, %get3A_508, %get3A_509] {strides = array<i32>} : memref<2x80x128xf32, #tpu.memory_space<vmem>>, vector<16xf32>,
      %mul3A_511 = arith.mulf %get3A_505, %get3A_510 : vector<16xf32>
      %add3A_512 = arith.addf %mul3A_434, %mul3A_445 : vector<16xf32>
      %add3A_513 = arith.addf %mul3A_456, %mul3A_467 : vector<16xf32>
      %add3A_514 = arith.addf %mul3A_478, %mul3A_489 : vector<16xf32>
      %add3A_515 = arith.addf %mul3A_500, %mul3A_511 : vector<16xf32>
      %add3A_516 = arith.addf %add3A_512, %add3A_513 : vector<16xf32>
      %add3A_517 = arith.addf %add3A_514, %add3A_515 : vector<16xf32>
      %add3A_518 = arith.addf %add3A_516, %add3A_517 : vector<16xf32>
      %swap3A_519 = arith.constant 51 : index
      %swap3A_520 = tpu.vector_load %arg11[%swap3A_519] {strides = array<i32>} : memref<272xf32, #tpu.memory_space<vmem>>, vector<16xf32>,
      tpu.vector_store %arg11[%swap3A_519], %add3A_518 {strides = array<i32>} : memref<272xf32, #tpu.memory_space<vmem>>, vector<16xf32>,
      %get3A_521 = arith.constant 4 : i32
      %get3A_522 = arith.index_cast %rem3A_82 : i32 to index
      %get3A_523 = arith.index_cast %get3A_521 : i32 to index
      %get3A_524 = arith.constant 0 : index
      %get3A_525 = tpu.vector_load %arg8[%get3A_522, %get3A_523, %get3A_524] {strides = array<i32>} : memref<2x80x128xf32, #tpu.memory_space<vmem>>, vector<16xf32>,
      %get3A_526 = arith.constant 4 : i32
      %get3A_527 = arith.index_cast %rem3A_82 : i32 to index
      %get3A_528 = arith.index_cast %get3A_526 : i32 to index
      %get3A_529 = arith.constant 0 : index
      %get3A_530 = tpu.vector_load %arg9[%get3A_527, %get3A_528, %get3A_529] {strides = array<i32>} : memref<2x80x128xf32, #tpu.memory_space<vmem>>, vector<16xf32>,
      %mul3A_531 = arith.mulf %get3A_525, %get3A_530 : vector<16xf32>
      %mul3A_532 = arith.mulf %mul3A_531, %select_n3A : vector<16xf32>
      %get3A_533 = arith.constant 4 : i32
      %get3A_534 = arith.index_cast %rem3A_82 : i32 to index
      %get3A_535 = arith.index_cast %get3A_533 : i32 to index
      %get3A_536 = arith.constant 16 : index
      %get3A_537 = tpu.vector_load %arg8[%get3A_534, %get3A_535, %get3A_536] {strides = array<i32>} : memref<2x80x128xf32, #tpu.memory_space<vmem>>, vector<16xf32>,
      %get3A_538 = arith.constant 4 : i32
      %get3A_539 = arith.index_cast %rem3A_82 : i32 to index
      %get3A_540 = arith.index_cast %get3A_538 : i32 to index
      %get3A_541 = arith.constant 16 : index
      %get3A_542 = tpu.vector_load %arg9[%get3A_539, %get3A_540, %get3A_541] {strides = array<i32>} : memref<2x80x128xf32, #tpu.memory_space<vmem>>, vector<16xf32>,
      %mul3A_543 = arith.mulf %get3A_537, %get3A_542 : vector<16xf32>
      %get3A_544 = arith.constant 4 : i32
      %get3A_545 = arith.index_cast %rem3A_82 : i32 to index
      %get3A_546 = arith.index_cast %get3A_544 : i32 to index
      %get3A_547 = arith.constant 32 : index
      %get3A_548 = tpu.vector_load %arg8[%get3A_545, %get3A_546, %get3A_547] {strides = array<i32>} : memref<2x80x128xf32, #tpu.memory_space<vmem>>, vector<16xf32>,
      %get3A_549 = arith.constant 4 : i32
      %get3A_550 = arith.index_cast %rem3A_82 : i32 to index
      %get3A_551 = arith.index_cast %get3A_549 : i32 to index
      %get3A_552 = arith.constant 32 : index
      %get3A_553 = tpu.vector_load %arg9[%get3A_550, %get3A_551, %get3A_552] {strides = array<i32>} : memref<2x80x128xf32, #tpu.memory_space<vmem>>, vector<16xf32>,
      %mul3A_554 = arith.mulf %get3A_548, %get3A_553 : vector<16xf32>
      %get3A_555 = arith.constant 4 : i32
      %get3A_556 = arith.index_cast %rem3A_82 : i32 to index
      %get3A_557 = arith.index_cast %get3A_555 : i32 to index
      %get3A_558 = arith.constant 48 : index
      %get3A_559 = tpu.vector_load %arg8[%get3A_556, %get3A_557, %get3A_558] {strides = array<i32>} : memref<2x80x128xf32, #tpu.memory_space<vmem>>, vector<16xf32>,
      %get3A_560 = arith.constant 4 : i32
      %get3A_561 = arith.index_cast %rem3A_82 : i32 to index
      %get3A_562 = arith.index_cast %get3A_560 : i32 to index
      %get3A_563 = arith.constant 48 : index
      %get3A_564 = tpu.vector_load %arg9[%get3A_561, %get3A_562, %get3A_563] {strides = array<i32>} : memref<2x80x128xf32, #tpu.memory_space<vmem>>, vector<16xf32>,
      %mul3A_565 = arith.mulf %get3A_559, %get3A_564 : vector<16xf32>
      %get3A_566 = arith.constant 4 : i32
      %get3A_567 = arith.index_cast %rem3A_82 : i32 to index
      %get3A_568 = arith.index_cast %get3A_566 : i32 to index
      %get3A_569 = arith.constant 64 : index
      %get3A_570 = tpu.vector_load %arg8[%get3A_567, %get3A_568, %get3A_569] {strides = array<i32>} : memref<2x80x128xf32, #tpu.memory_space<vmem>>, vector<16xf32>,
      %get3A_571 = arith.constant 4 : i32
      %get3A_572 = arith.index_cast %rem3A_82 : i32 to index
      %get3A_573 = arith.index_cast %get3A_571 : i32 to index
      %get3A_574 = arith.constant 64 : index
      %get3A_575 = tpu.vector_load %arg9[%get3A_572, %get3A_573, %get3A_574] {strides = array<i32>} : memref<2x80x128xf32, #tpu.memory_space<vmem>>, vector<16xf32>,
      %mul3A_576 = arith.mulf %get3A_570, %get3A_575 : vector<16xf32>
      %get3A_577 = arith.constant 4 : i32
      %get3A_578 = arith.index_cast %rem3A_82 : i32 to index
      %get3A_579 = arith.index_cast %get3A_577 : i32 to index
      %get3A_580 = arith.constant 80 : index
      %get3A_581 = tpu.vector_load %arg8[%get3A_578, %get3A_579, %get3A_580] {strides = array<i32>} : memref<2x80x128xf32, #tpu.memory_space<vmem>>, vector<16xf32>,
      %get3A_582 = arith.constant 4 : i32
      %get3A_583 = arith.index_cast %rem3A_82 : i32 to index
      %get3A_584 = arith.index_cast %get3A_582 : i32 to index
      %get3A_585 = arith.constant 80 : index
      %get3A_586 = tpu.vector_load %arg9[%get3A_583, %get3A_584, %get3A_585] {strides = array<i32>} : memref<2x80x128xf32, #tpu.memory_space<vmem>>, vector<16xf32>,
      %mul3A_587 = arith.mulf %get3A_581, %get3A_586 : vector<16xf32>
      %get3A_588 = arith.constant 4 : i32
      %get3A_589 = arith.index_cast %rem3A_82 : i32 to index
      %get3A_590 = arith.index_cast %get3A_588 : i32 to index
      %get3A_591 = arith.constant 96 : index
      %get3A_592 = tpu.vector_load %arg8[%get3A_589, %get3A_590, %get3A_591] {strides = array<i32>} : memref<2x80x128xf32, #tpu.memory_space<vmem>>, vector<16xf32>,
      %get3A_593 = arith.constant 4 : i32
      %get3A_594 = arith.index_cast %rem3A_82 : i32 to index
      %get3A_595 = arith.index_cast %get3A_593 : i32 to index
      %get3A_596 = arith.constant 96 : index
      %get3A_597 = tpu.vector_load %arg9[%get3A_594, %get3A_595, %get3A_596] {strides = array<i32>} : memref<2x80x128xf32, #tpu.memory_space<vmem>>, vector<16xf32>,
      %mul3A_598 = arith.mulf %get3A_592, %get3A_597 : vector<16xf32>
      %get3A_599 = arith.constant 4 : i32
      %get3A_600 = arith.index_cast %rem3A_82 : i32 to index
      %get3A_601 = arith.index_cast %get3A_599 : i32 to index
      %get3A_602 = arith.constant 112 : index
      %get3A_603 = tpu.vector_load %arg8[%get3A_600, %get3A_601, %get3A_602] {strides = array<i32>} : memref<2x80x128xf32, #tpu.memory_space<vmem>>, vector<16xf32>,
      %get3A_604 = arith.constant 4 : i32
      %get3A_605 = arith.index_cast %rem3A_82 : i32 to index
      %get3A_606 = arith.index_cast %get3A_604 : i32 to index
      %get3A_607 = arith.constant 112 : index
      %get3A_608 = tpu.vector_load %arg9[%get3A_605, %get3A_606, %get3A_607] {strides = array<i32>} : memref<2x80x128xf32, #tpu.memory_space<vmem>>, vector<16xf32>,
      %mul3A_609 = arith.mulf %get3A_603, %get3A_608 : vector<16xf32>
      %add3A_610 = arith.addf %mul3A_532, %mul3A_543 : vector<16xf32>
      %add3A_611 = arith.addf %mul3A_554, %mul3A_565 : vector<16xf32>
      %add3A_612 = arith.addf %mul3A_576, %mul3A_587 : vector<16xf32>
      %add3A_613 = arith.addf %mul3A_598, %mul3A_609 : vector<16xf32>
      %add3A_614 = arith.addf %add3A_610, %add3A_611 : vector<16xf32>
      %add3A_615 = arith.addf %add3A_612, %add3A_613 : vector<16xf32>
      %add3A_616 = arith.addf %add3A_614, %add3A_615 : vector<16xf32>
      %swap3A_617 = arith.constant 68 : index
      %swap3A_618 = tpu.vector_load %arg11[%swap3A_617] {strides = array<i32>} : memref<272xf32, #tpu.memory_space<vmem>>, vector<16xf32>,
      tpu.vector_store %arg11[%swap3A_617], %add3A_616 {strides = array<i32>} : memref<272xf32, #tpu.memory_space<vmem>>, vector<16xf32>,
      %get3A_619 = arith.constant 5 : i32
      %get3A_620 = arith.index_cast %rem3A_82 : i32 to index
      %get3A_621 = arith.index_cast %get3A_619 : i32 to index
      %get3A_622 = arith.constant 0 : index
      %get3A_623 = tpu.vector_load %arg8[%get3A_620, %get3A_621, %get3A_622] {strides = array<i32>} : memref<2x80x128xf32, #tpu.memory_space<vmem>>, vector<16xf32>,
      %get3A_624 = arith.constant 5 : i32
      %get3A_625 = arith.index_cast %rem3A_82 : i32 to index
      %get3A_626 = arith.index_cast %get3A_624 : i32 to index
      %get3A_627 = arith.constant 0 : index
      %get3A_628 = tpu.vector_load %arg9[%get3A_625, %get3A_626, %get3A_627] {strides = array<i32>} : memref<2x80x128xf32, #tpu.memory_space<vmem>>, vector<16xf32>,
      %mul3A_629 = arith.mulf %get3A_623, %get3A_628 : vector<16xf32>
      %mul3A_630 = arith.mulf %mul3A_629, %select_n3A : vector<16xf32>
      %get3A_631 = arith.constant 5 : i32
      %get3A_632 = arith.index_cast %rem3A_82 : i32 to index
      %get3A_633 = arith.index_cast %get3A_631 : i32 to index
      %get3A_634 = arith.constant 16 : index
      %get3A_635 = tpu.vector_load %arg8[%get3A_632, %get3A_633, %get3A_634] {strides = array<i32>} : memref<2x80x128xf32, #tpu.memory_space<vmem>>, vector<16xf32>,
      %get3A_636 = arith.constant 5 : i32
      %get3A_637 = arith.index_cast %rem3A_82 : i32 to index
      %get3A_638 = arith.index_cast %get3A_636 : i32 to index
      %get3A_639 = arith.constant 16 : index
      %get3A_640 = tpu.vector_load %arg9[%get3A_637, %get3A_638, %get3A_639] {strides = array<i32>} : memref<2x80x128xf32, #tpu.memory_space<vmem>>, vector<16xf32>,
      %mul3A_641 = arith.mulf %get3A_635, %get3A_640 : vector<16xf32>
      %get3A_642 = arith.constant 5 : i32
      %get3A_643 = arith.index_cast %rem3A_82 : i32 to index
      %get3A_644 = arith.index_cast %get3A_642 : i32 to index
      %get3A_645 = arith.constant 32 : index
      %get3A_646 = tpu.vector_load %arg8[%get3A_643, %get3A_644, %get3A_645] {strides = array<i32>} : memref<2x80x128xf32, #tpu.memory_space<vmem>>, vector<16xf32>,
      %get3A_647 = arith.constant 5 : i32
      %get3A_648 = arith.index_cast %rem3A_82 : i32 to index
      %get3A_649 = arith.index_cast %get3A_647 : i32 to index
      %get3A_650 = arith.constant 32 : index
      %get3A_651 = tpu.vector_load %arg9[%get3A_648, %get3A_649, %get3A_650] {strides = array<i32>} : memref<2x80x128xf32, #tpu.memory_space<vmem>>, vector<16xf32>,
      %mul3A_652 = arith.mulf %get3A_646, %get3A_651 : vector<16xf32>
      %get3A_653 = arith.constant 5 : i32
      %get3A_654 = arith.index_cast %rem3A_82 : i32 to index
      %get3A_655 = arith.index_cast %get3A_653 : i32 to index
      %get3A_656 = arith.constant 48 : index
      %get3A_657 = tpu.vector_load %arg8[%get3A_654, %get3A_655, %get3A_656] {strides = array<i32>} : memref<2x80x128xf32, #tpu.memory_space<vmem>>, vector<16xf32>,
      %get3A_658 = arith.constant 5 : i32
      %get3A_659 = arith.index_cast %rem3A_82 : i32 to index
      %get3A_660 = arith.index_cast %get3A_658 : i32 to index
      %get3A_661 = arith.constant 48 : index
      %get3A_662 = tpu.vector_load %arg9[%get3A_659, %get3A_660, %get3A_661] {strides = array<i32>} : memref<2x80x128xf32, #tpu.memory_space<vmem>>, vector<16xf32>,
      %mul3A_663 = arith.mulf %get3A_657, %get3A_662 : vector<16xf32>
      %get3A_664 = arith.constant 5 : i32
      %get3A_665 = arith.index_cast %rem3A_82 : i32 to index
      %get3A_666 = arith.index_cast %get3A_664 : i32 to index
      %get3A_667 = arith.constant 64 : index
      %get3A_668 = tpu.vector_load %arg8[%get3A_665, %get3A_666, %get3A_667] {strides = array<i32>} : memref<2x80x128xf32, #tpu.memory_space<vmem>>, vector<16xf32>,
      %get3A_669 = arith.constant 5 : i32
      %get3A_670 = arith.index_cast %rem3A_82 : i32 to index
      %get3A_671 = arith.index_cast %get3A_669 : i32 to index
      %get3A_672 = arith.constant 64 : index
      %get3A_673 = tpu.vector_load %arg9[%get3A_670, %get3A_671, %get3A_672] {strides = array<i32>} : memref<2x80x128xf32, #tpu.memory_space<vmem>>, vector<16xf32>,
      %mul3A_674 = arith.mulf %get3A_668, %get3A_673 : vector<16xf32>
      %get3A_675 = arith.constant 5 : i32
      %get3A_676 = arith.index_cast %rem3A_82 : i32 to index
      %get3A_677 = arith.index_cast %get3A_675 : i32 to index
      %get3A_678 = arith.constant 80 : index
      %get3A_679 = tpu.vector_load %arg8[%get3A_676, %get3A_677, %get3A_678] {strides = array<i32>} : memref<2x80x128xf32, #tpu.memory_space<vmem>>, vector<16xf32>,
      %get3A_680 = arith.constant 5 : i32
      %get3A_681 = arith.index_cast %rem3A_82 : i32 to index
      %get3A_682 = arith.index_cast %get3A_680 : i32 to index
      %get3A_683 = arith.constant 80 : index
      %get3A_684 = tpu.vector_load %arg9[%get3A_681, %get3A_682, %get3A_683] {strides = array<i32>} : memref<2x80x128xf32, #tpu.memory_space<vmem>>, vector<16xf32>,
      %mul3A_685 = arith.mulf %get3A_679, %get3A_684 : vector<16xf32>
      %get3A_686 = arith.constant 5 : i32
      %get3A_687 = arith.index_cast %rem3A_82 : i32 to index
      %get3A_688 = arith.index_cast %get3A_686 : i32 to index
      %get3A_689 = arith.constant 96 : index
      %get3A_690 = tpu.vector_load %arg8[%get3A_687, %get3A_688, %get3A_689] {strides = array<i32>} : memref<2x80x128xf32, #tpu.memory_space<vmem>>, vector<16xf32>,
      %get3A_691 = arith.constant 5 : i32
      %get3A_692 = arith.index_cast %rem3A_82 : i32 to index
      %get3A_693 = arith.index_cast %get3A_691 : i32 to index
      %get3A_694 = arith.constant 96 : index
      %get3A_695 = tpu.vector_load %arg9[%get3A_692, %get3A_693, %get3A_694] {strides = array<i32>} : memref<2x80x128xf32, #tpu.memory_space<vmem>>, vector<16xf32>,
      %mul3A_696 = arith.mulf %get3A_690, %get3A_695 : vector<16xf32>
      %get3A_697 = arith.constant 5 : i32
      %get3A_698 = arith.index_cast %rem3A_82 : i32 to index
      %get3A_699 = arith.index_cast %get3A_697 : i32 to index
      %get3A_700 = arith.constant 112 : index
      %get3A_701 = tpu.vector_load %arg8[%get3A_698, %get3A_699, %get3A_700] {strides = array<i32>} : memref<2x80x128xf32, #tpu.memory_space<vmem>>, vector<16xf32>,
      %get3A_702 = arith.constant 5 : i32
      %get3A_703 = arith.index_cast %rem3A_82 : i32 to index
      %get3A_704 = arith.index_cast %get3A_702 : i32 to index
      %get3A_705 = arith.constant 112 : index
      %get3A_706 = tpu.vector_load %arg9[%get3A_703, %get3A_704, %get3A_705] {strides = array<i32>} : memref<2x80x128xf32, #tpu.memory_space<vmem>>, vector<16xf32>,
      %mul3A_707 = arith.mulf %get3A_701, %get3A_706 : vector<16xf32>
      %add3A_708 = arith.addf %mul3A_630, %mul3A_641 : vector<16xf32>
      %add3A_709 = arith.addf %mul3A_652, %mul3A_663 : vector<16xf32>
      %add3A_710 = arith.addf %mul3A_674, %mul3A_685 : vector<16xf32>
      %add3A_711 = arith.addf %mul3A_696, %mul3A_707 : vector<16xf32>
      %add3A_712 = arith.addf %add3A_708, %add3A_709 : vector<16xf32>
      %add3A_713 = arith.addf %add3A_710, %add3A_711 : vector<16xf32>
      %add3A_714 = arith.addf %add3A_712, %add3A_713 : vector<16xf32>
      %swap3A_715 = arith.constant 85 : index
      %swap3A_716 = tpu.vector_load %arg11[%swap3A_715] {strides = array<i32>} : memref<272xf32, #tpu.memory_space<vmem>>, vector<16xf32>,
      tpu.vector_store %arg11[%swap3A_715], %add3A_714 {strides = array<i32>} : memref<272xf32, #tpu.memory_space<vmem>>, vector<16xf32>,
      %get3A_717 = arith.constant 6 : i32
      %get3A_718 = arith.index_cast %rem3A_82 : i32 to index
      %get3A_719 = arith.index_cast %get3A_717 : i32 to index
      %get3A_720 = arith.constant 0 : index
      %get3A_721 = tpu.vector_load %arg8[%get3A_718, %get3A_719, %get3A_720] {strides = array<i32>} : memref<2x80x128xf32, #tpu.memory_space<vmem>>, vector<16xf32>,
      %get3A_722 = arith.constant 6 : i32
      %get3A_723 = arith.index_cast %rem3A_82 : i32 to index
      %get3A_724 = arith.index_cast %get3A_722 : i32 to index
      %get3A_725 = arith.constant 0 : index
      %get3A_726 = tpu.vector_load %arg9[%get3A_723, %get3A_724, %get3A_725] {strides = array<i32>} : memref<2x80x128xf32, #tpu.memory_space<vmem>>, vector<16xf32>,
      %mul3A_727 = arith.mulf %get3A_721, %get3A_726 : vector<16xf32>
      %mul3A_728 = arith.mulf %mul3A_727, %select_n3A : vector<16xf32>
      %get3A_729 = arith.constant 6 : i32
      %get3A_730 = arith.index_cast %rem3A_82 : i32 to index
      %get3A_731 = arith.index_cast %get3A_729 : i32 to index
      %get3A_732 = arith.constant 16 : index
      %get3A_733 = tpu.vector_load %arg8[%get3A_730, %get3A_731, %get3A_732] {strides = array<i32>} : memref<2x80x128xf32, #tpu.memory_space<vmem>>, vector<16xf32>,
      %get3A_734 = arith.constant 6 : i32
      %get3A_735 = arith.index_cast %rem3A_82 : i32 to index
      %get3A_736 = arith.index_cast %get3A_734 : i32 to index
      %get3A_737 = arith.constant 16 : index
      %get3A_738 = tpu.vector_load %arg9[%get3A_735, %get3A_736, %get3A_737] {strides = array<i32>} : memref<2x80x128xf32, #tpu.memory_space<vmem>>, vector<16xf32>,
      %mul3A_739 = arith.mulf %get3A_733, %get3A_738 : vector<16xf32>
      %get3A_740 = arith.constant 6 : i32
      %get3A_741 = arith.index_cast %rem3A_82 : i32 to index
      %get3A_742 = arith.index_cast %get3A_740 : i32 to index
      %get3A_743 = arith.constant 32 : index
      %get3A_744 = tpu.vector_load %arg8[%get3A_741, %get3A_742, %get3A_743] {strides = array<i32>} : memref<2x80x128xf32, #tpu.memory_space<vmem>>, vector<16xf32>,
      %get3A_745 = arith.constant 6 : i32
      %get3A_746 = arith.index_cast %rem3A_82 : i32 to index
      %get3A_747 = arith.index_cast %get3A_745 : i32 to index
      %get3A_748 = arith.constant 32 : index
      %get3A_749 = tpu.vector_load %arg9[%get3A_746, %get3A_747, %get3A_748] {strides = array<i32>} : memref<2x80x128xf32, #tpu.memory_space<vmem>>, vector<16xf32>,
      %mul3A_750 = arith.mulf %get3A_744, %get3A_749 : vector<16xf32>
      %get3A_751 = arith.constant 6 : i32
      %get3A_752 = arith.index_cast %rem3A_82 : i32 to index
      %get3A_753 = arith.index_cast %get3A_751 : i32 to index
      %get3A_754 = arith.constant 48 : index
      %get3A_755 = tpu.vector_load %arg8[%get3A_752, %get3A_753, %get3A_754] {strides = array<i32>} : memref<2x80x128xf32, #tpu.memory_space<vmem>>, vector<16xf32>,
      %get3A_756 = arith.constant 6 : i32
      %get3A_757 = arith.index_cast %rem3A_82 : i32 to index
      %get3A_758 = arith.index_cast %get3A_756 : i32 to index
      %get3A_759 = arith.constant 48 : index
      %get3A_760 = tpu.vector_load %arg9[%get3A_757, %get3A_758, %get3A_759] {strides = array<i32>} : memref<2x80x128xf32, #tpu.memory_space<vmem>>, vector<16xf32>,
      %mul3A_761 = arith.mulf %get3A_755, %get3A_760 : vector<16xf32>
      %get3A_762 = arith.constant 6 : i32
      %get3A_763 = arith.index_cast %rem3A_82 : i32 to index
      %get3A_764 = arith.index_cast %get3A_762 : i32 to index
      %get3A_765 = arith.constant 64 : index
      %get3A_766 = tpu.vector_load %arg8[%get3A_763, %get3A_764, %get3A_765] {strides = array<i32>} : memref<2x80x128xf32, #tpu.memory_space<vmem>>, vector<16xf32>,
      %get3A_767 = arith.constant 6 : i32
      %get3A_768 = arith.index_cast %rem3A_82 : i32 to index
      %get3A_769 = arith.index_cast %get3A_767 : i32 to index
      %get3A_770 = arith.constant 64 : index
      %get3A_771 = tpu.vector_load %arg9[%get3A_768, %get3A_769, %get3A_770] {strides = array<i32>} : memref<2x80x128xf32, #tpu.memory_space<vmem>>, vector<16xf32>,
      %mul3A_772 = arith.mulf %get3A_766, %get3A_771 : vector<16xf32>
      %get3A_773 = arith.constant 6 : i32
      %get3A_774 = arith.index_cast %rem3A_82 : i32 to index
      %get3A_775 = arith.index_cast %get3A_773 : i32 to index
      %get3A_776 = arith.constant 80 : index
      %get3A_777 = tpu.vector_load %arg8[%get3A_774, %get3A_775, %get3A_776] {strides = array<i32>} : memref<2x80x128xf32, #tpu.memory_space<vmem>>, vector<16xf32>,
      %get3A_778 = arith.constant 6 : i32
      %get3A_779 = arith.index_cast %rem3A_82 : i32 to index
      %get3A_780 = arith.index_cast %get3A_778 : i32 to index
      %get3A_781 = arith.constant 80 : index
      %get3A_782 = tpu.vector_load %arg9[%get3A_779, %get3A_780, %get3A_781] {strides = array<i32>} : memref<2x80x128xf32, #tpu.memory_space<vmem>>, vector<16xf32>,
      %mul3A_783 = arith.mulf %get3A_777, %get3A_782 : vector<16xf32>
      %get3A_784 = arith.constant 6 : i32
      %get3A_785 = arith.index_cast %rem3A_82 : i32 to index
      %get3A_786 = arith.index_cast %get3A_784 : i32 to index
      %get3A_787 = arith.constant 96 : index
      %get3A_788 = tpu.vector_load %arg8[%get3A_785, %get3A_786, %get3A_787] {strides = array<i32>} : memref<2x80x128xf32, #tpu.memory_space<vmem>>, vector<16xf32>,
      %get3A_789 = arith.constant 6 : i32
      %get3A_790 = arith.index_cast %rem3A_82 : i32 to index
      %get3A_791 = arith.index_cast %get3A_789 : i32 to index
      %get3A_792 = arith.constant 96 : index
      %get3A_793 = tpu.vector_load %arg9[%get3A_790, %get3A_791, %get3A_792] {strides = array<i32>} : memref<2x80x128xf32, #tpu.memory_space<vmem>>, vector<16xf32>,
      %mul3A_794 = arith.mulf %get3A_788, %get3A_793 : vector<16xf32>
      %get3A_795 = arith.constant 6 : i32
      %get3A_796 = arith.index_cast %rem3A_82 : i32 to index
      %get3A_797 = arith.index_cast %get3A_795 : i32 to index
      %get3A_798 = arith.constant 112 : index
      %get3A_799 = tpu.vector_load %arg8[%get3A_796, %get3A_797, %get3A_798] {strides = array<i32>} : memref<2x80x128xf32, #tpu.memory_space<vmem>>, vector<16xf32>,
      %get3A_800 = arith.constant 6 : i32
      %get3A_801 = arith.index_cast %rem3A_82 : i32 to index
      %get3A_802 = arith.index_cast %get3A_800 : i32 to index
      %get3A_803 = arith.constant 112 : index
      %get3A_804 = tpu.vector_load %arg9[%get3A_801, %get3A_802, %get3A_803] {strides = array<i32>} : memref<2x80x128xf32, #tpu.memory_space<vmem>>, vector<16xf32>,
      %mul3A_805 = arith.mulf %get3A_799, %get3A_804 : vector<16xf32>
      %add3A_806 = arith.addf %mul3A_728, %mul3A_739 : vector<16xf32>
      %add3A_807 = arith.addf %mul3A_750, %mul3A_761 : vector<16xf32>
      %add3A_808 = arith.addf %mul3A_772, %mul3A_783 : vector<16xf32>
      %add3A_809 = arith.addf %mul3A_794, %mul3A_805 : vector<16xf32>
      %add3A_810 = arith.addf %add3A_806, %add3A_807 : vector<16xf32>
      %add3A_811 = arith.addf %add3A_808, %add3A_809 : vector<16xf32>
      %add3A_812 = arith.addf %add3A_810, %add3A_811 : vector<16xf32>
      %swap3A_813 = arith.constant 102 : index
      %swap3A_814 = tpu.vector_load %arg11[%swap3A_813] {strides = array<i32>} : memref<272xf32, #tpu.memory_space<vmem>>, vector<16xf32>,
      tpu.vector_store %arg11[%swap3A_813], %add3A_812 {strides = array<i32>} : memref<272xf32, #tpu.memory_space<vmem>>, vector<16xf32>,
      %get3A_815 = arith.constant 7 : i32
      %get3A_816 = arith.index_cast %rem3A_82 : i32 to index
      %get3A_817 = arith.index_cast %get3A_815 : i32 to index
      %get3A_818 = arith.constant 0 : index
      %get3A_819 = tpu.vector_load %arg8[%get3A_816, %get3A_817, %get3A_818] {strides = array<i32>} : memref<2x80x128xf32, #tpu.memory_space<vmem>>, vector<16xf32>,
      %get3A_820 = arith.constant 7 : i32
      %get3A_821 = arith.index_cast %rem3A_82 : i32 to index
      %get3A_822 = arith.index_cast %get3A_820 : i32 to index
      %get3A_823 = arith.constant 0 : index
      %get3A_824 = tpu.vector_load %arg9[%get3A_821, %get3A_822, %get3A_823] {strides = array<i32>} : memref<2x80x128xf32, #tpu.memory_space<vmem>>, vector<16xf32>,
      %mul3A_825 = arith.mulf %get3A_819, %get3A_824 : vector<16xf32>
      %mul3A_826 = arith.mulf %mul3A_825, %select_n3A : vector<16xf32>
      %get3A_827 = arith.constant 7 : i32
      %get3A_828 = arith.index_cast %rem3A_82 : i32 to index
      %get3A_829 = arith.index_cast %get3A_827 : i32 to index
      %get3A_830 = arith.constant 16 : index
      %get3A_831 = tpu.vector_load %arg8[%get3A_828, %get3A_829, %get3A_830] {strides = array<i32>} : memref<2x80x128xf32, #tpu.memory_space<vmem>>, vector<16xf32>,
      %get3A_832 = arith.constant 7 : i32
      %get3A_833 = arith.index_cast %rem3A_82 : i32 to index
      %get3A_834 = arith.index_cast %get3A_832 : i32 to index
      %get3A_835 = arith.constant 16 : index
      %get3A_836 = tpu.vector_load %arg9[%get3A_833, %get3A_834, %get3A_835] {strides = array<i32>} : memref<2x80x128xf32, #tpu.memory_space<vmem>>, vector<16xf32>,
      %mul3A_837 = arith.mulf %get3A_831, %get3A_836 : vector<16xf32>
      %get3A_838 = arith.constant 7 : i32
      %get3A_839 = arith.index_cast %rem3A_82 : i32 to index
      %get3A_840 = arith.index_cast %get3A_838 : i32 to index
      %get3A_841 = arith.constant 32 : index
      %get3A_842 = tpu.vector_load %arg8[%get3A_839, %get3A_840, %get3A_841] {strides = array<i32>} : memref<2x80x128xf32, #tpu.memory_space<vmem>>, vector<16xf32>,
      %get3A_843 = arith.constant 7 : i32
      %get3A_844 = arith.index_cast %rem3A_82 : i32 to index
      %get3A_845 = arith.index_cast %get3A_843 : i32 to index
      %get3A_846 = arith.constant 32 : index
      %get3A_847 = tpu.vector_load %arg9[%get3A_844, %get3A_845, %get3A_846] {strides = array<i32>} : memref<2x80x128xf32, #tpu.memory_space<vmem>>, vector<16xf32>,
      %mul3A_848 = arith.mulf %get3A_842, %get3A_847 : vector<16xf32>
      %get3A_849 = arith.constant 7 : i32
      %get3A_850 = arith.index_cast %rem3A_82 : i32 to index
      %get3A_851 = arith.index_cast %get3A_849 : i32 to index
      %get3A_852 = arith.constant 48 : index
      %get3A_853 = tpu.vector_load %arg8[%get3A_850, %get3A_851, %get3A_852] {strides = array<i32>} : memref<2x80x128xf32, #tpu.memory_space<vmem>>, vector<16xf32>,
      %get3A_854 = arith.constant 7 : i32
      %get3A_855 = arith.index_cast %rem3A_82 : i32 to index
      %get3A_856 = arith.index_cast %get3A_854 : i32 to index
      %get3A_857 = arith.constant 48 : index
      %get3A_858 = tpu.vector_load %arg9[%get3A_855, %get3A_856, %get3A_857] {strides = array<i32>} : memref<2x80x128xf32, #tpu.memory_space<vmem>>, vector<16xf32>,
      %mul3A_859 = arith.mulf %get3A_853, %get3A_858 : vector<16xf32>
      %get3A_860 = arith.constant 7 : i32
      %get3A_861 = arith.index_cast %rem3A_82 : i32 to index
      %get3A_862 = arith.index_cast %get3A_860 : i32 to index
      %get3A_863 = arith.constant 64 : index
      %get3A_864 = tpu.vector_load %arg8[%get3A_861, %get3A_862, %get3A_863] {strides = array<i32>} : memref<2x80x128xf32, #tpu.memory_space<vmem>>, vector<16xf32>,
      %get3A_865 = arith.constant 7 : i32
      %get3A_866 = arith.index_cast %rem3A_82 : i32 to index
      %get3A_867 = arith.index_cast %get3A_865 : i32 to index
      %get3A_868 = arith.constant 64 : index
      %get3A_869 = tpu.vector_load %arg9[%get3A_866, %get3A_867, %get3A_868] {strides = array<i32>} : memref<2x80x128xf32, #tpu.memory_space<vmem>>, vector<16xf32>,
      %mul3A_870 = arith.mulf %get3A_864, %get3A_869 : vector<16xf32>
      %get3A_871 = arith.constant 7 : i32
      %get3A_872 = arith.index_cast %rem3A_82 : i32 to index
      %get3A_873 = arith.index_cast %get3A_871 : i32 to index
      %get3A_874 = arith.constant 80 : index
      %get3A_875 = tpu.vector_load %arg8[%get3A_872, %get3A_873, %get3A_874] {strides = array<i32>} : memref<2x80x128xf32, #tpu.memory_space<vmem>>, vector<16xf32>,
      %get3A_876 = arith.constant 7 : i32
      %get3A_877 = arith.index_cast %rem3A_82 : i32 to index
      %get3A_878 = arith.index_cast %get3A_876 : i32 to index
      %get3A_879 = arith.constant 80 : index
      %get3A_880 = tpu.vector_load %arg9[%get3A_877, %get3A_878, %get3A_879] {strides = array<i32>} : memref<2x80x128xf32, #tpu.memory_space<vmem>>, vector<16xf32>,
      %mul3A_881 = arith.mulf %get3A_875, %get3A_880 : vector<16xf32>
      %get3A_882 = arith.constant 7 : i32
      %get3A_883 = arith.index_cast %rem3A_82 : i32 to index
      %get3A_884 = arith.index_cast %get3A_882 : i32 to index
      %get3A_885 = arith.constant 96 : index
      %get3A_886 = tpu.vector_load %arg8[%get3A_883, %get3A_884, %get3A_885] {strides = array<i32>} : memref<2x80x128xf32, #tpu.memory_space<vmem>>, vector<16xf32>,
      %get3A_887 = arith.constant 7 : i32
      %get3A_888 = arith.index_cast %rem3A_82 : i32 to index
      %get3A_889 = arith.index_cast %get3A_887 : i32 to index
      %get3A_890 = arith.constant 96 : index
      %get3A_891 = tpu.vector_load %arg9[%get3A_888, %get3A_889, %get3A_890] {strides = array<i32>} : memref<2x80x128xf32, #tpu.memory_space<vmem>>, vector<16xf32>,
      %mul3A_892 = arith.mulf %get3A_886, %get3A_891 : vector<16xf32>
      %get3A_893 = arith.constant 7 : i32
      %get3A_894 = arith.index_cast %rem3A_82 : i32 to index
      %get3A_895 = arith.index_cast %get3A_893 : i32 to index
      %get3A_896 = arith.constant 112 : index
      %get3A_897 = tpu.vector_load %arg8[%get3A_894, %get3A_895, %get3A_896] {strides = array<i32>} : memref<2x80x128xf32, #tpu.memory_space<vmem>>, vector<16xf32>,
      %get3A_898 = arith.constant 7 : i32
      %get3A_899 = arith.index_cast %rem3A_82 : i32 to index
      %get3A_900 = arith.index_cast %get3A_898 : i32 to index
      %get3A_901 = arith.constant 112 : index
      %get3A_902 = tpu.vector_load %arg9[%get3A_899, %get3A_900, %get3A_901] {strides = array<i32>} : memref<2x80x128xf32, #tpu.memory_space<vmem>>, vector<16xf32>,
      %mul3A_903 = arith.mulf %get3A_897, %get3A_902 : vector<16xf32>
      %add3A_904 = arith.addf %mul3A_826, %mul3A_837 : vector<16xf32>
      %add3A_905 = arith.addf %mul3A_848, %mul3A_859 : vector<16xf32>
      %add3A_906 = arith.addf %mul3A_870, %mul3A_881 : vector<16xf32>
      %add3A_907 = arith.addf %mul3A_892, %mul3A_903 : vector<16xf32>
      %add3A_908 = arith.addf %add3A_904, %add3A_905 : vector<16xf32>
      %add3A_909 = arith.addf %add3A_906, %add3A_907 : vector<16xf32>
      %add3A_910 = arith.addf %add3A_908, %add3A_909 : vector<16xf32>
      %swap3A_911 = arith.constant 119 : index
      %swap3A_912 = tpu.vector_load %arg11[%swap3A_911] {strides = array<i32>} : memref<272xf32, #tpu.memory_space<vmem>>, vector<16xf32>,
      tpu.vector_store %arg11[%swap3A_911], %add3A_910 {strides = array<i32>} : memref<272xf32, #tpu.memory_space<vmem>>, vector<16xf32>,
      %get3A_913 = arith.constant 8 : i32
      %get3A_914 = arith.index_cast %rem3A_82 : i32 to index
      %get3A_915 = arith.index_cast %get3A_913 : i32 to index
      %get3A_916 = arith.constant 0 : index
      %get3A_917 = tpu.vector_load %arg8[%get3A_914, %get3A_915, %get3A_916] {strides = array<i32>} : memref<2x80x128xf32, #tpu.memory_space<vmem>>, vector<16xf32>,
      %get3A_918 = arith.constant 8 : i32
      %get3A_919 = arith.index_cast %rem3A_82 : i32 to index
      %get3A_920 = arith.index_cast %get3A_918 : i32 to index
      %get3A_921 = arith.constant 0 : index
      %get3A_922 = tpu.vector_load %arg9[%get3A_919, %get3A_920, %get3A_921] {strides = array<i32>} : memref<2x80x128xf32, #tpu.memory_space<vmem>>, vector<16xf32>,
      %mul3A_923 = arith.mulf %get3A_917, %get3A_922 : vector<16xf32>
      %mul3A_924 = arith.mulf %mul3A_923, %select_n3A : vector<16xf32>
      %get3A_925 = arith.constant 8 : i32
      %get3A_926 = arith.index_cast %rem3A_82 : i32 to index
      %get3A_927 = arith.index_cast %get3A_925 : i32 to index
      %get3A_928 = arith.constant 16 : index
      %get3A_929 = tpu.vector_load %arg8[%get3A_926, %get3A_927, %get3A_928] {strides = array<i32>} : memref<2x80x128xf32, #tpu.memory_space<vmem>>, vector<16xf32>,
      %get3A_930 = arith.constant 8 : i32
      %get3A_931 = arith.index_cast %rem3A_82 : i32 to index
      %get3A_932 = arith.index_cast %get3A_930 : i32 to index
      %get3A_933 = arith.constant 16 : index
      %get3A_934 = tpu.vector_load %arg9[%get3A_931, %get3A_932, %get3A_933] {strides = array<i32>} : memref<2x80x128xf32, #tpu.memory_space<vmem>>, vector<16xf32>,
      %mul3A_935 = arith.mulf %get3A_929, %get3A_934 : vector<16xf32>
      %get3A_936 = arith.constant 8 : i32
      %get3A_937 = arith.index_cast %rem3A_82 : i32 to index
      %get3A_938 = arith.index_cast %get3A_936 : i32 to index
      %get3A_939 = arith.constant 32 : index
      %get3A_940 = tpu.vector_load %arg8[%get3A_937, %get3A_938, %get3A_939] {strides = array<i32>} : memref<2x80x128xf32, #tpu.memory_space<vmem>>, vector<16xf32>,
      %get3A_941 = arith.constant 8 : i32
      %get3A_942 = arith.index_cast %rem3A_82 : i32 to index
      %get3A_943 = arith.index_cast %get3A_941 : i32 to index
      %get3A_944 = arith.constant 32 : index
      %get3A_945 = tpu.vector_load %arg9[%get3A_942, %get3A_943, %get3A_944] {strides = array<i32>} : memref<2x80x128xf32, #tpu.memory_space<vmem>>, vector<16xf32>,
      %mul3A_946 = arith.mulf %get3A_940, %get3A_945 : vector<16xf32>
      %get3A_947 = arith.constant 8 : i32
      %get3A_948 = arith.index_cast %rem3A_82 : i32 to index
      %get3A_949 = arith.index_cast %get3A_947 : i32 to index
      %get3A_950 = arith.constant 48 : index
      %get3A_951 = tpu.vector_load %arg8[%get3A_948, %get3A_949, %get3A_950] {strides = array<i32>} : memref<2x80x128xf32, #tpu.memory_space<vmem>>, vector<16xf32>,
      %get3A_952 = arith.constant 8 : i32
      %get3A_953 = arith.index_cast %rem3A_82 : i32 to index
      %get3A_954 = arith.index_cast %get3A_952 : i32 to index
      %get3A_955 = arith.constant 48 : index
      %get3A_956 = tpu.vector_load %arg9[%get3A_953, %get3A_954, %get3A_955] {strides = array<i32>} : memref<2x80x128xf32, #tpu.memory_space<vmem>>, vector<16xf32>,
      %mul3A_957 = arith.mulf %get3A_951, %get3A_956 : vector<16xf32>
      %get3A_958 = arith.constant 8 : i32
      %get3A_959 = arith.index_cast %rem3A_82 : i32 to index
      %get3A_960 = arith.index_cast %get3A_958 : i32 to index
      %get3A_961 = arith.constant 64 : index
      %get3A_962 = tpu.vector_load %arg8[%get3A_959, %get3A_960, %get3A_961] {strides = array<i32>} : memref<2x80x128xf32, #tpu.memory_space<vmem>>, vector<16xf32>,
      %get3A_963 = arith.constant 8 : i32
      %get3A_964 = arith.index_cast %rem3A_82 : i32 to index
      %get3A_965 = arith.index_cast %get3A_963 : i32 to index
      %get3A_966 = arith.constant 64 : index
      %get3A_967 = tpu.vector_load %arg9[%get3A_964, %get3A_965, %get3A_966] {strides = array<i32>} : memref<2x80x128xf32, #tpu.memory_space<vmem>>, vector<16xf32>,
      %mul3A_968 = arith.mulf %get3A_962, %get3A_967 : vector<16xf32>
      %get3A_969 = arith.constant 8 : i32
      %get3A_970 = arith.index_cast %rem3A_82 : i32 to index
      %get3A_971 = arith.index_cast %get3A_969 : i32 to index
      %get3A_972 = arith.constant 80 : index
      %get3A_973 = tpu.vector_load %arg8[%get3A_970, %get3A_971, %get3A_972] {strides = array<i32>} : memref<2x80x128xf32, #tpu.memory_space<vmem>>, vector<16xf32>,
      %get3A_974 = arith.constant 8 : i32
      %get3A_975 = arith.index_cast %rem3A_82 : i32 to index
      %get3A_976 = arith.index_cast %get3A_974 : i32 to index
      %get3A_977 = arith.constant 80 : index
      %get3A_978 = tpu.vector_load %arg9[%get3A_975, %get3A_976, %get3A_977] {strides = array<i32>} : memref<2x80x128xf32, #tpu.memory_space<vmem>>, vector<16xf32>,
      %mul3A_979 = arith.mulf %get3A_973, %get3A_978 : vector<16xf32>
      %get3A_980 = arith.constant 8 : i32
      %get3A_981 = arith.index_cast %rem3A_82 : i32 to index
      %get3A_982 = arith.index_cast %get3A_980 : i32 to index
      %get3A_983 = arith.constant 96 : index
      %get3A_984 = tpu.vector_load %arg8[%get3A_981, %get3A_982, %get3A_983] {strides = array<i32>} : memref<2x80x128xf32, #tpu.memory_space<vmem>>, vector<16xf32>,
      %get3A_985 = arith.constant 8 : i32
      %get3A_986 = arith.index_cast %rem3A_82 : i32 to index
      %get3A_987 = arith.index_cast %get3A_985 : i32 to index
      %get3A_988 = arith.constant 96 : index
      %get3A_989 = tpu.vector_load %arg9[%get3A_986, %get3A_987, %get3A_988] {strides = array<i32>} : memref<2x80x128xf32, #tpu.memory_space<vmem>>, vector<16xf32>,
      %mul3A_990 = arith.mulf %get3A_984, %get3A_989 : vector<16xf32>
      %get3A_991 = arith.constant 8 : i32
      %get3A_992 = arith.index_cast %rem3A_82 : i32 to index
      %get3A_993 = arith.index_cast %get3A_991 : i32 to index
      %get3A_994 = arith.constant 112 : index
      %get3A_995 = tpu.vector_load %arg8[%get3A_992, %get3A_993, %get3A_994] {strides = array<i32>} : memref<2x80x128xf32, #tpu.memory_space<vmem>>, vector<16xf32>,
      %get3A_996 = arith.constant 8 : i32
      %get3A_997 = arith.index_cast %rem3A_82 : i32 to index
      %get3A_998 = arith.index_cast %get3A_996 : i32 to index
      %get3A_999 = arith.constant 112 : index
      %get3A_1000 = tpu.vector_load %arg9[%get3A_997, %get3A_998, %get3A_999] {strides = array<i32>} : memref<2x80x128xf32, #tpu.memory_space<vmem>>, vector<16xf32>,
      %mul3A_1001 = arith.mulf %get3A_995, %get3A_1000 : vector<16xf32>
      %add3A_1002 = arith.addf %mul3A_924, %mul3A_935 : vector<16xf32>
      %add3A_1003 = arith.addf %mul3A_946, %mul3A_957 : vector<16xf32>
      %add3A_1004 = arith.addf %mul3A_968, %mul3A_979 : vector<16xf32>
      %add3A_1005 = arith.addf %mul3A_990, %mul3A_1001 : vector<16xf32>
      %add3A_1006 = arith.addf %add3A_1002, %add3A_1003 : vector<16xf32>
      %add3A_1007 = arith.addf %add3A_1004, %add3A_1005 : vector<16xf32>
      %add3A_1008 = arith.addf %add3A_1006, %add3A_1007 : vector<16xf32>
      %swap3A_1009 = arith.constant 136 : index
      %swap3A_1010 = tpu.vector_load %arg11[%swap3A_1009] {strides = array<i32>} : memref<272xf32, #tpu.memory_space<vmem>>, vector<16xf32>,
      tpu.vector_store %arg11[%swap3A_1009], %add3A_1008 {strides = array<i32>} : memref<272xf32, #tpu.memory_space<vmem>>, vector<16xf32>,
      %get3A_1011 = arith.constant 9 : i32
      %get3A_1012 = arith.index_cast %rem3A_82 : i32 to index
      %get3A_1013 = arith.index_cast %get3A_1011 : i32 to index
      %get3A_1014 = arith.constant 0 : index
      %get3A_1015 = tpu.vector_load %arg8[%get3A_1012, %get3A_1013, %get3A_1014] {strides = array<i32>} : memref<2x80x128xf32, #tpu.memory_space<vmem>>, vector<16xf32>,
      %get3A_1016 = arith.constant 9 : i32
      %get3A_1017 = arith.index_cast %rem3A_82 : i32 to index
      %get3A_1018 = arith.index_cast %get3A_1016 : i32 to index
      %get3A_1019 = arith.constant 0 : index
      %get3A_1020 = tpu.vector_load %arg9[%get3A_1017, %get3A_1018, %get3A_1019] {strides = array<i32>} : memref<2x80x128xf32, #tpu.memory_space<vmem>>, vector<16xf32>,
      %mul3A_1021 = arith.mulf %get3A_1015, %get3A_1020 : vector<16xf32>
      %mul3A_1022 = arith.mulf %mul3A_1021, %select_n3A : vector<16xf32>
      %get3A_1023 = arith.constant 9 : i32
      %get3A_1024 = arith.index_cast %rem3A_82 : i32 to index
      %get3A_1025 = arith.index_cast %get3A_1023 : i32 to index
      %get3A_1026 = arith.constant 16 : index
      %get3A_1027 = tpu.vector_load %arg8[%get3A_1024, %get3A_1025, %get3A_1026] {strides = array<i32>} : memref<2x80x128xf32, #tpu.memory_space<vmem>>, vector<16xf32>,
      %get3A_1028 = arith.constant 9 : i32
      %get3A_1029 = arith.index_cast %rem3A_82 : i32 to index
      %get3A_1030 = arith.index_cast %get3A_1028 : i32 to index
      %get3A_1031 = arith.constant 16 : index
      %get3A_1032 = tpu.vector_load %arg9[%get3A_1029, %get3A_1030, %get3A_1031] {strides = array<i32>} : memref<2x80x128xf32, #tpu.memory_space<vmem>>, vector<16xf32>,
      %mul3A_1033 = arith.mulf %get3A_1027, %get3A_1032 : vector<16xf32>
      %get3A_1034 = arith.constant 9 : i32
      %get3A_1035 = arith.index_cast %rem3A_82 : i32 to index
      %get3A_1036 = arith.index_cast %get3A_1034 : i32 to index
      %get3A_1037 = arith.constant 32 : index
      %get3A_1038 = tpu.vector_load %arg8[%get3A_1035, %get3A_1036, %get3A_1037] {strides = array<i32>} : memref<2x80x128xf32, #tpu.memory_space<vmem>>, vector<16xf32>,
      %get3A_1039 = arith.constant 9 : i32
      %get3A_1040 = arith.index_cast %rem3A_82 : i32 to index
      %get3A_1041 = arith.index_cast %get3A_1039 : i32 to index
      %get3A_1042 = arith.constant 32 : index
      %get3A_1043 = tpu.vector_load %arg9[%get3A_1040, %get3A_1041, %get3A_1042] {strides = array<i32>} : memref<2x80x128xf32, #tpu.memory_space<vmem>>, vector<16xf32>,
      %mul3A_1044 = arith.mulf %get3A_1038, %get3A_1043 : vector<16xf32>
      %get3A_1045 = arith.constant 9 : i32
      %get3A_1046 = arith.index_cast %rem3A_82 : i32 to index
      %get3A_1047 = arith.index_cast %get3A_1045 : i32 to index
      %get3A_1048 = arith.constant 48 : index
      %get3A_1049 = tpu.vector_load %arg8[%get3A_1046, %get3A_1047, %get3A_1048] {strides = array<i32>} : memref<2x80x128xf32, #tpu.memory_space<vmem>>, vector<16xf32>,
      %get3A_1050 = arith.constant 9 : i32
      %get3A_1051 = arith.index_cast %rem3A_82 : i32 to index
      %get3A_1052 = arith.index_cast %get3A_1050 : i32 to index
      %get3A_1053 = arith.constant 48 : index
      %get3A_1054 = tpu.vector_load %arg9[%get3A_1051, %get3A_1052, %get3A_1053] {strides = array<i32>} : memref<2x80x128xf32, #tpu.memory_space<vmem>>, vector<16xf32>,
      %mul3A_1055 = arith.mulf %get3A_1049, %get3A_1054 : vector<16xf32>
      %get3A_1056 = arith.constant 9 : i32
      %get3A_1057 = arith.index_cast %rem3A_82 : i32 to index
      %get3A_1058 = arith.index_cast %get3A_1056 : i32 to index
      %get3A_1059 = arith.constant 64 : index
      %get3A_1060 = tpu.vector_load %arg8[%get3A_1057, %get3A_1058, %get3A_1059] {strides = array<i32>} : memref<2x80x128xf32, #tpu.memory_space<vmem>>, vector<16xf32>,
      %get3A_1061 = arith.constant 9 : i32
      %get3A_1062 = arith.index_cast %rem3A_82 : i32 to index
      %get3A_1063 = arith.index_cast %get3A_1061 : i32 to index
      %get3A_1064 = arith.constant 64 : index
      %get3A_1065 = tpu.vector_load %arg9[%get3A_1062, %get3A_1063, %get3A_1064] {strides = array<i32>} : memref<2x80x128xf32, #tpu.memory_space<vmem>>, vector<16xf32>,
      %mul3A_1066 = arith.mulf %get3A_1060, %get3A_1065 : vector<16xf32>
      %get3A_1067 = arith.constant 9 : i32
      %get3A_1068 = arith.index_cast %rem3A_82 : i32 to index
      %get3A_1069 = arith.index_cast %get3A_1067 : i32 to index
      %get3A_1070 = arith.constant 80 : index
      %get3A_1071 = tpu.vector_load %arg8[%get3A_1068, %get3A_1069, %get3A_1070] {strides = array<i32>} : memref<2x80x128xf32, #tpu.memory_space<vmem>>, vector<16xf32>,
      %get3A_1072 = arith.constant 9 : i32
      %get3A_1073 = arith.index_cast %rem3A_82 : i32 to index
      %get3A_1074 = arith.index_cast %get3A_1072 : i32 to index
      %get3A_1075 = arith.constant 80 : index
      %get3A_1076 = tpu.vector_load %arg9[%get3A_1073, %get3A_1074, %get3A_1075] {strides = array<i32>} : memref<2x80x128xf32, #tpu.memory_space<vmem>>, vector<16xf32>,
      %mul3A_1077 = arith.mulf %get3A_1071, %get3A_1076 : vector<16xf32>
      %get3A_1078 = arith.constant 9 : i32
      %get3A_1079 = arith.index_cast %rem3A_82 : i32 to index
      %get3A_1080 = arith.index_cast %get3A_1078 : i32 to index
      %get3A_1081 = arith.constant 96 : index
      %get3A_1082 = tpu.vector_load %arg8[%get3A_1079, %get3A_1080, %get3A_1081] {strides = array<i32>} : memref<2x80x128xf32, #tpu.memory_space<vmem>>, vector<16xf32>,
      %get3A_1083 = arith.constant 9 : i32
      %get3A_1084 = arith.index_cast %rem3A_82 : i32 to index
      %get3A_1085 = arith.index_cast %get3A_1083 : i32 to index
      %get3A_1086 = arith.constant 96 : index
      %get3A_1087 = tpu.vector_load %arg9[%get3A_1084, %get3A_1085, %get3A_1086] {strides = array<i32>} : memref<2x80x128xf32, #tpu.memory_space<vmem>>, vector<16xf32>,
      %mul3A_1088 = arith.mulf %get3A_1082, %get3A_1087 : vector<16xf32>
      %get3A_1089 = arith.constant 9 : i32
      %get3A_1090 = arith.index_cast %rem3A_82 : i32 to index
      %get3A_1091 = arith.index_cast %get3A_1089 : i32 to index
      %get3A_1092 = arith.constant 112 : index
      %get3A_1093 = tpu.vector_load %arg8[%get3A_1090, %get3A_1091, %get3A_1092] {strides = array<i32>} : memref<2x80x128xf32, #tpu.memory_space<vmem>>, vector<16xf32>,
      %get3A_1094 = arith.constant 9 : i32
      %get3A_1095 = arith.index_cast %rem3A_82 : i32 to index
      %get3A_1096 = arith.index_cast %get3A_1094 : i32 to index
      %get3A_1097 = arith.constant 112 : index
      %get3A_1098 = tpu.vector_load %arg9[%get3A_1095, %get3A_1096, %get3A_1097] {strides = array<i32>} : memref<2x80x128xf32, #tpu.memory_space<vmem>>, vector<16xf32>,
      %mul3A_1099 = arith.mulf %get3A_1093, %get3A_1098 : vector<16xf32>
      %add3A_1100 = arith.addf %mul3A_1022, %mul3A_1033 : vector<16xf32>
      %add3A_1101 = arith.addf %mul3A_1044, %mul3A_1055 : vector<16xf32>
      %add3A_1102 = arith.addf %mul3A_1066, %mul3A_1077 : vector<16xf32>
      %add3A_1103 = arith.addf %mul3A_1088, %mul3A_1099 : vector<16xf32>
      %add3A_1104 = arith.addf %add3A_1100, %add3A_1101 : vector<16xf32>
      %add3A_1105 = arith.addf %add3A_1102, %add3A_1103 : vector<16xf32>
      %add3A_1106 = arith.addf %add3A_1104, %add3A_1105 : vector<16xf32>
      %swap3A_1107 = arith.constant 153 : index
      %swap3A_1108 = tpu.vector_load %arg11[%swap3A_1107] {strides = array<i32>} : memref<272xf32, #tpu.memory_space<vmem>>, vector<16xf32>,
      tpu.vector_store %arg11[%swap3A_1107], %add3A_1106 {strides = array<i32>} : memref<272xf32, #tpu.memory_space<vmem>>, vector<16xf32>,
      %get3A_1109 = arith.constant 10 : i32
      %get3A_1110 = arith.index_cast %rem3A_82 : i32 to index
      %get3A_1111 = arith.index_cast %get3A_1109 : i32 to index
      %get3A_1112 = arith.constant 0 : index
      %get3A_1113 = tpu.vector_load %arg8[%get3A_1110, %get3A_1111, %get3A_1112] {strides = array<i32>} : memref<2x80x128xf32, #tpu.memory_space<vmem>>, vector<16xf32>,
      %get3A_1114 = arith.constant 10 : i32
      %get3A_1115 = arith.index_cast %rem3A_82 : i32 to index
      %get3A_1116 = arith.index_cast %get3A_1114 : i32 to index
      %get3A_1117 = arith.constant 0 : index
      %get3A_1118 = tpu.vector_load %arg9[%get3A_1115, %get3A_1116, %get3A_1117] {strides = array<i32>} : memref<2x80x128xf32, #tpu.memory_space<vmem>>, vector<16xf32>,
      %mul3A_1119 = arith.mulf %get3A_1113, %get3A_1118 : vector<16xf32>
      %mul3A_1120 = arith.mulf %mul3A_1119, %select_n3A : vector<16xf32>
      %get3A_1121 = arith.constant 10 : i32
      %get3A_1122 = arith.index_cast %rem3A_82 : i32 to index
      %get3A_1123 = arith.index_cast %get3A_1121 : i32 to index
      %get3A_1124 = arith.constant 16 : index
      %get3A_1125 = tpu.vector_load %arg8[%get3A_1122, %get3A_1123, %get3A_1124] {strides = array<i32>} : memref<2x80x128xf32, #tpu.memory_space<vmem>>, vector<16xf32>,
      %get3A_1126 = arith.constant 10 : i32
      %get3A_1127 = arith.index_cast %rem3A_82 : i32 to index
      %get3A_1128 = arith.index_cast %get3A_1126 : i32 to index
      %get3A_1129 = arith.constant 16 : index
      %get3A_1130 = tpu.vector_load %arg9[%get3A_1127, %get3A_1128, %get3A_1129] {strides = array<i32>} : memref<2x80x128xf32, #tpu.memory_space<vmem>>, vector<16xf32>,
      %mul3A_1131 = arith.mulf %get3A_1125, %get3A_1130 : vector<16xf32>
      %get3A_1132 = arith.constant 10 : i32
      %get3A_1133 = arith.index_cast %rem3A_82 : i32 to index
      %get3A_1134 = arith.index_cast %get3A_1132 : i32 to index
      %get3A_1135 = arith.constant 32 : index
      %get3A_1136 = tpu.vector_load %arg8[%get3A_1133, %get3A_1134, %get3A_1135] {strides = array<i32>} : memref<2x80x128xf32, #tpu.memory_space<vmem>>, vector<16xf32>,
      %get3A_1137 = arith.constant 10 : i32
      %get3A_1138 = arith.index_cast %rem3A_82 : i32 to index
      %get3A_1139 = arith.index_cast %get3A_1137 : i32 to index
      %get3A_1140 = arith.constant 32 : index
      %get3A_1141 = tpu.vector_load %arg9[%get3A_1138, %get3A_1139, %get3A_1140] {strides = array<i32>} : memref<2x80x128xf32, #tpu.memory_space<vmem>>, vector<16xf32>,
      %mul3A_1142 = arith.mulf %get3A_1136, %get3A_1141 : vector<16xf32>
      %get3A_1143 = arith.constant 10 : i32
      %get3A_1144 = arith.index_cast %rem3A_82 : i32 to index
      %get3A_1145 = arith.index_cast %get3A_1143 : i32 to index
      %get3A_1146 = arith.constant 48 : index
      %get3A_1147 = tpu.vector_load %arg8[%get3A_1144, %get3A_1145, %get3A_1146] {strides = array<i32>} : memref<2x80x128xf32, #tpu.memory_space<vmem>>, vector<16xf32>,
      %get3A_1148 = arith.constant 10 : i32
      %get3A_1149 = arith.index_cast %rem3A_82 : i32 to index
      %get3A_1150 = arith.index_cast %get3A_1148 : i32 to index
      %get3A_1151 = arith.constant 48 : index
      %get3A_1152 = tpu.vector_load %arg9[%get3A_1149, %get3A_1150, %get3A_1151] {strides = array<i32>} : memref<2x80x128xf32, #tpu.memory_space<vmem>>, vector<16xf32>,
      %mul3A_1153 = arith.mulf %get3A_1147, %get3A_1152 : vector<16xf32>
      %get3A_1154 = arith.constant 10 : i32
      %get3A_1155 = arith.index_cast %rem3A_82 : i32 to index
      %get3A_1156 = arith.index_cast %get3A_1154 : i32 to index
      %get3A_1157 = arith.constant 64 : index
      %get3A_1158 = tpu.vector_load %arg8[%get3A_1155, %get3A_1156, %get3A_1157] {strides = array<i32>} : memref<2x80x128xf32, #tpu.memory_space<vmem>>, vector<16xf32>,
      %get3A_1159 = arith.constant 10 : i32
      %get3A_1160 = arith.index_cast %rem3A_82 : i32 to index
      %get3A_1161 = arith.index_cast %get3A_1159 : i32 to index
      %get3A_1162 = arith.constant 64 : index
      %get3A_1163 = tpu.vector_load %arg9[%get3A_1160, %get3A_1161, %get3A_1162] {strides = array<i32>} : memref<2x80x128xf32, #tpu.memory_space<vmem>>, vector<16xf32>,
      %mul3A_1164 = arith.mulf %get3A_1158, %get3A_1163 : vector<16xf32>
      %get3A_1165 = arith.constant 10 : i32
      %get3A_1166 = arith.index_cast %rem3A_82 : i32 to index
      %get3A_1167 = arith.index_cast %get3A_1165 : i32 to index
      %get3A_1168 = arith.constant 80 : index
      %get3A_1169 = tpu.vector_load %arg8[%get3A_1166, %get3A_1167, %get3A_1168] {strides = array<i32>} : memref<2x80x128xf32, #tpu.memory_space<vmem>>, vector<16xf32>,
      %get3A_1170 = arith.constant 10 : i32
      %get3A_1171 = arith.index_cast %rem3A_82 : i32 to index
      %get3A_1172 = arith.index_cast %get3A_1170 : i32 to index
      %get3A_1173 = arith.constant 80 : index
      %get3A_1174 = tpu.vector_load %arg9[%get3A_1171, %get3A_1172, %get3A_1173] {strides = array<i32>} : memref<2x80x128xf32, #tpu.memory_space<vmem>>, vector<16xf32>,
      %mul3A_1175 = arith.mulf %get3A_1169, %get3A_1174 : vector<16xf32>
      %get3A_1176 = arith.constant 10 : i32
      %get3A_1177 = arith.index_cast %rem3A_82 : i32 to index
      %get3A_1178 = arith.index_cast %get3A_1176 : i32 to index
      %get3A_1179 = arith.constant 96 : index
      %get3A_1180 = tpu.vector_load %arg8[%get3A_1177, %get3A_1178, %get3A_1179] {strides = array<i32>} : memref<2x80x128xf32, #tpu.memory_space<vmem>>, vector<16xf32>,
      %get3A_1181 = arith.constant 10 : i32
      %get3A_1182 = arith.index_cast %rem3A_82 : i32 to index
      %get3A_1183 = arith.index_cast %get3A_1181 : i32 to index
      %get3A_1184 = arith.constant 96 : index
      %get3A_1185 = tpu.vector_load %arg9[%get3A_1182, %get3A_1183, %get3A_1184] {strides = array<i32>} : memref<2x80x128xf32, #tpu.memory_space<vmem>>, vector<16xf32>,
      %mul3A_1186 = arith.mulf %get3A_1180, %get3A_1185 : vector<16xf32>
      %get3A_1187 = arith.constant 10 : i32
      %get3A_1188 = arith.index_cast %rem3A_82 : i32 to index
      %get3A_1189 = arith.index_cast %get3A_1187 : i32 to index
      %get3A_1190 = arith.constant 112 : index
      %get3A_1191 = tpu.vector_load %arg8[%get3A_1188, %get3A_1189, %get3A_1190] {strides = array<i32>} : memref<2x80x128xf32, #tpu.memory_space<vmem>>, vector<16xf32>,
      %get3A_1192 = arith.constant 10 : i32
      %get3A_1193 = arith.index_cast %rem3A_82 : i32 to index
      %get3A_1194 = arith.index_cast %get3A_1192 : i32 to index
      %get3A_1195 = arith.constant 112 : index
      %get3A_1196 = tpu.vector_load %arg9[%get3A_1193, %get3A_1194, %get3A_1195] {strides = array<i32>} : memref<2x80x128xf32, #tpu.memory_space<vmem>>, vector<16xf32>,
      %mul3A_1197 = arith.mulf %get3A_1191, %get3A_1196 : vector<16xf32>
      %add3A_1198 = arith.addf %mul3A_1120, %mul3A_1131 : vector<16xf32>
      %add3A_1199 = arith.addf %mul3A_1142, %mul3A_1153 : vector<16xf32>
      %add3A_1200 = arith.addf %mul3A_1164, %mul3A_1175 : vector<16xf32>
      %add3A_1201 = arith.addf %mul3A_1186, %mul3A_1197 : vector<16xf32>
      %add3A_1202 = arith.addf %add3A_1198, %add3A_1199 : vector<16xf32>
      %add3A_1203 = arith.addf %add3A_1200, %add3A_1201 : vector<16xf32>
      %add3A_1204 = arith.addf %add3A_1202, %add3A_1203 : vector<16xf32>
      %swap3A_1205 = arith.constant 170 : index
      %swap3A_1206 = tpu.vector_load %arg11[%swap3A_1205] {strides = array<i32>} : memref<272xf32, #tpu.memory_space<vmem>>, vector<16xf32>,
      tpu.vector_store %arg11[%swap3A_1205], %add3A_1204 {strides = array<i32>} : memref<272xf32, #tpu.memory_space<vmem>>, vector<16xf32>,
      %get3A_1207 = arith.constant 11 : i32
      %get3A_1208 = arith.index_cast %rem3A_82 : i32 to index
      %get3A_1209 = arith.index_cast %get3A_1207 : i32 to index
      %get3A_1210 = arith.constant 0 : index
      %get3A_1211 = tpu.vector_load %arg8[%get3A_1208, %get3A_1209, %get3A_1210] {strides = array<i32>} : memref<2x80x128xf32, #tpu.memory_space<vmem>>, vector<16xf32>,
      %get3A_1212 = arith.constant 11 : i32
      %get3A_1213 = arith.index_cast %rem3A_82 : i32 to index
      %get3A_1214 = arith.index_cast %get3A_1212 : i32 to index
      %get3A_1215 = arith.constant 0 : index
      %get3A_1216 = tpu.vector_load %arg9[%get3A_1213, %get3A_1214, %get3A_1215] {strides = array<i32>} : memref<2x80x128xf32, #tpu.memory_space<vmem>>, vector<16xf32>,
      %mul3A_1217 = arith.mulf %get3A_1211, %get3A_1216 : vector<16xf32>
      %mul3A_1218 = arith.mulf %mul3A_1217, %select_n3A : vector<16xf32>
      %get3A_1219 = arith.constant 11 : i32
      %get3A_1220 = arith.index_cast %rem3A_82 : i32 to index
      %get3A_1221 = arith.index_cast %get3A_1219 : i32 to index
      %get3A_1222 = arith.constant 16 : index
      %get3A_1223 = tpu.vector_load %arg8[%get3A_1220, %get3A_1221, %get3A_1222] {strides = array<i32>} : memref<2x80x128xf32, #tpu.memory_space<vmem>>, vector<16xf32>,
      %get3A_1224 = arith.constant 11 : i32
      %get3A_1225 = arith.index_cast %rem3A_82 : i32 to index
      %get3A_1226 = arith.index_cast %get3A_1224 : i32 to index
      %get3A_1227 = arith.constant 16 : index
      %get3A_1228 = tpu.vector_load %arg9[%get3A_1225, %get3A_1226, %get3A_1227] {strides = array<i32>} : memref<2x80x128xf32, #tpu.memory_space<vmem>>, vector<16xf32>,
      %mul3A_1229 = arith.mulf %get3A_1223, %get3A_1228 : vector<16xf32>
      %get3A_1230 = arith.constant 11 : i32
      %get3A_1231 = arith.index_cast %rem3A_82 : i32 to index
      %get3A_1232 = arith.index_cast %get3A_1230 : i32 to index
      %get3A_1233 = arith.constant 32 : index
      %get3A_1234 = tpu.vector_load %arg8[%get3A_1231, %get3A_1232, %get3A_1233] {strides = array<i32>} : memref<2x80x128xf32, #tpu.memory_space<vmem>>, vector<16xf32>,
      %get3A_1235 = arith.constant 11 : i32
      %get3A_1236 = arith.index_cast %rem3A_82 : i32 to index
      %get3A_1237 = arith.index_cast %get3A_1235 : i32 to index
      %get3A_1238 = arith.constant 32 : index
      %get3A_1239 = tpu.vector_load %arg9[%get3A_1236, %get3A_1237, %get3A_1238] {strides = array<i32>} : memref<2x80x128xf32, #tpu.memory_space<vmem>>, vector<16xf32>,
      %mul3A_1240 = arith.mulf %get3A_1234, %get3A_1239 : vector<16xf32>
      %get3A_1241 = arith.constant 11 : i32
      %get3A_1242 = arith.index_cast %rem3A_82 : i32 to index
      %get3A_1243 = arith.index_cast %get3A_1241 : i32 to index
      %get3A_1244 = arith.constant 48 : index
      %get3A_1245 = tpu.vector_load %arg8[%get3A_1242, %get3A_1243, %get3A_1244] {strides = array<i32>} : memref<2x80x128xf32, #tpu.memory_space<vmem>>, vector<16xf32>,
      %get3A_1246 = arith.constant 11 : i32
      %get3A_1247 = arith.index_cast %rem3A_82 : i32 to index
      %get3A_1248 = arith.index_cast %get3A_1246 : i32 to index
      %get3A_1249 = arith.constant 48 : index
      %get3A_1250 = tpu.vector_load %arg9[%get3A_1247, %get3A_1248, %get3A_1249] {strides = array<i32>} : memref<2x80x128xf32, #tpu.memory_space<vmem>>, vector<16xf32>,
      %mul3A_1251 = arith.mulf %get3A_1245, %get3A_1250 : vector<16xf32>
      %get3A_1252 = arith.constant 11 : i32
      %get3A_1253 = arith.index_cast %rem3A_82 : i32 to index
      %get3A_1254 = arith.index_cast %get3A_1252 : i32 to index
      %get3A_1255 = arith.constant 64 : index
      %get3A_1256 = tpu.vector_load %arg8[%get3A_1253, %get3A_1254, %get3A_1255] {strides = array<i32>} : memref<2x80x128xf32, #tpu.memory_space<vmem>>, vector<16xf32>,
      %get3A_1257 = arith.constant 11 : i32
      %get3A_1258 = arith.index_cast %rem3A_82 : i32 to index
      %get3A_1259 = arith.index_cast %get3A_1257 : i32 to index
      %get3A_1260 = arith.constant 64 : index
      %get3A_1261 = tpu.vector_load %arg9[%get3A_1258, %get3A_1259, %get3A_1260] {strides = array<i32>} : memref<2x80x128xf32, #tpu.memory_space<vmem>>, vector<16xf32>,
      %mul3A_1262 = arith.mulf %get3A_1256, %get3A_1261 : vector<16xf32>
      %get3A_1263 = arith.constant 11 : i32
      %get3A_1264 = arith.index_cast %rem3A_82 : i32 to index
      %get3A_1265 = arith.index_cast %get3A_1263 : i32 to index
      %get3A_1266 = arith.constant 80 : index
      %get3A_1267 = tpu.vector_load %arg8[%get3A_1264, %get3A_1265, %get3A_1266] {strides = array<i32>} : memref<2x80x128xf32, #tpu.memory_space<vmem>>, vector<16xf32>,
      %get3A_1268 = arith.constant 11 : i32
      %get3A_1269 = arith.index_cast %rem3A_82 : i32 to index
      %get3A_1270 = arith.index_cast %get3A_1268 : i32 to index
      %get3A_1271 = arith.constant 80 : index
      %get3A_1272 = tpu.vector_load %arg9[%get3A_1269, %get3A_1270, %get3A_1271] {strides = array<i32>} : memref<2x80x128xf32, #tpu.memory_space<vmem>>, vector<16xf32>,
      %mul3A_1273 = arith.mulf %get3A_1267, %get3A_1272 : vector<16xf32>
      %get3A_1274 = arith.constant 11 : i32
      %get3A_1275 = arith.index_cast %rem3A_82 : i32 to index
      %get3A_1276 = arith.index_cast %get3A_1274 : i32 to index
      %get3A_1277 = arith.constant 96 : index
      %get3A_1278 = tpu.vector_load %arg8[%get3A_1275, %get3A_1276, %get3A_1277] {strides = array<i32>} : memref<2x80x128xf32, #tpu.memory_space<vmem>>, vector<16xf32>,
      %get3A_1279 = arith.constant 11 : i32
      %get3A_1280 = arith.index_cast %rem3A_82 : i32 to index
      %get3A_1281 = arith.index_cast %get3A_1279 : i32 to index
      %get3A_1282 = arith.constant 96 : index
      %get3A_1283 = tpu.vector_load %arg9[%get3A_1280, %get3A_1281, %get3A_1282] {strides = array<i32>} : memref<2x80x128xf32, #tpu.memory_space<vmem>>, vector<16xf32>,
      %mul3A_1284 = arith.mulf %get3A_1278, %get3A_1283 : vector<16xf32>
      %get3A_1285 = arith.constant 11 : i32
      %get3A_1286 = arith.index_cast %rem3A_82 : i32 to index
      %get3A_1287 = arith.index_cast %get3A_1285 : i32 to index
      %get3A_1288 = arith.constant 112 : index
      %get3A_1289 = tpu.vector_load %arg8[%get3A_1286, %get3A_1287, %get3A_1288] {strides = array<i32>} : memref<2x80x128xf32, #tpu.memory_space<vmem>>, vector<16xf32>,
      %get3A_1290 = arith.constant 11 : i32
      %get3A_1291 = arith.index_cast %rem3A_82 : i32 to index
      %get3A_1292 = arith.index_cast %get3A_1290 : i32 to index
      %get3A_1293 = arith.constant 112 : index
      %get3A_1294 = tpu.vector_load %arg9[%get3A_1291, %get3A_1292, %get3A_1293] {strides = array<i32>} : memref<2x80x128xf32, #tpu.memory_space<vmem>>, vector<16xf32>,
      %mul3A_1295 = arith.mulf %get3A_1289, %get3A_1294 : vector<16xf32>
      %add3A_1296 = arith.addf %mul3A_1218, %mul3A_1229 : vector<16xf32>
      %add3A_1297 = arith.addf %mul3A_1240, %mul3A_1251 : vector<16xf32>
      %add3A_1298 = arith.addf %mul3A_1262, %mul3A_1273 : vector<16xf32>
      %add3A_1299 = arith.addf %mul3A_1284, %mul3A_1295 : vector<16xf32>
      %add3A_1300 = arith.addf %add3A_1296, %add3A_1297 : vector<16xf32>
      %add3A_1301 = arith.addf %add3A_1298, %add3A_1299 : vector<16xf32>
      %add3A_1302 = arith.addf %add3A_1300, %add3A_1301 : vector<16xf32>
      %swap3A_1303 = arith.constant 187 : index
      %swap3A_1304 = tpu.vector_load %arg11[%swap3A_1303] {strides = array<i32>} : memref<272xf32, #tpu.memory_space<vmem>>, vector<16xf32>,
      tpu.vector_store %arg11[%swap3A_1303], %add3A_1302 {strides = array<i32>} : memref<272xf32, #tpu.memory_space<vmem>>, vector<16xf32>,
      %get3A_1305 = arith.constant 12 : i32
      %get3A_1306 = arith.index_cast %rem3A_82 : i32 to index
      %get3A_1307 = arith.index_cast %get3A_1305 : i32 to index
      %get3A_1308 = arith.constant 0 : index
      %get3A_1309 = tpu.vector_load %arg8[%get3A_1306, %get3A_1307, %get3A_1308] {strides = array<i32>} : memref<2x80x128xf32, #tpu.memory_space<vmem>>, vector<16xf32>,
      %get3A_1310 = arith.constant 12 : i32
      %get3A_1311 = arith.index_cast %rem3A_82 : i32 to index
      %get3A_1312 = arith.index_cast %get3A_1310 : i32 to index
      %get3A_1313 = arith.constant 0 : index
      %get3A_1314 = tpu.vector_load %arg9[%get3A_1311, %get3A_1312, %get3A_1313] {strides = array<i32>} : memref<2x80x128xf32, #tpu.memory_space<vmem>>, vector<16xf32>,
      %mul3A_1315 = arith.mulf %get3A_1309, %get3A_1314 : vector<16xf32>
      %mul3A_1316 = arith.mulf %mul3A_1315, %select_n3A : vector<16xf32>
      %get3A_1317 = arith.constant 12 : i32
      %get3A_1318 = arith.index_cast %rem3A_82 : i32 to index
      %get3A_1319 = arith.index_cast %get3A_1317 : i32 to index
      %get3A_1320 = arith.constant 16 : index
      %get3A_1321 = tpu.vector_load %arg8[%get3A_1318, %get3A_1319, %get3A_1320] {strides = array<i32>} : memref<2x80x128xf32, #tpu.memory_space<vmem>>, vector<16xf32>,
      %get3A_1322 = arith.constant 12 : i32
      %get3A_1323 = arith.index_cast %rem3A_82 : i32 to index
      %get3A_1324 = arith.index_cast %get3A_1322 : i32 to index
      %get3A_1325 = arith.constant 16 : index
      %get3A_1326 = tpu.vector_load %arg9[%get3A_1323, %get3A_1324, %get3A_1325] {strides = array<i32>} : memref<2x80x128xf32, #tpu.memory_space<vmem>>, vector<16xf32>,
      %mul3A_1327 = arith.mulf %get3A_1321, %get3A_1326 : vector<16xf32>
      %get3A_1328 = arith.constant 12 : i32
      %get3A_1329 = arith.index_cast %rem3A_82 : i32 to index
      %get3A_1330 = arith.index_cast %get3A_1328 : i32 to index
      %get3A_1331 = arith.constant 32 : index
      %get3A_1332 = tpu.vector_load %arg8[%get3A_1329, %get3A_1330, %get3A_1331] {strides = array<i32>} : memref<2x80x128xf32, #tpu.memory_space<vmem>>, vector<16xf32>,
      %get3A_1333 = arith.constant 12 : i32
      %get3A_1334 = arith.index_cast %rem3A_82 : i32 to index
      %get3A_1335 = arith.index_cast %get3A_1333 : i32 to index
      %get3A_1336 = arith.constant 32 : index
      %get3A_1337 = tpu.vector_load %arg9[%get3A_1334, %get3A_1335, %get3A_1336] {strides = array<i32>} : memref<2x80x128xf32, #tpu.memory_space<vmem>>, vector<16xf32>,
      %mul3A_1338 = arith.mulf %get3A_1332, %get3A_1337 : vector<16xf32>
      %get3A_1339 = arith.constant 12 : i32
      %get3A_1340 = arith.index_cast %rem3A_82 : i32 to index
      %get3A_1341 = arith.index_cast %get3A_1339 : i32 to index
      %get3A_1342 = arith.constant 48 : index
      %get3A_1343 = tpu.vector_load %arg8[%get3A_1340, %get3A_1341, %get3A_1342] {strides = array<i32>} : memref<2x80x128xf32, #tpu.memory_space<vmem>>, vector<16xf32>,
      %get3A_1344 = arith.constant 12 : i32
      %get3A_1345 = arith.index_cast %rem3A_82 : i32 to index
      %get3A_1346 = arith.index_cast %get3A_1344 : i32 to index
      %get3A_1347 = arith.constant 48 : index
      %get3A_1348 = tpu.vector_load %arg9[%get3A_1345, %get3A_1346, %get3A_1347] {strides = array<i32>} : memref<2x80x128xf32, #tpu.memory_space<vmem>>, vector<16xf32>,
      %mul3A_1349 = arith.mulf %get3A_1343, %get3A_1348 : vector<16xf32>
      %get3A_1350 = arith.constant 12 : i32
      %get3A_1351 = arith.index_cast %rem3A_82 : i32 to index
      %get3A_1352 = arith.index_cast %get3A_1350 : i32 to index
      %get3A_1353 = arith.constant 64 : index
      %get3A_1354 = tpu.vector_load %arg8[%get3A_1351, %get3A_1352, %get3A_1353] {strides = array<i32>} : memref<2x80x128xf32, #tpu.memory_space<vmem>>, vector<16xf32>,
      %get3A_1355 = arith.constant 12 : i32
      %get3A_1356 = arith.index_cast %rem3A_82 : i32 to index
      %get3A_1357 = arith.index_cast %get3A_1355 : i32 to index
      %get3A_1358 = arith.constant 64 : index
      %get3A_1359 = tpu.vector_load %arg9[%get3A_1356, %get3A_1357, %get3A_1358] {strides = array<i32>} : memref<2x80x128xf32, #tpu.memory_space<vmem>>, vector<16xf32>,
      %mul3A_1360 = arith.mulf %get3A_1354, %get3A_1359 : vector<16xf32>
      %get3A_1361 = arith.constant 12 : i32
      %get3A_1362 = arith.index_cast %rem3A_82 : i32 to index
      %get3A_1363 = arith.index_cast %get3A_1361 : i32 to index
      %get3A_1364 = arith.constant 80 : index
      %get3A_1365 = tpu.vector_load %arg8[%get3A_1362, %get3A_1363, %get3A_1364] {strides = array<i32>} : memref<2x80x128xf32, #tpu.memory_space<vmem>>, vector<16xf32>,
      %get3A_1366 = arith.constant 12 : i32
      %get3A_1367 = arith.index_cast %rem3A_82 : i32 to index
      %get3A_1368 = arith.index_cast %get3A_1366 : i32 to index
      %get3A_1369 = arith.constant 80 : index
      %get3A_1370 = tpu.vector_load %arg9[%get3A_1367, %get3A_1368, %get3A_1369] {strides = array<i32>} : memref<2x80x128xf32, #tpu.memory_space<vmem>>, vector<16xf32>,
      %mul3A_1371 = arith.mulf %get3A_1365, %get3A_1370 : vector<16xf32>
      %get3A_1372 = arith.constant 12 : i32
      %get3A_1373 = arith.index_cast %rem3A_82 : i32 to index
      %get3A_1374 = arith.index_cast %get3A_1372 : i32 to index
      %get3A_1375 = arith.constant 96 : index
      %get3A_1376 = tpu.vector_load %arg8[%get3A_1373, %get3A_1374, %get3A_1375] {strides = array<i32>} : memref<2x80x128xf32, #tpu.memory_space<vmem>>, vector<16xf32>,
      %get3A_1377 = arith.constant 12 : i32
      %get3A_1378 = arith.index_cast %rem3A_82 : i32 to index
      %get3A_1379 = arith.index_cast %get3A_1377 : i32 to index
      %get3A_1380 = arith.constant 96 : index
      %get3A_1381 = tpu.vector_load %arg9[%get3A_1378, %get3A_1379, %get3A_1380] {strides = array<i32>} : memref<2x80x128xf32, #tpu.memory_space<vmem>>, vector<16xf32>,
      %mul3A_1382 = arith.mulf %get3A_1376, %get3A_1381 : vector<16xf32>
      %get3A_1383 = arith.constant 12 : i32
      %get3A_1384 = arith.index_cast %rem3A_82 : i32 to index
      %get3A_1385 = arith.index_cast %get3A_1383 : i32 to index
      %get3A_1386 = arith.constant 112 : index
      %get3A_1387 = tpu.vector_load %arg8[%get3A_1384, %get3A_1385, %get3A_1386] {strides = array<i32>} : memref<2x80x128xf32, #tpu.memory_space<vmem>>, vector<16xf32>,
      %get3A_1388 = arith.constant 12 : i32
      %get3A_1389 = arith.index_cast %rem3A_82 : i32 to index
      %get3A_1390 = arith.index_cast %get3A_1388 : i32 to index
      %get3A_1391 = arith.constant 112 : index
      %get3A_1392 = tpu.vector_load %arg9[%get3A_1389, %get3A_1390, %get3A_1391] {strides = array<i32>} : memref<2x80x128xf32, #tpu.memory_space<vmem>>, vector<16xf32>,
      %mul3A_1393 = arith.mulf %get3A_1387, %get3A_1392 : vector<16xf32>
      %add3A_1394 = arith.addf %mul3A_1316, %mul3A_1327 : vector<16xf32>
      %add3A_1395 = arith.addf %mul3A_1338, %mul3A_1349 : vector<16xf32>
      %add3A_1396 = arith.addf %mul3A_1360, %mul3A_1371 : vector<16xf32>
      %add3A_1397 = arith.addf %mul3A_1382, %mul3A_1393 : vector<16xf32>
      %add3A_1398 = arith.addf %add3A_1394, %add3A_1395 : vector<16xf32>
      %add3A_1399 = arith.addf %add3A_1396, %add3A_1397 : vector<16xf32>
      %add3A_1400 = arith.addf %add3A_1398, %add3A_1399 : vector<16xf32>
      %swap3A_1401 = arith.constant 204 : index
      %swap3A_1402 = tpu.vector_load %arg11[%swap3A_1401] {strides = array<i32>} : memref<272xf32, #tpu.memory_space<vmem>>, vector<16xf32>,
      tpu.vector_store %arg11[%swap3A_1401], %add3A_1400 {strides = array<i32>} : memref<272xf32, #tpu.memory_space<vmem>>, vector<16xf32>,
      %get3A_1403 = arith.constant 13 : i32
      %get3A_1404 = arith.index_cast %rem3A_82 : i32 to index
      %get3A_1405 = arith.index_cast %get3A_1403 : i32 to index
      %get3A_1406 = arith.constant 0 : index
      %get3A_1407 = tpu.vector_load %arg8[%get3A_1404, %get3A_1405, %get3A_1406] {strides = array<i32>} : memref<2x80x128xf32, #tpu.memory_space<vmem>>, vector<16xf32>,
      %get3A_1408 = arith.constant 13 : i32
      %get3A_1409 = arith.index_cast %rem3A_82 : i32 to index
      %get3A_1410 = arith.index_cast %get3A_1408 : i32 to index
      %get3A_1411 = arith.constant 0 : index
      %get3A_1412 = tpu.vector_load %arg9[%get3A_1409, %get3A_1410, %get3A_1411] {strides = array<i32>} : memref<2x80x128xf32, #tpu.memory_space<vmem>>, vector<16xf32>,
      %mul3A_1413 = arith.mulf %get3A_1407, %get3A_1412 : vector<16xf32>
      %mul3A_1414 = arith.mulf %mul3A_1413, %select_n3A : vector<16xf32>
      %get3A_1415 = arith.constant 13 : i32
      %get3A_1416 = arith.index_cast %rem3A_82 : i32 to index
      %get3A_1417 = arith.index_cast %get3A_1415 : i32 to index
      %get3A_1418 = arith.constant 16 : index
      %get3A_1419 = tpu.vector_load %arg8[%get3A_1416, %get3A_1417, %get3A_1418] {strides = array<i32>} : memref<2x80x128xf32, #tpu.memory_space<vmem>>, vector<16xf32>,
      %get3A_1420 = arith.constant 13 : i32
      %get3A_1421 = arith.index_cast %rem3A_82 : i32 to index
      %get3A_1422 = arith.index_cast %get3A_1420 : i32 to index
      %get3A_1423 = arith.constant 16 : index
      %get3A_1424 = tpu.vector_load %arg9[%get3A_1421, %get3A_1422, %get3A_1423] {strides = array<i32>} : memref<2x80x128xf32, #tpu.memory_space<vmem>>, vector<16xf32>,
      %mul3A_1425 = arith.mulf %get3A_1419, %get3A_1424 : vector<16xf32>
      %get3A_1426 = arith.constant 13 : i32
      %get3A_1427 = arith.index_cast %rem3A_82 : i32 to index
      %get3A_1428 = arith.index_cast %get3A_1426 : i32 to index
      %get3A_1429 = arith.constant 32 : index
      %get3A_1430 = tpu.vector_load %arg8[%get3A_1427, %get3A_1428, %get3A_1429] {strides = array<i32>} : memref<2x80x128xf32, #tpu.memory_space<vmem>>, vector<16xf32>,
      %get3A_1431 = arith.constant 13 : i32
      %get3A_1432 = arith.index_cast %rem3A_82 : i32 to index
      %get3A_1433 = arith.index_cast %get3A_1431 : i32 to index
      %get3A_1434 = arith.constant 32 : index
      %get3A_1435 = tpu.vector_load %arg9[%get3A_1432, %get3A_1433, %get3A_1434] {strides = array<i32>} : memref<2x80x128xf32, #tpu.memory_space<vmem>>, vector<16xf32>,
      %mul3A_1436 = arith.mulf %get3A_1430, %get3A_1435 : vector<16xf32>
      %get3A_1437 = arith.constant 13 : i32
      %get3A_1438 = arith.index_cast %rem3A_82 : i32 to index
      %get3A_1439 = arith.index_cast %get3A_1437 : i32 to index
      %get3A_1440 = arith.constant 48 : index
      %get3A_1441 = tpu.vector_load %arg8[%get3A_1438, %get3A_1439, %get3A_1440] {strides = array<i32>} : memref<2x80x128xf32, #tpu.memory_space<vmem>>, vector<16xf32>,
      %get3A_1442 = arith.constant 13 : i32
      %get3A_1443 = arith.index_cast %rem3A_82 : i32 to index
      %get3A_1444 = arith.index_cast %get3A_1442 : i32 to index
      %get3A_1445 = arith.constant 48 : index
      %get3A_1446 = tpu.vector_load %arg9[%get3A_1443, %get3A_1444, %get3A_1445] {strides = array<i32>} : memref<2x80x128xf32, #tpu.memory_space<vmem>>, vector<16xf32>,
      %mul3A_1447 = arith.mulf %get3A_1441, %get3A_1446 : vector<16xf32>
      %get3A_1448 = arith.constant 13 : i32
      %get3A_1449 = arith.index_cast %rem3A_82 : i32 to index
      %get3A_1450 = arith.index_cast %get3A_1448 : i32 to index
      %get3A_1451 = arith.constant 64 : index
      %get3A_1452 = tpu.vector_load %arg8[%get3A_1449, %get3A_1450, %get3A_1451] {strides = array<i32>} : memref<2x80x128xf32, #tpu.memory_space<vmem>>, vector<16xf32>,
      %get3A_1453 = arith.constant 13 : i32
      %get3A_1454 = arith.index_cast %rem3A_82 : i32 to index
      %get3A_1455 = arith.index_cast %get3A_1453 : i32 to index
      %get3A_1456 = arith.constant 64 : index
      %get3A_1457 = tpu.vector_load %arg9[%get3A_1454, %get3A_1455, %get3A_1456] {strides = array<i32>} : memref<2x80x128xf32, #tpu.memory_space<vmem>>, vector<16xf32>,
      %mul3A_1458 = arith.mulf %get3A_1452, %get3A_1457 : vector<16xf32>
      %get3A_1459 = arith.constant 13 : i32
      %get3A_1460 = arith.index_cast %rem3A_82 : i32 to index
      %get3A_1461 = arith.index_cast %get3A_1459 : i32 to index
      %get3A_1462 = arith.constant 80 : index
      %get3A_1463 = tpu.vector_load %arg8[%get3A_1460, %get3A_1461, %get3A_1462] {strides = array<i32>} : memref<2x80x128xf32, #tpu.memory_space<vmem>>, vector<16xf32>,
      %get3A_1464 = arith.constant 13 : i32
      %get3A_1465 = arith.index_cast %rem3A_82 : i32 to index
      %get3A_1466 = arith.index_cast %get3A_1464 : i32 to index
      %get3A_1467 = arith.constant 80 : index
      %get3A_1468 = tpu.vector_load %arg9[%get3A_1465, %get3A_1466, %get3A_1467] {strides = array<i32>} : memref<2x80x128xf32, #tpu.memory_space<vmem>>, vector<16xf32>,
      %mul3A_1469 = arith.mulf %get3A_1463, %get3A_1468 : vector<16xf32>
      %get3A_1470 = arith.constant 13 : i32
      %get3A_1471 = arith.index_cast %rem3A_82 : i32 to index
      %get3A_1472 = arith.index_cast %get3A_1470 : i32 to index
      %get3A_1473 = arith.constant 96 : index
      %get3A_1474 = tpu.vector_load %arg8[%get3A_1471, %get3A_1472, %get3A_1473] {strides = array<i32>} : memref<2x80x128xf32, #tpu.memory_space<vmem>>, vector<16xf32>,
      %get3A_1475 = arith.constant 13 : i32
      %get3A_1476 = arith.index_cast %rem3A_82 : i32 to index
      %get3A_1477 = arith.index_cast %get3A_1475 : i32 to index
      %get3A_1478 = arith.constant 96 : index
      %get3A_1479 = tpu.vector_load %arg9[%get3A_1476, %get3A_1477, %get3A_1478] {strides = array<i32>} : memref<2x80x128xf32, #tpu.memory_space<vmem>>, vector<16xf32>,
      %mul3A_1480 = arith.mulf %get3A_1474, %get3A_1479 : vector<16xf32>
      %get3A_1481 = arith.constant 13 : i32
      %get3A_1482 = arith.index_cast %rem3A_82 : i32 to index
      %get3A_1483 = arith.index_cast %get3A_1481 : i32 to index
      %get3A_1484 = arith.constant 112 : index
      %get3A_1485 = tpu.vector_load %arg8[%get3A_1482, %get3A_1483, %get3A_1484] {strides = array<i32>} : memref<2x80x128xf32, #tpu.memory_space<vmem>>, vector<16xf32>,
      %get3A_1486 = arith.constant 13 : i32
      %get3A_1487 = arith.index_cast %rem3A_82 : i32 to index
      %get3A_1488 = arith.index_cast %get3A_1486 : i32 to index
      %get3A_1489 = arith.constant 112 : index
      %get3A_1490 = tpu.vector_load %arg9[%get3A_1487, %get3A_1488, %get3A_1489] {strides = array<i32>} : memref<2x80x128xf32, #tpu.memory_space<vmem>>, vector<16xf32>,
      %mul3A_1491 = arith.mulf %get3A_1485, %get3A_1490 : vector<16xf32>
      %add3A_1492 = arith.addf %mul3A_1414, %mul3A_1425 : vector<16xf32>
      %add3A_1493 = arith.addf %mul3A_1436, %mul3A_1447 : vector<16xf32>
      %add3A_1494 = arith.addf %mul3A_1458, %mul3A_1469 : vector<16xf32>
      %add3A_1495 = arith.addf %mul3A_1480, %mul3A_1491 : vector<16xf32>
      %add3A_1496 = arith.addf %add3A_1492, %add3A_1493 : vector<16xf32>
      %add3A_1497 = arith.addf %add3A_1494, %add3A_1495 : vector<16xf32>
      %add3A_1498 = arith.addf %add3A_1496, %add3A_1497 : vector<16xf32>
      %swap3A_1499 = arith.constant 221 : index
      %swap3A_1500 = tpu.vector_load %arg11[%swap3A_1499] {strides = array<i32>} : memref<272xf32, #tpu.memory_space<vmem>>, vector<16xf32>,
      tpu.vector_store %arg11[%swap3A_1499], %add3A_1498 {strides = array<i32>} : memref<272xf32, #tpu.memory_space<vmem>>, vector<16xf32>,
      %get3A_1501 = arith.constant 14 : i32
      %get3A_1502 = arith.index_cast %rem3A_82 : i32 to index
      %get3A_1503 = arith.index_cast %get3A_1501 : i32 to index
      %get3A_1504 = arith.constant 0 : index
      %get3A_1505 = tpu.vector_load %arg8[%get3A_1502, %get3A_1503, %get3A_1504] {strides = array<i32>} : memref<2x80x128xf32, #tpu.memory_space<vmem>>, vector<16xf32>,
      %get3A_1506 = arith.constant 14 : i32
      %get3A_1507 = arith.index_cast %rem3A_82 : i32 to index
      %get3A_1508 = arith.index_cast %get3A_1506 : i32 to index
      %get3A_1509 = arith.constant 0 : index
      %get3A_1510 = tpu.vector_load %arg9[%get3A_1507, %get3A_1508, %get3A_1509] {strides = array<i32>} : memref<2x80x128xf32, #tpu.memory_space<vmem>>, vector<16xf32>,
      %mul3A_1511 = arith.mulf %get3A_1505, %get3A_1510 : vector<16xf32>
      %mul3A_1512 = arith.mulf %mul3A_1511, %select_n3A : vector<16xf32>
      %get3A_1513 = arith.constant 14 : i32
      %get3A_1514 = arith.index_cast %rem3A_82 : i32 to index
      %get3A_1515 = arith.index_cast %get3A_1513 : i32 to index
      %get3A_1516 = arith.constant 16 : index
      %get3A_1517 = tpu.vector_load %arg8[%get3A_1514, %get3A_1515, %get3A_1516] {strides = array<i32>} : memref<2x80x128xf32, #tpu.memory_space<vmem>>, vector<16xf32>,
      %get3A_1518 = arith.constant 14 : i32
      %get3A_1519 = arith.index_cast %rem3A_82 : i32 to index
      %get3A_1520 = arith.index_cast %get3A_1518 : i32 to index
      %get3A_1521 = arith.constant 16 : index
      %get3A_1522 = tpu.vector_load %arg9[%get3A_1519, %get3A_1520, %get3A_1521] {strides = array<i32>} : memref<2x80x128xf32, #tpu.memory_space<vmem>>, vector<16xf32>,
      %mul3A_1523 = arith.mulf %get3A_1517, %get3A_1522 : vector<16xf32>
      %get3A_1524 = arith.constant 14 : i32
      %get3A_1525 = arith.index_cast %rem3A_82 : i32 to index
      %get3A_1526 = arith.index_cast %get3A_1524 : i32 to index
      %get3A_1527 = arith.constant 32 : index
      %get3A_1528 = tpu.vector_load %arg8[%get3A_1525, %get3A_1526, %get3A_1527] {strides = array<i32>} : memref<2x80x128xf32, #tpu.memory_space<vmem>>, vector<16xf32>,
      %get3A_1529 = arith.constant 14 : i32
      %get3A_1530 = arith.index_cast %rem3A_82 : i32 to index
      %get3A_1531 = arith.index_cast %get3A_1529 : i32 to index
      %get3A_1532 = arith.constant 32 : index
      %get3A_1533 = tpu.vector_load %arg9[%get3A_1530, %get3A_1531, %get3A_1532] {strides = array<i32>} : memref<2x80x128xf32, #tpu.memory_space<vmem>>, vector<16xf32>,
      %mul3A_1534 = arith.mulf %get3A_1528, %get3A_1533 : vector<16xf32>
      %get3A_1535 = arith.constant 14 : i32
      %get3A_1536 = arith.index_cast %rem3A_82 : i32 to index
      %get3A_1537 = arith.index_cast %get3A_1535 : i32 to index
      %get3A_1538 = arith.constant 48 : index
      %get3A_1539 = tpu.vector_load %arg8[%get3A_1536, %get3A_1537, %get3A_1538] {strides = array<i32>} : memref<2x80x128xf32, #tpu.memory_space<vmem>>, vector<16xf32>,
      %get3A_1540 = arith.constant 14 : i32
      %get3A_1541 = arith.index_cast %rem3A_82 : i32 to index
      %get3A_1542 = arith.index_cast %get3A_1540 : i32 to index
      %get3A_1543 = arith.constant 48 : index
      %get3A_1544 = tpu.vector_load %arg9[%get3A_1541, %get3A_1542, %get3A_1543] {strides = array<i32>} : memref<2x80x128xf32, #tpu.memory_space<vmem>>, vector<16xf32>,
      %mul3A_1545 = arith.mulf %get3A_1539, %get3A_1544 : vector<16xf32>
      %get3A_1546 = arith.constant 14 : i32
      %get3A_1547 = arith.index_cast %rem3A_82 : i32 to index
      %get3A_1548 = arith.index_cast %get3A_1546 : i32 to index
      %get3A_1549 = arith.constant 64 : index
      %get3A_1550 = tpu.vector_load %arg8[%get3A_1547, %get3A_1548, %get3A_1549] {strides = array<i32>} : memref<2x80x128xf32, #tpu.memory_space<vmem>>, vector<16xf32>,
      %get3A_1551 = arith.constant 14 : i32
      %get3A_1552 = arith.index_cast %rem3A_82 : i32 to index
      %get3A_1553 = arith.index_cast %get3A_1551 : i32 to index
      %get3A_1554 = arith.constant 64 : index
      %get3A_1555 = tpu.vector_load %arg9[%get3A_1552, %get3A_1553, %get3A_1554] {strides = array<i32>} : memref<2x80x128xf32, #tpu.memory_space<vmem>>, vector<16xf32>,
      %mul3A_1556 = arith.mulf %get3A_1550, %get3A_1555 : vector<16xf32>
      %get3A_1557 = arith.constant 14 : i32
      %get3A_1558 = arith.index_cast %rem3A_82 : i32 to index
      %get3A_1559 = arith.index_cast %get3A_1557 : i32 to index
      %get3A_1560 = arith.constant 80 : index
      %get3A_1561 = tpu.vector_load %arg8[%get3A_1558, %get3A_1559, %get3A_1560] {strides = array<i32>} : memref<2x80x128xf32, #tpu.memory_space<vmem>>, vector<16xf32>,
      %get3A_1562 = arith.constant 14 : i32
      %get3A_1563 = arith.index_cast %rem3A_82 : i32 to index
      %get3A_1564 = arith.index_cast %get3A_1562 : i32 to index
      %get3A_1565 = arith.constant 80 : index
      %get3A_1566 = tpu.vector_load %arg9[%get3A_1563, %get3A_1564, %get3A_1565] {strides = array<i32>} : memref<2x80x128xf32, #tpu.memory_space<vmem>>, vector<16xf32>,
      %mul3A_1567 = arith.mulf %get3A_1561, %get3A_1566 : vector<16xf32>
      %get3A_1568 = arith.constant 14 : i32
      %get3A_1569 = arith.index_cast %rem3A_82 : i32 to index
      %get3A_1570 = arith.index_cast %get3A_1568 : i32 to index
      %get3A_1571 = arith.constant 96 : index
      %get3A_1572 = tpu.vector_load %arg8[%get3A_1569, %get3A_1570, %get3A_1571] {strides = array<i32>} : memref<2x80x128xf32, #tpu.memory_space<vmem>>, vector<16xf32>,
      %get3A_1573 = arith.constant 14 : i32
      %get3A_1574 = arith.index_cast %rem3A_82 : i32 to index
      %get3A_1575 = arith.index_cast %get3A_1573 : i32 to index
      %get3A_1576 = arith.constant 96 : index
      %get3A_1577 = tpu.vector_load %arg9[%get3A_1574, %get3A_1575, %get3A_1576] {strides = array<i32>} : memref<2x80x128xf32, #tpu.memory_space<vmem>>, vector<16xf32>,
      %mul3A_1578 = arith.mulf %get3A_1572, %get3A_1577 : vector<16xf32>
      %get3A_1579 = arith.constant 14 : i32
      %get3A_1580 = arith.index_cast %rem3A_82 : i32 to index
      %get3A_1581 = arith.index_cast %get3A_1579 : i32 to index
      %get3A_1582 = arith.constant 112 : index
      %get3A_1583 = tpu.vector_load %arg8[%get3A_1580, %get3A_1581, %get3A_1582] {strides = array<i32>} : memref<2x80x128xf32, #tpu.memory_space<vmem>>, vector<16xf32>,
      %get3A_1584 = arith.constant 14 : i32
      %get3A_1585 = arith.index_cast %rem3A_82 : i32 to index
      %get3A_1586 = arith.index_cast %get3A_1584 : i32 to index
      %get3A_1587 = arith.constant 112 : index
      %get3A_1588 = tpu.vector_load %arg9[%get3A_1585, %get3A_1586, %get3A_1587] {strides = array<i32>} : memref<2x80x128xf32, #tpu.memory_space<vmem>>, vector<16xf32>,
      %mul3A_1589 = arith.mulf %get3A_1583, %get3A_1588 : vector<16xf32>
      %add3A_1590 = arith.addf %mul3A_1512, %mul3A_1523 : vector<16xf32>
      %add3A_1591 = arith.addf %mul3A_1534, %mul3A_1545 : vector<16xf32>
      %add3A_1592 = arith.addf %mul3A_1556, %mul3A_1567 : vector<16xf32>
      %add3A_1593 = arith.addf %mul3A_1578, %mul3A_1589 : vector<16xf32>
      %add3A_1594 = arith.addf %add3A_1590, %add3A_1591 : vector<16xf32>
      %add3A_1595 = arith.addf %add3A_1592, %add3A_1593 : vector<16xf32>
      %add3A_1596 = arith.addf %add3A_1594, %add3A_1595 : vector<16xf32>
      %swap3A_1597 = arith.constant 238 : index
      %swap3A_1598 = tpu.vector_load %arg11[%swap3A_1597] {strides = array<i32>} : memref<272xf32, #tpu.memory_space<vmem>>, vector<16xf32>,
      tpu.vector_store %arg11[%swap3A_1597], %add3A_1596 {strides = array<i32>} : memref<272xf32, #tpu.memory_space<vmem>>, vector<16xf32>,
      %get3A_1599 = arith.constant 15 : i32
      %get3A_1600 = arith.index_cast %rem3A_82 : i32 to index
      %get3A_1601 = arith.index_cast %get3A_1599 : i32 to index
      %get3A_1602 = arith.constant 0 : index
      %get3A_1603 = tpu.vector_load %arg8[%get3A_1600, %get3A_1601, %get3A_1602] {strides = array<i32>} : memref<2x80x128xf32, #tpu.memory_space<vmem>>, vector<16xf32>,
      %get3A_1604 = arith.constant 15 : i32
      %get3A_1605 = arith.index_cast %rem3A_82 : i32 to index
      %get3A_1606 = arith.index_cast %get3A_1604 : i32 to index
      %get3A_1607 = arith.constant 0 : index
      %get3A_1608 = tpu.vector_load %arg9[%get3A_1605, %get3A_1606, %get3A_1607] {strides = array<i32>} : memref<2x80x128xf32, #tpu.memory_space<vmem>>, vector<16xf32>,
      %mul3A_1609 = arith.mulf %get3A_1603, %get3A_1608 : vector<16xf32>
      %mul3A_1610 = arith.mulf %mul3A_1609, %select_n3A : vector<16xf32>
      %get3A_1611 = arith.constant 15 : i32
      %get3A_1612 = arith.index_cast %rem3A_82 : i32 to index
      %get3A_1613 = arith.index_cast %get3A_1611 : i32 to index
      %get3A_1614 = arith.constant 16 : index
      %get3A_1615 = tpu.vector_load %arg8[%get3A_1612, %get3A_1613, %get3A_1614] {strides = array<i32>} : memref<2x80x128xf32, #tpu.memory_space<vmem>>, vector<16xf32>,
      %get3A_1616 = arith.constant 15 : i32
      %get3A_1617 = arith.index_cast %rem3A_82 : i32 to index
      %get3A_1618 = arith.index_cast %get3A_1616 : i32 to index
      %get3A_1619 = arith.constant 16 : index
      %get3A_1620 = tpu.vector_load %arg9[%get3A_1617, %get3A_1618, %get3A_1619] {strides = array<i32>} : memref<2x80x128xf32, #tpu.memory_space<vmem>>, vector<16xf32>,
      %mul3A_1621 = arith.mulf %get3A_1615, %get3A_1620 : vector<16xf32>
      %get3A_1622 = arith.constant 15 : i32
      %get3A_1623 = arith.index_cast %rem3A_82 : i32 to index
      %get3A_1624 = arith.index_cast %get3A_1622 : i32 to index
      %get3A_1625 = arith.constant 32 : index
      %get3A_1626 = tpu.vector_load %arg8[%get3A_1623, %get3A_1624, %get3A_1625] {strides = array<i32>} : memref<2x80x128xf32, #tpu.memory_space<vmem>>, vector<16xf32>,
      %get3A_1627 = arith.constant 15 : i32
      %get3A_1628 = arith.index_cast %rem3A_82 : i32 to index
      %get3A_1629 = arith.index_cast %get3A_1627 : i32 to index
      %get3A_1630 = arith.constant 32 : index
      %get3A_1631 = tpu.vector_load %arg9[%get3A_1628, %get3A_1629, %get3A_1630] {strides = array<i32>} : memref<2x80x128xf32, #tpu.memory_space<vmem>>, vector<16xf32>,
      %mul3A_1632 = arith.mulf %get3A_1626, %get3A_1631 : vector<16xf32>
      %get3A_1633 = arith.constant 15 : i32
      %get3A_1634 = arith.index_cast %rem3A_82 : i32 to index
      %get3A_1635 = arith.index_cast %get3A_1633 : i32 to index
      %get3A_1636 = arith.constant 48 : index
      %get3A_1637 = tpu.vector_load %arg8[%get3A_1634, %get3A_1635, %get3A_1636] {strides = array<i32>} : memref<2x80x128xf32, #tpu.memory_space<vmem>>, vector<16xf32>,
      %get3A_1638 = arith.constant 15 : i32
      %get3A_1639 = arith.index_cast %rem3A_82 : i32 to index
      %get3A_1640 = arith.index_cast %get3A_1638 : i32 to index
      %get3A_1641 = arith.constant 48 : index
      %get3A_1642 = tpu.vector_load %arg9[%get3A_1639, %get3A_1640, %get3A_1641] {strides = array<i32>} : memref<2x80x128xf32, #tpu.memory_space<vmem>>, vector<16xf32>,
      %mul3A_1643 = arith.mulf %get3A_1637, %get3A_1642 : vector<16xf32>
      %get3A_1644 = arith.constant 15 : i32
      %get3A_1645 = arith.index_cast %rem3A_82 : i32 to index
      %get3A_1646 = arith.index_cast %get3A_1644 : i32 to index
      %get3A_1647 = arith.constant 64 : index
      %get3A_1648 = tpu.vector_load %arg8[%get3A_1645, %get3A_1646, %get3A_1647] {strides = array<i32>} : memref<2x80x128xf32, #tpu.memory_space<vmem>>, vector<16xf32>,
      %get3A_1649 = arith.constant 15 : i32
      %get3A_1650 = arith.index_cast %rem3A_82 : i32 to index
      %get3A_1651 = arith.index_cast %get3A_1649 : i32 to index
      %get3A_1652 = arith.constant 64 : index
      %get3A_1653 = tpu.vector_load %arg9[%get3A_1650, %get3A_1651, %get3A_1652] {strides = array<i32>} : memref<2x80x128xf32, #tpu.memory_space<vmem>>, vector<16xf32>,
      %mul3A_1654 = arith.mulf %get3A_1648, %get3A_1653 : vector<16xf32>
      %get3A_1655 = arith.constant 15 : i32
      %get3A_1656 = arith.index_cast %rem3A_82 : i32 to index
      %get3A_1657 = arith.index_cast %get3A_1655 : i32 to index
      %get3A_1658 = arith.constant 80 : index
      %get3A_1659 = tpu.vector_load %arg8[%get3A_1656, %get3A_1657, %get3A_1658] {strides = array<i32>} : memref<2x80x128xf32, #tpu.memory_space<vmem>>, vector<16xf32>,
      %get3A_1660 = arith.constant 15 : i32
      %get3A_1661 = arith.index_cast %rem3A_82 : i32 to index
      %get3A_1662 = arith.index_cast %get3A_1660 : i32 to index
      %get3A_1663 = arith.constant 80 : index
      %get3A_1664 = tpu.vector_load %arg9[%get3A_1661, %get3A_1662, %get3A_1663] {strides = array<i32>} : memref<2x80x128xf32, #tpu.memory_space<vmem>>, vector<16xf32>,
      %mul3A_1665 = arith.mulf %get3A_1659, %get3A_1664 : vector<16xf32>
      %get3A_1666 = arith.constant 15 : i32
      %get3A_1667 = arith.index_cast %rem3A_82 : i32 to index
      %get3A_1668 = arith.index_cast %get3A_1666 : i32 to index
      %get3A_1669 = arith.constant 96 : index
      %get3A_1670 = tpu.vector_load %arg8[%get3A_1667, %get3A_1668, %get3A_1669] {strides = array<i32>} : memref<2x80x128xf32, #tpu.memory_space<vmem>>, vector<16xf32>,
      %get3A_1671 = arith.constant 15 : i32
      %get3A_1672 = arith.index_cast %rem3A_82 : i32 to index
      %get3A_1673 = arith.index_cast %get3A_1671 : i32 to index
      %get3A_1674 = arith.constant 96 : index
      %get3A_1675 = tpu.vector_load %arg9[%get3A_1672, %get3A_1673, %get3A_1674] {strides = array<i32>} : memref<2x80x128xf32, #tpu.memory_space<vmem>>, vector<16xf32>,
      %mul3A_1676 = arith.mulf %get3A_1670, %get3A_1675 : vector<16xf32>
      %get3A_1677 = arith.constant 15 : i32
      %get3A_1678 = arith.index_cast %rem3A_82 : i32 to index
      %get3A_1679 = arith.index_cast %get3A_1677 : i32 to index
      %get3A_1680 = arith.constant 112 : index
      %get3A_1681 = tpu.vector_load %arg8[%get3A_1678, %get3A_1679, %get3A_1680] {strides = array<i32>} : memref<2x80x128xf32, #tpu.memory_space<vmem>>, vector<16xf32>,
      %get3A_1682 = arith.constant 15 : i32
      %get3A_1683 = arith.index_cast %rem3A_82 : i32 to index
      %get3A_1684 = arith.index_cast %get3A_1682 : i32 to index
      %get3A_1685 = arith.constant 112 : index
      %get3A_1686 = tpu.vector_load %arg9[%get3A_1683, %get3A_1684, %get3A_1685] {strides = array<i32>} : memref<2x80x128xf32, #tpu.memory_space<vmem>>, vector<16xf32>,
      %mul3A_1687 = arith.mulf %get3A_1681, %get3A_1686 : vector<16xf32>
      %add3A_1688 = arith.addf %mul3A_1610, %mul3A_1621 : vector<16xf32>
      %add3A_1689 = arith.addf %mul3A_1632, %mul3A_1643 : vector<16xf32>
      %add3A_1690 = arith.addf %mul3A_1654, %mul3A_1665 : vector<16xf32>
      %add3A_1691 = arith.addf %mul3A_1676, %mul3A_1687 : vector<16xf32>
      %add3A_1692 = arith.addf %add3A_1688, %add3A_1689 : vector<16xf32>
      %add3A_1693 = arith.addf %add3A_1690, %add3A_1691 : vector<16xf32>
      %add3A_1694 = arith.addf %add3A_1692, %add3A_1693 : vector<16xf32>
      %swap3A_1695 = arith.constant 255 : index
      %swap3A_1696 = tpu.vector_load %arg11[%swap3A_1695] {strides = array<i32>} : memref<272xf32, #tpu.memory_space<vmem>>, vector<16xf32>,
      tpu.vector_store %arg11[%swap3A_1695], %add3A_1694 {strides = array<i32>} : memref<272xf32, #tpu.memory_space<vmem>>, vector<16xf32>,
      %scan3A_1697 = arith.constant 0 : i32
      %scan3A_1698 = arith.constant 1 : i32
      %scan3A_1699 = arith.constant 4 : i32
      %scan3A_1700 = arith.addi %scan3A_1698, %scan3A_1699 : i32
      %scan3A_1701 = arith.constant 1 : i32
      %scan3A_1702 = scf.for %scan3A_1797 = %scan3A_1698 to %scan3A_1700 step %scan3A_1701 iter_args(%scan3A_1798 = %scan3A_1697) -> (i32)  : i32 {
        %sub3A_1799 = arith.constant 1 : i32
        %sub3A_1800 = arith.subi %scan3A_1797, %sub3A_1799 : i32
        %add3A_1801 = arith.constant 0 : i32
        %add3A_1802 = vector.broadcast %add3A_1801 : i32 to vector<16xi32>
        %add3A_1803 = arith.addi %mul3A_130, %add3A_1802 : vector<16xi32>
        %gather3A_1804 = tpu.vector_load_idx %arg11[%add3A_1803] : memref<272xf32, #tpu.memory_space<vmem>>[vector<16xi32>], vector<16xf32>,
        %add3A_1805 = arith.constant 1 : i32
        %add3A_1806 = vector.broadcast %add3A_1805 : i32 to vector<16xi32>
        %add3A_1807 = arith.addi %mul3A_130, %add3A_1806 : vector<16xi32>
        %gather3A_1808 = tpu.vector_load_idx %arg11[%add3A_1807] : memref<272xf32, #tpu.memory_space<vmem>>[vector<16xi32>], vector<16xf32>,
        %add3A_1809 = arith.constant 2 : i32
        %add3A_1810 = vector.broadcast %add3A_1809 : i32 to vector<16xi32>
        %add3A_1811 = arith.addi %mul3A_130, %add3A_1810 : vector<16xi32>
        %gather3A_1812 = tpu.vector_load_idx %arg11[%add3A_1811] : memref<272xf32, #tpu.memory_space<vmem>>[vector<16xi32>], vector<16xf32>,
        %add3A_1813 = arith.constant 3 : i32
        %add3A_1814 = vector.broadcast %add3A_1813 : i32 to vector<16xi32>
        %add3A_1815 = arith.addi %mul3A_130, %add3A_1814 : vector<16xi32>
        %gather3A_1816 = tpu.vector_load_idx %arg11[%add3A_1815] : memref<272xf32, #tpu.memory_space<vmem>>[vector<16xi32>], vector<16xf32>,
        %add3A_1817 = arith.constant 4 : i32
        %add3A_1818 = vector.broadcast %add3A_1817 : i32 to vector<16xi32>
        %add3A_1819 = arith.addi %mul3A_130, %add3A_1818 : vector<16xi32>
        %gather3A_1820 = tpu.vector_load_idx %arg11[%add3A_1819] : memref<272xf32, #tpu.memory_space<vmem>>[vector<16xi32>], vector<16xf32>,
        %add3A_1821 = arith.constant 5 : i32
        %add3A_1822 = vector.broadcast %add3A_1821 : i32 to vector<16xi32>
        %add3A_1823 = arith.addi %mul3A_130, %add3A_1822 : vector<16xi32>
        %gather3A_1824 = tpu.vector_load_idx %arg11[%add3A_1823] : memref<272xf32, #tpu.memory_space<vmem>>[vector<16xi32>], vector<16xf32>,
        %add3A_1825 = arith.constant 6 : i32
        %add3A_1826 = vector.broadcast %add3A_1825 : i32 to vector<16xi32>
        %add3A_1827 = arith.addi %mul3A_130, %add3A_1826 : vector<16xi32>
        %gather3A_1828 = tpu.vector_load_idx %arg11[%add3A_1827] : memref<272xf32, #tpu.memory_space<vmem>>[vector<16xi32>], vector<16xf32>,
        %add3A_1829 = arith.constant 7 : i32
        %add3A_1830 = vector.broadcast %add3A_1829 : i32 to vector<16xi32>
        %add3A_1831 = arith.addi %mul3A_130, %add3A_1830 : vector<16xi32>
        %gather3A_1832 = tpu.vector_load_idx %arg11[%add3A_1831] : memref<272xf32, #tpu.memory_space<vmem>>[vector<16xi32>], vector<16xf32>,
        %add3A_1833 = arith.constant 8 : i32
        %add3A_1834 = vector.broadcast %add3A_1833 : i32 to vector<16xi32>
        %add3A_1835 = arith.addi %mul3A_130, %add3A_1834 : vector<16xi32>
        %gather3A_1836 = tpu.vector_load_idx %arg11[%add3A_1835] : memref<272xf32, #tpu.memory_space<vmem>>[vector<16xi32>], vector<16xf32>,
        %add3A_1837 = arith.constant 9 : i32
        %add3A_1838 = vector.broadcast %add3A_1837 : i32 to vector<16xi32>
        %add3A_1839 = arith.addi %mul3A_130, %add3A_1838 : vector<16xi32>
        %gather3A_1840 = tpu.vector_load_idx %arg11[%add3A_1839] : memref<272xf32, #tpu.memory_space<vmem>>[vector<16xi32>], vector<16xf32>,
        %add3A_1841 = arith.constant 10 : i32
        %add3A_1842 = vector.broadcast %add3A_1841 : i32 to vector<16xi32>
        %add3A_1843 = arith.addi %mul3A_130, %add3A_1842 : vector<16xi32>
        %gather3A_1844 = tpu.vector_load_idx %arg11[%add3A_1843] : memref<272xf32, #tpu.memory_space<vmem>>[vector<16xi32>], vector<16xf32>,
        %add3A_1845 = arith.constant 11 : i32
        %add3A_1846 = vector.broadcast %add3A_1845 : i32 to vector<16xi32>
        %add3A_1847 = arith.addi %mul3A_130, %add3A_1846 : vector<16xi32>
        %gather3A_1848 = tpu.vector_load_idx %arg11[%add3A_1847] : memref<272xf32, #tpu.memory_space<vmem>>[vector<16xi32>], vector<16xf32>,
        %add3A_1849 = arith.constant 12 : i32
        %add3A_1850 = vector.broadcast %add3A_1849 : i32 to vector<16xi32>
        %add3A_1851 = arith.addi %mul3A_130, %add3A_1850 : vector<16xi32>
        %gather3A_1852 = tpu.vector_load_idx %arg11[%add3A_1851] : memref<272xf32, #tpu.memory_space<vmem>>[vector<16xi32>], vector<16xf32>,
        %add3A_1853 = arith.constant 13 : i32
        %add3A_1854 = vector.broadcast %add3A_1853 : i32 to vector<16xi32>
        %add3A_1855 = arith.addi %mul3A_130, %add3A_1854 : vector<16xi32>
        %gather3A_1856 = tpu.vector_load_idx %arg11[%add3A_1855] : memref<272xf32, #tpu.memory_space<vmem>>[vector<16xi32>], vector<16xf32>,
        %add3A_1857 = arith.constant 14 : i32
        %add3A_1858 = vector.broadcast %add3A_1857 : i32 to vector<16xi32>
        %add3A_1859 = arith.addi %mul3A_130, %add3A_1858 : vector<16xi32>
        %gather3A_1860 = tpu.vector_load_idx %arg11[%add3A_1859] : memref<272xf32, #tpu.memory_space<vmem>>[vector<16xi32>], vector<16xf32>,
        %add3A_1861 = arith.constant 15 : i32
        %add3A_1862 = vector.broadcast %add3A_1861 : i32 to vector<16xi32>
        %add3A_1863 = arith.addi %mul3A_130, %add3A_1862 : vector<16xi32>
        %gather3A_1864 = tpu.vector_load_idx %arg11[%add3A_1863] : memref<272xf32, #tpu.memory_space<vmem>>[vector<16xi32>], vector<16xf32>,
        %add3A_1865 = arith.addf %gather3A_1804, %gather3A_1808 : vector<16xf32>
        %add3A_1866 = arith.addf %gather3A_1812, %gather3A_1816 : vector<16xf32>
        %add3A_1867 = arith.addf %gather3A_1820, %gather3A_1824 : vector<16xf32>
        %add3A_1868 = arith.addf %gather3A_1828, %gather3A_1832 : vector<16xf32>
        %add3A_1869 = arith.addf %gather3A_1836, %gather3A_1840 : vector<16xf32>
        %add3A_1870 = arith.addf %gather3A_1844, %gather3A_1848 : vector<16xf32>
        %add3A_1871 = arith.addf %gather3A_1852, %gather3A_1856 : vector<16xf32>
        %add3A_1872 = arith.addf %gather3A_1860, %gather3A_1864 : vector<16xf32>
        %add3A_1873 = arith.addf %add3A_1865, %add3A_1866 : vector<16xf32>
        %add3A_1874 = arith.addf %add3A_1867, %add3A_1868 : vector<16xf32>
        %add3A_1875 = arith.addf %add3A_1869, %add3A_1870 : vector<16xf32>
        %add3A_1876 = arith.addf %add3A_1871, %add3A_1872 : vector<16xf32>
        %add3A_1877 = arith.addf %add3A_1873, %add3A_1874 : vector<16xf32>
        %add3A_1878 = arith.addf %add3A_1875, %add3A_1876 : vector<16xf32>
        %add3A_1879 = arith.addf %add3A_1877, %add3A_1878 : vector<16xf32>
        %mul3A_1880 = arith.constant 16 : i32
        %mul3A_1881 = arith.muli %sub3A_1800, %mul3A_1880 : i32
        %swap3A_1882 = arith.index_cast %rem3A_82 : i32 to index
        %swap3A_1883 = arith.index_cast %mul3A_1881 : i32 to index
        %swap3A_1884 = tpu.vector_load %arg10[%swap3A_1882, %swap3A_1883] {strides = array<i32>} : memref<2x80xf32, #tpu.memory_space<vmem>>, vector<16xf32>,
        tpu.vector_store %arg10[%swap3A_1882, %swap3A_1883], %add3A_1879 {strides = array<i32>} : memref<2x80xf32, #tpu.memory_space<vmem>>, vector<16xf32>,
        %mul3A_1885 = arith.constant 16 : i32
        %mul3A_1886 = arith.muli %scan3A_1797, %mul3A_1885 : i32
        %add3A_1887 = arith.constant 0 : i32
        %add3A_1888 = arith.addi %mul3A_1886, %add3A_1887 : i32
        %get3A_1889 = arith.index_cast %rem3A_82 : i32 to index
        %get3A_1890 = arith.index_cast %add3A_1888 : i32 to index
        %get3A_1891 = arith.constant 0 : index
        %get3A_1892 = tpu.vector_load %arg8[%get3A_1889, %get3A_1890, %get3A_1891] {strides = array<i32>} : memref<2x80x128xf32, #tpu.memory_space<vmem>>, vector<16xf32>,
        %get3A_1893 = arith.index_cast %rem3A_82 : i32 to index
        %get3A_1894 = arith.index_cast %add3A_1888 : i32 to index
        %get3A_1895 = arith.constant 0 : index
        %get3A_1896 = tpu.vector_load %arg9[%get3A_1893, %get3A_1894, %get3A_1895] {strides = array<i32>} : memref<2x80x128xf32, #tpu.memory_space<vmem>>, vector<16xf32>,
        %mul3A_1897 = arith.mulf %get3A_1892, %get3A_1896 : vector<16xf32>
        %mul3A_1898 = arith.mulf %mul3A_1897, %select_n3A : vector<16xf32>
        %get3A_1899 = arith.index_cast %rem3A_82 : i32 to index
        %get3A_1900 = arith.index_cast %add3A_1888 : i32 to index
        %get3A_1901 = arith.constant 16 : index
        %get3A_1902 = tpu.vector_load %arg8[%get3A_1899, %get3A_1900, %get3A_1901] {strides = array<i32>} : memref<2x80x128xf32, #tpu.memory_space<vmem>>, vector<16xf32>,
        %get3A_1903 = arith.index_cast %rem3A_82 : i32 to index
        %get3A_1904 = arith.index_cast %add3A_1888 : i32 to index
        %get3A_1905 = arith.constant 16 : index
        %get3A_1906 = tpu.vector_load %arg9[%get3A_1903, %get3A_1904, %get3A_1905] {strides = array<i32>} : memref<2x80x128xf32, #tpu.memory_space<vmem>>, vector<16xf32>,
        %mul3A_1907 = arith.mulf %get3A_1902, %get3A_1906 : vector<16xf32>
        %get3A_1908 = arith.index_cast %rem3A_82 : i32 to index
        %get3A_1909 = arith.index_cast %add3A_1888 : i32 to index
        %get3A_1910 = arith.constant 32 : index
        %get3A_1911 = tpu.vector_load %arg8[%get3A_1908, %get3A_1909, %get3A_1910] {strides = array<i32>} : memref<2x80x128xf32, #tpu.memory_space<vmem>>, vector<16xf32>,
        %get3A_1912 = arith.index_cast %rem3A_82 : i32 to index
        %get3A_1913 = arith.index_cast %add3A_1888 : i32 to index
        %get3A_1914 = arith.constant 32 : index
        %get3A_1915 = tpu.vector_load %arg9[%get3A_1912, %get3A_1913, %get3A_1914] {strides = array<i32>} : memref<2x80x128xf32, #tpu.memory_space<vmem>>, vector<16xf32>,
        %mul3A_1916 = arith.mulf %get3A_1911, %get3A_1915 : vector<16xf32>
        %get3A_1917 = arith.index_cast %rem3A_82 : i32 to index
        %get3A_1918 = arith.index_cast %add3A_1888 : i32 to index
        %get3A_1919 = arith.constant 48 : index
        %get3A_1920 = tpu.vector_load %arg8[%get3A_1917, %get3A_1918, %get3A_1919] {strides = array<i32>} : memref<2x80x128xf32, #tpu.memory_space<vmem>>, vector<16xf32>,
        %get3A_1921 = arith.index_cast %rem3A_82 : i32 to index
        %get3A_1922 = arith.index_cast %add3A_1888 : i32 to index
        %get3A_1923 = arith.constant 48 : index
        %get3A_1924 = tpu.vector_load %arg9[%get3A_1921, %get3A_1922, %get3A_1923] {strides = array<i32>} : memref<2x80x128xf32, #tpu.memory_space<vmem>>, vector<16xf32>,
        %mul3A_1925 = arith.mulf %get3A_1920, %get3A_1924 : vector<16xf32>
        %get3A_1926 = arith.index_cast %rem3A_82 : i32 to index
        %get3A_1927 = arith.index_cast %add3A_1888 : i32 to index
        %get3A_1928 = arith.constant 64 : index
        %get3A_1929 = tpu.vector_load %arg8[%get3A_1926, %get3A_1927, %get3A_1928] {strides = array<i32>} : memref<2x80x128xf32, #tpu.memory_space<vmem>>, vector<16xf32>,
        %get3A_1930 = arith.index_cast %rem3A_82 : i32 to index
        %get3A_1931 = arith.index_cast %add3A_1888 : i32 to index
        %get3A_1932 = arith.constant 64 : index
        %get3A_1933 = tpu.vector_load %arg9[%get3A_1930, %get3A_1931, %get3A_1932] {strides = array<i32>} : memref<2x80x128xf32, #tpu.memory_space<vmem>>, vector<16xf32>,
        %mul3A_1934 = arith.mulf %get3A_1929, %get3A_1933 : vector<16xf32>
        %get3A_1935 = arith.index_cast %rem3A_82 : i32 to index
        %get3A_1936 = arith.index_cast %add3A_1888 : i32 to index
        %get3A_1937 = arith.constant 80 : index
        %get3A_1938 = tpu.vector_load %arg8[%get3A_1935, %get3A_1936, %get3A_1937] {strides = array<i32>} : memref<2x80x128xf32, #tpu.memory_space<vmem>>, vector<16xf32>,
        %get3A_1939 = arith.index_cast %rem3A_82 : i32 to index
        %get3A_1940 = arith.index_cast %add3A_1888 : i32 to index
        %get3A_1941 = arith.constant 80 : index
        %get3A_1942 = tpu.vector_load %arg9[%get3A_1939, %get3A_1940, %get3A_1941] {strides = array<i32>} : memref<2x80x128xf32, #tpu.memory_space<vmem>>, vector<16xf32>,
        %mul3A_1943 = arith.mulf %get3A_1938, %get3A_1942 : vector<16xf32>
        %get3A_1944 = arith.index_cast %rem3A_82 : i32 to index
        %get3A_1945 = arith.index_cast %add3A_1888 : i32 to index
        %get3A_1946 = arith.constant 96 : index
        %get3A_1947 = tpu.vector_load %arg8[%get3A_1944, %get3A_1945, %get3A_1946] {strides = array<i32>} : memref<2x80x128xf32, #tpu.memory_space<vmem>>, vector<16xf32>,
        %get3A_1948 = arith.index_cast %rem3A_82 : i32 to index
        %get3A_1949 = arith.index_cast %add3A_1888 : i32 to index
        %get3A_1950 = arith.constant 96 : index
        %get3A_1951 = tpu.vector_load %arg9[%get3A_1948, %get3A_1949, %get3A_1950] {strides = array<i32>} : memref<2x80x128xf32, #tpu.memory_space<vmem>>, vector<16xf32>,
        %mul3A_1952 = arith.mulf %get3A_1947, %get3A_1951 : vector<16xf32>
        %get3A_1953 = arith.index_cast %rem3A_82 : i32 to index
        %get3A_1954 = arith.index_cast %add3A_1888 : i32 to index
        %get3A_1955 = arith.constant 112 : index
        %get3A_1956 = tpu.vector_load %arg8[%get3A_1953, %get3A_1954, %get3A_1955] {strides = array<i32>} : memref<2x80x128xf32, #tpu.memory_space<vmem>>, vector<16xf32>,
        %get3A_1957 = arith.index_cast %rem3A_82 : i32 to index
        %get3A_1958 = arith.index_cast %add3A_1888 : i32 to index
        %get3A_1959 = arith.constant 112 : index
        %get3A_1960 = tpu.vector_load %arg9[%get3A_1957, %get3A_1958, %get3A_1959] {strides = array<i32>} : memref<2x80x128xf32, #tpu.memory_space<vmem>>, vector<16xf32>,
        %mul3A_1961 = arith.mulf %get3A_1956, %get3A_1960 : vector<16xf32>
        %add3A_1962 = arith.addf %mul3A_1898, %mul3A_1907 : vector<16xf32>
        %add3A_1963 = arith.addf %mul3A_1916, %mul3A_1925 : vector<16xf32>
        %add3A_1964 = arith.addf %mul3A_1934, %mul3A_1943 : vector<16xf32>
        %add3A_1965 = arith.addf %mul3A_1952, %mul3A_1961 : vector<16xf32>
        %add3A_1966 = arith.addf %add3A_1962, %add3A_1963 : vector<16xf32>
        %add3A_1967 = arith.addf %add3A_1964, %add3A_1965 : vector<16xf32>
        %add3A_1968 = arith.addf %add3A_1966, %add3A_1967 : vector<16xf32>
        %swap3A_1969 = arith.constant 0 : index
        %swap3A_1970 = tpu.vector_load %arg11[%swap3A_1969] {strides = array<i32>} : memref<272xf32, #tpu.memory_space<vmem>>, vector<16xf32>,
        tpu.vector_store %arg11[%swap3A_1969], %add3A_1968 {strides = array<i32>} : memref<272xf32, #tpu.memory_space<vmem>>, vector<16xf32>,
        %add3A_1971 = arith.constant 1 : i32
        %add3A_1972 = arith.addi %mul3A_1886, %add3A_1971 : i32
        %get3A_1973 = arith.index_cast %rem3A_82 : i32 to index
        %get3A_1974 = arith.index_cast %add3A_1972 : i32 to index
        %get3A_1975 = arith.constant 0 : index
        %get3A_1976 = tpu.vector_load %arg8[%get3A_1973, %get3A_1974, %get3A_1975] {strides = array<i32>} : memref<2x80x128xf32, #tpu.memory_space<vmem>>, vector<16xf32>,
        %get3A_1977 = arith.index_cast %rem3A_82 : i32 to index
        %get3A_1978 = arith.index_cast %add3A_1972 : i32 to index
        %get3A_1979 = arith.constant 0 : index
        %get3A_1980 = tpu.vector_load %arg9[%get3A_1977, %get3A_1978, %get3A_1979] {strides = array<i32>} : memref<2x80x128xf32, #tpu.memory_space<vmem>>, vector<16xf32>,
        %mul3A_1981 = arith.mulf %get3A_1976, %get3A_1980 : vector<16xf32>
        %mul3A_1982 = arith.mulf %mul3A_1981, %select_n3A : vector<16xf32>
        %get3A_1983 = arith.index_cast %rem3A_82 : i32 to index
        %get3A_1984 = arith.index_cast %add3A_1972 : i32 to index
        %get3A_1985 = arith.constant 16 : index
        %get3A_1986 = tpu.vector_load %arg8[%get3A_1983, %get3A_1984, %get3A_1985] {strides = array<i32>} : memref<2x80x128xf32, #tpu.memory_space<vmem>>, vector<16xf32>,
        %get3A_1987 = arith.index_cast %rem3A_82 : i32 to index
        %get3A_1988 = arith.index_cast %add3A_1972 : i32 to index
        %get3A_1989 = arith.constant 16 : index
        %get3A_1990 = tpu.vector_load %arg9[%get3A_1987, %get3A_1988, %get3A_1989] {strides = array<i32>} : memref<2x80x128xf32, #tpu.memory_space<vmem>>, vector<16xf32>,
        %mul3A_1991 = arith.mulf %get3A_1986, %get3A_1990 : vector<16xf32>
        %get3A_1992 = arith.index_cast %rem3A_82 : i32 to index
        %get3A_1993 = arith.index_cast %add3A_1972 : i32 to index
        %get3A_1994 = arith.constant 32 : index
        %get3A_1995 = tpu.vector_load %arg8[%get3A_1992, %get3A_1993, %get3A_1994] {strides = array<i32>} : memref<2x80x128xf32, #tpu.memory_space<vmem>>, vector<16xf32>,
        %get3A_1996 = arith.index_cast %rem3A_82 : i32 to index
        %get3A_1997 = arith.index_cast %add3A_1972 : i32 to index
        %get3A_1998 = arith.constant 32 : index
        %get3A_1999 = tpu.vector_load %arg9[%get3A_1996, %get3A_1997, %get3A_1998] {strides = array<i32>} : memref<2x80x128xf32, #tpu.memory_space<vmem>>, vector<16xf32>,
        %mul3A_2000 = arith.mulf %get3A_1995, %get3A_1999 : vector<16xf32>
        %get3A_2001 = arith.index_cast %rem3A_82 : i32 to index
        %get3A_2002 = arith.index_cast %add3A_1972 : i32 to index
        %get3A_2003 = arith.constant 48 : index
        %get3A_2004 = tpu.vector_load %arg8[%get3A_2001, %get3A_2002, %get3A_2003] {strides = array<i32>} : memref<2x80x128xf32, #tpu.memory_space<vmem>>, vector<16xf32>,
        %get3A_2005 = arith.index_cast %rem3A_82 : i32 to index
        %get3A_2006 = arith.index_cast %add3A_1972 : i32 to index
        %get3A_2007 = arith.constant 48 : index
        %get3A_2008 = tpu.vector_load %arg9[%get3A_2005, %get3A_2006, %get3A_2007] {strides = array<i32>} : memref<2x80x128xf32, #tpu.memory_space<vmem>>, vector<16xf32>,
        %mul3A_2009 = arith.mulf %get3A_2004, %get3A_2008 : vector<16xf32>
        %get3A_2010 = arith.index_cast %rem3A_82 : i32 to index
        %get3A_2011 = arith.index_cast %add3A_1972 : i32 to index
        %get3A_2012 = arith.constant 64 : index
        %get3A_2013 = tpu.vector_load %arg8[%get3A_2010, %get3A_2011, %get3A_2012] {strides = array<i32>} : memref<2x80x128xf32, #tpu.memory_space<vmem>>, vector<16xf32>,
        %get3A_2014 = arith.index_cast %rem3A_82 : i32 to index
        %get3A_2015 = arith.index_cast %add3A_1972 : i32 to index
        %get3A_2016 = arith.constant 64 : index
        %get3A_2017 = tpu.vector_load %arg9[%get3A_2014, %get3A_2015, %get3A_2016] {strides = array<i32>} : memref<2x80x128xf32, #tpu.memory_space<vmem>>, vector<16xf32>,
        %mul3A_2018 = arith.mulf %get3A_2013, %get3A_2017 : vector<16xf32>
        %get3A_2019 = arith.index_cast %rem3A_82 : i32 to index
        %get3A_2020 = arith.index_cast %add3A_1972 : i32 to index
        %get3A_2021 = arith.constant 80 : index
        %get3A_2022 = tpu.vector_load %arg8[%get3A_2019, %get3A_2020, %get3A_2021] {strides = array<i32>} : memref<2x80x128xf32, #tpu.memory_space<vmem>>, vector<16xf32>,
        %get3A_2023 = arith.index_cast %rem3A_82 : i32 to index
        %get3A_2024 = arith.index_cast %add3A_1972 : i32 to index
        %get3A_2025 = arith.constant 80 : index
        %get3A_2026 = tpu.vector_load %arg9[%get3A_2023, %get3A_2024, %get3A_2025] {strides = array<i32>} : memref<2x80x128xf32, #tpu.memory_space<vmem>>, vector<16xf32>,
        %mul3A_2027 = arith.mulf %get3A_2022, %get3A_2026 : vector<16xf32>
        %get3A_2028 = arith.index_cast %rem3A_82 : i32 to index
        %get3A_2029 = arith.index_cast %add3A_1972 : i32 to index
        %get3A_2030 = arith.constant 96 : index
        %get3A_2031 = tpu.vector_load %arg8[%get3A_2028, %get3A_2029, %get3A_2030] {strides = array<i32>} : memref<2x80x128xf32, #tpu.memory_space<vmem>>, vector<16xf32>,
        %get3A_2032 = arith.index_cast %rem3A_82 : i32 to index
        %get3A_2033 = arith.index_cast %add3A_1972 : i32 to index
        %get3A_2034 = arith.constant 96 : index
        %get3A_2035 = tpu.vector_load %arg9[%get3A_2032, %get3A_2033, %get3A_2034] {strides = array<i32>} : memref<2x80x128xf32, #tpu.memory_space<vmem>>, vector<16xf32>,
        %mul3A_2036 = arith.mulf %get3A_2031, %get3A_2035 : vector<16xf32>
        %get3A_2037 = arith.index_cast %rem3A_82 : i32 to index
        %get3A_2038 = arith.index_cast %add3A_1972 : i32 to index
        %get3A_2039 = arith.constant 112 : index
        %get3A_2040 = tpu.vector_load %arg8[%get3A_2037, %get3A_2038, %get3A_2039] {strides = array<i32>} : memref<2x80x128xf32, #tpu.memory_space<vmem>>, vector<16xf32>,
        %get3A_2041 = arith.index_cast %rem3A_82 : i32 to index
        %get3A_2042 = arith.index_cast %add3A_1972 : i32 to index
        %get3A_2043 = arith.constant 112 : index
        %get3A_2044 = tpu.vector_load %arg9[%get3A_2041, %get3A_2042, %get3A_2043] {strides = array<i32>} : memref<2x80x128xf32, #tpu.memory_space<vmem>>, vector<16xf32>,
        %mul3A_2045 = arith.mulf %get3A_2040, %get3A_2044 : vector<16xf32>
        %add3A_2046 = arith.addf %mul3A_1982, %mul3A_1991 : vector<16xf32>
        %add3A_2047 = arith.addf %mul3A_2000, %mul3A_2009 : vector<16xf32>
        %add3A_2048 = arith.addf %mul3A_2018, %mul3A_2027 : vector<16xf32>
        %add3A_2049 = arith.addf %mul3A_2036, %mul3A_2045 : vector<16xf32>
        %add3A_2050 = arith.addf %add3A_2046, %add3A_2047 : vector<16xf32>
        %add3A_2051 = arith.addf %add3A_2048, %add3A_2049 : vector<16xf32>
        %add3A_2052 = arith.addf %add3A_2050, %add3A_2051 : vector<16xf32>
        %swap3A_2053 = arith.constant 17 : index
        %swap3A_2054 = tpu.vector_load %arg11[%swap3A_2053] {strides = array<i32>} : memref<272xf32, #tpu.memory_space<vmem>>, vector<16xf32>,
        tpu.vector_store %arg11[%swap3A_2053], %add3A_2052 {strides = array<i32>} : memref<272xf32, #tpu.memory_space<vmem>>, vector<16xf32>,
        %add3A_2055 = arith.constant 2 : i32
        %add3A_2056 = arith.addi %mul3A_1886, %add3A_2055 : i32
        %get3A_2057 = arith.index_cast %rem3A_82 : i32 to index
        %get3A_2058 = arith.index_cast %add3A_2056 : i32 to index
        %get3A_2059 = arith.constant 0 : index
        %get3A_2060 = tpu.vector_load %arg8[%get3A_2057, %get3A_2058, %get3A_2059] {strides = array<i32>} : memref<2x80x128xf32, #tpu.memory_space<vmem>>, vector<16xf32>,
        %get3A_2061 = arith.index_cast %rem3A_82 : i32 to index
        %get3A_2062 = arith.index_cast %add3A_2056 : i32 to index
        %get3A_2063 = arith.constant 0 : index
        %get3A_2064 = tpu.vector_load %arg9[%get3A_2061, %get3A_2062, %get3A_2063] {strides = array<i32>} : memref<2x80x128xf32, #tpu.memory_space<vmem>>, vector<16xf32>,
        %mul3A_2065 = arith.mulf %get3A_2060, %get3A_2064 : vector<16xf32>
        %mul3A_2066 = arith.mulf %mul3A_2065, %select_n3A : vector<16xf32>
        %get3A_2067 = arith.index_cast %rem3A_82 : i32 to index
        %get3A_2068 = arith.index_cast %add3A_2056 : i32 to index
        %get3A_2069 = arith.constant 16 : index
        %get3A_2070 = tpu.vector_load %arg8[%get3A_2067, %get3A_2068, %get3A_2069] {strides = array<i32>} : memref<2x80x128xf32, #tpu.memory_space<vmem>>, vector<16xf32>,
        %get3A_2071 = arith.index_cast %rem3A_82 : i32 to index
        %get3A_2072 = arith.index_cast %add3A_2056 : i32 to index
        %get3A_2073 = arith.constant 16 : index
        %get3A_2074 = tpu.vector_load %arg9[%get3A_2071, %get3A_2072, %get3A_2073] {strides = array<i32>} : memref<2x80x128xf32, #tpu.memory_space<vmem>>, vector<16xf32>,
        %mul3A_2075 = arith.mulf %get3A_2070, %get3A_2074 : vector<16xf32>
        %get3A_2076 = arith.index_cast %rem3A_82 : i32 to index
        %get3A_2077 = arith.index_cast %add3A_2056 : i32 to index
        %get3A_2078 = arith.constant 32 : index
        %get3A_2079 = tpu.vector_load %arg8[%get3A_2076, %get3A_2077, %get3A_2078] {strides = array<i32>} : memref<2x80x128xf32, #tpu.memory_space<vmem>>, vector<16xf32>,
        %get3A_2080 = arith.index_cast %rem3A_82 : i32 to index
        %get3A_2081 = arith.index_cast %add3A_2056 : i32 to index
        %get3A_2082 = arith.constant 32 : index
        %get3A_2083 = tpu.vector_load %arg9[%get3A_2080, %get3A_2081, %get3A_2082] {strides = array<i32>} : memref<2x80x128xf32, #tpu.memory_space<vmem>>, vector<16xf32>,
        %mul3A_2084 = arith.mulf %get3A_2079, %get3A_2083 : vector<16xf32>
        %get3A_2085 = arith.index_cast %rem3A_82 : i32 to index
        %get3A_2086 = arith.index_cast %add3A_2056 : i32 to index
        %get3A_2087 = arith.constant 48 : index
        %get3A_2088 = tpu.vector_load %arg8[%get3A_2085, %get3A_2086, %get3A_2087] {strides = array<i32>} : memref<2x80x128xf32, #tpu.memory_space<vmem>>, vector<16xf32>,
        %get3A_2089 = arith.index_cast %rem3A_82 : i32 to index
        %get3A_2090 = arith.index_cast %add3A_2056 : i32 to index
        %get3A_2091 = arith.constant 48 : index
        %get3A_2092 = tpu.vector_load %arg9[%get3A_2089, %get3A_2090, %get3A_2091] {strides = array<i32>} : memref<2x80x128xf32, #tpu.memory_space<vmem>>, vector<16xf32>,
        %mul3A_2093 = arith.mulf %get3A_2088, %get3A_2092 : vector<16xf32>
        %get3A_2094 = arith.index_cast %rem3A_82 : i32 to index
        %get3A_2095 = arith.index_cast %add3A_2056 : i32 to index
        %get3A_2096 = arith.constant 64 : index
        %get3A_2097 = tpu.vector_load %arg8[%get3A_2094, %get3A_2095, %get3A_2096] {strides = array<i32>} : memref<2x80x128xf32, #tpu.memory_space<vmem>>, vector<16xf32>,
        %get3A_2098 = arith.index_cast %rem3A_82 : i32 to index
        %get3A_2099 = arith.index_cast %add3A_2056 : i32 to index
        %get3A_2100 = arith.constant 64 : index
        %get3A_2101 = tpu.vector_load %arg9[%get3A_2098, %get3A_2099, %get3A_2100] {strides = array<i32>} : memref<2x80x128xf32, #tpu.memory_space<vmem>>, vector<16xf32>,
        %mul3A_2102 = arith.mulf %get3A_2097, %get3A_2101 : vector<16xf32>
        %get3A_2103 = arith.index_cast %rem3A_82 : i32 to index
        %get3A_2104 = arith.index_cast %add3A_2056 : i32 to index
        %get3A_2105 = arith.constant 80 : index
        %get3A_2106 = tpu.vector_load %arg8[%get3A_2103, %get3A_2104, %get3A_2105] {strides = array<i32>} : memref<2x80x128xf32, #tpu.memory_space<vmem>>, vector<16xf32>,
        %get3A_2107 = arith.index_cast %rem3A_82 : i32 to index
        %get3A_2108 = arith.index_cast %add3A_2056 : i32 to index
        %get3A_2109 = arith.constant 80 : index
        %get3A_2110 = tpu.vector_load %arg9[%get3A_2107, %get3A_2108, %get3A_2109] {strides = array<i32>} : memref<2x80x128xf32, #tpu.memory_space<vmem>>, vector<16xf32>,
        %mul3A_2111 = arith.mulf %get3A_2106, %get3A_2110 : vector<16xf32>
        %get3A_2112 = arith.index_cast %rem3A_82 : i32 to index
        %get3A_2113 = arith.index_cast %add3A_2056 : i32 to index
        %get3A_2114 = arith.constant 96 : index
        %get3A_2115 = tpu.vector_load %arg8[%get3A_2112, %get3A_2113, %get3A_2114] {strides = array<i32>} : memref<2x80x128xf32, #tpu.memory_space<vmem>>, vector<16xf32>,
        %get3A_2116 = arith.index_cast %rem3A_82 : i32 to index
        %get3A_2117 = arith.index_cast %add3A_2056 : i32 to index
        %get3A_2118 = arith.constant 96 : index
        %get3A_2119 = tpu.vector_load %arg9[%get3A_2116, %get3A_2117, %get3A_2118] {strides = array<i32>} : memref<2x80x128xf32, #tpu.memory_space<vmem>>, vector<16xf32>,
        %mul3A_2120 = arith.mulf %get3A_2115, %get3A_2119 : vector<16xf32>
        %get3A_2121 = arith.index_cast %rem3A_82 : i32 to index
        %get3A_2122 = arith.index_cast %add3A_2056 : i32 to index
        %get3A_2123 = arith.constant 112 : index
        %get3A_2124 = tpu.vector_load %arg8[%get3A_2121, %get3A_2122, %get3A_2123] {strides = array<i32>} : memref<2x80x128xf32, #tpu.memory_space<vmem>>, vector<16xf32>,
        %get3A_2125 = arith.index_cast %rem3A_82 : i32 to index
        %get3A_2126 = arith.index_cast %add3A_2056 : i32 to index
        %get3A_2127 = arith.constant 112 : index
        %get3A_2128 = tpu.vector_load %arg9[%get3A_2125, %get3A_2126, %get3A_2127] {strides = array<i32>} : memref<2x80x128xf32, #tpu.memory_space<vmem>>, vector<16xf32>,
        %mul3A_2129 = arith.mulf %get3A_2124, %get3A_2128 : vector<16xf32>
        %add3A_2130 = arith.addf %mul3A_2066, %mul3A_2075 : vector<16xf32>
        %add3A_2131 = arith.addf %mul3A_2084, %mul3A_2093 : vector<16xf32>
        %add3A_2132 = arith.addf %mul3A_2102, %mul3A_2111 : vector<16xf32>
        %add3A_2133 = arith.addf %mul3A_2120, %mul3A_2129 : vector<16xf32>
        %add3A_2134 = arith.addf %add3A_2130, %add3A_2131 : vector<16xf32>
        %add3A_2135 = arith.addf %add3A_2132, %add3A_2133 : vector<16xf32>
        %add3A_2136 = arith.addf %add3A_2134, %add3A_2135 : vector<16xf32>
        %swap3A_2137 = arith.constant 34 : index
        %swap3A_2138 = tpu.vector_load %arg11[%swap3A_2137] {strides = array<i32>} : memref<272xf32, #tpu.memory_space<vmem>>, vector<16xf32>,
        tpu.vector_store %arg11[%swap3A_2137], %add3A_2136 {strides = array<i32>} : memref<272xf32, #tpu.memory_space<vmem>>, vector<16xf32>,
        %add3A_2139 = arith.constant 3 : i32
        %add3A_2140 = arith.addi %mul3A_1886, %add3A_2139 : i32
        %get3A_2141 = arith.index_cast %rem3A_82 : i32 to index
        %get3A_2142 = arith.index_cast %add3A_2140 : i32 to index
        %get3A_2143 = arith.constant 0 : index
        %get3A_2144 = tpu.vector_load %arg8[%get3A_2141, %get3A_2142, %get3A_2143] {strides = array<i32>} : memref<2x80x128xf32, #tpu.memory_space<vmem>>, vector<16xf32>,
        %get3A_2145 = arith.index_cast %rem3A_82 : i32 to index
        %get3A_2146 = arith.index_cast %add3A_2140 : i32 to index
        %get3A_2147 = arith.constant 0 : index
        %get3A_2148 = tpu.vector_load %arg9[%get3A_2145, %get3A_2146, %get3A_2147] {strides = array<i32>} : memref<2x80x128xf32, #tpu.memory_space<vmem>>, vector<16xf32>,
        %mul3A_2149 = arith.mulf %get3A_2144, %get3A_2148 : vector<16xf32>
        %mul3A_2150 = arith.mulf %mul3A_2149, %select_n3A : vector<16xf32>
        %get3A_2151 = arith.index_cast %rem3A_82 : i32 to index
        %get3A_2152 = arith.index_cast %add3A_2140 : i32 to index
        %get3A_2153 = arith.constant 16 : index
        %get3A_2154 = tpu.vector_load %arg8[%get3A_2151, %get3A_2152, %get3A_2153] {strides = array<i32>} : memref<2x80x128xf32, #tpu.memory_space<vmem>>, vector<16xf32>,
        %get3A_2155 = arith.index_cast %rem3A_82 : i32 to index
        %get3A_2156 = arith.index_cast %add3A_2140 : i32 to index
        %get3A_2157 = arith.constant 16 : index
        %get3A_2158 = tpu.vector_load %arg9[%get3A_2155, %get3A_2156, %get3A_2157] {strides = array<i32>} : memref<2x80x128xf32, #tpu.memory_space<vmem>>, vector<16xf32>,
        %mul3A_2159 = arith.mulf %get3A_2154, %get3A_2158 : vector<16xf32>
        %get3A_2160 = arith.index_cast %rem3A_82 : i32 to index
        %get3A_2161 = arith.index_cast %add3A_2140 : i32 to index
        %get3A_2162 = arith.constant 32 : index
        %get3A_2163 = tpu.vector_load %arg8[%get3A_2160, %get3A_2161, %get3A_2162] {strides = array<i32>} : memref<2x80x128xf32, #tpu.memory_space<vmem>>, vector<16xf32>,
        %get3A_2164 = arith.index_cast %rem3A_82 : i32 to index
        %get3A_2165 = arith.index_cast %add3A_2140 : i32 to index
        %get3A_2166 = arith.constant 32 : index
        %get3A_2167 = tpu.vector_load %arg9[%get3A_2164, %get3A_2165, %get3A_2166] {strides = array<i32>} : memref<2x80x128xf32, #tpu.memory_space<vmem>>, vector<16xf32>,
        %mul3A_2168 = arith.mulf %get3A_2163, %get3A_2167 : vector<16xf32>
        %get3A_2169 = arith.index_cast %rem3A_82 : i32 to index
        %get3A_2170 = arith.index_cast %add3A_2140 : i32 to index
        %get3A_2171 = arith.constant 48 : index
        %get3A_2172 = tpu.vector_load %arg8[%get3A_2169, %get3A_2170, %get3A_2171] {strides = array<i32>} : memref<2x80x128xf32, #tpu.memory_space<vmem>>, vector<16xf32>,
        %get3A_2173 = arith.index_cast %rem3A_82 : i32 to index
        %get3A_2174 = arith.index_cast %add3A_2140 : i32 to index
        %get3A_2175 = arith.constant 48 : index
        %get3A_2176 = tpu.vector_load %arg9[%get3A_2173, %get3A_2174, %get3A_2175] {strides = array<i32>} : memref<2x80x128xf32, #tpu.memory_space<vmem>>, vector<16xf32>,
        %mul3A_2177 = arith.mulf %get3A_2172, %get3A_2176 : vector<16xf32>
        %get3A_2178 = arith.index_cast %rem3A_82 : i32 to index
        %get3A_2179 = arith.index_cast %add3A_2140 : i32 to index
        %get3A_2180 = arith.constant 64 : index
        %get3A_2181 = tpu.vector_load %arg8[%get3A_2178, %get3A_2179, %get3A_2180] {strides = array<i32>} : memref<2x80x128xf32, #tpu.memory_space<vmem>>, vector<16xf32>,
        %get3A_2182 = arith.index_cast %rem3A_82 : i32 to index
        %get3A_2183 = arith.index_cast %add3A_2140 : i32 to index
        %get3A_2184 = arith.constant 64 : index
        %get3A_2185 = tpu.vector_load %arg9[%get3A_2182, %get3A_2183, %get3A_2184] {strides = array<i32>} : memref<2x80x128xf32, #tpu.memory_space<vmem>>, vector<16xf32>,
        %mul3A_2186 = arith.mulf %get3A_2181, %get3A_2185 : vector<16xf32>
        %get3A_2187 = arith.index_cast %rem3A_82 : i32 to index
        %get3A_2188 = arith.index_cast %add3A_2140 : i32 to index
        %get3A_2189 = arith.constant 80 : index
        %get3A_2190 = tpu.vector_load %arg8[%get3A_2187, %get3A_2188, %get3A_2189] {strides = array<i32>} : memref<2x80x128xf32, #tpu.memory_space<vmem>>, vector<16xf32>,
        %get3A_2191 = arith.index_cast %rem3A_82 : i32 to index
        %get3A_2192 = arith.index_cast %add3A_2140 : i32 to index
        %get3A_2193 = arith.constant 80 : index
        %get3A_2194 = tpu.vector_load %arg9[%get3A_2191, %get3A_2192, %get3A_2193] {strides = array<i32>} : memref<2x80x128xf32, #tpu.memory_space<vmem>>, vector<16xf32>,
        %mul3A_2195 = arith.mulf %get3A_2190, %get3A_2194 : vector<16xf32>
        %get3A_2196 = arith.index_cast %rem3A_82 : i32 to index
        %get3A_2197 = arith.index_cast %add3A_2140 : i32 to index
        %get3A_2198 = arith.constant 96 : index
        %get3A_2199 = tpu.vector_load %arg8[%get3A_2196, %get3A_2197, %get3A_2198] {strides = array<i32>} : memref<2x80x128xf32, #tpu.memory_space<vmem>>, vector<16xf32>,
        %get3A_2200 = arith.index_cast %rem3A_82 : i32 to index
        %get3A_2201 = arith.index_cast %add3A_2140 : i32 to index
        %get3A_2202 = arith.constant 96 : index
        %get3A_2203 = tpu.vector_load %arg9[%get3A_2200, %get3A_2201, %get3A_2202] {strides = array<i32>} : memref<2x80x128xf32, #tpu.memory_space<vmem>>, vector<16xf32>,
        %mul3A_2204 = arith.mulf %get3A_2199, %get3A_2203 : vector<16xf32>
        %get3A_2205 = arith.index_cast %rem3A_82 : i32 to index
        %get3A_2206 = arith.index_cast %add3A_2140 : i32 to index
        %get3A_2207 = arith.constant 112 : index
        %get3A_2208 = tpu.vector_load %arg8[%get3A_2205, %get3A_2206, %get3A_2207] {strides = array<i32>} : memref<2x80x128xf32, #tpu.memory_space<vmem>>, vector<16xf32>,
        %get3A_2209 = arith.index_cast %rem3A_82 : i32 to index
        %get3A_2210 = arith.index_cast %add3A_2140 : i32 to index
        %get3A_2211 = arith.constant 112 : index
        %get3A_2212 = tpu.vector_load %arg9[%get3A_2209, %get3A_2210, %get3A_2211] {strides = array<i32>} : memref<2x80x128xf32, #tpu.memory_space<vmem>>, vector<16xf32>,
        %mul3A_2213 = arith.mulf %get3A_2208, %get3A_2212 : vector<16xf32>
        %add3A_2214 = arith.addf %mul3A_2150, %mul3A_2159 : vector<16xf32>
        %add3A_2215 = arith.addf %mul3A_2168, %mul3A_2177 : vector<16xf32>
        %add3A_2216 = arith.addf %mul3A_2186, %mul3A_2195 : vector<16xf32>
        %add3A_2217 = arith.addf %mul3A_2204, %mul3A_2213 : vector<16xf32>
        %add3A_2218 = arith.addf %add3A_2214, %add3A_2215 : vector<16xf32>
        %add3A_2219 = arith.addf %add3A_2216, %add3A_2217 : vector<16xf32>
        %add3A_2220 = arith.addf %add3A_2218, %add3A_2219 : vector<16xf32>
        %swap3A_2221 = arith.constant 51 : index
        %swap3A_2222 = tpu.vector_load %arg11[%swap3A_2221] {strides = array<i32>} : memref<272xf32, #tpu.memory_space<vmem>>, vector<16xf32>,
        tpu.vector_store %arg11[%swap3A_2221], %add3A_2220 {strides = array<i32>} : memref<272xf32, #tpu.memory_space<vmem>>, vector<16xf32>,
        %add3A_2223 = arith.constant 4 : i32
        %add3A_2224 = arith.addi %mul3A_1886, %add3A_2223 : i32
        %get3A_2225 = arith.index_cast %rem3A_82 : i32 to index
        %get3A_2226 = arith.index_cast %add3A_2224 : i32 to index
        %get3A_2227 = arith.constant 0 : index
        %get3A_2228 = tpu.vector_load %arg8[%get3A_2225, %get3A_2226, %get3A_2227] {strides = array<i32>} : memref<2x80x128xf32, #tpu.memory_space<vmem>>, vector<16xf32>,
        %get3A_2229 = arith.index_cast %rem3A_82 : i32 to index
        %get3A_2230 = arith.index_cast %add3A_2224 : i32 to index
        %get3A_2231 = arith.constant 0 : index
        %get3A_2232 = tpu.vector_load %arg9[%get3A_2229, %get3A_2230, %get3A_2231] {strides = array<i32>} : memref<2x80x128xf32, #tpu.memory_space<vmem>>, vector<16xf32>,
        %mul3A_2233 = arith.mulf %get3A_2228, %get3A_2232 : vector<16xf32>
        %mul3A_2234 = arith.mulf %mul3A_2233, %select_n3A : vector<16xf32>
        %get3A_2235 = arith.index_cast %rem3A_82 : i32 to index
        %get3A_2236 = arith.index_cast %add3A_2224 : i32 to index
        %get3A_2237 = arith.constant 16 : index
        %get3A_2238 = tpu.vector_load %arg8[%get3A_2235, %get3A_2236, %get3A_2237] {strides = array<i32>} : memref<2x80x128xf32, #tpu.memory_space<vmem>>, vector<16xf32>,
        %get3A_2239 = arith.index_cast %rem3A_82 : i32 to index
        %get3A_2240 = arith.index_cast %add3A_2224 : i32 to index
        %get3A_2241 = arith.constant 16 : index
        %get3A_2242 = tpu.vector_load %arg9[%get3A_2239, %get3A_2240, %get3A_2241] {strides = array<i32>} : memref<2x80x128xf32, #tpu.memory_space<vmem>>, vector<16xf32>,
        %mul3A_2243 = arith.mulf %get3A_2238, %get3A_2242 : vector<16xf32>
        %get3A_2244 = arith.index_cast %rem3A_82 : i32 to index
        %get3A_2245 = arith.index_cast %add3A_2224 : i32 to index
        %get3A_2246 = arith.constant 32 : index
        %get3A_2247 = tpu.vector_load %arg8[%get3A_2244, %get3A_2245, %get3A_2246] {strides = array<i32>} : memref<2x80x128xf32, #tpu.memory_space<vmem>>, vector<16xf32>,
        %get3A_2248 = arith.index_cast %rem3A_82 : i32 to index
        %get3A_2249 = arith.index_cast %add3A_2224 : i32 to index
        %get3A_2250 = arith.constant 32 : index
        %get3A_2251 = tpu.vector_load %arg9[%get3A_2248, %get3A_2249, %get3A_2250] {strides = array<i32>} : memref<2x80x128xf32, #tpu.memory_space<vmem>>, vector<16xf32>,
        %mul3A_2252 = arith.mulf %get3A_2247, %get3A_2251 : vector<16xf32>
        %get3A_2253 = arith.index_cast %rem3A_82 : i32 to index
        %get3A_2254 = arith.index_cast %add3A_2224 : i32 to index
        %get3A_2255 = arith.constant 48 : index
        %get3A_2256 = tpu.vector_load %arg8[%get3A_2253, %get3A_2254, %get3A_2255] {strides = array<i32>} : memref<2x80x128xf32, #tpu.memory_space<vmem>>, vector<16xf32>,
        %get3A_2257 = arith.index_cast %rem3A_82 : i32 to index
        %get3A_2258 = arith.index_cast %add3A_2224 : i32 to index
        %get3A_2259 = arith.constant 48 : index
        %get3A_2260 = tpu.vector_load %arg9[%get3A_2257, %get3A_2258, %get3A_2259] {strides = array<i32>} : memref<2x80x128xf32, #tpu.memory_space<vmem>>, vector<16xf32>,
        %mul3A_2261 = arith.mulf %get3A_2256, %get3A_2260 : vector<16xf32>
        %get3A_2262 = arith.index_cast %rem3A_82 : i32 to index
        %get3A_2263 = arith.index_cast %add3A_2224 : i32 to index
        %get3A_2264 = arith.constant 64 : index
        %get3A_2265 = tpu.vector_load %arg8[%get3A_2262, %get3A_2263, %get3A_2264] {strides = array<i32>} : memref<2x80x128xf32, #tpu.memory_space<vmem>>, vector<16xf32>,
        %get3A_2266 = arith.index_cast %rem3A_82 : i32 to index
        %get3A_2267 = arith.index_cast %add3A_2224 : i32 to index
        %get3A_2268 = arith.constant 64 : index
        %get3A_2269 = tpu.vector_load %arg9[%get3A_2266, %get3A_2267, %get3A_2268] {strides = array<i32>} : memref<2x80x128xf32, #tpu.memory_space<vmem>>, vector<16xf32>,
        %mul3A_2270 = arith.mulf %get3A_2265, %get3A_2269 : vector<16xf32>
        %get3A_2271 = arith.index_cast %rem3A_82 : i32 to index
        %get3A_2272 = arith.index_cast %add3A_2224 : i32 to index
        %get3A_2273 = arith.constant 80 : index
        %get3A_2274 = tpu.vector_load %arg8[%get3A_2271, %get3A_2272, %get3A_2273] {strides = array<i32>} : memref<2x80x128xf32, #tpu.memory_space<vmem>>, vector<16xf32>,
        %get3A_2275 = arith.index_cast %rem3A_82 : i32 to index
        %get3A_2276 = arith.index_cast %add3A_2224 : i32 to index
        %get3A_2277 = arith.constant 80 : index
        %get3A_2278 = tpu.vector_load %arg9[%get3A_2275, %get3A_2276, %get3A_2277] {strides = array<i32>} : memref<2x80x128xf32, #tpu.memory_space<vmem>>, vector<16xf32>,
        %mul3A_2279 = arith.mulf %get3A_2274, %get3A_2278 : vector<16xf32>
        %get3A_2280 = arith.index_cast %rem3A_82 : i32 to index
        %get3A_2281 = arith.index_cast %add3A_2224 : i32 to index
        %get3A_2282 = arith.constant 96 : index
        %get3A_2283 = tpu.vector_load %arg8[%get3A_2280, %get3A_2281, %get3A_2282] {strides = array<i32>} : memref<2x80x128xf32, #tpu.memory_space<vmem>>, vector<16xf32>,
        %get3A_2284 = arith.index_cast %rem3A_82 : i32 to index
        %get3A_2285 = arith.index_cast %add3A_2224 : i32 to index
        %get3A_2286 = arith.constant 96 : index
        %get3A_2287 = tpu.vector_load %arg9[%get3A_2284, %get3A_2285, %get3A_2286] {strides = array<i32>} : memref<2x80x128xf32, #tpu.memory_space<vmem>>, vector<16xf32>,
        %mul3A_2288 = arith.mulf %get3A_2283, %get3A_2287 : vector<16xf32>
        %get3A_2289 = arith.index_cast %rem3A_82 : i32 to index
        %get3A_2290 = arith.index_cast %add3A_2224 : i32 to index
        %get3A_2291 = arith.constant 112 : index
        %get3A_2292 = tpu.vector_load %arg8[%get3A_2289, %get3A_2290, %get3A_2291] {strides = array<i32>} : memref<2x80x128xf32, #tpu.memory_space<vmem>>, vector<16xf32>,
        %get3A_2293 = arith.index_cast %rem3A_82 : i32 to index
        %get3A_2294 = arith.index_cast %add3A_2224 : i32 to index
        %get3A_2295 = arith.constant 112 : index
        %get3A_2296 = tpu.vector_load %arg9[%get3A_2293, %get3A_2294, %get3A_2295] {strides = array<i32>} : memref<2x80x128xf32, #tpu.memory_space<vmem>>, vector<16xf32>,
        %mul3A_2297 = arith.mulf %get3A_2292, %get3A_2296 : vector<16xf32>
        %add3A_2298 = arith.addf %mul3A_2234, %mul3A_2243 : vector<16xf32>
        %add3A_2299 = arith.addf %mul3A_2252, %mul3A_2261 : vector<16xf32>
        %add3A_2300 = arith.addf %mul3A_2270, %mul3A_2279 : vector<16xf32>
        %add3A_2301 = arith.addf %mul3A_2288, %mul3A_2297 : vector<16xf32>
        %add3A_2302 = arith.addf %add3A_2298, %add3A_2299 : vector<16xf32>
        %add3A_2303 = arith.addf %add3A_2300, %add3A_2301 : vector<16xf32>
        %add3A_2304 = arith.addf %add3A_2302, %add3A_2303 : vector<16xf32>
        %swap3A_2305 = arith.constant 68 : index
        %swap3A_2306 = tpu.vector_load %arg11[%swap3A_2305] {strides = array<i32>} : memref<272xf32, #tpu.memory_space<vmem>>, vector<16xf32>,
        tpu.vector_store %arg11[%swap3A_2305], %add3A_2304 {strides = array<i32>} : memref<272xf32, #tpu.memory_space<vmem>>, vector<16xf32>,
        %add3A_2307 = arith.constant 5 : i32
        %add3A_2308 = arith.addi %mul3A_1886, %add3A_2307 : i32
        %get3A_2309 = arith.index_cast %rem3A_82 : i32 to index
        %get3A_2310 = arith.index_cast %add3A_2308 : i32 to index
        %get3A_2311 = arith.constant 0 : index
        %get3A_2312 = tpu.vector_load %arg8[%get3A_2309, %get3A_2310, %get3A_2311] {strides = array<i32>} : memref<2x80x128xf32, #tpu.memory_space<vmem>>, vector<16xf32>,
        %get3A_2313 = arith.index_cast %rem3A_82 : i32 to index
        %get3A_2314 = arith.index_cast %add3A_2308 : i32 to index
        %get3A_2315 = arith.constant 0 : index
        %get3A_2316 = tpu.vector_load %arg9[%get3A_2313, %get3A_2314, %get3A_2315] {strides = array<i32>} : memref<2x80x128xf32, #tpu.memory_space<vmem>>, vector<16xf32>,
        %mul3A_2317 = arith.mulf %get3A_2312, %get3A_2316 : vector<16xf32>
        %mul3A_2318 = arith.mulf %mul3A_2317, %select_n3A : vector<16xf32>
        %get3A_2319 = arith.index_cast %rem3A_82 : i32 to index
        %get3A_2320 = arith.index_cast %add3A_2308 : i32 to index
        %get3A_2321 = arith.constant 16 : index
        %get3A_2322 = tpu.vector_load %arg8[%get3A_2319, %get3A_2320, %get3A_2321] {strides = array<i32>} : memref<2x80x128xf32, #tpu.memory_space<vmem>>, vector<16xf32>,
        %get3A_2323 = arith.index_cast %rem3A_82 : i32 to index
        %get3A_2324 = arith.index_cast %add3A_2308 : i32 to index
        %get3A_2325 = arith.constant 16 : index
        %get3A_2326 = tpu.vector_load %arg9[%get3A_2323, %get3A_2324, %get3A_2325] {strides = array<i32>} : memref<2x80x128xf32, #tpu.memory_space<vmem>>, vector<16xf32>,
        %mul3A_2327 = arith.mulf %get3A_2322, %get3A_2326 : vector<16xf32>
        %get3A_2328 = arith.index_cast %rem3A_82 : i32 to index
        %get3A_2329 = arith.index_cast %add3A_2308 : i32 to index
        %get3A_2330 = arith.constant 32 : index
        %get3A_2331 = tpu.vector_load %arg8[%get3A_2328, %get3A_2329, %get3A_2330] {strides = array<i32>} : memref<2x80x128xf32, #tpu.memory_space<vmem>>, vector<16xf32>,
        %get3A_2332 = arith.index_cast %rem3A_82 : i32 to index
        %get3A_2333 = arith.index_cast %add3A_2308 : i32 to index
        %get3A_2334 = arith.constant 32 : index
        %get3A_2335 = tpu.vector_load %arg9[%get3A_2332, %get3A_2333, %get3A_2334] {strides = array<i32>} : memref<2x80x128xf32, #tpu.memory_space<vmem>>, vector<16xf32>,
        %mul3A_2336 = arith.mulf %get3A_2331, %get3A_2335 : vector<16xf32>
        %get3A_2337 = arith.index_cast %rem3A_82 : i32 to index
        %get3A_2338 = arith.index_cast %add3A_2308 : i32 to index
        %get3A_2339 = arith.constant 48 : index
        %get3A_2340 = tpu.vector_load %arg8[%get3A_2337, %get3A_2338, %get3A_2339] {strides = array<i32>} : memref<2x80x128xf32, #tpu.memory_space<vmem>>, vector<16xf32>,
        %get3A_2341 = arith.index_cast %rem3A_82 : i32 to index
        %get3A_2342 = arith.index_cast %add3A_2308 : i32 to index
        %get3A_2343 = arith.constant 48 : index
        %get3A_2344 = tpu.vector_load %arg9[%get3A_2341, %get3A_2342, %get3A_2343] {strides = array<i32>} : memref<2x80x128xf32, #tpu.memory_space<vmem>>, vector<16xf32>,
        %mul3A_2345 = arith.mulf %get3A_2340, %get3A_2344 : vector<16xf32>
        %get3A_2346 = arith.index_cast %rem3A_82 : i32 to index
        %get3A_2347 = arith.index_cast %add3A_2308 : i32 to index
        %get3A_2348 = arith.constant 64 : index
        %get3A_2349 = tpu.vector_load %arg8[%get3A_2346, %get3A_2347, %get3A_2348] {strides = array<i32>} : memref<2x80x128xf32, #tpu.memory_space<vmem>>, vector<16xf32>,
        %get3A_2350 = arith.index_cast %rem3A_82 : i32 to index
        %get3A_2351 = arith.index_cast %add3A_2308 : i32 to index
        %get3A_2352 = arith.constant 64 : index
        %get3A_2353 = tpu.vector_load %arg9[%get3A_2350, %get3A_2351, %get3A_2352] {strides = array<i32>} : memref<2x80x128xf32, #tpu.memory_space<vmem>>, vector<16xf32>,
        %mul3A_2354 = arith.mulf %get3A_2349, %get3A_2353 : vector<16xf32>
        %get3A_2355 = arith.index_cast %rem3A_82 : i32 to index
        %get3A_2356 = arith.index_cast %add3A_2308 : i32 to index
        %get3A_2357 = arith.constant 80 : index
        %get3A_2358 = tpu.vector_load %arg8[%get3A_2355, %get3A_2356, %get3A_2357] {strides = array<i32>} : memref<2x80x128xf32, #tpu.memory_space<vmem>>, vector<16xf32>,
        %get3A_2359 = arith.index_cast %rem3A_82 : i32 to index
        %get3A_2360 = arith.index_cast %add3A_2308 : i32 to index
        %get3A_2361 = arith.constant 80 : index
        %get3A_2362 = tpu.vector_load %arg9[%get3A_2359, %get3A_2360, %get3A_2361] {strides = array<i32>} : memref<2x80x128xf32, #tpu.memory_space<vmem>>, vector<16xf32>,
        %mul3A_2363 = arith.mulf %get3A_2358, %get3A_2362 : vector<16xf32>
        %get3A_2364 = arith.index_cast %rem3A_82 : i32 to index
        %get3A_2365 = arith.index_cast %add3A_2308 : i32 to index
        %get3A_2366 = arith.constant 96 : index
        %get3A_2367 = tpu.vector_load %arg8[%get3A_2364, %get3A_2365, %get3A_2366] {strides = array<i32>} : memref<2x80x128xf32, #tpu.memory_space<vmem>>, vector<16xf32>,
        %get3A_2368 = arith.index_cast %rem3A_82 : i32 to index
        %get3A_2369 = arith.index_cast %add3A_2308 : i32 to index
        %get3A_2370 = arith.constant 96 : index
        %get3A_2371 = tpu.vector_load %arg9[%get3A_2368, %get3A_2369, %get3A_2370] {strides = array<i32>} : memref<2x80x128xf32, #tpu.memory_space<vmem>>, vector<16xf32>,
        %mul3A_2372 = arith.mulf %get3A_2367, %get3A_2371 : vector<16xf32>
        %get3A_2373 = arith.index_cast %rem3A_82 : i32 to index
        %get3A_2374 = arith.index_cast %add3A_2308 : i32 to index
        %get3A_2375 = arith.constant 112 : index
        %get3A_2376 = tpu.vector_load %arg8[%get3A_2373, %get3A_2374, %get3A_2375] {strides = array<i32>} : memref<2x80x128xf32, #tpu.memory_space<vmem>>, vector<16xf32>,
        %get3A_2377 = arith.index_cast %rem3A_82 : i32 to index
        %get3A_2378 = arith.index_cast %add3A_2308 : i32 to index
        %get3A_2379 = arith.constant 112 : index
        %get3A_2380 = tpu.vector_load %arg9[%get3A_2377, %get3A_2378, %get3A_2379] {strides = array<i32>} : memref<2x80x128xf32, #tpu.memory_space<vmem>>, vector<16xf32>,
        %mul3A_2381 = arith.mulf %get3A_2376, %get3A_2380 : vector<16xf32>
        %add3A_2382 = arith.addf %mul3A_2318, %mul3A_2327 : vector<16xf32>
        %add3A_2383 = arith.addf %mul3A_2336, %mul3A_2345 : vector<16xf32>
        %add3A_2384 = arith.addf %mul3A_2354, %mul3A_2363 : vector<16xf32>
        %add3A_2385 = arith.addf %mul3A_2372, %mul3A_2381 : vector<16xf32>
        %add3A_2386 = arith.addf %add3A_2382, %add3A_2383 : vector<16xf32>
        %add3A_2387 = arith.addf %add3A_2384, %add3A_2385 : vector<16xf32>
        %add3A_2388 = arith.addf %add3A_2386, %add3A_2387 : vector<16xf32>
        %swap3A_2389 = arith.constant 85 : index
        %swap3A_2390 = tpu.vector_load %arg11[%swap3A_2389] {strides = array<i32>} : memref<272xf32, #tpu.memory_space<vmem>>, vector<16xf32>,
        tpu.vector_store %arg11[%swap3A_2389], %add3A_2388 {strides = array<i32>} : memref<272xf32, #tpu.memory_space<vmem>>, vector<16xf32>,
        %add3A_2391 = arith.constant 6 : i32
        %add3A_2392 = arith.addi %mul3A_1886, %add3A_2391 : i32
        %get3A_2393 = arith.index_cast %rem3A_82 : i32 to index
        %get3A_2394 = arith.index_cast %add3A_2392 : i32 to index
        %get3A_2395 = arith.constant 0 : index
        %get3A_2396 = tpu.vector_load %arg8[%get3A_2393, %get3A_2394, %get3A_2395] {strides = array<i32>} : memref<2x80x128xf32, #tpu.memory_space<vmem>>, vector<16xf32>,
        %get3A_2397 = arith.index_cast %rem3A_82 : i32 to index
        %get3A_2398 = arith.index_cast %add3A_2392 : i32 to index
        %get3A_2399 = arith.constant 0 : index
        %get3A_2400 = tpu.vector_load %arg9[%get3A_2397, %get3A_2398, %get3A_2399] {strides = array<i32>} : memref<2x80x128xf32, #tpu.memory_space<vmem>>, vector<16xf32>,
        %mul3A_2401 = arith.mulf %get3A_2396, %get3A_2400 : vector<16xf32>
        %mul3A_2402 = arith.mulf %mul3A_2401, %select_n3A : vector<16xf32>
        %get3A_2403 = arith.index_cast %rem3A_82 : i32 to index
        %get3A_2404 = arith.index_cast %add3A_2392 : i32 to index
        %get3A_2405 = arith.constant 16 : index
        %get3A_2406 = tpu.vector_load %arg8[%get3A_2403, %get3A_2404, %get3A_2405] {strides = array<i32>} : memref<2x80x128xf32, #tpu.memory_space<vmem>>, vector<16xf32>,
        %get3A_2407 = arith.index_cast %rem3A_82 : i32 to index
        %get3A_2408 = arith.index_cast %add3A_2392 : i32 to index
        %get3A_2409 = arith.constant 16 : index
        %get3A_2410 = tpu.vector_load %arg9[%get3A_2407, %get3A_2408, %get3A_2409] {strides = array<i32>} : memref<2x80x128xf32, #tpu.memory_space<vmem>>, vector<16xf32>,
        %mul3A_2411 = arith.mulf %get3A_2406, %get3A_2410 : vector<16xf32>
        %get3A_2412 = arith.index_cast %rem3A_82 : i32 to index
        %get3A_2413 = arith.index_cast %add3A_2392 : i32 to index
        %get3A_2414 = arith.constant 32 : index
        %get3A_2415 = tpu.vector_load %arg8[%get3A_2412, %get3A_2413, %get3A_2414] {strides = array<i32>} : memref<2x80x128xf32, #tpu.memory_space<vmem>>, vector<16xf32>,
        %get3A_2416 = arith.index_cast %rem3A_82 : i32 to index
        %get3A_2417 = arith.index_cast %add3A_2392 : i32 to index
        %get3A_2418 = arith.constant 32 : index
        %get3A_2419 = tpu.vector_load %arg9[%get3A_2416, %get3A_2417, %get3A_2418] {strides = array<i32>} : memref<2x80x128xf32, #tpu.memory_space<vmem>>, vector<16xf32>,
        %mul3A_2420 = arith.mulf %get3A_2415, %get3A_2419 : vector<16xf32>
        %get3A_2421 = arith.index_cast %rem3A_82 : i32 to index
        %get3A_2422 = arith.index_cast %add3A_2392 : i32 to index
        %get3A_2423 = arith.constant 48 : index
        %get3A_2424 = tpu.vector_load %arg8[%get3A_2421, %get3A_2422, %get3A_2423] {strides = array<i32>} : memref<2x80x128xf32, #tpu.memory_space<vmem>>, vector<16xf32>,
        %get3A_2425 = arith.index_cast %rem3A_82 : i32 to index
        %get3A_2426 = arith.index_cast %add3A_2392 : i32 to index
        %get3A_2427 = arith.constant 48 : index
        %get3A_2428 = tpu.vector_load %arg9[%get3A_2425, %get3A_2426, %get3A_2427] {strides = array<i32>} : memref<2x80x128xf32, #tpu.memory_space<vmem>>, vector<16xf32>,
        %mul3A_2429 = arith.mulf %get3A_2424, %get3A_2428 : vector<16xf32>
        %get3A_2430 = arith.index_cast %rem3A_82 : i32 to index
        %get3A_2431 = arith.index_cast %add3A_2392 : i32 to index
        %get3A_2432 = arith.constant 64 : index
        %get3A_2433 = tpu.vector_load %arg8[%get3A_2430, %get3A_2431, %get3A_2432] {strides = array<i32>} : memref<2x80x128xf32, #tpu.memory_space<vmem>>, vector<16xf32>,
        %get3A_2434 = arith.index_cast %rem3A_82 : i32 to index
        %get3A_2435 = arith.index_cast %add3A_2392 : i32 to index
        %get3A_2436 = arith.constant 64 : index
        %get3A_2437 = tpu.vector_load %arg9[%get3A_2434, %get3A_2435, %get3A_2436] {strides = array<i32>} : memref<2x80x128xf32, #tpu.memory_space<vmem>>, vector<16xf32>,
        %mul3A_2438 = arith.mulf %get3A_2433, %get3A_2437 : vector<16xf32>
        %get3A_2439 = arith.index_cast %rem3A_82 : i32 to index
        %get3A_2440 = arith.index_cast %add3A_2392 : i32 to index
        %get3A_2441 = arith.constant 80 : index
        %get3A_2442 = tpu.vector_load %arg8[%get3A_2439, %get3A_2440, %get3A_2441] {strides = array<i32>} : memref<2x80x128xf32, #tpu.memory_space<vmem>>, vector<16xf32>,
        %get3A_2443 = arith.index_cast %rem3A_82 : i32 to index
        %get3A_2444 = arith.index_cast %add3A_2392 : i32 to index
        %get3A_2445 = arith.constant 80 : index
        %get3A_2446 = tpu.vector_load %arg9[%get3A_2443, %get3A_2444, %get3A_2445] {strides = array<i32>} : memref<2x80x128xf32, #tpu.memory_space<vmem>>, vector<16xf32>,
        %mul3A_2447 = arith.mulf %get3A_2442, %get3A_2446 : vector<16xf32>
        %get3A_2448 = arith.index_cast %rem3A_82 : i32 to index
        %get3A_2449 = arith.index_cast %add3A_2392 : i32 to index
        %get3A_2450 = arith.constant 96 : index
        %get3A_2451 = tpu.vector_load %arg8[%get3A_2448, %get3A_2449, %get3A_2450] {strides = array<i32>} : memref<2x80x128xf32, #tpu.memory_space<vmem>>, vector<16xf32>,
        %get3A_2452 = arith.index_cast %rem3A_82 : i32 to index
        %get3A_2453 = arith.index_cast %add3A_2392 : i32 to index
        %get3A_2454 = arith.constant 96 : index
        %get3A_2455 = tpu.vector_load %arg9[%get3A_2452, %get3A_2453, %get3A_2454] {strides = array<i32>} : memref<2x80x128xf32, #tpu.memory_space<vmem>>, vector<16xf32>,
        %mul3A_2456 = arith.mulf %get3A_2451, %get3A_2455 : vector<16xf32>
        %get3A_2457 = arith.index_cast %rem3A_82 : i32 to index
        %get3A_2458 = arith.index_cast %add3A_2392 : i32 to index
        %get3A_2459 = arith.constant 112 : index
        %get3A_2460 = tpu.vector_load %arg8[%get3A_2457, %get3A_2458, %get3A_2459] {strides = array<i32>} : memref<2x80x128xf32, #tpu.memory_space<vmem>>, vector<16xf32>,
        %get3A_2461 = arith.index_cast %rem3A_82 : i32 to index
        %get3A_2462 = arith.index_cast %add3A_2392 : i32 to index
        %get3A_2463 = arith.constant 112 : index
        %get3A_2464 = tpu.vector_load %arg9[%get3A_2461, %get3A_2462, %get3A_2463] {strides = array<i32>} : memref<2x80x128xf32, #tpu.memory_space<vmem>>, vector<16xf32>,
        %mul3A_2465 = arith.mulf %get3A_2460, %get3A_2464 : vector<16xf32>
        %add3A_2466 = arith.addf %mul3A_2402, %mul3A_2411 : vector<16xf32>
        %add3A_2467 = arith.addf %mul3A_2420, %mul3A_2429 : vector<16xf32>
        %add3A_2468 = arith.addf %mul3A_2438, %mul3A_2447 : vector<16xf32>
        %add3A_2469 = arith.addf %mul3A_2456, %mul3A_2465 : vector<16xf32>
        %add3A_2470 = arith.addf %add3A_2466, %add3A_2467 : vector<16xf32>
        %add3A_2471 = arith.addf %add3A_2468, %add3A_2469 : vector<16xf32>
        %add3A_2472 = arith.addf %add3A_2470, %add3A_2471 : vector<16xf32>
        %swap3A_2473 = arith.constant 102 : index
        %swap3A_2474 = tpu.vector_load %arg11[%swap3A_2473] {strides = array<i32>} : memref<272xf32, #tpu.memory_space<vmem>>, vector<16xf32>,
        tpu.vector_store %arg11[%swap3A_2473], %add3A_2472 {strides = array<i32>} : memref<272xf32, #tpu.memory_space<vmem>>, vector<16xf32>,
        %add3A_2475 = arith.constant 7 : i32
        %add3A_2476 = arith.addi %mul3A_1886, %add3A_2475 : i32
        %get3A_2477 = arith.index_cast %rem3A_82 : i32 to index
        %get3A_2478 = arith.index_cast %add3A_2476 : i32 to index
        %get3A_2479 = arith.constant 0 : index
        %get3A_2480 = tpu.vector_load %arg8[%get3A_2477, %get3A_2478, %get3A_2479] {strides = array<i32>} : memref<2x80x128xf32, #tpu.memory_space<vmem>>, vector<16xf32>,
        %get3A_2481 = arith.index_cast %rem3A_82 : i32 to index
        %get3A_2482 = arith.index_cast %add3A_2476 : i32 to index
        %get3A_2483 = arith.constant 0 : index
        %get3A_2484 = tpu.vector_load %arg9[%get3A_2481, %get3A_2482, %get3A_2483] {strides = array<i32>} : memref<2x80x128xf32, #tpu.memory_space<vmem>>, vector<16xf32>,
        %mul3A_2485 = arith.mulf %get3A_2480, %get3A_2484 : vector<16xf32>
        %mul3A_2486 = arith.mulf %mul3A_2485, %select_n3A : vector<16xf32>
        %get3A_2487 = arith.index_cast %rem3A_82 : i32 to index
        %get3A_2488 = arith.index_cast %add3A_2476 : i32 to index
        %get3A_2489 = arith.constant 16 : index
        %get3A_2490 = tpu.vector_load %arg8[%get3A_2487, %get3A_2488, %get3A_2489] {strides = array<i32>} : memref<2x80x128xf32, #tpu.memory_space<vmem>>, vector<16xf32>,
        %get3A_2491 = arith.index_cast %rem3A_82 : i32 to index
        %get3A_2492 = arith.index_cast %add3A_2476 : i32 to index
        %get3A_2493 = arith.constant 16 : index
        %get3A_2494 = tpu.vector_load %arg9[%get3A_2491, %get3A_2492, %get3A_2493] {strides = array<i32>} : memref<2x80x128xf32, #tpu.memory_space<vmem>>, vector<16xf32>,
        %mul3A_2495 = arith.mulf %get3A_2490, %get3A_2494 : vector<16xf32>
        %get3A_2496 = arith.index_cast %rem3A_82 : i32 to index
        %get3A_2497 = arith.index_cast %add3A_2476 : i32 to index
        %get3A_2498 = arith.constant 32 : index
        %get3A_2499 = tpu.vector_load %arg8[%get3A_2496, %get3A_2497, %get3A_2498] {strides = array<i32>} : memref<2x80x128xf32, #tpu.memory_space<vmem>>, vector<16xf32>,
        %get3A_2500 = arith.index_cast %rem3A_82 : i32 to index
        %get3A_2501 = arith.index_cast %add3A_2476 : i32 to index
        %get3A_2502 = arith.constant 32 : index
        %get3A_2503 = tpu.vector_load %arg9[%get3A_2500, %get3A_2501, %get3A_2502] {strides = array<i32>} : memref<2x80x128xf32, #tpu.memory_space<vmem>>, vector<16xf32>,
        %mul3A_2504 = arith.mulf %get3A_2499, %get3A_2503 : vector<16xf32>
        %get3A_2505 = arith.index_cast %rem3A_82 : i32 to index
        %get3A_2506 = arith.index_cast %add3A_2476 : i32 to index
        %get3A_2507 = arith.constant 48 : index
        %get3A_2508 = tpu.vector_load %arg8[%get3A_2505, %get3A_2506, %get3A_2507] {strides = array<i32>} : memref<2x80x128xf32, #tpu.memory_space<vmem>>, vector<16xf32>,
        %get3A_2509 = arith.index_cast %rem3A_82 : i32 to index
        %get3A_2510 = arith.index_cast %add3A_2476 : i32 to index
        %get3A_2511 = arith.constant 48 : index
        %get3A_2512 = tpu.vector_load %arg9[%get3A_2509, %get3A_2510, %get3A_2511] {strides = array<i32>} : memref<2x80x128xf32, #tpu.memory_space<vmem>>, vector<16xf32>,
        %mul3A_2513 = arith.mulf %get3A_2508, %get3A_2512 : vector<16xf32>
        %get3A_2514 = arith.index_cast %rem3A_82 : i32 to index
        %get3A_2515 = arith.index_cast %add3A_2476 : i32 to index
        %get3A_2516 = arith.constant 64 : index
        %get3A_2517 = tpu.vector_load %arg8[%get3A_2514, %get3A_2515, %get3A_2516] {strides = array<i32>} : memref<2x80x128xf32, #tpu.memory_space<vmem>>, vector<16xf32>,
        %get3A_2518 = arith.index_cast %rem3A_82 : i32 to index
        %get3A_2519 = arith.index_cast %add3A_2476 : i32 to index
        %get3A_2520 = arith.constant 64 : index
        %get3A_2521 = tpu.vector_load %arg9[%get3A_2518, %get3A_2519, %get3A_2520] {strides = array<i32>} : memref<2x80x128xf32, #tpu.memory_space<vmem>>, vector<16xf32>,
        %mul3A_2522 = arith.mulf %get3A_2517, %get3A_2521 : vector<16xf32>
        %get3A_2523 = arith.index_cast %rem3A_82 : i32 to index
        %get3A_2524 = arith.index_cast %add3A_2476 : i32 to index
        %get3A_2525 = arith.constant 80 : index
        %get3A_2526 = tpu.vector_load %arg8[%get3A_2523, %get3A_2524, %get3A_2525] {strides = array<i32>} : memref<2x80x128xf32, #tpu.memory_space<vmem>>, vector<16xf32>,
        %get3A_2527 = arith.index_cast %rem3A_82 : i32 to index
        %get3A_2528 = arith.index_cast %add3A_2476 : i32 to index
        %get3A_2529 = arith.constant 80 : index
        %get3A_2530 = tpu.vector_load %arg9[%get3A_2527, %get3A_2528, %get3A_2529] {strides = array<i32>} : memref<2x80x128xf32, #tpu.memory_space<vmem>>, vector<16xf32>,
        %mul3A_2531 = arith.mulf %get3A_2526, %get3A_2530 : vector<16xf32>
        %get3A_2532 = arith.index_cast %rem3A_82 : i32 to index
        %get3A_2533 = arith.index_cast %add3A_2476 : i32 to index
        %get3A_2534 = arith.constant 96 : index
        %get3A_2535 = tpu.vector_load %arg8[%get3A_2532, %get3A_2533, %get3A_2534] {strides = array<i32>} : memref<2x80x128xf32, #tpu.memory_space<vmem>>, vector<16xf32>,
        %get3A_2536 = arith.index_cast %rem3A_82 : i32 to index
        %get3A_2537 = arith.index_cast %add3A_2476 : i32 to index
        %get3A_2538 = arith.constant 96 : index
        %get3A_2539 = tpu.vector_load %arg9[%get3A_2536, %get3A_2537, %get3A_2538] {strides = array<i32>} : memref<2x80x128xf32, #tpu.memory_space<vmem>>, vector<16xf32>,
        %mul3A_2540 = arith.mulf %get3A_2535, %get3A_2539 : vector<16xf32>
        %get3A_2541 = arith.index_cast %rem3A_82 : i32 to index
        %get3A_2542 = arith.index_cast %add3A_2476 : i32 to index
        %get3A_2543 = arith.constant 112 : index
        %get3A_2544 = tpu.vector_load %arg8[%get3A_2541, %get3A_2542, %get3A_2543] {strides = array<i32>} : memref<2x80x128xf32, #tpu.memory_space<vmem>>, vector<16xf32>,
        %get3A_2545 = arith.index_cast %rem3A_82 : i32 to index
        %get3A_2546 = arith.index_cast %add3A_2476 : i32 to index
        %get3A_2547 = arith.constant 112 : index
        %get3A_2548 = tpu.vector_load %arg9[%get3A_2545, %get3A_2546, %get3A_2547] {strides = array<i32>} : memref<2x80x128xf32, #tpu.memory_space<vmem>>, vector<16xf32>,
        %mul3A_2549 = arith.mulf %get3A_2544, %get3A_2548 : vector<16xf32>
        %add3A_2550 = arith.addf %mul3A_2486, %mul3A_2495 : vector<16xf32>
        %add3A_2551 = arith.addf %mul3A_2504, %mul3A_2513 : vector<16xf32>
        %add3A_2552 = arith.addf %mul3A_2522, %mul3A_2531 : vector<16xf32>
        %add3A_2553 = arith.addf %mul3A_2540, %mul3A_2549 : vector<16xf32>
        %add3A_2554 = arith.addf %add3A_2550, %add3A_2551 : vector<16xf32>
        %add3A_2555 = arith.addf %add3A_2552, %add3A_2553 : vector<16xf32>
        %add3A_2556 = arith.addf %add3A_2554, %add3A_2555 : vector<16xf32>
        %swap3A_2557 = arith.constant 119 : index
        %swap3A_2558 = tpu.vector_load %arg11[%swap3A_2557] {strides = array<i32>} : memref<272xf32, #tpu.memory_space<vmem>>, vector<16xf32>,
        tpu.vector_store %arg11[%swap3A_2557], %add3A_2556 {strides = array<i32>} : memref<272xf32, #tpu.memory_space<vmem>>, vector<16xf32>,
        %add3A_2559 = arith.constant 8 : i32
        %add3A_2560 = arith.addi %mul3A_1886, %add3A_2559 : i32
        %get3A_2561 = arith.index_cast %rem3A_82 : i32 to index
        %get3A_2562 = arith.index_cast %add3A_2560 : i32 to index
        %get3A_2563 = arith.constant 0 : index
        %get3A_2564 = tpu.vector_load %arg8[%get3A_2561, %get3A_2562, %get3A_2563] {strides = array<i32>} : memref<2x80x128xf32, #tpu.memory_space<vmem>>, vector<16xf32>,
        %get3A_2565 = arith.index_cast %rem3A_82 : i32 to index
        %get3A_2566 = arith.index_cast %add3A_2560 : i32 to index
        %get3A_2567 = arith.constant 0 : index
        %get3A_2568 = tpu.vector_load %arg9[%get3A_2565, %get3A_2566, %get3A_2567] {strides = array<i32>} : memref<2x80x128xf32, #tpu.memory_space<vmem>>, vector<16xf32>,
        %mul3A_2569 = arith.mulf %get3A_2564, %get3A_2568 : vector<16xf32>
        %mul3A_2570 = arith.mulf %mul3A_2569, %select_n3A : vector<16xf32>
        %get3A_2571 = arith.index_cast %rem3A_82 : i32 to index
        %get3A_2572 = arith.index_cast %add3A_2560 : i32 to index
        %get3A_2573 = arith.constant 16 : index
        %get3A_2574 = tpu.vector_load %arg8[%get3A_2571, %get3A_2572, %get3A_2573] {strides = array<i32>} : memref<2x80x128xf32, #tpu.memory_space<vmem>>, vector<16xf32>,
        %get3A_2575 = arith.index_cast %rem3A_82 : i32 to index
        %get3A_2576 = arith.index_cast %add3A_2560 : i32 to index
        %get3A_2577 = arith.constant 16 : index
        %get3A_2578 = tpu.vector_load %arg9[%get3A_2575, %get3A_2576, %get3A_2577] {strides = array<i32>} : memref<2x80x128xf32, #tpu.memory_space<vmem>>, vector<16xf32>,
        %mul3A_2579 = arith.mulf %get3A_2574, %get3A_2578 : vector<16xf32>
        %get3A_2580 = arith.index_cast %rem3A_82 : i32 to index
        %get3A_2581 = arith.index_cast %add3A_2560 : i32 to index
        %get3A_2582 = arith.constant 32 : index
        %get3A_2583 = tpu.vector_load %arg8[%get3A_2580, %get3A_2581, %get3A_2582] {strides = array<i32>} : memref<2x80x128xf32, #tpu.memory_space<vmem>>, vector<16xf32>,
        %get3A_2584 = arith.index_cast %rem3A_82 : i32 to index
        %get3A_2585 = arith.index_cast %add3A_2560 : i32 to index
        %get3A_2586 = arith.constant 32 : index
        %get3A_2587 = tpu.vector_load %arg9[%get3A_2584, %get3A_2585, %get3A_2586] {strides = array<i32>} : memref<2x80x128xf32, #tpu.memory_space<vmem>>, vector<16xf32>,
        %mul3A_2588 = arith.mulf %get3A_2583, %get3A_2587 : vector<16xf32>
        %get3A_2589 = arith.index_cast %rem3A_82 : i32 to index
        %get3A_2590 = arith.index_cast %add3A_2560 : i32 to index
        %get3A_2591 = arith.constant 48 : index
        %get3A_2592 = tpu.vector_load %arg8[%get3A_2589, %get3A_2590, %get3A_2591] {strides = array<i32>} : memref<2x80x128xf32, #tpu.memory_space<vmem>>, vector<16xf32>,
        %get3A_2593 = arith.index_cast %rem3A_82 : i32 to index
        %get3A_2594 = arith.index_cast %add3A_2560 : i32 to index
        %get3A_2595 = arith.constant 48 : index
        %get3A_2596 = tpu.vector_load %arg9[%get3A_2593, %get3A_2594, %get3A_2595] {strides = array<i32>} : memref<2x80x128xf32, #tpu.memory_space<vmem>>, vector<16xf32>,
        %mul3A_2597 = arith.mulf %get3A_2592, %get3A_2596 : vector<16xf32>
        %get3A_2598 = arith.index_cast %rem3A_82 : i32 to index
        %get3A_2599 = arith.index_cast %add3A_2560 : i32 to index
        %get3A_2600 = arith.constant 64 : index
        %get3A_2601 = tpu.vector_load %arg8[%get3A_2598, %get3A_2599, %get3A_2600] {strides = array<i32>} : memref<2x80x128xf32, #tpu.memory_space<vmem>>, vector<16xf32>,
        %get3A_2602 = arith.index_cast %rem3A_82 : i32 to index
        %get3A_2603 = arith.index_cast %add3A_2560 : i32 to index
        %get3A_2604 = arith.constant 64 : index
        %get3A_2605 = tpu.vector_load %arg9[%get3A_2602, %get3A_2603, %get3A_2604] {strides = array<i32>} : memref<2x80x128xf32, #tpu.memory_space<vmem>>, vector<16xf32>,
        %mul3A_2606 = arith.mulf %get3A_2601, %get3A_2605 : vector<16xf32>
        %get3A_2607 = arith.index_cast %rem3A_82 : i32 to index
        %get3A_2608 = arith.index_cast %add3A_2560 : i32 to index
        %get3A_2609 = arith.constant 80 : index
        %get3A_2610 = tpu.vector_load %arg8[%get3A_2607, %get3A_2608, %get3A_2609] {strides = array<i32>} : memref<2x80x128xf32, #tpu.memory_space<vmem>>, vector<16xf32>,
        %get3A_2611 = arith.index_cast %rem3A_82 : i32 to index
        %get3A_2612 = arith.index_cast %add3A_2560 : i32 to index
        %get3A_2613 = arith.constant 80 : index
        %get3A_2614 = tpu.vector_load %arg9[%get3A_2611, %get3A_2612, %get3A_2613] {strides = array<i32>} : memref<2x80x128xf32, #tpu.memory_space<vmem>>, vector<16xf32>,
        %mul3A_2615 = arith.mulf %get3A_2610, %get3A_2614 : vector<16xf32>
        %get3A_2616 = arith.index_cast %rem3A_82 : i32 to index
        %get3A_2617 = arith.index_cast %add3A_2560 : i32 to index
        %get3A_2618 = arith.constant 96 : index
        %get3A_2619 = tpu.vector_load %arg8[%get3A_2616, %get3A_2617, %get3A_2618] {strides = array<i32>} : memref<2x80x128xf32, #tpu.memory_space<vmem>>, vector<16xf32>,
        %get3A_2620 = arith.index_cast %rem3A_82 : i32 to index
        %get3A_2621 = arith.index_cast %add3A_2560 : i32 to index
        %get3A_2622 = arith.constant 96 : index
        %get3A_2623 = tpu.vector_load %arg9[%get3A_2620, %get3A_2621, %get3A_2622] {strides = array<i32>} : memref<2x80x128xf32, #tpu.memory_space<vmem>>, vector<16xf32>,
        %mul3A_2624 = arith.mulf %get3A_2619, %get3A_2623 : vector<16xf32>
        %get3A_2625 = arith.index_cast %rem3A_82 : i32 to index
        %get3A_2626 = arith.index_cast %add3A_2560 : i32 to index
        %get3A_2627 = arith.constant 112 : index
        %get3A_2628 = tpu.vector_load %arg8[%get3A_2625, %get3A_2626, %get3A_2627] {strides = array<i32>} : memref<2x80x128xf32, #tpu.memory_space<vmem>>, vector<16xf32>,
        %get3A_2629 = arith.index_cast %rem3A_82 : i32 to index
        %get3A_2630 = arith.index_cast %add3A_2560 : i32 to index
        %get3A_2631 = arith.constant 112 : index
        %get3A_2632 = tpu.vector_load %arg9[%get3A_2629, %get3A_2630, %get3A_2631] {strides = array<i32>} : memref<2x80x128xf32, #tpu.memory_space<vmem>>, vector<16xf32>,
        %mul3A_2633 = arith.mulf %get3A_2628, %get3A_2632 : vector<16xf32>
        %add3A_2634 = arith.addf %mul3A_2570, %mul3A_2579 : vector<16xf32>
        %add3A_2635 = arith.addf %mul3A_2588, %mul3A_2597 : vector<16xf32>
        %add3A_2636 = arith.addf %mul3A_2606, %mul3A_2615 : vector<16xf32>
        %add3A_2637 = arith.addf %mul3A_2624, %mul3A_2633 : vector<16xf32>
        %add3A_2638 = arith.addf %add3A_2634, %add3A_2635 : vector<16xf32>
        %add3A_2639 = arith.addf %add3A_2636, %add3A_2637 : vector<16xf32>
        %add3A_2640 = arith.addf %add3A_2638, %add3A_2639 : vector<16xf32>
        %swap3A_2641 = arith.constant 136 : index
        %swap3A_2642 = tpu.vector_load %arg11[%swap3A_2641] {strides = array<i32>} : memref<272xf32, #tpu.memory_space<vmem>>, vector<16xf32>,
        tpu.vector_store %arg11[%swap3A_2641], %add3A_2640 {strides = array<i32>} : memref<272xf32, #tpu.memory_space<vmem>>, vector<16xf32>,
        %add3A_2643 = arith.constant 9 : i32
        %add3A_2644 = arith.addi %mul3A_1886, %add3A_2643 : i32
        %get3A_2645 = arith.index_cast %rem3A_82 : i32 to index
        %get3A_2646 = arith.index_cast %add3A_2644 : i32 to index
        %get3A_2647 = arith.constant 0 : index
        %get3A_2648 = tpu.vector_load %arg8[%get3A_2645, %get3A_2646, %get3A_2647] {strides = array<i32>} : memref<2x80x128xf32, #tpu.memory_space<vmem>>, vector<16xf32>,
        %get3A_2649 = arith.index_cast %rem3A_82 : i32 to index
        %get3A_2650 = arith.index_cast %add3A_2644 : i32 to index
        %get3A_2651 = arith.constant 0 : index
        %get3A_2652 = tpu.vector_load %arg9[%get3A_2649, %get3A_2650, %get3A_2651] {strides = array<i32>} : memref<2x80x128xf32, #tpu.memory_space<vmem>>, vector<16xf32>,
        %mul3A_2653 = arith.mulf %get3A_2648, %get3A_2652 : vector<16xf32>
        %mul3A_2654 = arith.mulf %mul3A_2653, %select_n3A : vector<16xf32>
        %get3A_2655 = arith.index_cast %rem3A_82 : i32 to index
        %get3A_2656 = arith.index_cast %add3A_2644 : i32 to index
        %get3A_2657 = arith.constant 16 : index
        %get3A_2658 = tpu.vector_load %arg8[%get3A_2655, %get3A_2656, %get3A_2657] {strides = array<i32>} : memref<2x80x128xf32, #tpu.memory_space<vmem>>, vector<16xf32>,
        %get3A_2659 = arith.index_cast %rem3A_82 : i32 to index
        %get3A_2660 = arith.index_cast %add3A_2644 : i32 to index
        %get3A_2661 = arith.constant 16 : index
        %get3A_2662 = tpu.vector_load %arg9[%get3A_2659, %get3A_2660, %get3A_2661] {strides = array<i32>} : memref<2x80x128xf32, #tpu.memory_space<vmem>>, vector<16xf32>,
        %mul3A_2663 = arith.mulf %get3A_2658, %get3A_2662 : vector<16xf32>
        %get3A_2664 = arith.index_cast %rem3A_82 : i32 to index
        %get3A_2665 = arith.index_cast %add3A_2644 : i32 to index
        %get3A_2666 = arith.constant 32 : index
        %get3A_2667 = tpu.vector_load %arg8[%get3A_2664, %get3A_2665, %get3A_2666] {strides = array<i32>} : memref<2x80x128xf32, #tpu.memory_space<vmem>>, vector<16xf32>,
        %get3A_2668 = arith.index_cast %rem3A_82 : i32 to index
        %get3A_2669 = arith.index_cast %add3A_2644 : i32 to index
        %get3A_2670 = arith.constant 32 : index
        %get3A_2671 = tpu.vector_load %arg9[%get3A_2668, %get3A_2669, %get3A_2670] {strides = array<i32>} : memref<2x80x128xf32, #tpu.memory_space<vmem>>, vector<16xf32>,
        %mul3A_2672 = arith.mulf %get3A_2667, %get3A_2671 : vector<16xf32>
        %get3A_2673 = arith.index_cast %rem3A_82 : i32 to index
        %get3A_2674 = arith.index_cast %add3A_2644 : i32 to index
        %get3A_2675 = arith.constant 48 : index
        %get3A_2676 = tpu.vector_load %arg8[%get3A_2673, %get3A_2674, %get3A_2675] {strides = array<i32>} : memref<2x80x128xf32, #tpu.memory_space<vmem>>, vector<16xf32>,
        %get3A_2677 = arith.index_cast %rem3A_82 : i32 to index
        %get3A_2678 = arith.index_cast %add3A_2644 : i32 to index
        %get3A_2679 = arith.constant 48 : index
        %get3A_2680 = tpu.vector_load %arg9[%get3A_2677, %get3A_2678, %get3A_2679] {strides = array<i32>} : memref<2x80x128xf32, #tpu.memory_space<vmem>>, vector<16xf32>,
        %mul3A_2681 = arith.mulf %get3A_2676, %get3A_2680 : vector<16xf32>
        %get3A_2682 = arith.index_cast %rem3A_82 : i32 to index
        %get3A_2683 = arith.index_cast %add3A_2644 : i32 to index
        %get3A_2684 = arith.constant 64 : index
        %get3A_2685 = tpu.vector_load %arg8[%get3A_2682, %get3A_2683, %get3A_2684] {strides = array<i32>} : memref<2x80x128xf32, #tpu.memory_space<vmem>>, vector<16xf32>,
        %get3A_2686 = arith.index_cast %rem3A_82 : i32 to index
        %get3A_2687 = arith.index_cast %add3A_2644 : i32 to index
        %get3A_2688 = arith.constant 64 : index
        %get3A_2689 = tpu.vector_load %arg9[%get3A_2686, %get3A_2687, %get3A_2688] {strides = array<i32>} : memref<2x80x128xf32, #tpu.memory_space<vmem>>, vector<16xf32>,
        %mul3A_2690 = arith.mulf %get3A_2685, %get3A_2689 : vector<16xf32>
        %get3A_2691 = arith.index_cast %rem3A_82 : i32 to index
        %get3A_2692 = arith.index_cast %add3A_2644 : i32 to index
        %get3A_2693 = arith.constant 80 : index
        %get3A_2694 = tpu.vector_load %arg8[%get3A_2691, %get3A_2692, %get3A_2693] {strides = array<i32>} : memref<2x80x128xf32, #tpu.memory_space<vmem>>, vector<16xf32>,
        %get3A_2695 = arith.index_cast %rem3A_82 : i32 to index
        %get3A_2696 = arith.index_cast %add3A_2644 : i32 to index
        %get3A_2697 = arith.constant 80 : index
        %get3A_2698 = tpu.vector_load %arg9[%get3A_2695, %get3A_2696, %get3A_2697] {strides = array<i32>} : memref<2x80x128xf32, #tpu.memory_space<vmem>>, vector<16xf32>,
        %mul3A_2699 = arith.mulf %get3A_2694, %get3A_2698 : vector<16xf32>
        %get3A_2700 = arith.index_cast %rem3A_82 : i32 to index
        %get3A_2701 = arith.index_cast %add3A_2644 : i32 to index
        %get3A_2702 = arith.constant 96 : index
        %get3A_2703 = tpu.vector_load %arg8[%get3A_2700, %get3A_2701, %get3A_2702] {strides = array<i32>} : memref<2x80x128xf32, #tpu.memory_space<vmem>>, vector<16xf32>,
        %get3A_2704 = arith.index_cast %rem3A_82 : i32 to index
        %get3A_2705 = arith.index_cast %add3A_2644 : i32 to index
        %get3A_2706 = arith.constant 96 : index
        %get3A_2707 = tpu.vector_load %arg9[%get3A_2704, %get3A_2705, %get3A_2706] {strides = array<i32>} : memref<2x80x128xf32, #tpu.memory_space<vmem>>, vector<16xf32>,
        %mul3A_2708 = arith.mulf %get3A_2703, %get3A_2707 : vector<16xf32>
        %get3A_2709 = arith.index_cast %rem3A_82 : i32 to index
        %get3A_2710 = arith.index_cast %add3A_2644 : i32 to index
        %get3A_2711 = arith.constant 112 : index
        %get3A_2712 = tpu.vector_load %arg8[%get3A_2709, %get3A_2710, %get3A_2711] {strides = array<i32>} : memref<2x80x128xf32, #tpu.memory_space<vmem>>, vector<16xf32>,
        %get3A_2713 = arith.index_cast %rem3A_82 : i32 to index
        %get3A_2714 = arith.index_cast %add3A_2644 : i32 to index
        %get3A_2715 = arith.constant 112 : index
        %get3A_2716 = tpu.vector_load %arg9[%get3A_2713, %get3A_2714, %get3A_2715] {strides = array<i32>} : memref<2x80x128xf32, #tpu.memory_space<vmem>>, vector<16xf32>,
        %mul3A_2717 = arith.mulf %get3A_2712, %get3A_2716 : vector<16xf32>
        %add3A_2718 = arith.addf %mul3A_2654, %mul3A_2663 : vector<16xf32>
        %add3A_2719 = arith.addf %mul3A_2672, %mul3A_2681 : vector<16xf32>
        %add3A_2720 = arith.addf %mul3A_2690, %mul3A_2699 : vector<16xf32>
        %add3A_2721 = arith.addf %mul3A_2708, %mul3A_2717 : vector<16xf32>
        %add3A_2722 = arith.addf %add3A_2718, %add3A_2719 : vector<16xf32>
        %add3A_2723 = arith.addf %add3A_2720, %add3A_2721 : vector<16xf32>
        %add3A_2724 = arith.addf %add3A_2722, %add3A_2723 : vector<16xf32>
        %swap3A_2725 = arith.constant 153 : index
        %swap3A_2726 = tpu.vector_load %arg11[%swap3A_2725] {strides = array<i32>} : memref<272xf32, #tpu.memory_space<vmem>>, vector<16xf32>,
        tpu.vector_store %arg11[%swap3A_2725], %add3A_2724 {strides = array<i32>} : memref<272xf32, #tpu.memory_space<vmem>>, vector<16xf32>,
        %add3A_2727 = arith.constant 10 : i32
        %add3A_2728 = arith.addi %mul3A_1886, %add3A_2727 : i32
        %get3A_2729 = arith.index_cast %rem3A_82 : i32 to index
        %get3A_2730 = arith.index_cast %add3A_2728 : i32 to index
        %get3A_2731 = arith.constant 0 : index
        %get3A_2732 = tpu.vector_load %arg8[%get3A_2729, %get3A_2730, %get3A_2731] {strides = array<i32>} : memref<2x80x128xf32, #tpu.memory_space<vmem>>, vector<16xf32>,
        %get3A_2733 = arith.index_cast %rem3A_82 : i32 to index
        %get3A_2734 = arith.index_cast %add3A_2728 : i32 to index
        %get3A_2735 = arith.constant 0 : index
        %get3A_2736 = tpu.vector_load %arg9[%get3A_2733, %get3A_2734, %get3A_2735] {strides = array<i32>} : memref<2x80x128xf32, #tpu.memory_space<vmem>>, vector<16xf32>,
        %mul3A_2737 = arith.mulf %get3A_2732, %get3A_2736 : vector<16xf32>
        %mul3A_2738 = arith.mulf %mul3A_2737, %select_n3A : vector<16xf32>
        %get3A_2739 = arith.index_cast %rem3A_82 : i32 to index
        %get3A_2740 = arith.index_cast %add3A_2728 : i32 to index
        %get3A_2741 = arith.constant 16 : index
        %get3A_2742 = tpu.vector_load %arg8[%get3A_2739, %get3A_2740, %get3A_2741] {strides = array<i32>} : memref<2x80x128xf32, #tpu.memory_space<vmem>>, vector<16xf32>,
        %get3A_2743 = arith.index_cast %rem3A_82 : i32 to index
        %get3A_2744 = arith.index_cast %add3A_2728 : i32 to index
        %get3A_2745 = arith.constant 16 : index
        %get3A_2746 = tpu.vector_load %arg9[%get3A_2743, %get3A_2744, %get3A_2745] {strides = array<i32>} : memref<2x80x128xf32, #tpu.memory_space<vmem>>, vector<16xf32>,
        %mul3A_2747 = arith.mulf %get3A_2742, %get3A_2746 : vector<16xf32>
        %get3A_2748 = arith.index_cast %rem3A_82 : i32 to index
        %get3A_2749 = arith.index_cast %add3A_2728 : i32 to index
        %get3A_2750 = arith.constant 32 : index
        %get3A_2751 = tpu.vector_load %arg8[%get3A_2748, %get3A_2749, %get3A_2750] {strides = array<i32>} : memref<2x80x128xf32, #tpu.memory_space<vmem>>, vector<16xf32>,
        %get3A_2752 = arith.index_cast %rem3A_82 : i32 to index
        %get3A_2753 = arith.index_cast %add3A_2728 : i32 to index
        %get3A_2754 = arith.constant 32 : index
        %get3A_2755 = tpu.vector_load %arg9[%get3A_2752, %get3A_2753, %get3A_2754] {strides = array<i32>} : memref<2x80x128xf32, #tpu.memory_space<vmem>>, vector<16xf32>,
        %mul3A_2756 = arith.mulf %get3A_2751, %get3A_2755 : vector<16xf32>
        %get3A_2757 = arith.index_cast %rem3A_82 : i32 to index
        %get3A_2758 = arith.index_cast %add3A_2728 : i32 to index
        %get3A_2759 = arith.constant 48 : index
        %get3A_2760 = tpu.vector_load %arg8[%get3A_2757, %get3A_2758, %get3A_2759] {strides = array<i32>} : memref<2x80x128xf32, #tpu.memory_space<vmem>>, vector<16xf32>,
        %get3A_2761 = arith.index_cast %rem3A_82 : i32 to index
        %get3A_2762 = arith.index_cast %add3A_2728 : i32 to index
        %get3A_2763 = arith.constant 48 : index
        %get3A_2764 = tpu.vector_load %arg9[%get3A_2761, %get3A_2762, %get3A_2763] {strides = array<i32>} : memref<2x80x128xf32, #tpu.memory_space<vmem>>, vector<16xf32>,
        %mul3A_2765 = arith.mulf %get3A_2760, %get3A_2764 : vector<16xf32>
        %get3A_2766 = arith.index_cast %rem3A_82 : i32 to index
        %get3A_2767 = arith.index_cast %add3A_2728 : i32 to index
        %get3A_2768 = arith.constant 64 : index
        %get3A_2769 = tpu.vector_load %arg8[%get3A_2766, %get3A_2767, %get3A_2768] {strides = array<i32>} : memref<2x80x128xf32, #tpu.memory_space<vmem>>, vector<16xf32>,
        %get3A_2770 = arith.index_cast %rem3A_82 : i32 to index
        %get3A_2771 = arith.index_cast %add3A_2728 : i32 to index
        %get3A_2772 = arith.constant 64 : index
        %get3A_2773 = tpu.vector_load %arg9[%get3A_2770, %get3A_2771, %get3A_2772] {strides = array<i32>} : memref<2x80x128xf32, #tpu.memory_space<vmem>>, vector<16xf32>,
        %mul3A_2774 = arith.mulf %get3A_2769, %get3A_2773 : vector<16xf32>
        %get3A_2775 = arith.index_cast %rem3A_82 : i32 to index
        %get3A_2776 = arith.index_cast %add3A_2728 : i32 to index
        %get3A_2777 = arith.constant 80 : index
        %get3A_2778 = tpu.vector_load %arg8[%get3A_2775, %get3A_2776, %get3A_2777] {strides = array<i32>} : memref<2x80x128xf32, #tpu.memory_space<vmem>>, vector<16xf32>,
        %get3A_2779 = arith.index_cast %rem3A_82 : i32 to index
        %get3A_2780 = arith.index_cast %add3A_2728 : i32 to index
        %get3A_2781 = arith.constant 80 : index
        %get3A_2782 = tpu.vector_load %arg9[%get3A_2779, %get3A_2780, %get3A_2781] {strides = array<i32>} : memref<2x80x128xf32, #tpu.memory_space<vmem>>, vector<16xf32>,
        %mul3A_2783 = arith.mulf %get3A_2778, %get3A_2782 : vector<16xf32>
        %get3A_2784 = arith.index_cast %rem3A_82 : i32 to index
        %get3A_2785 = arith.index_cast %add3A_2728 : i32 to index
        %get3A_2786 = arith.constant 96 : index
        %get3A_2787 = tpu.vector_load %arg8[%get3A_2784, %get3A_2785, %get3A_2786] {strides = array<i32>} : memref<2x80x128xf32, #tpu.memory_space<vmem>>, vector<16xf32>,
        %get3A_2788 = arith.index_cast %rem3A_82 : i32 to index
        %get3A_2789 = arith.index_cast %add3A_2728 : i32 to index
        %get3A_2790 = arith.constant 96 : index
        %get3A_2791 = tpu.vector_load %arg9[%get3A_2788, %get3A_2789, %get3A_2790] {strides = array<i32>} : memref<2x80x128xf32, #tpu.memory_space<vmem>>, vector<16xf32>,
        %mul3A_2792 = arith.mulf %get3A_2787, %get3A_2791 : vector<16xf32>
        %get3A_2793 = arith.index_cast %rem3A_82 : i32 to index
        %get3A_2794 = arith.index_cast %add3A_2728 : i32 to index
        %get3A_2795 = arith.constant 112 : index
        %get3A_2796 = tpu.vector_load %arg8[%get3A_2793, %get3A_2794, %get3A_2795] {strides = array<i32>} : memref<2x80x128xf32, #tpu.memory_space<vmem>>, vector<16xf32>,
        %get3A_2797 = arith.index_cast %rem3A_82 : i32 to index
        %get3A_2798 = arith.index_cast %add3A_2728 : i32 to index
        %get3A_2799 = arith.constant 112 : index
        %get3A_2800 = tpu.vector_load %arg9[%get3A_2797, %get3A_2798, %get3A_2799] {strides = array<i32>} : memref<2x80x128xf32, #tpu.memory_space<vmem>>, vector<16xf32>,
        %mul3A_2801 = arith.mulf %get3A_2796, %get3A_2800 : vector<16xf32>
        %add3A_2802 = arith.addf %mul3A_2738, %mul3A_2747 : vector<16xf32>
        %add3A_2803 = arith.addf %mul3A_2756, %mul3A_2765 : vector<16xf32>
        %add3A_2804 = arith.addf %mul3A_2774, %mul3A_2783 : vector<16xf32>
        %add3A_2805 = arith.addf %mul3A_2792, %mul3A_2801 : vector<16xf32>
        %add3A_2806 = arith.addf %add3A_2802, %add3A_2803 : vector<16xf32>
        %add3A_2807 = arith.addf %add3A_2804, %add3A_2805 : vector<16xf32>
        %add3A_2808 = arith.addf %add3A_2806, %add3A_2807 : vector<16xf32>
        %swap3A_2809 = arith.constant 170 : index
        %swap3A_2810 = tpu.vector_load %arg11[%swap3A_2809] {strides = array<i32>} : memref<272xf32, #tpu.memory_space<vmem>>, vector<16xf32>,
        tpu.vector_store %arg11[%swap3A_2809], %add3A_2808 {strides = array<i32>} : memref<272xf32, #tpu.memory_space<vmem>>, vector<16xf32>,
        %add3A_2811 = arith.constant 11 : i32
        %add3A_2812 = arith.addi %mul3A_1886, %add3A_2811 : i32
        %get3A_2813 = arith.index_cast %rem3A_82 : i32 to index
        %get3A_2814 = arith.index_cast %add3A_2812 : i32 to index
        %get3A_2815 = arith.constant 0 : index
        %get3A_2816 = tpu.vector_load %arg8[%get3A_2813, %get3A_2814, %get3A_2815] {strides = array<i32>} : memref<2x80x128xf32, #tpu.memory_space<vmem>>, vector<16xf32>,
        %get3A_2817 = arith.index_cast %rem3A_82 : i32 to index
        %get3A_2818 = arith.index_cast %add3A_2812 : i32 to index
        %get3A_2819 = arith.constant 0 : index
        %get3A_2820 = tpu.vector_load %arg9[%get3A_2817, %get3A_2818, %get3A_2819] {strides = array<i32>} : memref<2x80x128xf32, #tpu.memory_space<vmem>>, vector<16xf32>,
        %mul3A_2821 = arith.mulf %get3A_2816, %get3A_2820 : vector<16xf32>
        %mul3A_2822 = arith.mulf %mul3A_2821, %select_n3A : vector<16xf32>
        %get3A_2823 = arith.index_cast %rem3A_82 : i32 to index
        %get3A_2824 = arith.index_cast %add3A_2812 : i32 to index
        %get3A_2825 = arith.constant 16 : index
        %get3A_2826 = tpu.vector_load %arg8[%get3A_2823, %get3A_2824, %get3A_2825] {strides = array<i32>} : memref<2x80x128xf32, #tpu.memory_space<vmem>>, vector<16xf32>,
        %get3A_2827 = arith.index_cast %rem3A_82 : i32 to index
        %get3A_2828 = arith.index_cast %add3A_2812 : i32 to index
        %get3A_2829 = arith.constant 16 : index
        %get3A_2830 = tpu.vector_load %arg9[%get3A_2827, %get3A_2828, %get3A_2829] {strides = array<i32>} : memref<2x80x128xf32, #tpu.memory_space<vmem>>, vector<16xf32>,
        %mul3A_2831 = arith.mulf %get3A_2826, %get3A_2830 : vector<16xf32>
        %get3A_2832 = arith.index_cast %rem3A_82 : i32 to index
        %get3A_2833 = arith.index_cast %add3A_2812 : i32 to index
        %get3A_2834 = arith.constant 32 : index
        %get3A_2835 = tpu.vector_load %arg8[%get3A_2832, %get3A_2833, %get3A_2834] {strides = array<i32>} : memref<2x80x128xf32, #tpu.memory_space<vmem>>, vector<16xf32>,
        %get3A_2836 = arith.index_cast %rem3A_82 : i32 to index
        %get3A_2837 = arith.index_cast %add3A_2812 : i32 to index
        %get3A_2838 = arith.constant 32 : index
        %get3A_2839 = tpu.vector_load %arg9[%get3A_2836, %get3A_2837, %get3A_2838] {strides = array<i32>} : memref<2x80x128xf32, #tpu.memory_space<vmem>>, vector<16xf32>,
        %mul3A_2840 = arith.mulf %get3A_2835, %get3A_2839 : vector<16xf32>
        %get3A_2841 = arith.index_cast %rem3A_82 : i32 to index
        %get3A_2842 = arith.index_cast %add3A_2812 : i32 to index
        %get3A_2843 = arith.constant 48 : index
        %get3A_2844 = tpu.vector_load %arg8[%get3A_2841, %get3A_2842, %get3A_2843] {strides = array<i32>} : memref<2x80x128xf32, #tpu.memory_space<vmem>>, vector<16xf32>,
        %get3A_2845 = arith.index_cast %rem3A_82 : i32 to index
        %get3A_2846 = arith.index_cast %add3A_2812 : i32 to index
        %get3A_2847 = arith.constant 48 : index
        %get3A_2848 = tpu.vector_load %arg9[%get3A_2845, %get3A_2846, %get3A_2847] {strides = array<i32>} : memref<2x80x128xf32, #tpu.memory_space<vmem>>, vector<16xf32>,
        %mul3A_2849 = arith.mulf %get3A_2844, %get3A_2848 : vector<16xf32>
        %get3A_2850 = arith.index_cast %rem3A_82 : i32 to index
        %get3A_2851 = arith.index_cast %add3A_2812 : i32 to index
        %get3A_2852 = arith.constant 64 : index
        %get3A_2853 = tpu.vector_load %arg8[%get3A_2850, %get3A_2851, %get3A_2852] {strides = array<i32>} : memref<2x80x128xf32, #tpu.memory_space<vmem>>, vector<16xf32>,
        %get3A_2854 = arith.index_cast %rem3A_82 : i32 to index
        %get3A_2855 = arith.index_cast %add3A_2812 : i32 to index
        %get3A_2856 = arith.constant 64 : index
        %get3A_2857 = tpu.vector_load %arg9[%get3A_2854, %get3A_2855, %get3A_2856] {strides = array<i32>} : memref<2x80x128xf32, #tpu.memory_space<vmem>>, vector<16xf32>,
        %mul3A_2858 = arith.mulf %get3A_2853, %get3A_2857 : vector<16xf32>
        %get3A_2859 = arith.index_cast %rem3A_82 : i32 to index
        %get3A_2860 = arith.index_cast %add3A_2812 : i32 to index
        %get3A_2861 = arith.constant 80 : index
        %get3A_2862 = tpu.vector_load %arg8[%get3A_2859, %get3A_2860, %get3A_2861] {strides = array<i32>} : memref<2x80x128xf32, #tpu.memory_space<vmem>>, vector<16xf32>,
        %get3A_2863 = arith.index_cast %rem3A_82 : i32 to index
        %get3A_2864 = arith.index_cast %add3A_2812 : i32 to index
        %get3A_2865 = arith.constant 80 : index
        %get3A_2866 = tpu.vector_load %arg9[%get3A_2863, %get3A_2864, %get3A_2865] {strides = array<i32>} : memref<2x80x128xf32, #tpu.memory_space<vmem>>, vector<16xf32>,
        %mul3A_2867 = arith.mulf %get3A_2862, %get3A_2866 : vector<16xf32>
        %get3A_2868 = arith.index_cast %rem3A_82 : i32 to index
        %get3A_2869 = arith.index_cast %add3A_2812 : i32 to index
        %get3A_2870 = arith.constant 96 : index
        %get3A_2871 = tpu.vector_load %arg8[%get3A_2868, %get3A_2869, %get3A_2870] {strides = array<i32>} : memref<2x80x128xf32, #tpu.memory_space<vmem>>, vector<16xf32>,
        %get3A_2872 = arith.index_cast %rem3A_82 : i32 to index
        %get3A_2873 = arith.index_cast %add3A_2812 : i32 to index
        %get3A_2874 = arith.constant 96 : index
        %get3A_2875 = tpu.vector_load %arg9[%get3A_2872, %get3A_2873, %get3A_2874] {strides = array<i32>} : memref<2x80x128xf32, #tpu.memory_space<vmem>>, vector<16xf32>,
        %mul3A_2876 = arith.mulf %get3A_2871, %get3A_2875 : vector<16xf32>
        %get3A_2877 = arith.index_cast %rem3A_82 : i32 to index
        %get3A_2878 = arith.index_cast %add3A_2812 : i32 to index
        %get3A_2879 = arith.constant 112 : index
        %get3A_2880 = tpu.vector_load %arg8[%get3A_2877, %get3A_2878, %get3A_2879] {strides = array<i32>} : memref<2x80x128xf32, #tpu.memory_space<vmem>>, vector<16xf32>,
        %get3A_2881 = arith.index_cast %rem3A_82 : i32 to index
        %get3A_2882 = arith.index_cast %add3A_2812 : i32 to index
        %get3A_2883 = arith.constant 112 : index
        %get3A_2884 = tpu.vector_load %arg9[%get3A_2881, %get3A_2882, %get3A_2883] {strides = array<i32>} : memref<2x80x128xf32, #tpu.memory_space<vmem>>, vector<16xf32>,
        %mul3A_2885 = arith.mulf %get3A_2880, %get3A_2884 : vector<16xf32>
        %add3A_2886 = arith.addf %mul3A_2822, %mul3A_2831 : vector<16xf32>
        %add3A_2887 = arith.addf %mul3A_2840, %mul3A_2849 : vector<16xf32>
        %add3A_2888 = arith.addf %mul3A_2858, %mul3A_2867 : vector<16xf32>
        %add3A_2889 = arith.addf %mul3A_2876, %mul3A_2885 : vector<16xf32>
        %add3A_2890 = arith.addf %add3A_2886, %add3A_2887 : vector<16xf32>
        %add3A_2891 = arith.addf %add3A_2888, %add3A_2889 : vector<16xf32>
        %add3A_2892 = arith.addf %add3A_2890, %add3A_2891 : vector<16xf32>
        %swap3A_2893 = arith.constant 187 : index
        %swap3A_2894 = tpu.vector_load %arg11[%swap3A_2893] {strides = array<i32>} : memref<272xf32, #tpu.memory_space<vmem>>, vector<16xf32>,
        tpu.vector_store %arg11[%swap3A_2893], %add3A_2892 {strides = array<i32>} : memref<272xf32, #tpu.memory_space<vmem>>, vector<16xf32>,
        %add3A_2895 = arith.constant 12 : i32
        %add3A_2896 = arith.addi %mul3A_1886, %add3A_2895 : i32
        %get3A_2897 = arith.index_cast %rem3A_82 : i32 to index
        %get3A_2898 = arith.index_cast %add3A_2896 : i32 to index
        %get3A_2899 = arith.constant 0 : index
        %get3A_2900 = tpu.vector_load %arg8[%get3A_2897, %get3A_2898, %get3A_2899] {strides = array<i32>} : memref<2x80x128xf32, #tpu.memory_space<vmem>>, vector<16xf32>,
        %get3A_2901 = arith.index_cast %rem3A_82 : i32 to index
        %get3A_2902 = arith.index_cast %add3A_2896 : i32 to index
        %get3A_2903 = arith.constant 0 : index
        %get3A_2904 = tpu.vector_load %arg9[%get3A_2901, %get3A_2902, %get3A_2903] {strides = array<i32>} : memref<2x80x128xf32, #tpu.memory_space<vmem>>, vector<16xf32>,
        %mul3A_2905 = arith.mulf %get3A_2900, %get3A_2904 : vector<16xf32>
        %mul3A_2906 = arith.mulf %mul3A_2905, %select_n3A : vector<16xf32>
        %get3A_2907 = arith.index_cast %rem3A_82 : i32 to index
        %get3A_2908 = arith.index_cast %add3A_2896 : i32 to index
        %get3A_2909 = arith.constant 16 : index
        %get3A_2910 = tpu.vector_load %arg8[%get3A_2907, %get3A_2908, %get3A_2909] {strides = array<i32>} : memref<2x80x128xf32, #tpu.memory_space<vmem>>, vector<16xf32>,
        %get3A_2911 = arith.index_cast %rem3A_82 : i32 to index
        %get3A_2912 = arith.index_cast %add3A_2896 : i32 to index
        %get3A_2913 = arith.constant 16 : index
        %get3A_2914 = tpu.vector_load %arg9[%get3A_2911, %get3A_2912, %get3A_2913] {strides = array<i32>} : memref<2x80x128xf32, #tpu.memory_space<vmem>>, vector<16xf32>,
        %mul3A_2915 = arith.mulf %get3A_2910, %get3A_2914 : vector<16xf32>
        %get3A_2916 = arith.index_cast %rem3A_82 : i32 to index
        %get3A_2917 = arith.index_cast %add3A_2896 : i32 to index
        %get3A_2918 = arith.constant 32 : index
        %get3A_2919 = tpu.vector_load %arg8[%get3A_2916, %get3A_2917, %get3A_2918] {strides = array<i32>} : memref<2x80x128xf32, #tpu.memory_space<vmem>>, vector<16xf32>,
        %get3A_2920 = arith.index_cast %rem3A_82 : i32 to index
        %get3A_2921 = arith.index_cast %add3A_2896 : i32 to index
        %get3A_2922 = arith.constant 32 : index
        %get3A_2923 = tpu.vector_load %arg9[%get3A_2920, %get3A_2921, %get3A_2922] {strides = array<i32>} : memref<2x80x128xf32, #tpu.memory_space<vmem>>, vector<16xf32>,
        %mul3A_2924 = arith.mulf %get3A_2919, %get3A_2923 : vector<16xf32>
        %get3A_2925 = arith.index_cast %rem3A_82 : i32 to index
        %get3A_2926 = arith.index_cast %add3A_2896 : i32 to index
        %get3A_2927 = arith.constant 48 : index
        %get3A_2928 = tpu.vector_load %arg8[%get3A_2925, %get3A_2926, %get3A_2927] {strides = array<i32>} : memref<2x80x128xf32, #tpu.memory_space<vmem>>, vector<16xf32>,
        %get3A_2929 = arith.index_cast %rem3A_82 : i32 to index
        %get3A_2930 = arith.index_cast %add3A_2896 : i32 to index
        %get3A_2931 = arith.constant 48 : index
        %get3A_2932 = tpu.vector_load %arg9[%get3A_2929, %get3A_2930, %get3A_2931] {strides = array<i32>} : memref<2x80x128xf32, #tpu.memory_space<vmem>>, vector<16xf32>,
        %mul3A_2933 = arith.mulf %get3A_2928, %get3A_2932 : vector<16xf32>
        %get3A_2934 = arith.index_cast %rem3A_82 : i32 to index
        %get3A_2935 = arith.index_cast %add3A_2896 : i32 to index
        %get3A_2936 = arith.constant 64 : index
        %get3A_2937 = tpu.vector_load %arg8[%get3A_2934, %get3A_2935, %get3A_2936] {strides = array<i32>} : memref<2x80x128xf32, #tpu.memory_space<vmem>>, vector<16xf32>,
        %get3A_2938 = arith.index_cast %rem3A_82 : i32 to index
        %get3A_2939 = arith.index_cast %add3A_2896 : i32 to index
        %get3A_2940 = arith.constant 64 : index
        %get3A_2941 = tpu.vector_load %arg9[%get3A_2938, %get3A_2939, %get3A_2940] {strides = array<i32>} : memref<2x80x128xf32, #tpu.memory_space<vmem>>, vector<16xf32>,
        %mul3A_2942 = arith.mulf %get3A_2937, %get3A_2941 : vector<16xf32>
        %get3A_2943 = arith.index_cast %rem3A_82 : i32 to index
        %get3A_2944 = arith.index_cast %add3A_2896 : i32 to index
        %get3A_2945 = arith.constant 80 : index
        %get3A_2946 = tpu.vector_load %arg8[%get3A_2943, %get3A_2944, %get3A_2945] {strides = array<i32>} : memref<2x80x128xf32, #tpu.memory_space<vmem>>, vector<16xf32>,
        %get3A_2947 = arith.index_cast %rem3A_82 : i32 to index
        %get3A_2948 = arith.index_cast %add3A_2896 : i32 to index
        %get3A_2949 = arith.constant 80 : index
        %get3A_2950 = tpu.vector_load %arg9[%get3A_2947, %get3A_2948, %get3A_2949] {strides = array<i32>} : memref<2x80x128xf32, #tpu.memory_space<vmem>>, vector<16xf32>,
        %mul3A_2951 = arith.mulf %get3A_2946, %get3A_2950 : vector<16xf32>
        %get3A_2952 = arith.index_cast %rem3A_82 : i32 to index
        %get3A_2953 = arith.index_cast %add3A_2896 : i32 to index
        %get3A_2954 = arith.constant 96 : index
        %get3A_2955 = tpu.vector_load %arg8[%get3A_2952, %get3A_2953, %get3A_2954] {strides = array<i32>} : memref<2x80x128xf32, #tpu.memory_space<vmem>>, vector<16xf32>,
        %get3A_2956 = arith.index_cast %rem3A_82 : i32 to index
        %get3A_2957 = arith.index_cast %add3A_2896 : i32 to index
        %get3A_2958 = arith.constant 96 : index
        %get3A_2959 = tpu.vector_load %arg9[%get3A_2956, %get3A_2957, %get3A_2958] {strides = array<i32>} : memref<2x80x128xf32, #tpu.memory_space<vmem>>, vector<16xf32>,
        %mul3A_2960 = arith.mulf %get3A_2955, %get3A_2959 : vector<16xf32>
        %get3A_2961 = arith.index_cast %rem3A_82 : i32 to index
        %get3A_2962 = arith.index_cast %add3A_2896 : i32 to index
        %get3A_2963 = arith.constant 112 : index
        %get3A_2964 = tpu.vector_load %arg8[%get3A_2961, %get3A_2962, %get3A_2963] {strides = array<i32>} : memref<2x80x128xf32, #tpu.memory_space<vmem>>, vector<16xf32>,
        %get3A_2965 = arith.index_cast %rem3A_82 : i32 to index
        %get3A_2966 = arith.index_cast %add3A_2896 : i32 to index
        %get3A_2967 = arith.constant 112 : index
        %get3A_2968 = tpu.vector_load %arg9[%get3A_2965, %get3A_2966, %get3A_2967] {strides = array<i32>} : memref<2x80x128xf32, #tpu.memory_space<vmem>>, vector<16xf32>,
        %mul3A_2969 = arith.mulf %get3A_2964, %get3A_2968 : vector<16xf32>
        %add3A_2970 = arith.addf %mul3A_2906, %mul3A_2915 : vector<16xf32>
        %add3A_2971 = arith.addf %mul3A_2924, %mul3A_2933 : vector<16xf32>
        %add3A_2972 = arith.addf %mul3A_2942, %mul3A_2951 : vector<16xf32>
        %add3A_2973 = arith.addf %mul3A_2960, %mul3A_2969 : vector<16xf32>
        %add3A_2974 = arith.addf %add3A_2970, %add3A_2971 : vector<16xf32>
        %add3A_2975 = arith.addf %add3A_2972, %add3A_2973 : vector<16xf32>
        %add3A_2976 = arith.addf %add3A_2974, %add3A_2975 : vector<16xf32>
        %swap3A_2977 = arith.constant 204 : index
        %swap3A_2978 = tpu.vector_load %arg11[%swap3A_2977] {strides = array<i32>} : memref<272xf32, #tpu.memory_space<vmem>>, vector<16xf32>,
        tpu.vector_store %arg11[%swap3A_2977], %add3A_2976 {strides = array<i32>} : memref<272xf32, #tpu.memory_space<vmem>>, vector<16xf32>,
        %add3A_2979 = arith.constant 13 : i32
        %add3A_2980 = arith.addi %mul3A_1886, %add3A_2979 : i32
        %get3A_2981 = arith.index_cast %rem3A_82 : i32 to index
        %get3A_2982 = arith.index_cast %add3A_2980 : i32 to index
        %get3A_2983 = arith.constant 0 : index
        %get3A_2984 = tpu.vector_load %arg8[%get3A_2981, %get3A_2982, %get3A_2983] {strides = array<i32>} : memref<2x80x128xf32, #tpu.memory_space<vmem>>, vector<16xf32>,
        %get3A_2985 = arith.index_cast %rem3A_82 : i32 to index
        %get3A_2986 = arith.index_cast %add3A_2980 : i32 to index
        %get3A_2987 = arith.constant 0 : index
        %get3A_2988 = tpu.vector_load %arg9[%get3A_2985, %get3A_2986, %get3A_2987] {strides = array<i32>} : memref<2x80x128xf32, #tpu.memory_space<vmem>>, vector<16xf32>,
        %mul3A_2989 = arith.mulf %get3A_2984, %get3A_2988 : vector<16xf32>
        %mul3A_2990 = arith.mulf %mul3A_2989, %select_n3A : vector<16xf32>
        %get3A_2991 = arith.index_cast %rem3A_82 : i32 to index
        %get3A_2992 = arith.index_cast %add3A_2980 : i32 to index
        %get3A_2993 = arith.constant 16 : index
        %get3A_2994 = tpu.vector_load %arg8[%get3A_2991, %get3A_2992, %get3A_2993] {strides = array<i32>} : memref<2x80x128xf32, #tpu.memory_space<vmem>>, vector<16xf32>,
        %get3A_2995 = arith.index_cast %rem3A_82 : i32 to index
        %get3A_2996 = arith.index_cast %add3A_2980 : i32 to index
        %get3A_2997 = arith.constant 16 : index
        %get3A_2998 = tpu.vector_load %arg9[%get3A_2995, %get3A_2996, %get3A_2997] {strides = array<i32>} : memref<2x80x128xf32, #tpu.memory_space<vmem>>, vector<16xf32>,
        %mul3A_2999 = arith.mulf %get3A_2994, %get3A_2998 : vector<16xf32>
        %get3A_3000 = arith.index_cast %rem3A_82 : i32 to index
        %get3A_3001 = arith.index_cast %add3A_2980 : i32 to index
        %get3A_3002 = arith.constant 32 : index
        %get3A_3003 = tpu.vector_load %arg8[%get3A_3000, %get3A_3001, %get3A_3002] {strides = array<i32>} : memref<2x80x128xf32, #tpu.memory_space<vmem>>, vector<16xf32>,
        %get3A_3004 = arith.index_cast %rem3A_82 : i32 to index
        %get3A_3005 = arith.index_cast %add3A_2980 : i32 to index
        %get3A_3006 = arith.constant 32 : index
        %get3A_3007 = tpu.vector_load %arg9[%get3A_3004, %get3A_3005, %get3A_3006] {strides = array<i32>} : memref<2x80x128xf32, #tpu.memory_space<vmem>>, vector<16xf32>,
        %mul3A_3008 = arith.mulf %get3A_3003, %get3A_3007 : vector<16xf32>
        %get3A_3009 = arith.index_cast %rem3A_82 : i32 to index
        %get3A_3010 = arith.index_cast %add3A_2980 : i32 to index
        %get3A_3011 = arith.constant 48 : index
        %get3A_3012 = tpu.vector_load %arg8[%get3A_3009, %get3A_3010, %get3A_3011] {strides = array<i32>} : memref<2x80x128xf32, #tpu.memory_space<vmem>>, vector<16xf32>,
        %get3A_3013 = arith.index_cast %rem3A_82 : i32 to index
        %get3A_3014 = arith.index_cast %add3A_2980 : i32 to index
        %get3A_3015 = arith.constant 48 : index
        %get3A_3016 = tpu.vector_load %arg9[%get3A_3013, %get3A_3014, %get3A_3015] {strides = array<i32>} : memref<2x80x128xf32, #tpu.memory_space<vmem>>, vector<16xf32>,
        %mul3A_3017 = arith.mulf %get3A_3012, %get3A_3016 : vector<16xf32>
        %get3A_3018 = arith.index_cast %rem3A_82 : i32 to index
        %get3A_3019 = arith.index_cast %add3A_2980 : i32 to index
        %get3A_3020 = arith.constant 64 : index
        %get3A_3021 = tpu.vector_load %arg8[%get3A_3018, %get3A_3019, %get3A_3020] {strides = array<i32>} : memref<2x80x128xf32, #tpu.memory_space<vmem>>, vector<16xf32>,
        %get3A_3022 = arith.index_cast %rem3A_82 : i32 to index
        %get3A_3023 = arith.index_cast %add3A_2980 : i32 to index
        %get3A_3024 = arith.constant 64 : index
        %get3A_3025 = tpu.vector_load %arg9[%get3A_3022, %get3A_3023, %get3A_3024] {strides = array<i32>} : memref<2x80x128xf32, #tpu.memory_space<vmem>>, vector<16xf32>,
        %mul3A_3026 = arith.mulf %get3A_3021, %get3A_3025 : vector<16xf32>
        %get3A_3027 = arith.index_cast %rem3A_82 : i32 to index
        %get3A_3028 = arith.index_cast %add3A_2980 : i32 to index
        %get3A_3029 = arith.constant 80 : index
        %get3A_3030 = tpu.vector_load %arg8[%get3A_3027, %get3A_3028, %get3A_3029] {strides = array<i32>} : memref<2x80x128xf32, #tpu.memory_space<vmem>>, vector<16xf32>,
        %get3A_3031 = arith.index_cast %rem3A_82 : i32 to index
        %get3A_3032 = arith.index_cast %add3A_2980 : i32 to index
        %get3A_3033 = arith.constant 80 : index
        %get3A_3034 = tpu.vector_load %arg9[%get3A_3031, %get3A_3032, %get3A_3033] {strides = array<i32>} : memref<2x80x128xf32, #tpu.memory_space<vmem>>, vector<16xf32>,
        %mul3A_3035 = arith.mulf %get3A_3030, %get3A_3034 : vector<16xf32>
        %get3A_3036 = arith.index_cast %rem3A_82 : i32 to index
        %get3A_3037 = arith.index_cast %add3A_2980 : i32 to index
        %get3A_3038 = arith.constant 96 : index
        %get3A_3039 = tpu.vector_load %arg8[%get3A_3036, %get3A_3037, %get3A_3038] {strides = array<i32>} : memref<2x80x128xf32, #tpu.memory_space<vmem>>, vector<16xf32>,
        %get3A_3040 = arith.index_cast %rem3A_82 : i32 to index
        %get3A_3041 = arith.index_cast %add3A_2980 : i32 to index
        %get3A_3042 = arith.constant 96 : index
        %get3A_3043 = tpu.vector_load %arg9[%get3A_3040, %get3A_3041, %get3A_3042] {strides = array<i32>} : memref<2x80x128xf32, #tpu.memory_space<vmem>>, vector<16xf32>,
        %mul3A_3044 = arith.mulf %get3A_3039, %get3A_3043 : vector<16xf32>
        %get3A_3045 = arith.index_cast %rem3A_82 : i32 to index
        %get3A_3046 = arith.index_cast %add3A_2980 : i32 to index
        %get3A_3047 = arith.constant 112 : index
        %get3A_3048 = tpu.vector_load %arg8[%get3A_3045, %get3A_3046, %get3A_3047] {strides = array<i32>} : memref<2x80x128xf32, #tpu.memory_space<vmem>>, vector<16xf32>,
        %get3A_3049 = arith.index_cast %rem3A_82 : i32 to index
        %get3A_3050 = arith.index_cast %add3A_2980 : i32 to index
        %get3A_3051 = arith.constant 112 : index
        %get3A_3052 = tpu.vector_load %arg9[%get3A_3049, %get3A_3050, %get3A_3051] {strides = array<i32>} : memref<2x80x128xf32, #tpu.memory_space<vmem>>, vector<16xf32>,
        %mul3A_3053 = arith.mulf %get3A_3048, %get3A_3052 : vector<16xf32>
        %add3A_3054 = arith.addf %mul3A_2990, %mul3A_2999 : vector<16xf32>
        %add3A_3055 = arith.addf %mul3A_3008, %mul3A_3017 : vector<16xf32>
        %add3A_3056 = arith.addf %mul3A_3026, %mul3A_3035 : vector<16xf32>
        %add3A_3057 = arith.addf %mul3A_3044, %mul3A_3053 : vector<16xf32>
        %add3A_3058 = arith.addf %add3A_3054, %add3A_3055 : vector<16xf32>
        %add3A_3059 = arith.addf %add3A_3056, %add3A_3057 : vector<16xf32>
        %add3A_3060 = arith.addf %add3A_3058, %add3A_3059 : vector<16xf32>
        %swap3A_3061 = arith.constant 221 : index
        %swap3A_3062 = tpu.vector_load %arg11[%swap3A_3061] {strides = array<i32>} : memref<272xf32, #tpu.memory_space<vmem>>, vector<16xf32>,
        tpu.vector_store %arg11[%swap3A_3061], %add3A_3060 {strides = array<i32>} : memref<272xf32, #tpu.memory_space<vmem>>, vector<16xf32>,
        %add3A_3063 = arith.constant 14 : i32
        %add3A_3064 = arith.addi %mul3A_1886, %add3A_3063 : i32
        %get3A_3065 = arith.index_cast %rem3A_82 : i32 to index
        %get3A_3066 = arith.index_cast %add3A_3064 : i32 to index
        %get3A_3067 = arith.constant 0 : index
        %get3A_3068 = tpu.vector_load %arg8[%get3A_3065, %get3A_3066, %get3A_3067] {strides = array<i32>} : memref<2x80x128xf32, #tpu.memory_space<vmem>>, vector<16xf32>,
        %get3A_3069 = arith.index_cast %rem3A_82 : i32 to index
        %get3A_3070 = arith.index_cast %add3A_3064 : i32 to index
        %get3A_3071 = arith.constant 0 : index
        %get3A_3072 = tpu.vector_load %arg9[%get3A_3069, %get3A_3070, %get3A_3071] {strides = array<i32>} : memref<2x80x128xf32, #tpu.memory_space<vmem>>, vector<16xf32>,
        %mul3A_3073 = arith.mulf %get3A_3068, %get3A_3072 : vector<16xf32>
        %mul3A_3074 = arith.mulf %mul3A_3073, %select_n3A : vector<16xf32>
        %get3A_3075 = arith.index_cast %rem3A_82 : i32 to index
        %get3A_3076 = arith.index_cast %add3A_3064 : i32 to index
        %get3A_3077 = arith.constant 16 : index
        %get3A_3078 = tpu.vector_load %arg8[%get3A_3075, %get3A_3076, %get3A_3077] {strides = array<i32>} : memref<2x80x128xf32, #tpu.memory_space<vmem>>, vector<16xf32>,
        %get3A_3079 = arith.index_cast %rem3A_82 : i32 to index
        %get3A_3080 = arith.index_cast %add3A_3064 : i32 to index
        %get3A_3081 = arith.constant 16 : index
        %get3A_3082 = tpu.vector_load %arg9[%get3A_3079, %get3A_3080, %get3A_3081] {strides = array<i32>} : memref<2x80x128xf32, #tpu.memory_space<vmem>>, vector<16xf32>,
        %mul3A_3083 = arith.mulf %get3A_3078, %get3A_3082 : vector<16xf32>
        %get3A_3084 = arith.index_cast %rem3A_82 : i32 to index
        %get3A_3085 = arith.index_cast %add3A_3064 : i32 to index
        %get3A_3086 = arith.constant 32 : index
        %get3A_3087 = tpu.vector_load %arg8[%get3A_3084, %get3A_3085, %get3A_3086] {strides = array<i32>} : memref<2x80x128xf32, #tpu.memory_space<vmem>>, vector<16xf32>,
        %get3A_3088 = arith.index_cast %rem3A_82 : i32 to index
        %get3A_3089 = arith.index_cast %add3A_3064 : i32 to index
        %get3A_3090 = arith.constant 32 : index
        %get3A_3091 = tpu.vector_load %arg9[%get3A_3088, %get3A_3089, %get3A_3090] {strides = array<i32>} : memref<2x80x128xf32, #tpu.memory_space<vmem>>, vector<16xf32>,
        %mul3A_3092 = arith.mulf %get3A_3087, %get3A_3091 : vector<16xf32>
        %get3A_3093 = arith.index_cast %rem3A_82 : i32 to index
        %get3A_3094 = arith.index_cast %add3A_3064 : i32 to index
        %get3A_3095 = arith.constant 48 : index
        %get3A_3096 = tpu.vector_load %arg8[%get3A_3093, %get3A_3094, %get3A_3095] {strides = array<i32>} : memref<2x80x128xf32, #tpu.memory_space<vmem>>, vector<16xf32>,
        %get3A_3097 = arith.index_cast %rem3A_82 : i32 to index
        %get3A_3098 = arith.index_cast %add3A_3064 : i32 to index
        %get3A_3099 = arith.constant 48 : index
        %get3A_3100 = tpu.vector_load %arg9[%get3A_3097, %get3A_3098, %get3A_3099] {strides = array<i32>} : memref<2x80x128xf32, #tpu.memory_space<vmem>>, vector<16xf32>,
        %mul3A_3101 = arith.mulf %get3A_3096, %get3A_3100 : vector<16xf32>
        %get3A_3102 = arith.index_cast %rem3A_82 : i32 to index
        %get3A_3103 = arith.index_cast %add3A_3064 : i32 to index
        %get3A_3104 = arith.constant 64 : index
        %get3A_3105 = tpu.vector_load %arg8[%get3A_3102, %get3A_3103, %get3A_3104] {strides = array<i32>} : memref<2x80x128xf32, #tpu.memory_space<vmem>>, vector<16xf32>,
        %get3A_3106 = arith.index_cast %rem3A_82 : i32 to index
        %get3A_3107 = arith.index_cast %add3A_3064 : i32 to index
        %get3A_3108 = arith.constant 64 : index
        %get3A_3109 = tpu.vector_load %arg9[%get3A_3106, %get3A_3107, %get3A_3108] {strides = array<i32>} : memref<2x80x128xf32, #tpu.memory_space<vmem>>, vector<16xf32>,
        %mul3A_3110 = arith.mulf %get3A_3105, %get3A_3109 : vector<16xf32>
        %get3A_3111 = arith.index_cast %rem3A_82 : i32 to index
        %get3A_3112 = arith.index_cast %add3A_3064 : i32 to index
        %get3A_3113 = arith.constant 80 : index
        %get3A_3114 = tpu.vector_load %arg8[%get3A_3111, %get3A_3112, %get3A_3113] {strides = array<i32>} : memref<2x80x128xf32, #tpu.memory_space<vmem>>, vector<16xf32>,
        %get3A_3115 = arith.index_cast %rem3A_82 : i32 to index
        %get3A_3116 = arith.index_cast %add3A_3064 : i32 to index
        %get3A_3117 = arith.constant 80 : index
        %get3A_3118 = tpu.vector_load %arg9[%get3A_3115, %get3A_3116, %get3A_3117] {strides = array<i32>} : memref<2x80x128xf32, #tpu.memory_space<vmem>>, vector<16xf32>,
        %mul3A_3119 = arith.mulf %get3A_3114, %get3A_3118 : vector<16xf32>
        %get3A_3120 = arith.index_cast %rem3A_82 : i32 to index
        %get3A_3121 = arith.index_cast %add3A_3064 : i32 to index
        %get3A_3122 = arith.constant 96 : index
        %get3A_3123 = tpu.vector_load %arg8[%get3A_3120, %get3A_3121, %get3A_3122] {strides = array<i32>} : memref<2x80x128xf32, #tpu.memory_space<vmem>>, vector<16xf32>,
        %get3A_3124 = arith.index_cast %rem3A_82 : i32 to index
        %get3A_3125 = arith.index_cast %add3A_3064 : i32 to index
        %get3A_3126 = arith.constant 96 : index
        %get3A_3127 = tpu.vector_load %arg9[%get3A_3124, %get3A_3125, %get3A_3126] {strides = array<i32>} : memref<2x80x128xf32, #tpu.memory_space<vmem>>, vector<16xf32>,
        %mul3A_3128 = arith.mulf %get3A_3123, %get3A_3127 : vector<16xf32>
        %get3A_3129 = arith.index_cast %rem3A_82 : i32 to index
        %get3A_3130 = arith.index_cast %add3A_3064 : i32 to index
        %get3A_3131 = arith.constant 112 : index
        %get3A_3132 = tpu.vector_load %arg8[%get3A_3129, %get3A_3130, %get3A_3131] {strides = array<i32>} : memref<2x80x128xf32, #tpu.memory_space<vmem>>, vector<16xf32>,
        %get3A_3133 = arith.index_cast %rem3A_82 : i32 to index
        %get3A_3134 = arith.index_cast %add3A_3064 : i32 to index
        %get3A_3135 = arith.constant 112 : index
        %get3A_3136 = tpu.vector_load %arg9[%get3A_3133, %get3A_3134, %get3A_3135] {strides = array<i32>} : memref<2x80x128xf32, #tpu.memory_space<vmem>>, vector<16xf32>,
        %mul3A_3137 = arith.mulf %get3A_3132, %get3A_3136 : vector<16xf32>
        %add3A_3138 = arith.addf %mul3A_3074, %mul3A_3083 : vector<16xf32>
        %add3A_3139 = arith.addf %mul3A_3092, %mul3A_3101 : vector<16xf32>
        %add3A_3140 = arith.addf %mul3A_3110, %mul3A_3119 : vector<16xf32>
        %add3A_3141 = arith.addf %mul3A_3128, %mul3A_3137 : vector<16xf32>
        %add3A_3142 = arith.addf %add3A_3138, %add3A_3139 : vector<16xf32>
        %add3A_3143 = arith.addf %add3A_3140, %add3A_3141 : vector<16xf32>
        %add3A_3144 = arith.addf %add3A_3142, %add3A_3143 : vector<16xf32>
        %swap3A_3145 = arith.constant 238 : index
        %swap3A_3146 = tpu.vector_load %arg11[%swap3A_3145] {strides = array<i32>} : memref<272xf32, #tpu.memory_space<vmem>>, vector<16xf32>,
        tpu.vector_store %arg11[%swap3A_3145], %add3A_3144 {strides = array<i32>} : memref<272xf32, #tpu.memory_space<vmem>>, vector<16xf32>,
        %add3A_3147 = arith.constant 15 : i32
        %add3A_3148 = arith.addi %mul3A_1886, %add3A_3147 : i32
        %get3A_3149 = arith.index_cast %rem3A_82 : i32 to index
        %get3A_3150 = arith.index_cast %add3A_3148 : i32 to index
        %get3A_3151 = arith.constant 0 : index
        %get3A_3152 = tpu.vector_load %arg8[%get3A_3149, %get3A_3150, %get3A_3151] {strides = array<i32>} : memref<2x80x128xf32, #tpu.memory_space<vmem>>, vector<16xf32>,
        %get3A_3153 = arith.index_cast %rem3A_82 : i32 to index
        %get3A_3154 = arith.index_cast %add3A_3148 : i32 to index
        %get3A_3155 = arith.constant 0 : index
        %get3A_3156 = tpu.vector_load %arg9[%get3A_3153, %get3A_3154, %get3A_3155] {strides = array<i32>} : memref<2x80x128xf32, #tpu.memory_space<vmem>>, vector<16xf32>,
        %mul3A_3157 = arith.mulf %get3A_3152, %get3A_3156 : vector<16xf32>
        %mul3A_3158 = arith.mulf %mul3A_3157, %select_n3A : vector<16xf32>
        %get3A_3159 = arith.index_cast %rem3A_82 : i32 to index
        %get3A_3160 = arith.index_cast %add3A_3148 : i32 to index
        %get3A_3161 = arith.constant 16 : index
        %get3A_3162 = tpu.vector_load %arg8[%get3A_3159, %get3A_3160, %get3A_3161] {strides = array<i32>} : memref<2x80x128xf32, #tpu.memory_space<vmem>>, vector<16xf32>,
        %get3A_3163 = arith.index_cast %rem3A_82 : i32 to index
        %get3A_3164 = arith.index_cast %add3A_3148 : i32 to index
        %get3A_3165 = arith.constant 16 : index
        %get3A_3166 = tpu.vector_load %arg9[%get3A_3163, %get3A_3164, %get3A_3165] {strides = array<i32>} : memref<2x80x128xf32, #tpu.memory_space<vmem>>, vector<16xf32>,
        %mul3A_3167 = arith.mulf %get3A_3162, %get3A_3166 : vector<16xf32>
        %get3A_3168 = arith.index_cast %rem3A_82 : i32 to index
        %get3A_3169 = arith.index_cast %add3A_3148 : i32 to index
        %get3A_3170 = arith.constant 32 : index
        %get3A_3171 = tpu.vector_load %arg8[%get3A_3168, %get3A_3169, %get3A_3170] {strides = array<i32>} : memref<2x80x128xf32, #tpu.memory_space<vmem>>, vector<16xf32>,
        %get3A_3172 = arith.index_cast %rem3A_82 : i32 to index
        %get3A_3173 = arith.index_cast %add3A_3148 : i32 to index
        %get3A_3174 = arith.constant 32 : index
        %get3A_3175 = tpu.vector_load %arg9[%get3A_3172, %get3A_3173, %get3A_3174] {strides = array<i32>} : memref<2x80x128xf32, #tpu.memory_space<vmem>>, vector<16xf32>,
        %mul3A_3176 = arith.mulf %get3A_3171, %get3A_3175 : vector<16xf32>
        %get3A_3177 = arith.index_cast %rem3A_82 : i32 to index
        %get3A_3178 = arith.index_cast %add3A_3148 : i32 to index
        %get3A_3179 = arith.constant 48 : index
        %get3A_3180 = tpu.vector_load %arg8[%get3A_3177, %get3A_3178, %get3A_3179] {strides = array<i32>} : memref<2x80x128xf32, #tpu.memory_space<vmem>>, vector<16xf32>,
        %get3A_3181 = arith.index_cast %rem3A_82 : i32 to index
        %get3A_3182 = arith.index_cast %add3A_3148 : i32 to index
        %get3A_3183 = arith.constant 48 : index
        %get3A_3184 = tpu.vector_load %arg9[%get3A_3181, %get3A_3182, %get3A_3183] {strides = array<i32>} : memref<2x80x128xf32, #tpu.memory_space<vmem>>, vector<16xf32>,
        %mul3A_3185 = arith.mulf %get3A_3180, %get3A_3184 : vector<16xf32>
        %get3A_3186 = arith.index_cast %rem3A_82 : i32 to index
        %get3A_3187 = arith.index_cast %add3A_3148 : i32 to index
        %get3A_3188 = arith.constant 64 : index
        %get3A_3189 = tpu.vector_load %arg8[%get3A_3186, %get3A_3187, %get3A_3188] {strides = array<i32>} : memref<2x80x128xf32, #tpu.memory_space<vmem>>, vector<16xf32>,
        %get3A_3190 = arith.index_cast %rem3A_82 : i32 to index
        %get3A_3191 = arith.index_cast %add3A_3148 : i32 to index
        %get3A_3192 = arith.constant 64 : index
        %get3A_3193 = tpu.vector_load %arg9[%get3A_3190, %get3A_3191, %get3A_3192] {strides = array<i32>} : memref<2x80x128xf32, #tpu.memory_space<vmem>>, vector<16xf32>,
        %mul3A_3194 = arith.mulf %get3A_3189, %get3A_3193 : vector<16xf32>
        %get3A_3195 = arith.index_cast %rem3A_82 : i32 to index
        %get3A_3196 = arith.index_cast %add3A_3148 : i32 to index
        %get3A_3197 = arith.constant 80 : index
        %get3A_3198 = tpu.vector_load %arg8[%get3A_3195, %get3A_3196, %get3A_3197] {strides = array<i32>} : memref<2x80x128xf32, #tpu.memory_space<vmem>>, vector<16xf32>,
        %get3A_3199 = arith.index_cast %rem3A_82 : i32 to index
        %get3A_3200 = arith.index_cast %add3A_3148 : i32 to index
        %get3A_3201 = arith.constant 80 : index
        %get3A_3202 = tpu.vector_load %arg9[%get3A_3199, %get3A_3200, %get3A_3201] {strides = array<i32>} : memref<2x80x128xf32, #tpu.memory_space<vmem>>, vector<16xf32>,
        %mul3A_3203 = arith.mulf %get3A_3198, %get3A_3202 : vector<16xf32>
        %get3A_3204 = arith.index_cast %rem3A_82 : i32 to index
        %get3A_3205 = arith.index_cast %add3A_3148 : i32 to index
        %get3A_3206 = arith.constant 96 : index
        %get3A_3207 = tpu.vector_load %arg8[%get3A_3204, %get3A_3205, %get3A_3206] {strides = array<i32>} : memref<2x80x128xf32, #tpu.memory_space<vmem>>, vector<16xf32>,
        %get3A_3208 = arith.index_cast %rem3A_82 : i32 to index
        %get3A_3209 = arith.index_cast %add3A_3148 : i32 to index
        %get3A_3210 = arith.constant 96 : index
        %get3A_3211 = tpu.vector_load %arg9[%get3A_3208, %get3A_3209, %get3A_3210] {strides = array<i32>} : memref<2x80x128xf32, #tpu.memory_space<vmem>>, vector<16xf32>,
        %mul3A_3212 = arith.mulf %get3A_3207, %get3A_3211 : vector<16xf32>
        %get3A_3213 = arith.index_cast %rem3A_82 : i32 to index
        %get3A_3214 = arith.index_cast %add3A_3148 : i32 to index
        %get3A_3215 = arith.constant 112 : index
        %get3A_3216 = tpu.vector_load %arg8[%get3A_3213, %get3A_3214, %get3A_3215] {strides = array<i32>} : memref<2x80x128xf32, #tpu.memory_space<vmem>>, vector<16xf32>,
        %get3A_3217 = arith.index_cast %rem3A_82 : i32 to index
        %get3A_3218 = arith.index_cast %add3A_3148 : i32 to index
        %get3A_3219 = arith.constant 112 : index
        %get3A_3220 = tpu.vector_load %arg9[%get3A_3217, %get3A_3218, %get3A_3219] {strides = array<i32>} : memref<2x80x128xf32, #tpu.memory_space<vmem>>, vector<16xf32>,
        %mul3A_3221 = arith.mulf %get3A_3216, %get3A_3220 : vector<16xf32>
        %add3A_3222 = arith.addf %mul3A_3158, %mul3A_3167 : vector<16xf32>
        %add3A_3223 = arith.addf %mul3A_3176, %mul3A_3185 : vector<16xf32>
        %add3A_3224 = arith.addf %mul3A_3194, %mul3A_3203 : vector<16xf32>
        %add3A_3225 = arith.addf %mul3A_3212, %mul3A_3221 : vector<16xf32>
        %add3A_3226 = arith.addf %add3A_3222, %add3A_3223 : vector<16xf32>
        %add3A_3227 = arith.addf %add3A_3224, %add3A_3225 : vector<16xf32>
        %add3A_3228 = arith.addf %add3A_3226, %add3A_3227 : vector<16xf32>
        %swap3A_3229 = arith.constant 255 : index
        %swap3A_3230 = tpu.vector_load %arg11[%swap3A_3229] {strides = array<i32>} : memref<272xf32, #tpu.memory_space<vmem>>, vector<16xf32>,
        tpu.vector_store %arg11[%swap3A_3229], %add3A_3228 {strides = array<i32>} : memref<272xf32, #tpu.memory_space<vmem>>, vector<16xf32>,
        %scan3A_3231 = arith.constant 0 : i32
        scf.yield %scan3A_3231 : i32
      }
      %scan3A_1703 = arith.constant 4 : i32
      %add3A_1704 = arith.constant 0 : i32
      %add3A_1705 = vector.broadcast %add3A_1704 : i32 to vector<16xi32>
      %add3A_1706 = arith.addi %mul3A_130, %add3A_1705 : vector<16xi32>
      %gather3A = tpu.vector_load_idx %arg11[%add3A_1706] : memref<272xf32, #tpu.memory_space<vmem>>[vector<16xi32>], vector<16xf32>,
      %add3A_1707 = arith.constant 1 : i32
      %add3A_1708 = vector.broadcast %add3A_1707 : i32 to vector<16xi32>
      %add3A_1709 = arith.addi %mul3A_130, %add3A_1708 : vector<16xi32>
      %gather3A_1710 = tpu.vector_load_idx %arg11[%add3A_1709] : memref<272xf32, #tpu.memory_space<vmem>>[vector<16xi32>], vector<16xf32>,
      %add3A_1711 = arith.constant 2 : i32
      %add3A_1712 = vector.broadcast %add3A_1711 : i32 to vector<16xi32>
      %add3A_1713 = arith.addi %mul3A_130, %add3A_1712 : vector<16xi32>
      %gather3A_1714 = tpu.vector_load_idx %arg11[%add3A_1713] : memref<272xf32, #tpu.memory_space<vmem>>[vector<16xi32>], vector<16xf32>,
      %add3A_1715 = arith.constant 3 : i32
      %add3A_1716 = vector.broadcast %add3A_1715 : i32 to vector<16xi32>
      %add3A_1717 = arith.addi %mul3A_130, %add3A_1716 : vector<16xi32>
      %gather3A_1718 = tpu.vector_load_idx %arg11[%add3A_1717] : memref<272xf32, #tpu.memory_space<vmem>>[vector<16xi32>], vector<16xf32>,
      %add3A_1719 = arith.constant 4 : i32
      %add3A_1720 = vector.broadcast %add3A_1719 : i32 to vector<16xi32>
      %add3A_1721 = arith.addi %mul3A_130, %add3A_1720 : vector<16xi32>
      %gather3A_1722 = tpu.vector_load_idx %arg11[%add3A_1721] : memref<272xf32, #tpu.memory_space<vmem>>[vector<16xi32>], vector<16xf32>,
      %add3A_1723 = arith.constant 5 : i32
      %add3A_1724 = vector.broadcast %add3A_1723 : i32 to vector<16xi32>
      %add3A_1725 = arith.addi %mul3A_130, %add3A_1724 : vector<16xi32>
      %gather3A_1726 = tpu.vector_load_idx %arg11[%add3A_1725] : memref<272xf32, #tpu.memory_space<vmem>>[vector<16xi32>], vector<16xf32>,
      %add3A_1727 = arith.constant 6 : i32
      %add3A_1728 = vector.broadcast %add3A_1727 : i32 to vector<16xi32>
      %add3A_1729 = arith.addi %mul3A_130, %add3A_1728 : vector<16xi32>
      %gather3A_1730 = tpu.vector_load_idx %arg11[%add3A_1729] : memref<272xf32, #tpu.memory_space<vmem>>[vector<16xi32>], vector<16xf32>,
      %add3A_1731 = arith.constant 7 : i32
      %add3A_1732 = vector.broadcast %add3A_1731 : i32 to vector<16xi32>
      %add3A_1733 = arith.addi %mul3A_130, %add3A_1732 : vector<16xi32>
      %gather3A_1734 = tpu.vector_load_idx %arg11[%add3A_1733] : memref<272xf32, #tpu.memory_space<vmem>>[vector<16xi32>], vector<16xf32>,
      %add3A_1735 = arith.constant 8 : i32
      %add3A_1736 = vector.broadcast %add3A_1735 : i32 to vector<16xi32>
      %add3A_1737 = arith.addi %mul3A_130, %add3A_1736 : vector<16xi32>
      %gather3A_1738 = tpu.vector_load_idx %arg11[%add3A_1737] : memref<272xf32, #tpu.memory_space<vmem>>[vector<16xi32>], vector<16xf32>,
      %add3A_1739 = arith.constant 9 : i32
      %add3A_1740 = vector.broadcast %add3A_1739 : i32 to vector<16xi32>
      %add3A_1741 = arith.addi %mul3A_130, %add3A_1740 : vector<16xi32>
      %gather3A_1742 = tpu.vector_load_idx %arg11[%add3A_1741] : memref<272xf32, #tpu.memory_space<vmem>>[vector<16xi32>], vector<16xf32>,
      %add3A_1743 = arith.constant 10 : i32
      %add3A_1744 = vector.broadcast %add3A_1743 : i32 to vector<16xi32>
      %add3A_1745 = arith.addi %mul3A_130, %add3A_1744 : vector<16xi32>
      %gather3A_1746 = tpu.vector_load_idx %arg11[%add3A_1745] : memref<272xf32, #tpu.memory_space<vmem>>[vector<16xi32>], vector<16xf32>,
      %add3A_1747 = arith.constant 11 : i32
      %add3A_1748 = vector.broadcast %add3A_1747 : i32 to vector<16xi32>
      %add3A_1749 = arith.addi %mul3A_130, %add3A_1748 : vector<16xi32>
      %gather3A_1750 = tpu.vector_load_idx %arg11[%add3A_1749] : memref<272xf32, #tpu.memory_space<vmem>>[vector<16xi32>], vector<16xf32>,
      %add3A_1751 = arith.constant 12 : i32
      %add3A_1752 = vector.broadcast %add3A_1751 : i32 to vector<16xi32>
      %add3A_1753 = arith.addi %mul3A_130, %add3A_1752 : vector<16xi32>
      %gather3A_1754 = tpu.vector_load_idx %arg11[%add3A_1753] : memref<272xf32, #tpu.memory_space<vmem>>[vector<16xi32>], vector<16xf32>,
      %add3A_1755 = arith.constant 13 : i32
      %add3A_1756 = vector.broadcast %add3A_1755 : i32 to vector<16xi32>
      %add3A_1757 = arith.addi %mul3A_130, %add3A_1756 : vector<16xi32>
      %gather3A_1758 = tpu.vector_load_idx %arg11[%add3A_1757] : memref<272xf32, #tpu.memory_space<vmem>>[vector<16xi32>], vector<16xf32>,
      %add3A_1759 = arith.constant 14 : i32
      %add3A_1760 = vector.broadcast %add3A_1759 : i32 to vector<16xi32>
      %add3A_1761 = arith.addi %mul3A_130, %add3A_1760 : vector<16xi32>
      %gather3A_1762 = tpu.vector_load_idx %arg11[%add3A_1761] : memref<272xf32, #tpu.memory_space<vmem>>[vector<16xi32>], vector<16xf32>,
      %add3A_1763 = arith.constant 15 : i32
      %add3A_1764 = vector.broadcast %add3A_1763 : i32 to vector<16xi32>
      %add3A_1765 = arith.addi %mul3A_130, %add3A_1764 : vector<16xi32>
      %gather3A_1766 = tpu.vector_load_idx %arg11[%add3A_1765] : memref<272xf32, #tpu.memory_space<vmem>>[vector<16xi32>], vector<16xf32>,
      %add3A_1767 = arith.addf %gather3A, %gather3A_1710 : vector<16xf32>
      %add3A_1768 = arith.addf %gather3A_1714, %gather3A_1718 : vector<16xf32>
      %add3A_1769 = arith.addf %gather3A_1722, %gather3A_1726 : vector<16xf32>
      %add3A_1770 = arith.addf %gather3A_1730, %gather3A_1734 : vector<16xf32>
      %add3A_1771 = arith.addf %gather3A_1738, %gather3A_1742 : vector<16xf32>
      %add3A_1772 = arith.addf %gather3A_1746, %gather3A_1750 : vector<16xf32>
      %add3A_1773 = arith.addf %gather3A_1754, %gather3A_1758 : vector<16xf32>
      %add3A_1774 = arith.addf %gather3A_1762, %gather3A_1766 : vector<16xf32>
      %add3A_1775 = arith.addf %add3A_1767, %add3A_1768 : vector<16xf32>
      %add3A_1776 = arith.addf %add3A_1769, %add3A_1770 : vector<16xf32>
      %add3A_1777 = arith.addf %add3A_1771, %add3A_1772 : vector<16xf32>
      %add3A_1778 = arith.addf %add3A_1773, %add3A_1774 : vector<16xf32>
      %add3A_1779 = arith.addf %add3A_1775, %add3A_1776 : vector<16xf32>
      %add3A_1780 = arith.addf %add3A_1777, %add3A_1778 : vector<16xf32>
      %add3A_1781 = arith.addf %add3A_1779, %add3A_1780 : vector<16xf32>
      %swap3A_1782 = arith.index_cast %rem3A_82 : i32 to index
      %swap3A_1783 = arith.constant 64 : index
      %swap3A_1784 = tpu.vector_load %arg10[%swap3A_1782, %swap3A_1783] {strides = array<i32>} : memref<2x80xf32, #tpu.memory_space<vmem>>, vector<16xf32>,
      tpu.vector_store %arg10[%swap3A_1782, %swap3A_1783], %add3A_1781 {strides = array<i32>} : memref<2x80xf32, #tpu.memory_space<vmem>>, vector<16xf32>,
      %mul3A_1785 = arith.constant 80 : i32
      %mul3A_1786 = arith.muli %scan3A_80, %mul3A_1785 : i32
      %add3A_1787 = arith.addi %mul3A_2, %mul3A_1786 : i32
      %dma_start3A_1788 = arith.constant 0 : i32
      %dma_start3A_1789 = tpu.memref_slice %arg10[%rem3A_82, %dma_start3A_1788] : memref<2x80xf32, #tpu.memory_space<vmem>> -> memref<1x80xf32, #tpu.memory_space<vmem>>
      %dma_start3A_1790 = tpu.memref_squeeze %dma_start3A_1789 : memref<1x80xf32, #tpu.memory_space<vmem>> -> memref<80xf32, #tpu.memory_space<vmem>>
      %dma_start3A_1791 = tpu.memref_slice %arg5[%add3A_1787] : memref<320000xf32, #tpu.memory_space<hbm>> -> memref<80xf32, #tpu.memory_space<hbm>>
      %dma_start3A_1792 = tpu.memref_slice %arg5[%add3A_1787] : memref<320000xf32, #tpu.memory_space<hbm>> -> memref<80xf32, #tpu.memory_space<hbm>>
      %dma_start3A_1793 = arith.constant 0 : i32
      %dma_start3A_1794 = tpu.memref_slice %arg10[%rem3A_82, %dma_start3A_1793] : memref<2x80xf32, #tpu.memory_space<vmem>> -> memref<1x80xf32, #tpu.memory_space<vmem>>
      %dma_start3A_1795 = tpu.memref_squeeze %dma_start3A_1794 : memref<1x80xf32, #tpu.memory_space<vmem>> -> memref<80xf32, #tpu.memory_space<vmem>>
      tpu.enqueue_dma source(%dma_start3A_1795 : memref<80xf32, #tpu.memory_space<vmem>>) target(%dma_start3A_1792 : memref<80xf32, #tpu.memory_space<hbm>>) target_semaphore(%arg14 : memref<!tpu.dma_semaphore, #tpu.memory_space<semaphore_mem>>)
      %scan3A_1796 = arith.constant 0 : i32
      scf.yield %scan3A_1796 : i32
    }
    %scan3A_62 = arith.constant 125 : i32
    %dma_wait3A = arith.constant 0 : i32
    %dma_wait3A_63 = arith.constant 0 : i32
    %dma_wait3A_64 = tpu.memref_slice %arg10[%dma_wait3A, %dma_wait3A_63] : memref<2x80xf32, #tpu.memory_space<vmem>> -> memref<1x80xf32, #tpu.memory_space<vmem>>
    %dma_wait3A_65 = tpu.memref_squeeze %dma_wait3A_64 : memref<1x80xf32, #tpu.memory_space<vmem>> -> memref<80xf32, #tpu.memory_space<vmem>>
    %dma_wait3A_66 = tpu.memref_slice %arg5[%mul3A_2] : memref<320000xf32, #tpu.memory_space<hbm>> -> memref<80xf32, #tpu.memory_space<hbm>>
    %dma_wait3A_67 = tpu.memref_slice %arg5[%mul3A_2] : memref<320000xf32, #tpu.memory_space<hbm>> -> memref<80xf32, #tpu.memory_space<hbm>>
    %dma_wait3A_68 = arith.constant 0 : i32
    %dma_wait3A_69 = tpu.memref_slice %arg10[%dma_wait3A, %dma_wait3A_68] : memref<2x80xf32, #tpu.memory_space<vmem>> -> memref<1x80xf32, #tpu.memory_space<vmem>>
    %dma_wait3A_70 = tpu.memref_squeeze %dma_wait3A_69 : memref<1x80xf32, #tpu.memory_space<vmem>> -> memref<80xf32, #tpu.memory_space<vmem>>
    tpu.wait_dma2 semaphore(%arg14 : memref<!tpu.dma_semaphore, #tpu.memory_space<semaphore_mem>>) src(%dma_wait3A_70 : memref<80xf32, #tpu.memory_space<vmem>>) dst(%dma_wait3A_67 : memref<80xf32, #tpu.memory_space<hbm>>)
    %dma_wait3A_71 = arith.constant 1 : i32
    %dma_wait3A_72 = arith.constant 0 : i32
    %dma_wait3A_73 = tpu.memref_slice %arg10[%dma_wait3A_71, %dma_wait3A_72] : memref<2x80xf32, #tpu.memory_space<vmem>> -> memref<1x80xf32, #tpu.memory_space<vmem>>
    %dma_wait3A_74 = tpu.memref_squeeze %dma_wait3A_73 : memref<1x80xf32, #tpu.memory_space<vmem>> -> memref<80xf32, #tpu.memory_space<vmem>>
    %dma_wait3A_75 = tpu.memref_slice %arg5[%mul3A_2] : memref<320000xf32, #tpu.memory_space<hbm>> -> memref<80xf32, #tpu.memory_space<hbm>>
    %dma_wait3A_76 = tpu.memref_slice %arg5[%mul3A_2] : memref<320000xf32, #tpu.memory_space<hbm>> -> memref<80xf32, #tpu.memory_space<hbm>>
    %dma_wait3A_77 = arith.constant 0 : i32
    %dma_wait3A_78 = tpu.memref_slice %arg10[%dma_wait3A_71, %dma_wait3A_77] : memref<2x80xf32, #tpu.memory_space<vmem>> -> memref<1x80xf32, #tpu.memory_space<vmem>>
    %dma_wait3A_79 = tpu.memref_squeeze %dma_wait3A_78 : memref<1x80xf32, #tpu.memory_space<vmem>> -> memref<80xf32, #tpu.memory_space<vmem>>
    tpu.wait_dma2 semaphore(%arg14 : memref<!tpu.dma_semaphore, #tpu.memory_space<semaphore_mem>>) src(%dma_wait3A_79 : memref<80xf32, #tpu.memory_space<vmem>>) dst(%dma_wait3A_76 : memref<80xf32, #tpu.memory_space<hbm>>)
    return
  }
}

module attributes {stable_mosaic.version = 14 : i64} {
  func.func @_tail_body(%arg0: memref<2500x128xf32, #tpu.memory_space<vmem>>, %arg1: memref<2500x128xf32, #tpu.memory_space<vmem>>) attributes {dimension_semantics = [], scalar_prefetch = 0 : i64, scratch_operands = 0 : i64, tpu.core_type = #tpu.core_type<tc>} {
    %get3A = arith.constant 0 : index
    %get3A_0 = arith.constant 0 : index
    %get3A_1 = vector.load %arg0[%get3A, %get3A_0] : memref<2500x128xf32, #tpu.memory_space<vmem>>, vector<2500x128xf32>
    %neg3A = arith.constant 0.000000e+00 : f32
    %neg3A_2 = vector.broadcast %neg3A : f32 to vector<2500x128xf32>
    %neg3A_3 = arith.subf %neg3A_2, %get3A_1 : vector<2500x128xf32>
    %max3A = arith.constant 1.00000012 : f32
    %max3A_4 = vector.broadcast %max3A : f32 to vector<2500x128xf32>
    %max3A_5 = arith.maximumf %neg3A_3, %max3A_4 : vector<2500x128xf32>
    %add3A = arith.constant 1.000000e+00 : f32
    %add3A_6 = vector.broadcast %add3A : f32 to vector<2500x128xf32>
    %add3A_7 = arith.addf %max3A_5, %add3A_6 : vector<2500x128xf32>
    %sub3A = arith.constant 1.000000e+00 : f32
    %sub3A_8 = vector.broadcast %sub3A : f32 to vector<2500x128xf32>
    %sub3A_9 = arith.subf %max3A_5, %sub3A_8 : vector<2500x128xf32>
    %mul3A = arith.mulf %add3A_7, %sub3A_9 : vector<2500x128xf32>
    %sqrt3A = math.sqrt %mul3A : vector<2500x128xf32>
    %add3A_10 = arith.addf %max3A_5, %sqrt3A : vector<2500x128xf32>
    %log3A = math.log %add3A_10 : vector<2500x128xf32>
    %div3A = arith.constant 1.000000e+00 : f32
    %div3A_11 = vector.broadcast %div3A : f32 to vector<2500x128xf32>
    %div3A_12 = arith.divf %div3A_11, %log3A : vector<2500x128xf32>
    %reduce_max3A = vector.shape_cast %div3A_12 : vector<2500x128xf32> to vector<1x2500x128xf32>
    %reduce_max3A_13 = arith.constant dense<0xFF800000> : vector<1xf32>
    %reduce_max3A_14 = vector.multi_reduction <maximumf>, %reduce_max3A, %reduce_max3A_13 [1, 2] : vector<1x2500x128xf32> to vector<1xf32>
    %reduce_max3A_15 = vector.shape_cast %reduce_max3A_14 : vector<1xf32> to vector<1x1x1xf32>
    %reduce_max3A_16 = vector.extract %reduce_max3A_15[0, 0, 0] : f32 from vector<1x1x1xf32>
    %sub3A_17 = vector.broadcast %reduce_max3A_16 : f32 to vector<2500x128xf32>
    %sub3A_18 = arith.subf %div3A_12, %sub3A_17 : vector<2500x128xf32>
    %exp3A = math.exp %sub3A_18 : vector<2500x128xf32>
    %swap3A = arith.constant 0 : index
    %swap3A_19 = arith.constant 0 : index
    %swap3A_20 = vector.load %arg1[%swap3A, %swap3A_19] : memref<2500x128xf32, #tpu.memory_space<vmem>>, vector<2500x128xf32>
    tpu.vector_store %arg1[%swap3A, %swap3A_19], %exp3A {strides = array<i32>} : memref<2500x128xf32, #tpu.memory_space<vmem>>, vector<2500x128xf32>,
    return
  }
}

</mosaic_0001>

<sc_bundles>
// kernel: kernel.4.cloned.1.call-start
scs
__scs_entry_jumppad:
0x0: {  	(pc) =	sbr.rel $0x88, $3  }
0x1: {  	(tag) =	ssettag $0x0;
	lr =	simm.s32 $0x1  }
0x2: {  	[smem:$0x3F9F] =	sst lr;
	_ =	strace $0xD0000000  }
0x3: {  	_ = 	snop  }
0x4: {  	_ = 	snop  }
0x5: {  	_ = 	snop  }
0x6: {  	_ = 	snop  }
0x7: {  	_ = 	snop  }
__scs_overlays_trampoline_lowered:
0x8: {  	[smem:$0x3FAE] =	sst s0  }
0x9: {  	[smem:$0x3FAF] =	sst s1  }
0xa: {  	[smem:$0x3FB0] =	sst s2  }
0xb: {  	[smem:$0x3FB1] =	sst s3  }
0xc: {  	[smem:$0x3FB2] =	sst s4  }
0xd: {  	[smem:$0x3FB3] =	sst s5  }
0xe: {  	[smem:$0x3FB4] =	sst s6  }
0xf: {  	[smem:$0x3FB5] =	sst s7  }
0x10: {  	[smem:$0x3FB6] =	sst s8  }
0x11: {  	[smem:$0x3FB7] =	sst s9;
	s0 =	simm.s32 @!p0 $0x0  }
0x12: {  	s1 =	sld [smem:$0x3F9D];
	s0 =	simm.s32 @p0 $0x1  }
0x13: {  	[smem:$0x3FB8] =	sst s0;
	s0 =	simm.s32 @!p1 $0x0  }
0x14: {  	s2 =	sld [smem:$0x3F9C];
	s0 =	simm.s32 @p1 $0x1  }
0x15: {  	[smem:$0x3FB9] =	sst s0;
	s0 =	simm.s32 @!p2 $0x0  }
0x16: {  	s3 =	sld [smem:$0x3FDB];
	s0 =	simm.s32 @p2 $0x1  }
0x17: {  	s4 =	simm.s32 $0x1BF5;
	[smem:$0x3FBB] =	sst s0  }
0x18: {  	s0 =	sld [smem:$0x3F9E];
	_ =	swait.ge [sflag:s4], $0x0  }
0x19: {  	s7 =	sld [smem:$0x3F9F]  }
0x1a: {  	s8 =	sadd.s32 $0xFFFFE003, lr  }
0x1b: {  	s9 =	sadd.s32 $0xFFFFFEF7, lr;
	s5 =	simm.s32 $0xFFFFFFFF;
	p2 =	slt.u32 s8, $0xFFFFF086  }
0x1c: {  	p1 =	slt.u32 s9, $0xF7A;
	s5 =	simm.s32 @!p2 $0x0  }
0x1d: {  	s5 =	simm.s32 @p1 $0x1;
	p0 =	seq.s32 s7, s2  }
0x1e: {  	s7 =	smul.u32 @!p0 $0xF7A, s2;
	p2 =	seq.s32 @!p0 s5, $0x0  }
0x1f: {  	s9 =	smul.u32 $0xF7A, s1;
	s8 =	simm.s32 @!p0 $0x1BF5;
	p2 =	por !p2, p0  }
0x20: {  	[sflag:s8] =	ssyncset.s32 @!p0 $0xFFFFF086;
	s6 =	sadd.s32 @!p0 s3, s7;
	s7 =	simm.s32 @!p0 $0x108  }
0x21: {  	s3 =	sadd.s32 s3, s9;
	s6 =	sadd.s32 @!p0 $0x88, s6;
	s7 =	simm.s32 @p2 $0x1082  }
0x22: {  	[simem:s7], [sflag:s8] =	dma.local @!p0 [hbm:s6], $0xF7A  }
0x23: {  	s9 =	sor.u32 $0xD0000000, s2;
	s6 =	simm.s32 $0x108;
	_ =	swait.ge @!p0 [sflag:s8], $0x0  }
0x24: {  	s3 =	sadd.s32 $0x88, s3;
	s6 =	simm.s32 @!p1 $0x1082;
	[sflag:s4] =	ssyncset.s32 $0xFFFFF086  }
0x25: {  	[simem:s6], [sflag:s4] =	dma.local [hbm:s3], $0xF7A  }
0x26: {  	[smem:$0x3F9F] =	sst s1;
	(tag) =	ssettag s2;
	_ =	strace s9  }
0x27: {  	s1 =	sld [smem:$0x3FAF]  }
0x28: {  	s2 =	sld [smem:$0x3FB0]  }
0x29: {  	s4 =	sld [smem:$0x3FB2]  }
0x2a: {  	p0 =	seq.s32 s5, $0x0;
	s5 =	sld [smem:$0x3FB3]  }
0x2b: {  	s6 =	sld [smem:$0x3FB4]  }
0x2c: {  	s7 =	sld [smem:$0x3FB5]  }
0x2d: {  	s3 =	simm.s32 $0x108;
	s8 =	sld [smem:$0x3FB6]  }
0x2e: {  	s3 =	simm.s32 @!p0 $0x1082;
	s9 =	sld [smem:$0x3FB7]  }
0x2f: {  	lr =	sadd.s32 s0, s3;
	s0 =	sld [smem:$0x3FAE]  }
0x30: {  	s3 =	sld [smem:$0x3FB1]  }
0x31: {  	[smem:$0x3FBA] =	sst s10  }
0x32: {  	s10 =	sld [smem:$0x3FB8];
	_ =	sdelay $0x3  }
0x33: {  	p0 =	seq.s32 s10, $0x1;
	s10 =	sld [smem:$0x3FBA];
	_ =	sdelay $0x3  }
0x34: {  	[smem:$0x3FBA] =	sst s10  }
0x35: {  	s10 =	sld [smem:$0x3FB9];
	_ =	sdelay $0x3  }
0x36: {  	p1 =	seq.s32 s10, $0x1;
	s10 =	sld [smem:$0x3FBA];
	_ =	sdelay $0x3  }
0x37: {  	[smem:$0x3FBA] =	sst s10  }
0x38: {  	s10 =	sld [smem:$0x3FBB]  }
0x39: {  	_ = 	snop;
	(pc) =	sbr.ind lr, $3  }
0x3a: {  	_ = 	snop  }
0x3b: {  	_ = 	snop  }
0x3c: {  	p2 =	seq.s32 s10, $0x1;
	s10 =	sld [smem:$0x3FBA]  }
0x3d: {  	_ =	shalt  }
0x3e: {  	_ =	shalt  }
0x3f: {  	_ =	shalt  }
0x40: {  	_ =	shalt  }
0x41: {  	_ =	shalt  }
0x42: {  	_ =	shalt  }
0x43: {  	_ =	shalt  }
0x44: {  	_ =	shalt  }
0x45: {  	_ =	shalt  }
0x46: {  	_ =	shalt  }
0x47: {  	_ =	shalt  }
0x48: {  	_ =	shalt  }
0x49: {  	_ =	shalt  }
0x4a: {  	_ =	shalt  }
0x4b: {  	_ =	shalt  }
0x4c: {  	_ =	shalt  }
0x4d: {  	_ =	shalt  }
0x4e: {  	_ =	shalt  }
0x4f: {  	_ =	shalt  }
0x50: {  	_ =	shalt  }
0x51: {  	_ =	shalt  }
0x52: {  	_ =	shalt  }
0x53: {  	_ =	shalt  }
0x54: {  	_ =	shalt  }
0x55: {  	_ =	shalt  }
0x56: {  	_ =	shalt  }
0x57: {  	_ =	shalt  }
0x58: {  	_ =	shalt  }
0x59: {  	_ =	shalt  }
0x5a: {  	_ =	shalt  }
0x5b: {  	_ =	shalt  }
0x5c: {  	_ =	shalt  }
0x5d: {  	_ =	shalt  }
0x5e: {  	_ =	shalt  }
0x5f: {  	_ =	shalt  }
0x60: {  	_ =	shalt  }
0x61: {  	_ =	shalt  }
0x62: {  	_ =	shalt  }
0x63: {  	_ =	shalt  }
0x64: {  	_ =	shalt  }
0x65: {  	_ =	shalt  }
0x66: {  	_ =	shalt  }
0x67: {  	_ =	shalt  }
0x68: {  	_ =	shalt  }
0x69: {  	_ =	shalt  }
0x6a: {  	_ =	shalt  }
0x6b: {  	_ =	shalt  }
0x6c: {  	_ =	shalt  }
0x6d: {  	_ =	shalt  }
0x6e: {  	_ =	shalt  }
0x6f: {  	_ =	shalt  }
0x70: {  	_ =	shalt  }
0x71: {  	_ =	shalt  }
0x72: {  	_ =	shalt  }
0x73: {  	_ =	shalt  }
0x74: {  	_ =	shalt  }
0x75: {  	_ =	shalt  }
0x76: {  	_ =	shalt  }
0x77: {  	_ =	shalt  }
0x78: {  	_ =	shalt  }
0x79: {  	_ =	shalt  }
0x7a: {  	_ =	shalt  }
0x7b: {  	_ =	shalt  }
0x7c: {  	_ =	shalt  }
0x7d: {  	_ =	shalt  }
0x7e: {  	_ =	shalt  }
0x7f: {  	_ =	shalt  }
0x80: {  	_ =	shalt  }
0x81: {  	_ =	shalt  }
0x82: {  	_ =	shalt  }
0x83: {  	_ =	shalt  }
0x84: {  	_ =	shalt  }
0x85: {  	_ =	shalt  }
0x86: {  	_ =	shalt  }
0x87: {  	_ =	shalt  }
.Lfunc_end0:
.L_simem_size_0:
called_computation_lowered:
.L_overlay_start_0:
0x88: {  	s2 =	sld [smem:$0x3FD9]  }
0x89: {  	s3 =	sld [smem:$0x3FFE];
	_ =	sdelay $0x1  }
0x8a: {  	s1 =	srdreg.scid  }
0x8b: {  	s0 =	sand.u32 $0x1, s1  }
0x8c: {  	s17 =	sshll.u32 s0, $0xA;
	s2 =	sadd.s32 s3, s2  }
0x8d: {  	s2 =	sadd.s32 s2, s17  }
0x8e: {  	[smem:$0x3FC6] =	sst s2  }
0x8f: {  	_ = 	snop  }
0x90: {  	s2 =	sld [smem:$0x3FC9]  }
0x91: {  	s18 =	sld [smem:$0x3FD0];
	(tm) =	ssettm $0x1  }
0x92: {  	s4 =	sld [smem:$0x3FFB];
	_ =	sdelay $0x3  }
0x93: {  	_ =	strace s4  }
0x94: {  	s4 =	sld [smem:$0x3FFC];
	_ =	sdelay $0x3  }
0x95: {  	_ =	strace s4  }
0x96: {  	s4 =	sld [smem:$0x3FFD];
	_ =	sdelay $0x3  }
0x97: {  	_ =	strace s4  }
0x98: {  	_ =	strace $0x8FFFFFFF  }
0x99: {  	s19 =	sld [smem:$0x3FDB];
	_ =	sdelay $0x1  }
0x9a: {  	s5 =	simm.s32 $_scs_section_size  }
0x9b: {  	s6 =	simm.s32 $_size__tile_overlayer_lowered;
	s7 =	simm.s32 $_tile_overlayer_lowered  }
0x9c: {  	s22 =	simm.s32 $0x1BFF;
	s21 =	sshll.u32 s7, $0x1;
	s4 =	sadd.s32 s5, s19  }
0x9d: {  	s8 =	simm.s32 $0x0;
	s20 =	sshll.u32 s6, $0x1;
	s6 =	sadd.s32 s21, s4  }
0x9e: {  	[timem:s8], [sflag:s22] =	dma.local [hbm:s6], s20  }
0x9f: {  	_ =	swait.ge [sflag:s22], s20  }
0xa0: {  	s5 =	ssub.s32 $0x0, s20;
	[sflag:s22] =	ssyncset.done $0x0  }
0xa1: {  	[sflag:s22] =	ssyncadd.s32 s5;
	_ =	sdelay $0x1  }
0xa2: {  	s23 =	simm.s32 $0x1B8B  }
0xa3: {  	_ =	swait.ge [sflag:s23], $0x1  }
0xa4: {  	[sflag:s23] =	ssyncset.done $0x0  }
0xa5: {  	s25 =	simm.s32 $0x1B8E;
	s24 =	sld [smem:$0x3FFE];
	[sflag:s23] =	ssyncadd.s32 $0xFFFFFFFF  }
0xa6: {  	s26 =	simm.s32 $execute0_lowered;
	[smem:$0x3FD2] =	sst s25  }
0xa7: {  	s6 =	sshll.u32 s26, $0x1;
	_ =	strace $0x80000046;
	[dreg:$0x1] =	wrdreg $0xFFFFFFFF  }
0xa8: {  	s28 =	simm.s32 $_size_execute0_lowered;
	s4 =	sadd.s32 s4, s6;
	[dreg:$0x0] =	wrdreg $0x0  }
0xa9: {  	s6 =	sshll.u32 s28, $0x1;
	[dreg:$0x2] =	wrdreg s4  }
0xaa: {  	[dreg:$0x3] =	wrdreg s6  }
0xab: {  	[dreg:$0x4] =	wrdreg $0xC0  }
0xac: {  	_ =	task [dreg:s8], $0x5FFFF  }
0xad: {  	[dreg:$0x1] =	wrdreg $0xFFFFFFFF  }
0xae: {  	[dreg:$0x0] =	wrdreg $0x60  }
0xaf: {  	[dreg:$0x2] =	wrdreg s2  }
0xb0: {  	[dreg:$0x3] =	wrdreg s24  }
0xb1: {  	[dreg:$0x4] =	wrdreg s18  }
0xb2: {  	[dreg:$0x5] =	wrdreg $0x0  }
0xb3: {  	[dreg:$0x6] =	wrdreg $0x9  }
0xb4: {  	_ =	task.clear_ibuf [dreg:s8], $0x7FFFF;
	_ =	strace $0x90000046  }
0xb5: {  	s29 =	simm.s32 $0x9;
	_ =	strace $0x80000048  }
0xb6: {  	_ =	swait.ge [sflag:s29], $0x1  }
0xb7: {  	[sflag:s29] =	ssyncadd.s32 $0xFFFFFFFF  }
0xb8: {  	_ =	strace $0x90000048  }
0xb9: {  	_ =	sfence  }
0xba: {  	s30 =	sld [smem:$0x0];
	_ =	sdelay $0x2  }
0xbb: {  	s31 =	sshll.u32 s1, $0xD;
	s1 =	sshrl.u32 s1, $0x2  }
0xbc: {  	s3 =	sand.u32 $0x4000, s31;
	s1 =	sadd.s32 s1, s30  }
0xbd: {  	s0 =	sor.u32 s3, s0;
	s1 =	sshll.u32 s1, $0x11  }
0xbe: {  	s0 =	sor.u32 s1, s0  }
0xbf: {  	s0 =	sadd.s32 $0x8F2B, s0  }
0xc0: {  	[sflag:s0] =	ssyncadd.remote.s32 $0x1  }
0xc1: {  	_ =	sfence.sel $0xFFFF  }
0xc2: {  	[dreg:$0x0] =	wrdreg $0xFFFFFFFF;
	(pc) =	sbr.abs _section_cstart, $3  }
0xc3: {  	[dreg:$0x1] =	wrdreg $0xFFFFFFFF  }
0xc4: {  	_ =	task.clear_ibuf [dreg:s8], $0x2FFFF;
	_ =	strace $0x9FFFFFFF  }
0xc5: {  	(tm) =	ssettm $0x7FFFFFFF  }
tec
execute0_lowered:
.L_overlay_start_1:
0x0: {  	(tag) =	ssettag $0x1  }
0x1: {  	s1 =	rddreg [dreg:$0x1]  }
0x2: {  	s2 =	rddreg [dreg:$0x2]  }
0x3: {  	s0 =	srdreg.scid;
	s3 =	stileid.u32  }
0x4: {  	s4 =	rddreg [dreg:$0x3];
	s5 =	simm.s32 $0x0;
	s15 =	simm.s32 $0x13880  }
0x5: {  	s16 =	simm.s32 $0x4;
	s17 =	simm.s32 $0x13900;
	s18 =	simm.s32 $0x50  }
0x6: {  	s20 =	simm.s32 $0x18A80;
	s21 =	simm.s32 $0x13980;
	s22 =	simm.s32 $0x13A00  }
0x7: {  	v0 =	vlaneseq.u32;
	s23 =	simm.s32 $0x1;
	s24 =	simm.s32 $0x3;
	s25 =	simm.s32 $0x1DB80  }
0x8: {  	v1 =	vimm.f32 $1.000000000e+00;
	vm0 =	vcmask $0x300;
	s26 =	simm.s32 $0x0;
	s0 =	sand.u32 $0x1, s0;
	s6 =	sshll.u32 s3, $0x1;
	v0 =	vmul.u32 $0x11, v0  }
0x9: {  	[smem:$0x7FF] =	sst s5;
	s7 =	sadd.s32 $0x9E00, s1;
	v1 =	vsel vm0, $0xBF800000, v1;
	s6 =	sor.u32 s0, s6  }
0xa: {  	p0 =	sne.s32 s3, $0x0;
	s0 =	ssub.s32 $0x2, s0;
	s6 =	smul.u32 $0x2710, s6;
	v2 =	vadd.s32 $0x1, v0;
	v3 =	vadd.s32 $0x2, v0;
	v4 =	vadd.s32 $0x3, v0  }
0xb: {  	_ =	strace $0x80000047;
	s14 =	sshrl.u32 @!p0 s4, $0x3;
	s8 =	sshrl.u32 s0, $0x1;
	v5 =	vadd.s32 $0x4, v0;
	v6 =	vadd.s32 $0x5, v0;
	v7 =	vadd.s32 $0x6, v0  }
0xc: {  	v8 =	vadd.s32 $0x7, v0;
	v9 =	vadd.s32 $0x8, v0;
	v10 =	vadd.s32 $0x9, v0;
	s0 =	ssub.s32 s0, s8;
	s10 =	sshrl.u32 s6, $0x3;
	s12 =	sadd.s32 $0xA0, s6  }
0xd: {  	v11 =	vadd.s32 $0xA, v0;
	v12 =	vadd.s32 $0xB, v0;
	v13 =	vadd.s32 $0xC, v0;
	s13 =	smax.u32 s0, $0x1;
	s8 =	sadd.s32 s1, s10;
	s11 =	sadd.s32 $0xA, s10  }
0xe: {  	v14 =	vadd.s32 $0xD, v0;
	v15 =	vadd.s32 $0xE, v0;
	v16 =	vadd.s32 $0xF, v0;
	s9 =	sadd.s32 s2, s10;
	s10 =	sadd.s32 s1, s11;
	s11 =	sadd.s32 s2, s11  }
.LBB2_1:
0xf: {  	s0 =	simm.s32 @!p0 $0x1C04;
	s3 =	rddreg [dreg:$0x0]  }
0x10: {  	[spmem:s14], [sflag:s0] =	dma.local @!p0 [hbm:s3], $0x27100  }
0x11: {  	s0 =	simm.s32 @!p0 $0x4  }
0x12: {  	_ =	swait.ge @!p0 [sflag:s0], $0x27100  }
0x13: {  	[sflag:s0] =	ssyncset.done @!p0 $0x0  }
0x14: {  	[sflag:s0] =	ssyncadd.s32 @!p0 $0xFFFD8F00  }
0x15: {  	[tilespmem:s15], [sflag:$0x4] =	stream.linear.gather [hbm4b:s8+s5], $0x50, $0x38;
	[tilespmem:$0x1DD00] =	vst v63  }
0x16: {  	_ =	swait.ge [sflag:s16], $0x50  }
0x17: {  	[sflag:s16] =	ssyncset.done $0x0  }
0x18: {  	[sflag:s16] =	ssyncadd.s32 $0xFFFFFFB0  }
0x19: {  	[tilespmem:s17], [sflag:$0x4] =	stream.linear.gather [hbm4b:s9+s5], $0x50, $0x38;
	[tilespmem:$0x1DD00] =	vst v63  }
0x1a: {  	_ =	swait.ge [sflag:s16], $0x50  }
0x1b: {  	[sflag:s16] =	ssyncset.done $0x0  }
0x1c: {  	[sflag:s16] =	ssyncadd.s32 $0xFFFFFFB0  }
0x1d: {  	s31 =	simm.s32 $0x13A80;
	[bflag:$0x0] =	sbarrier.arrive $0xFFFF  }
0x1e: {  	[tilespmem:s31], [sflag:$0x1] =	stream.indirect.gather [spmem:s4], $0x80, s15, s18, $0xb8;
	[tilespmem:$0x1DD00] =	vst v63  }
0x1f: {  	_ = 	snop  }
0x20: {  	[tilespmem:s20], [sflag:$0x1] =	stream.indirect.gather [spmem:s4], $0x80, s17, s18, $0xb8;
	[tilespmem:$0x1DD00] =	vst v63  }
0x21: {  	_ = 	snop  }
0x22: {  	[tilespmem:s21], [sflag:$0x2] =	stream.linear.gather [hbm4b:s10+s5], $0x50, $0x38;
	[tilespmem:$0x1DD00] =	vst v63  }
0x23: {  	s28 =	simm.s32 $0x0  }
0x24: {  	[tilespmem:s22], [sflag:$0x2] =	stream.linear.gather [hbm4b:s11+s5], $0x50, $0x38;
	[tilespmem:$0x1DD00] =	vst v63  }
.LBB2_2:
0x25: {  	_ =	swait.ge [sflag:s23], $0x2800  }
0x26: {  	[sflag:s23] =	ssyncset.done $0x0  }
0x27: {  	[sflag:s23] =	ssyncadd.s32 $0xFFFFD800  }
0x28: {  	_ =	swait.ge [sflag:s23], $0x2800  }
0x29: {  	p1 =	seq.s32 s28, $0x7C;
	[sflag:s23] =	ssyncset.done $0x0  }
0x2a: {  	s0 =	simm.s32 @!p1 $0x2;
	[sflag:s23] =	ssyncadd.s32 $0xFFFFD800  }
0x2b: {  	_ =	swait.ge @!p1 [sflag:s0], $0x50  }
0x2c: {  	s3 =	sand.u32 $0x1, s28;
	[sflag:s0] =	ssyncset.done @!p1 $0x0  }
0x2d: {  	s29 =	sxor.u32 @!p1 $0x1, s3;
	p2 =	sgt.u32 @!p1 s28, $0x7A;
	[sflag:s0] =	ssyncadd.s32 @!p1 $0xFFFFFFB0  }
0x2e: {  	s30 =	sshll.u32 @!p1 s29, $0x8;
	s29 =	smul.u32 @!p1 $0x2800, s29;
	_ =	swait.ge @!p1 [sflag:s0], $0x50  }
0x2f: {  	s19 =	simm.s32 @!p1 $0x50;
	p2 =	por p1, p2;
	[sflag:s0] =	ssyncset.done @!p1 $0x0  }
0x30: {  	s31 =	sor.u32 @!p1 $0x13880, s30;
	[sflag:s0] =	ssyncadd.s32 @!p1 $0xFFFFFFB0;
	s0 =	sadd.s32 @!p1 $0x13A80, s29  }
0x31: {  	[tilespmem:s0], [sflag:$0x1] =	stream.indirect.gather @!p1 [spmem:s4], $0x80, s31, s19, $0xb8;
	[tilespmem:$0x1DD00] =	vst v63  }
0x32: {  	s29 =	sadd.s32 @!p1 $0x18A80, s29;
	s0 =	sadd.s32 @!p1 $0x13900, s30;
	s30 =	smul.u32 @!p2 $0x50, s28  }
0x33: {  	[tilespmem:s29], [sflag:$0x1] =	stream.indirect.gather @!p1 [spmem:s4], $0x80, s0, s19, $0xb8;
	[tilespmem:$0x1DD00] =	vst v63  }
0x34: {  	s0 =	sadd.s32 @!p2 s30, s12  }
0x35: {  	s31 =	simm.s32 @!p2 $0x0;
	s19 =	sshll.u32 @!p2 s3, $0x8;
	s0 =	sshrl.u32 @!p2 s0, $0x3  }
0x36: {  	p1 =	slt.u32 @!p2 s28, $0x2;
	s29 =	sor.u32 @!p2 $0x13880, s19;
	s30 =	sadd.s32 @!p2 s1, s0  }
0x37: {  	[tilespmem:s29], [sflag:$0x2] =	stream.linear.gather @!p2 [hbm4b:s30+s31], $0x50, $0x38;
	[tilespmem:$0x1DD00] =	vst v63  }
0x38: {  	s19 =	sadd.s32 @!p2 $0x13900, s19;
	p1 =	por p2, !p1;
	s0 =	sadd.s32 @!p2 s2, s0  }
0x39: {  	[tilespmem:s19], [sflag:$0x2] =	stream.linear.gather @!p2 [hbm4b:s0+s31], $0x50, $0x38;
	[tilespmem:$0x1DD00] =	vst v63  }
0x3a: {  	_ =	swait.ge @p1 [sflag:s24], $0x50  }
0x3b: {  	s19 =	smul.u32 $0x2800, s3;
	[sflag:s24] =	ssyncset.done @p1 $0x0  }
0x3c: {  	[sflag:s24] =	ssyncadd.s32 @p1 $0xFFFFFFB0  }
0x3d: {  	v17 =	vld [tilespmem:s19+$0x13A80]  }
0x3e: {  	v18 =	vld [tilespmem:s19+$0x18A80]  }
0x3f: {  	v19 =	vld [tilespmem:s19+$0x13A90]  }
0x40: {  	v20 =	vld [tilespmem:s19+$0x18A90]  }
0x41: {  	v21 =	vld [tilespmem:s19+$0x13AA0]  }
0x42: {  	v22 =	vld [tilespmem:s19+$0x18AA0]  }
0x43: {  	v23 =	vld [tilespmem:s19+$0x13AB0]  }
0x44: {  	v24 =	vld [tilespmem:s19+$0x18AB0]  }
0x45: {  	v25 =	vld [tilespmem:s19+$0x13AC0]  }
0x46: {  	v26 =	vld [tilespmem:s19+$0x18AC0]  }
0x47: {  	v27 =	vld [tilespmem:s19+$0x13AD0]  }
0x48: {  	v28 =	vld [tilespmem:s19+$0x18AD0]  }
0x49: {  	v29 =	vld [tilespmem:s19+$0x13AE0]  }
0x4a: {  	v30 =	vld [tilespmem:s19+$0x18AE0]  }
0x4b: {  	v31 =	vld [tilespmem:s19+$0x13AF0]  }
0x4c: {  	v17 =	vmul.f32 v18, v17;
	v18 =	vld [tilespmem:s19+$0x18AF0];
	_ =	sdelay $0x1  }
0x4d: {  	v19 =	vmul.f32 v20, v19;
	v38 =	vmul.f32 v22, v21  }
0x4e: {  	v39 =	vmul.f32 v24, v23;
	v40 =	vmul.f32 v26, v25  }
0x4f: {  	v41 =	vmul.f32 v28, v27;
	v17 =	vmul.f32 v1, v17  }
0x50: {  	v42 =	vmul.f32 v30, v29;
	v18 =	vmul.f32 v18, v31  }
0x51: {  	v43 =	vadd.f32 v41, v40;
	v17 =	vadd.f32 v19, v17  }
0x52: {  	v19 =	vadd.f32 v39, v38;
	v18 =	vadd.f32 v18, v42;
	_ =	sdelay $0x1  }
0x53: {  	v17 =	vadd.f32 v19, v17;
	v18 =	vadd.f32 v18, v43;
	_ =	sdelay $0x1  }
0x54: {  	v17 =	vadd.f32 v18, v17;
	_ =	sdelay $0x1  }
0x55: {  	[tilespmem:$0x1DB80] =	vst v17  }
0x56: {  	v17 =	vld [tilespmem:s19+$0x13B00]  }
0x57: {  	v18 =	vld [tilespmem:s19+$0x18B00]  }
0x58: {  	v19 =	vld [tilespmem:s19+$0x13B10]  }
0x59: {  	v44 =	vld [tilespmem:s19+$0x18B10]  }
0x5a: {  	v45 =	vld [tilespmem:s19+$0x13B20]  }
0x5b: {  	v46 =	vld [tilespmem:s19+$0x18B20]  }
0x5c: {  	v47 =	vld [tilespmem:s19+$0x13B30]  }
0x5d: {  	v48 =	vld [tilespmem:s19+$0x18B30]  }
0x5e: {  	v49 =	vld [tilespmem:s19+$0x13B40]  }
0x5f: {  	v50 =	vld [tilespmem:s19+$0x18B40]  }
0x60: {  	v51 =	vld [tilespmem:s19+$0x13B50]  }
0x61: {  	v52 =	vld [tilespmem:s19+$0x18B50]  }
0x62: {  	v53 =	vld [tilespmem:s19+$0x13B60]  }
0x63: {  	v54 =	vld [tilespmem:s19+$0x18B60]  }
0x64: {  	v55 =	vld [tilespmem:s19+$0x13B70]  }
0x65: {  	v17 =	vmul.f32 v18, v17;
	v18 =	vld [tilespmem:s19+$0x18B70];
	_ =	sdelay $0x1  }
0x66: {  	v19 =	vmul.f32 v44, v19;
	v56 =	vmul.f32 v46, v45  }
0x67: {  	v57 =	vmul.f32 v48, v47;
	v58 =	vmul.f32 v50, v49  }
0x68: {  	v59 =	vmul.f32 v52, v51;
	v17 =	vmul.f32 v1, v17  }
0x69: {  	v60 =	vmul.f32 v54, v53;
	v18 =	vmul.f32 v18, v55  }
0x6a: {  	v61 =	vadd.f32 v59, v58;
	v17 =	vadd.f32 v19, v17  }
0x6b: {  	v19 =	vadd.f32 v57, v56;
	v18 =	vadd.f32 v18, v60;
	_ =	sdelay $0x1  }
0x6c: {  	v17 =	vadd.f32 v19, v17;
	v18 =	vadd.f32 v18, v61;
	_ =	sdelay $0x1  }
0x6d: {  	v17 =	vadd.f32 v18, v17;
	_ =	sdelay $0x1  }
0x6e: {  	[tilespmem:$0x1DB91] =	vst v17  }
0x6f: {  	v17 =	vld [tilespmem:s19+$0x13B80]  }
0x70: {  	v18 =	vld [tilespmem:s19+$0x18B80]  }
0x71: {  	v19 =	vld [tilespmem:s19+$0x13B90]  }
0x72: {  	v62 =	vld [tilespmem:s19+$0x18B90]  }
0x73: {  	v63 =	vld [tilespmem:s19+$0x13BA0]  }
0x74: {  	v33 =	vld [tilespmem:s19+$0x18BA0]  }
0x75: {  	v34 =	vld [tilespmem:s19+$0x13BB0]  }
0x76: {  	v35 =	vld [tilespmem:s19+$0x18BB0]  }
0x77: {  	v36 =	vld [tilespmem:s19+$0x13BC0]  }
0x78: {  	v37 =	vld [tilespmem:s19+$0x18BC0]  }
0x79: {  	v38 =	vld [tilespmem:s19+$0x13BD0]  }
0x7a: {  	v39 =	vld [tilespmem:s19+$0x18BD0]  }
0x7b: {  	v40 =	vld [tilespmem:s19+$0x13BE0]  }
0x7c: {  	v41 =	vld [tilespmem:s19+$0x18BE0]  }
0x7d: {  	v42 =	vld [tilespmem:s19+$0x13BF0]  }
0x7e: {  	v17 =	vmul.f32 v18, v17;
	v18 =	vld [tilespmem:s19+$0x18BF0];
	_ =	sdelay $0x1  }
0x7f: {  	v19 =	vmul.f32 v62, v19;
	v43 =	vmul.f32 v33, v63  }
0x80: {  	v44 =	vmul.f32 v35, v34;
	v45 =	vmul.f32 v37, v36  }
0x81: {  	v46 =	vmul.f32 v39, v38;
	v17 =	vmul.f32 v1, v17  }
0x82: {  	v47 =	vmul.f32 v41, v40;
	v18 =	vmul.f32 v18, v42  }
0x83: {  	v48 =	vadd.f32 v46, v45;
	v17 =	vadd.f32 v19, v17  }
0x84: {  	v19 =	vadd.f32 v44, v43;
	v18 =	vadd.f32 v18, v47;
	_ =	sdelay $0x1  }
0x85: {  	v17 =	vadd.f32 v19, v17;
	v18 =	vadd.f32 v18, v48;
	_ =	sdelay $0x1  }
0x86: {  	v17 =	vadd.f32 v18, v17;
	_ =	sdelay $0x1  }
0x87: {  	[tilespmem:$0x1DBA2] =	vst v17  }
0x88: {  	v17 =	vld [tilespmem:s19+$0x13C00]  }
0x89: {  	v18 =	vld [tilespmem:s19+$0x18C00]  }
0x8a: {  	v19 =	vld [tilespmem:s19+$0x13C10]  }
0x8b: {  	v49 =	vld [tilespmem:s19+$0x18C10]  }
0x8c: {  	v50 =	vld [tilespmem:s19+$0x13C20]  }
0x8d: {  	v51 =	vld [tilespmem:s19+$0x18C20]  }
0x8e: {  	v52 =	vld [tilespmem:s19+$0x13C30]  }
0x8f: {  	v53 =	vld [tilespmem:s19+$0x18C30]  }
0x90: {  	v54 =	vld [tilespmem:s19+$0x13C40]  }
0x91: {  	v55 =	vld [tilespmem:s19+$0x18C40]  }
0x92: {  	v56 =	vld [tilespmem:s19+$0x13C50]  }
0x93: {  	v57 =	vld [tilespmem:s19+$0x18C50]  }
0x94: {  	v58 =	vld [tilespmem:s19+$0x13C60]  }
0x95: {  	v59 =	vld [tilespmem:s19+$0x18C60]  }
0x96: {  	v60 =	vld [tilespmem:s19+$0x13C70]  }
0x97: {  	v17 =	vmul.f32 v18, v17;
	v18 =	vld [tilespmem:s19+$0x18C70];
	_ =	sdelay $0x1  }
0x98: {  	v19 =	vmul.f32 v49, v19;
	v61 =	vmul.f32 v51, v50  }
0x99: {  	v62 =	vmul.f32 v53, v52;
	v63 =	vmul.f32 v55, v54  }
0x9a: {  	v32 =	vmul.f32 v57, v56;
	v17 =	vmul.f32 v1, v17  }
0x9b: {  	v33 =	vmul.f32 v59, v58;
	v18 =	vmul.f32 v18, v60  }
0x9c: {  	v34 =	vadd.f32 v32, v63;
	v17 =	vadd.f32 v19, v17  }
0x9d: {  	v19 =	vadd.f32 v62, v61;
	v18 =	vadd.f32 v18, v33;
	_ =	sdelay $0x1  }
0x9e: {  	v17 =	vadd.f32 v19, v17;
	v18 =	vadd.f32 v18, v34;
	_ =	sdelay $0x1  }
0x9f: {  	v17 =	vadd.f32 v18, v17;
	_ =	sdelay $0x1  }
0xa0: {  	[tilespmem:$0x1DBB3] =	vst v17  }
0xa1: {  	v17 =	vld [tilespmem:s19+$0x13C80]  }
0xa2: {  	v18 =	vld [tilespmem:s19+$0x18C80]  }
0xa3: {  	v19 =	vld [tilespmem:s19+$0x13C90]  }
0xa4: {  	v35 =	vld [tilespmem:s19+$0x18C90]  }
0xa5: {  	v36 =	vld [tilespmem:s19+$0x13CA0]  }
0xa6: {  	v37 =	vld [tilespmem:s19+$0x18CA0]  }
0xa7: {  	v38 =	vld [tilespmem:s19+$0x13CB0]  }
0xa8: {  	v39 =	vld [tilespmem:s19+$0x18CB0]  }
0xa9: {  	v40 =	vld [tilespmem:s19+$0x13CC0]  }
0xaa: {  	v41 =	vld [tilespmem:s19+$0x18CC0]  }
0xab: {  	v42 =	vld [tilespmem:s19+$0x13CD0]  }
0xac: {  	v43 =	vld [tilespmem:s19+$0x18CD0]  }
0xad: {  	v44 =	vld [tilespmem:s19+$0x13CE0]  }
0xae: {  	v45 =	vld [tilespmem:s19+$0x18CE0]  }
0xaf: {  	v46 =	vld [tilespmem:s19+$0x13CF0]  }
0xb0: {  	v17 =	vmul.f32 v18, v17;
	v18 =	vld [tilespmem:s19+$0x18CF0];
	_ =	sdelay $0x1  }
0xb1: {  	v19 =	vmul.f32 v35, v19;
	v47 =	vmul.f32 v37, v36  }
0xb2: {  	v48 =	vmul.f32 v39, v38;
	v49 =	vmul.f32 v41, v40  }
0xb3: {  	v50 =	vmul.f32 v43, v42;
	v17 =	vmul.f32 v1, v17  }
0xb4: {  	v51 =	vmul.f32 v45, v44;
	v18 =	vmul.f32 v18, v46  }
0xb5: {  	v52 =	vadd.f32 v50, v49;
	v17 =	vadd.f32 v19, v17  }
0xb6: {  	v19 =	vadd.f32 v48, v47;
	v18 =	vadd.f32 v18, v51;
	_ =	sdelay $0x1  }
0xb7: {  	v17 =	vadd.f32 v19, v17;
	v18 =	vadd.f32 v18, v52;
	_ =	sdelay $0x1  }
0xb8: {  	v17 =	vadd.f32 v18, v17;
	_ =	sdelay $0x1  }
0xb9: {  	[tilespmem:$0x1DBC4] =	vst v17  }
0xba: {  	v17 =	vld [tilespmem:s19+$0x13D00]  }
0xbb: {  	v18 =	vld [tilespmem:s19+$0x18D00]  }
0xbc: {  	v19 =	vld [tilespmem:s19+$0x13D10]  }
0xbd: {  	v53 =	vld [tilespmem:s19+$0x18D10]  }
0xbe: {  	v54 =	vld [tilespmem:s19+$0x13D20]  }
0xbf: {  	v55 =	vld [tilespmem:s19+$0x18D20]  }
0xc0: {  	v56 =	vld [tilespmem:s19+$0x13D30]  }
0xc1: {  	v57 =	vld [tilespmem:s19+$0x18D30]  }
0xc2: {  	v58 =	vld [tilespmem:s19+$0x13D40]  }
0xc3: {  	v59 =	vld [tilespmem:s19+$0x18D40]  }
0xc4: {  	v60 =	vld [tilespmem:s19+$0x13D50]  }
0xc5: {  	v61 =	vld [tilespmem:s19+$0x18D50]  }
0xc6: {  	v62 =	vld [tilespmem:s19+$0x13D60]  }
0xc7: {  	v63 =	vld [tilespmem:s19+$0x18D60]  }
0xc8: {  	v33 =	vld [tilespmem:s19+$0x13D70]  }
0xc9: {  	v17 =	vmul.f32 v18, v17;
	v18 =	vld [tilespmem:s19+$0x18D70];
	_ =	sdelay $0x1  }
0xca: {  	v19 =	vmul.f32 v53, v19;
	v34 =	vmul.f32 v55, v54  }
0xcb: {  	v35 =	vmul.f32 v57, v56;
	v36 =	vmul.f32 v59, v58  }
0xcc: {  	v37 =	vmul.f32 v61, v60;
	v17 =	vmul.f32 v1, v17  }
0xcd: {  	v38 =	vmul.f32 v63, v62;
	v18 =	vmul.f32 v18, v33  }
0xce: {  	v39 =	vadd.f32 v37, v36;
	v17 =	vadd.f32 v19, v17  }
0xcf: {  	v19 =	vadd.f32 v35, v34;
	v18 =	vadd.f32 v18, v38;
	_ =	sdelay $0x1  }
0xd0: {  	v17 =	vadd.f32 v19, v17;
	v18 =	vadd.f32 v18, v39;
	_ =	sdelay $0x1  }
0xd1: {  	v17 =	vadd.f32 v18, v17;
	_ =	sdelay $0x1  }
0xd2: {  	[tilespmem:$0x1DBD5] =	vst v17  }
0xd3: {  	v17 =	vld [tilespmem:s19+$0x13D80]  }
0xd4: {  	v18 =	vld [tilespmem:s19+$0x18D80]  }
0xd5: {  	v19 =	vld [tilespmem:s19+$0x13D90]  }
0xd6: {  	v40 =	vld [tilespmem:s19+$0x18D90]  }
0xd7: {  	v41 =	vld [tilespmem:s19+$0x13DA0]  }
0xd8: {  	v42 =	vld [tilespmem:s19+$0x18DA0]  }
0xd9: {  	v43 =	vld [tilespmem:s19+$0x13DB0]  }
0xda: {  	v44 =	vld [tilespmem:s19+$0x18DB0]  }
0xdb: {  	v45 =	vld [tilespmem:s19+$0x13DC0]  }
0xdc: {  	v46 =	vld [tilespmem:s19+$0x18DC0]  }
0xdd: {  	v47 =	vld [tilespmem:s19+$0x13DD0]  }
0xde: {  	v48 =	vld [tilespmem:s19+$0x18DD0]  }
0xdf: {  	v49 =	vld [tilespmem:s19+$0x13DE0]  }
0xe0: {  	v50 =	vld [tilespmem:s19+$0x18DE0]  }
0xe1: {  	v51 =	vld [tilespmem:s19+$0x13DF0]  }
0xe2: {  	v17 =	vmul.f32 v18, v17;
	v18 =	vld [tilespmem:s19+$0x18DF0];
	_ =	sdelay $0x1  }
0xe3: {  	v19 =	vmul.f32 v40, v19;
	v52 =	vmul.f32 v42, v41  }
0xe4: {  	v53 =	vmul.f32 v44, v43;
	v54 =	vmul.f32 v46, v45  }
0xe5: {  	v55 =	vmul.f32 v48, v47;
	v17 =	vmul.f32 v1, v17  }
0xe6: {  	v56 =	vmul.f32 v50, v49;
	v18 =	vmul.f32 v18, v51  }
0xe7: {  	v57 =	vadd.f32 v55, v54;
	v17 =	vadd.f32 v19, v17  }
0xe8: {  	v19 =	vadd.f32 v53, v52;
	v18 =	vadd.f32 v18, v56;
	_ =	sdelay $0x1  }
0xe9: {  	v17 =	vadd.f32 v19, v17;
	v18 =	vadd.f32 v18, v57;
	_ =	sdelay $0x1  }
0xea: {  	v17 =	vadd.f32 v18, v17;
	_ =	sdelay $0x1  }
0xeb: {  	[tilespmem:$0x1DBE6] =	vst v17  }
0xec: {  	v17 =	vld [tilespmem:s19+$0x13E00]  }
0xed: {  	v18 =	vld [tilespmem:s19+$0x18E00]  }
0xee: {  	v19 =	vld [tilespmem:s19+$0x13E10]  }
0xef: {  	v58 =	vld [tilespmem:s19+$0x18E10]  }
0xf0: {  	v59 =	vld [tilespmem:s19+$0x13E20]  }
0xf1: {  	v60 =	vld [tilespmem:s19+$0x18E20]  }
0xf2: {  	v61 =	vld [tilespmem:s19+$0x13E30]  }
0xf3: {  	v62 =	vld [tilespmem:s19+$0x18E30]  }
0xf4: {  	v63 =	vld [tilespmem:s19+$0x13E40]  }
0xf5: {  	v33 =	vld [tilespmem:s19+$0x18E40]  }
0xf6: {  	v34 =	vld [tilespmem:s19+$0x13E50]  }
0xf7: {  	v35 =	vld [tilespmem:s19+$0x18E50]  }
0xf8: {  	v36 =	vld [tilespmem:s19+$0x13E60]  }
0xf9: {  	v37 =	vld [tilespmem:s19+$0x18E60]  }
0xfa: {  	v38 =	vld [tilespmem:s19+$0x13E70]  }
0xfb: {  	v17 =	vmul.f32 v18, v17;
	v18 =	vld [tilespmem:s19+$0x18E70];
	_ =	sdelay $0x1  }
0xfc: {  	v19 =	vmul.f32 v58, v19;
	v39 =	vmul.f32 v60, v59  }
0xfd: {  	v40 =	vmul.f32 v62, v61;
	v41 =	vmul.f32 v33, v63  }
0xfe: {  	v42 =	vmul.f32 v35, v34;
	v17 =	vmul.f32 v1, v17  }
0xff: {  	v43 =	vmul.f32 v37, v36;
	v18 =	vmul.f32 v18, v38  }
0x100: {  	v44 =	vadd.f32 v42, v41;
	v17 =	vadd.f32 v19, v17  }
0x101: {  	v19 =	vadd.f32 v40, v39;
	v18 =	vadd.f32 v18, v43;
	_ =	sdelay $0x1  }
0x102: {  	v17 =	vadd.f32 v19, v17;
	v18 =	vadd.f32 v18, v44;
	_ =	sdelay $0x1  }
0x103: {  	v17 =	vadd.f32 v18, v17;
	_ =	sdelay $0x1  }
0x104: {  	[tilespmem:$0x1DBF7] =	vst v17  }
0x105: {  	v17 =	vld [tilespmem:s19+$0x13E80]  }
0x106: {  	v18 =	vld [tilespmem:s19+$0x18E80]  }
0x107: {  	v19 =	vld [tilespmem:s19+$0x13E90]  }
0x108: {  	v45 =	vld [tilespmem:s19+$0x18E90]  }
0x109: {  	v46 =	vld [tilespmem:s19+$0x13EA0]  }
0x10a: {  	v47 =	vld [tilespmem:s19+$0x18EA0]  }
0x10b: {  	v48 =	vld [tilespmem:s19+$0x13EB0]  }
0x10c: {  	v49 =	vld [tilespmem:s19+$0x18EB0]  }
0x10d: {  	v50 =	vld [tilespmem:s19+$0x13EC0]  }
0x10e: {  	v51 =	vld [tilespmem:s19+$0x18EC0]  }
0x10f: {  	v52 =	vld [tilespmem:s19+$0x13ED0]  }
0x110: {  	v53 =	vld [tilespmem:s19+$0x18ED0]  }
0x111: {  	v54 =	vld [tilespmem:s19+$0x13EE0]  }
0x112: {  	v55 =	vld [tilespmem:s19+$0x18EE0]  }
0x113: {  	v56 =	vld [tilespmem:s19+$0x13EF0]  }
0x114: {  	v17 =	vmul.f32 v18, v17;
	v18 =	vld [tilespmem:s19+$0x18EF0];
	_ =	sdelay $0x1  }
0x115: {  	v19 =	vmul.f32 v45, v19;
	v57 =	vmul.f32 v47, v46  }
0x116: {  	v58 =	vmul.f32 v49, v48;
	v59 =	vmul.f32 v51, v50  }
0x117: {  	v60 =	vmul.f32 v53, v52;
	v17 =	vmul.f32 v1, v17  }
0x118: {  	v61 =	vmul.f32 v55, v54;
	v18 =	vmul.f32 v18, v56  }
0x119: {  	v62 =	vadd.f32 v60, v59;
	v17 =	vadd.f32 v19, v17  }
0x11a: {  	v19 =	vadd.f32 v58, v57;
	v18 =	vadd.f32 v18, v61;
	_ =	sdelay $0x1  }
0x11b: {  	v17 =	vadd.f32 v19, v17;
	v18 =	vadd.f32 v18, v62;
	_ =	sdelay $0x1  }
0x11c: {  	v17 =	vadd.f32 v18, v17;
	_ =	sdelay $0x1  }
0x11d: {  	[tilespmem:$0x1DC08] =	vst v17  }
0x11e: {  	v17 =	vld [tilespmem:s19+$0x13F00]  }
0x11f: {  	v18 =	vld [tilespmem:s19+$0x18F00]  }
0x120: {  	v19 =	vld [tilespmem:s19+$0x13F10]  }
0x121: {  	v63 =	vld [tilespmem:s19+$0x18F10]  }
0x122: {  	v33 =	vld [tilespmem:s19+$0x13F20]  }
0x123: {  	v34 =	vld [tilespmem:s19+$0x18F20]  }
0x124: {  	v35 =	vld [tilespmem:s19+$0x13F30]  }
0x125: {  	v36 =	vld [tilespmem:s19+$0x18F30]  }
0x126: {  	v37 =	vld [tilespmem:s19+$0x13F40]  }
0x127: {  	v38 =	vld [tilespmem:s19+$0x18F40]  }
0x128: {  	v39 =	vld [tilespmem:s19+$0x13F50]  }
0x129: {  	v40 =	vld [tilespmem:s19+$0x18F50]  }
0x12a: {  	v41 =	vld [tilespmem:s19+$0x13F60]  }
0x12b: {  	v42 =	vld [tilespmem:s19+$0x18F60]  }
0x12c: {  	v43 =	vld [tilespmem:s19+$0x13F70]  }
0x12d: {  	v17 =	vmul.f32 v18, v17;
	v18 =	vld [tilespmem:s19+$0x18F70];
	_ =	sdelay $0x1  }
0x12e: {  	v19 =	vmul.f32 v63, v19;
	v44 =	vmul.f32 v34, v33  }
0x12f: {  	v45 =	vmul.f32 v36, v35;
	v46 =	vmul.f32 v38, v37  }
0x130: {  	v47 =	vmul.f32 v40, v39;
	v17 =	vmul.f32 v1, v17  }
0x131: {  	v48 =	vmul.f32 v42, v41;
	v18 =	vmul.f32 v18, v43  }
0x132: {  	v49 =	vadd.f32 v47, v46;
	v17 =	vadd.f32 v19, v17  }
0x133: {  	v19 =	vadd.f32 v45, v44;
	v18 =	vadd.f32 v18, v48;
	_ =	sdelay $0x1  }
0x134: {  	v17 =	vadd.f32 v19, v17;
	v18 =	vadd.f32 v18, v49;
	_ =	sdelay $0x1  }
0x135: {  	v17 =	vadd.f32 v18, v17;
	_ =	sdelay $0x1  }
0x136: {  	[tilespmem:$0x1DC19] =	vst v17  }
0x137: {  	v17 =	vld [tilespmem:s19+$0x13F80]  }
0x138: {  	v18 =	vld [tilespmem:s19+$0x18F80]  }
0x139: {  	v19 =	vld [tilespmem:s19+$0x13F90]  }
0x13a: {  	v50 =	vld [tilespmem:s19+$0x18F90]  }
0x13b: {  	v51 =	vld [tilespmem:s19+$0x13FA0]  }
0x13c: {  	v52 =	vld [tilespmem:s19+$0x18FA0]  }
0x13d: {  	v53 =	vld [tilespmem:s19+$0x13FB0]  }
0x13e: {  	v54 =	vld [tilespmem:s19+$0x18FB0]  }
0x13f: {  	v55 =	vld [tilespmem:s19+$0x13FC0]  }
0x140: {  	v56 =	vld [tilespmem:s19+$0x18FC0]  }
0x141: {  	v57 =	vld [tilespmem:s19+$0x13FD0]  }
0x142: {  	v58 =	vld [tilespmem:s19+$0x18FD0]  }
0x143: {  	v59 =	vld [tilespmem:s19+$0x13FE0]  }
0x144: {  	v60 =	vld [tilespmem:s19+$0x18FE0]  }
0x145: {  	v61 =	vld [tilespmem:s19+$0x13FF0]  }
0x146: {  	v17 =	vmul.f32 v18, v17;
	v18 =	vld [tilespmem:s19+$0x18FF0];
	_ =	sdelay $0x1  }
0x147: {  	v19 =	vmul.f32 v50, v19;
	v62 =	vmul.f32 v52, v51  }
0x148: {  	v63 =	vmul.f32 v54, v53;
	v32 =	vmul.f32 v56, v55  }
0x149: {  	v33 =	vmul.f32 v58, v57;
	v17 =	vmul.f32 v1, v17  }
0x14a: {  	v34 =	vmul.f32 v60, v59;
	v18 =	vmul.f32 v18, v61  }
0x14b: {  	v35 =	vadd.f32 v33, v32;
	v17 =	vadd.f32 v19, v17  }
0x14c: {  	v19 =	vadd.f32 v63, v62;
	v18 =	vadd.f32 v18, v34;
	_ =	sdelay $0x1  }
0x14d: {  	v17 =	vadd.f32 v19, v17;
	v18 =	vadd.f32 v18, v35;
	_ =	sdelay $0x1  }
0x14e: {  	v17 =	vadd.f32 v18, v17;
	_ =	sdelay $0x1  }
0x14f: {  	[tilespmem:$0x1DC2A] =	vst v17  }
0x150: {  	v17 =	vld [tilespmem:s19+$0x14000]  }
0x151: {  	v18 =	vld [tilespmem:s19+$0x19000]  }
0x152: {  	v19 =	vld [tilespmem:s19+$0x14010]  }
0x153: {  	v36 =	vld [tilespmem:s19+$0x19010]  }
0x154: {  	v37 =	vld [tilespmem:s19+$0x14020]  }
0x155: {  	v38 =	vld [tilespmem:s19+$0x19020]  }
0x156: {  	v39 =	vld [tilespmem:s19+$0x14030]  }
0x157: {  	v40 =	vld [tilespmem:s19+$0x19030]  }
0x158: {  	v41 =	vld [tilespmem:s19+$0x14040]  }
0x159: {  	v42 =	vld [tilespmem:s19+$0x19040]  }
0x15a: {  	v43 =	vld [tilespmem:s19+$0x14050]  }
0x15b: {  	v44 =	vld [tilespmem:s19+$0x19050]  }
0x15c: {  	v45 =	vld [tilespmem:s19+$0x14060]  }
0x15d: {  	v46 =	vld [tilespmem:s19+$0x19060]  }
0x15e: {  	v47 =	vld [tilespmem:s19+$0x14070]  }
0x15f: {  	v17 =	vmul.f32 v18, v17;
	v18 =	vld [tilespmem:s19+$0x19070];
	_ =	sdelay $0x1  }
0x160: {  	v19 =	vmul.f32 v36, v19;
	v48 =	vmul.f32 v38, v37  }
0x161: {  	v49 =	vmul.f32 v40, v39;
	v50 =	vmul.f32 v42, v41  }
0x162: {  	v51 =	vmul.f32 v44, v43;
	v17 =	vmul.f32 v1, v17  }
0x163: {  	v52 =	vmul.f32 v46, v45;
	v18 =	vmul.f32 v18, v47  }
0x164: {  	v53 =	vadd.f32 v51, v50;
	v17 =	vadd.f32 v19, v17  }
0x165: {  	v19 =	vadd.f32 v49, v48;
	v18 =	vadd.f32 v18, v52;
	_ =	sdelay $0x1  }
0x166: {  	v17 =	vadd.f32 v19, v17;
	v18 =	vadd.f32 v18, v53;
	_ =	sdelay $0x1  }
0x167: {  	v17 =	vadd.f32 v18, v17;
	_ =	sdelay $0x1  }
0x168: {  	[tilespmem:$0x1DC3B] =	vst v17  }
0x169: {  	v17 =	vld [tilespmem:s19+$0x14080]  }
0x16a: {  	v18 =	vld [tilespmem:s19+$0x19080]  }
0x16b: {  	v19 =	vld [tilespmem:s19+$0x14090]  }
0x16c: {  	v54 =	vld [tilespmem:s19+$0x19090]  }
0x16d: {  	v55 =	vld [tilespmem:s19+$0x140A0]  }
0x16e: {  	v56 =	vld [tilespmem:s19+$0x190A0]  }
0x16f: {  	v57 =	vld [tilespmem:s19+$0x140B0]  }
0x170: {  	v58 =	vld [tilespmem:s19+$0x190B0]  }
0x171: {  	v59 =	vld [tilespmem:s19+$0x140C0]  }
0x172: {  	v60 =	vld [tilespmem:s19+$0x190C0]  }
0x173: {  	v61 =	vld [tilespmem:s19+$0x140D0]  }
0x174: {  	v62 =	vld [tilespmem:s19+$0x190D0]  }
0x175: {  	v63 =	vld [tilespmem:s19+$0x140E0]  }
0x176: {  	v33 =	vld [tilespmem:s19+$0x190E0]  }
0x177: {  	v34 =	vld [tilespmem:s19+$0x140F0]  }
0x178: {  	v17 =	vmul.f32 v18, v17;
	v18 =	vld [tilespmem:s19+$0x190F0];
	_ =	sdelay $0x1  }
0x179: {  	v19 =	vmul.f32 v54, v19;
	v35 =	vmul.f32 v56, v55  }
0x17a: {  	v36 =	vmul.f32 v58, v57;
	v37 =	vmul.f32 v60, v59  }
0x17b: {  	v38 =	vmul.f32 v62, v61;
	v17 =	vmul.f32 v1, v17  }
0x17c: {  	v39 =	vmul.f32 v33, v63;
	v18 =	vmul.f32 v18, v34  }
0x17d: {  	v40 =	vadd.f32 v38, v37;
	v17 =	vadd.f32 v19, v17  }
0x17e: {  	v19 =	vadd.f32 v36, v35;
	v18 =	vadd.f32 v18, v39;
	_ =	sdelay $0x1  }
0x17f: {  	v17 =	vadd.f32 v19, v17;
	v18 =	vadd.f32 v18, v40;
	_ =	sdelay $0x1  }
0x180: {  	v17 =	vadd.f32 v18, v17;
	_ =	sdelay $0x1  }
0x181: {  	[tilespmem:$0x1DC4C] =	vst v17  }
0x182: {  	v17 =	vld [tilespmem:s19+$0x14100]  }
0x183: {  	v18 =	vld [tilespmem:s19+$0x19100]  }
0x184: {  	v19 =	vld [tilespmem:s19+$0x14110]  }
0x185: {  	v41 =	vld [tilespmem:s19+$0x19110]  }
0x186: {  	v42 =	vld [tilespmem:s19+$0x14120]  }
0x187: {  	v43 =	vld [tilespmem:s19+$0x19120]  }
0x188: {  	v44 =	vld [tilespmem:s19+$0x14130]  }
0x189: {  	v45 =	vld [tilespmem:s19+$0x19130]  }
0x18a: {  	v46 =	vld [tilespmem:s19+$0x14140]  }
0x18b: {  	v47 =	vld [tilespmem:s19+$0x19140]  }
0x18c: {  	v48 =	vld [tilespmem:s19+$0x14150]  }
0x18d: {  	v49 =	vld [tilespmem:s19+$0x19150]  }
0x18e: {  	v50 =	vld [tilespmem:s19+$0x14160]  }
0x18f: {  	v51 =	vld [tilespmem:s19+$0x19160]  }
0x190: {  	v52 =	vld [tilespmem:s19+$0x14170]  }
0x191: {  	v17 =	vmul.f32 v18, v17;
	v18 =	vld [tilespmem:s19+$0x19170];
	_ =	sdelay $0x1  }
0x192: {  	v19 =	vmul.f32 v41, v19;
	v53 =	vmul.f32 v43, v42  }
0x193: {  	v54 =	vmul.f32 v45, v44;
	v55 =	vmul.f32 v47, v46  }
0x194: {  	v56 =	vmul.f32 v49, v48;
	v17 =	vmul.f32 v1, v17  }
0x195: {  	v57 =	vmul.f32 v51, v50;
	v18 =	vmul.f32 v18, v52  }
0x196: {  	v58 =	vadd.f32 v56, v55;
	v17 =	vadd.f32 v19, v17  }
0x197: {  	v19 =	vadd.f32 v54, v53;
	v18 =	vadd.f32 v18, v57;
	_ =	sdelay $0x1  }
0x198: {  	v17 =	vadd.f32 v19, v17;
	v18 =	vadd.f32 v18, v58;
	_ =	sdelay $0x1  }
0x199: {  	v17 =	vadd.f32 v18, v17;
	_ =	sdelay $0x1  }
0x19a: {  	[tilespmem:$0x1DC5D] =	vst v17  }
0x19b: {  	v17 =	vld [tilespmem:s19+$0x14180]  }
0x19c: {  	v18 =	vld [tilespmem:s19+$0x19180]  }
0x19d: {  	v19 =	vld [tilespmem:s19+$0x14190]  }
0x19e: {  	v59 =	vld [tilespmem:s19+$0x19190]  }
0x19f: {  	v60 =	vld [tilespmem:s19+$0x141A0]  }
0x1a0: {  	v61 =	vld [tilespmem:s19+$0x191A0]  }
0x1a1: {  	v62 =	vld [tilespmem:s19+$0x141B0]  }
0x1a2: {  	v63 =	vld [tilespmem:s19+$0x191B0]  }
0x1a3: {  	v33 =	vld [tilespmem:s19+$0x141C0]  }
0x1a4: {  	v34 =	vld [tilespmem:s19+$0x191C0]  }
0x1a5: {  	v35 =	vld [tilespmem:s19+$0x141D0]  }
0x1a6: {  	v36 =	vld [tilespmem:s19+$0x191D0]  }
0x1a7: {  	v37 =	vld [tilespmem:s19+$0x141E0]  }
0x1a8: {  	v38 =	vld [tilespmem:s19+$0x191E0]  }
0x1a9: {  	v39 =	vld [tilespmem:s19+$0x141F0]  }
0x1aa: {  	v17 =	vmul.f32 v18, v17;
	v18 =	vld [tilespmem:s19+$0x191F0];
	_ =	sdelay $0x1  }
0x1ab: {  	v19 =	vmul.f32 v59, v19;
	v40 =	vmul.f32 v61, v60  }
0x1ac: {  	v41 =	vmul.f32 v63, v62;
	v42 =	vmul.f32 v34, v33  }
0x1ad: {  	v43 =	vmul.f32 v36, v35;
	v17 =	vmul.f32 v1, v17  }
0x1ae: {  	v44 =	vmul.f32 v38, v37;
	v18 =	vmul.f32 v18, v39  }
0x1af: {  	v45 =	vadd.f32 v43, v42;
	v17 =	vadd.f32 v19, v17  }
0x1b0: {  	v19 =	vadd.f32 v41, v40;
	v18 =	vadd.f32 v18, v44;
	_ =	sdelay $0x1  }
0x1b1: {  	v17 =	vadd.f32 v19, v17;
	v18 =	vadd.f32 v18, v45;
	_ =	sdelay $0x1  }
0x1b2: {  	v17 =	vadd.f32 v18, v17;
	_ =	sdelay $0x1  }
0x1b3: {  	[tilespmem:$0x1DC6E] =	vst v17  }
0x1b4: {  	v17 =	vld [tilespmem:s19+$0x14200]  }
0x1b5: {  	v18 =	vld [tilespmem:s19+$0x19200]  }
0x1b6: {  	v19 =	vld [tilespmem:s19+$0x14210]  }
0x1b7: {  	v46 =	vld [tilespmem:s19+$0x19210]  }
0x1b8: {  	v47 =	vld [tilespmem:s19+$0x14220]  }
0x1b9: {  	v48 =	vld [tilespmem:s19+$0x19220]  }
0x1ba: {  	v49 =	vld [tilespmem:s19+$0x14230]  }
0x1bb: {  	v50 =	vld [tilespmem:s19+$0x19230]  }
0x1bc: {  	v51 =	vld [tilespmem:s19+$0x14240]  }
0x1bd: {  	v52 =	vld [tilespmem:s19+$0x19240]  }
0x1be: {  	v53 =	vld [tilespmem:s19+$0x14250]  }
0x1bf: {  	v55 =	vld [tilespmem:s19+$0x14260]  }
0x1c0: {  	v56 =	vld [tilespmem:s19+$0x19260]  }
0x1c1: {  	v57 =	vld [tilespmem:s19+$0x14270]  }
0x1c2: {  	v32 =	vld [tilespmem:s19+$0x19270]  }
0x1c3: {  	v54 =	vld [tilespmem:s19+$0x19250]  }
0x1c4: {  	v17 =	vmul.f32 v18, v17  }
0x1c5: {  	v18 =	vmul.f32 v46, v19;
	v19 =	vmul.f32 v48, v47  }
0x1c6: {  	v58 =	vmul.f32 v50, v49;
	v61 =	vmul.f32 v56, v55  }
0x1c7: {  	v62 =	vmul.f32 v32, v57;
	v17 =	vmul.f32 v1, v17  }
0x1c8: {  	v59 =	vmul.f32 v52, v51;
	v60 =	vmul.f32 v54, v53  }
0x1c9: {  	v63 =	vadd.f32 v62, v61;
	v17 =	vadd.f32 v18, v17  }
0x1ca: {  	v18 =	vadd.f32 v58, v19;
	v19 =	vadd.f32 v60, v59;
	_ =	sdelay $0x1  }
0x1cb: {  	v17 =	vadd.f32 v18, v17;
	v18 =	vadd.f32 v63, v19;
	_ =	sdelay $0x1  }
0x1cc: {  	v17 =	vadd.f32 v18, v17  }
0x1cd: {  	s30 =	sshll.u32 s3, $0x7  }
0x1ce: {  	s29 =	sadd.s32 $0x1, s28;
	s31 =	sadd.s32 $0x1DA80, s30;
	s3 =	simm.s32 $0x1;
	[tilespmem:$0x1DC7F] =	vst v17;
	v17 =	vmov s19  }
.LBB2_3:
0x1cf: {  	v18 =	vld.idx.msk [tilespmem:v0+s25+$0x0], $0xffff  }
0x1d0: {  	v19 =	vld.idx.msk [tilespmem:v2+s25+$0x0], $0xffff  }
0x1d1: {  	v20 =	vld.idx.msk [tilespmem:v3+s25+$0x0], $0xffff  }
0x1d2: {  	v21 =	vld.idx.msk [tilespmem:v4+s25+$0x0], $0xffff  }
0x1d3: {  	v22 =	vld.idx.msk [tilespmem:v5+s25+$0x0], $0xffff  }
0x1d4: {  	v23 =	vld.idx.msk [tilespmem:v6+s25+$0x0], $0xffff  }
0x1d5: {  	v24 =	vld.idx.msk [tilespmem:v7+s25+$0x0], $0xffff  }
0x1d6: {  	v25 =	vld.idx.msk [tilespmem:v8+s25+$0x0], $0xffff  }
0x1d7: {  	v26 =	vld.idx.msk [tilespmem:v9+s25+$0x0], $0xffff  }
0x1d8: {  	v27 =	vld.idx.msk [tilespmem:v10+s25+$0x0], $0xffff  }
0x1d9: {  	v28 =	vld.idx.msk [tilespmem:v11+s25+$0x0], $0xffff  }
0x1da: {  	v29 =	vld.idx.msk [tilespmem:v12+s25+$0x0], $0xffff  }
0x1db: {  	v30 =	vld.idx.msk [tilespmem:v13+s25+$0x0], $0xffff  }
0x1dc: {  	v31 =	vld.idx.msk [tilespmem:v14+s25+$0x0], $0xffff  }
0x1dd: {  	v32 =	vld.idx.msk [tilespmem:v15+s25+$0x0], $0xffff  }
0x1de: {  	v33 =	vld.idx.msk [tilespmem:v16+s25+$0x0], $0xffff;
	_ =	sdelay $0x1  }
0x1df: {  	v18 =	vadd.f32 v19, v18;
	v19 =	vadd.f32 v21, v20  }
0x1e0: {  	v61 =	vadd.f32 v23, v22;
	v62 =	vadd.f32 v25, v24  }
0x1e1: {  	v63 =	vadd.f32 v27, v26;
	v29 =	vadd.f32 v29, v28  }
0x1e2: {  	v31 =	vadd.f32 v31, v30;
	v33 =	vadd.f32 v33, v32  }
0x1e3: {  	v18 =	vadd.f32 v19, v18;
	v19 =	vadd.f32 v62, v61  }
0x1e4: {  	v34 =	vadd.f32 v29, v63;
	v35 =	vadd.f32 v33, v31  }
0x1e5: {  	s0 =	sshll.u32 s3, $0x4  }
0x1e6: {  	s0 =	sadd.s32 $0xFFFFFFF0, s0;
	v18 =	vadd.f32 v19, v18;
	v19 =	vadd.f32 v35, v34  }
0x1e7: {  	s19 =	sand.u32 $0xFFFFFF80, s0  }
0x1e8: {  	s19 =	sadd.s32 s19, s31;
	v18 =	vadd.f32 v19, v18  }
0x1e9: {  	s0 =	sadd.s32 s0, s19  }
0x1ea: {  	s19 =	sshll.u32 s3, $0xB;
	[tilespmem:s0+$0x0] =	vst v18  }
0x1eb: {  	v18 =	vld.idx.msk [tilespmem:v17+s19+$0x13A80 ss:$0x1], $0xffff  }
0x1ec: {  	v19 =	vld.idx.msk [tilespmem:v17+s19+$0x18A80 ss:$0x1], $0xffff  }
0x1ed: {  	v36 =	vld.idx.msk [tilespmem:v17+s19+$0x13A90 ss:$0x1], $0xffff  }
0x1ee: {  	v37 =	vld.idx.msk [tilespmem:v17+s19+$0x18A90 ss:$0x1], $0xffff  }
0x1ef: {  	v38 =	vld.idx.msk [tilespmem:v17+s19+$0x13AA0 ss:$0x1], $0xffff  }
0x1f0: {  	v39 =	vld.idx.msk [tilespmem:v17+s19+$0x18AA0 ss:$0x1], $0xffff  }
0x1f1: {  	v40 =	vld.idx.msk [tilespmem:v17+s19+$0x13AB0 ss:$0x1], $0xffff  }
0x1f2: {  	v41 =	vld.idx.msk [tilespmem:v17+s19+$0x18AB0 ss:$0x1], $0xffff  }
0x1f3: {  	v42 =	vld.idx.msk [tilespmem:v17+s19+$0x13AC0 ss:$0x1], $0xffff  }
0x1f4: {  	v43 =	vld.idx.msk [tilespmem:v17+s19+$0x18AC0 ss:$0x1], $0xffff  }
0x1f5: {  	v44 =	vld.idx.msk [tilespmem:v17+s19+$0x13AD0 ss:$0x1], $0xffff  }
0x1f6: {  	v45 =	vld.idx.msk [tilespmem:v17+s19+$0x18AD0 ss:$0x1], $0xffff  }
0x1f7: {  	v46 =	vld.idx.msk [tilespmem:v17+s19+$0x13AE0 ss:$0x1], $0xffff  }
0x1f8: {  	v47 =	vld.idx.msk [tilespmem:v17+s19+$0x18AE0 ss:$0x1], $0xffff  }
0x1f9: {  	v48 =	vld.idx.msk [tilespmem:v17+s19+$0x13AF0 ss:$0x1], $0xffff  }
0x1fa: {  	v18 =	vmul.f32 v19, v18;
	v19 =	vld.idx.msk [tilespmem:v17+s19+$0x18AF0 ss:$0x1], $0xffff;
	_ =	sdelay $0x1  }
0x1fb: {  	v20 =	vmul.f32 v37, v36;
	v49 =	vmul.f32 v39, v38  }
0x1fc: {  	v50 =	vmul.f32 v41, v40;
	v51 =	vmul.f32 v43, v42  }
0x1fd: {  	v52 =	vmul.f32 v45, v44;
	v53 =	vmul.f32 v47, v46  }
0x1fe: {  	v18 =	vmul.f32 v1, v18;
	v19 =	vmul.f32 v19, v48  }
0x1ff: {  	v54 =	vadd.f32 v50, v49;
	v55 =	vadd.f32 v52, v51  }
0x200: {  	v18 =	vadd.f32 v20, v18;
	v19 =	vadd.f32 v19, v53;
	_ =	sdelay $0x1  }
0x201: {  	v18 =	vadd.f32 v54, v18;
	v19 =	vadd.f32 v19, v55;
	_ =	sdelay $0x1  }
0x202: {  	v18 =	vadd.f32 v19, v18;
	_ =	sdelay $0x1  }
0x203: {  	[tilespmem:$0x1DB80] =	vst v18  }
0x204: {  	v18 =	vld.idx.msk [tilespmem:v17+s19+$0x13B00 ss:$0x1], $0xffff  }
0x205: {  	v19 =	vld.idx.msk [tilespmem:v17+s19+$0x18B00 ss:$0x1], $0xffff  }
0x206: {  	v56 =	vld.idx.msk [tilespmem:v17+s19+$0x13B10 ss:$0x1], $0xffff  }
0x207: {  	v57 =	vld.idx.msk [tilespmem:v17+s19+$0x18B10 ss:$0x1], $0xffff  }
0x208: {  	v58 =	vld.idx.msk [tilespmem:v17+s19+$0x13B20 ss:$0x1], $0xffff  }
0x209: {  	v59 =	vld.idx.msk [tilespmem:v17+s19+$0x18B20 ss:$0x1], $0xffff  }
0x20a: {  	v60 =	vld.idx.msk [tilespmem:v17+s19+$0x13B30 ss:$0x1], $0xffff  }
0x20b: {  	v61 =	vld.idx.msk [tilespmem:v17+s19+$0x18B30 ss:$0x1], $0xffff  }
0x20c: {  	v62 =	vld.idx.msk [tilespmem:v17+s19+$0x13B40 ss:$0x1], $0xffff  }
0x20d: {  	v63 =	vld.idx.msk [tilespmem:v17+s19+$0x18B40 ss:$0x1], $0xffff  }
0x20e: {  	v36 =	vld.idx.msk [tilespmem:v17+s19+$0x13B50 ss:$0x1], $0xffff  }
0x20f: {  	v37 =	vld.idx.msk [tilespmem:v17+s19+$0x18B50 ss:$0x1], $0xffff  }
0x210: {  	v38 =	vld.idx.msk [tilespmem:v17+s19+$0x13B60 ss:$0x1], $0xffff  }
0x211: {  	v39 =	vld.idx.msk [tilespmem:v17+s19+$0x18B60 ss:$0x1], $0xffff  }
0x212: {  	v40 =	vld.idx.msk [tilespmem:v17+s19+$0x13B70 ss:$0x1], $0xffff  }
0x213: {  	v18 =	vmul.f32 v19, v18;
	v19 =	vld.idx.msk [tilespmem:v17+s19+$0x18B70 ss:$0x1], $0xffff;
	_ =	sdelay $0x1  }
0x214: {  	v20 =	vmul.f32 v57, v56;
	v41 =	vmul.f32 v59, v58  }
0x215: {  	v42 =	vmul.f32 v61, v60;
	v43 =	vmul.f32 v63, v62  }
0x216: {  	v44 =	vmul.f32 v37, v36;
	v45 =	vmul.f32 v39, v38  }
0x217: {  	v18 =	vmul.f32 v1, v18;
	v19 =	vmul.f32 v19, v40  }
0x218: {  	v46 =	vadd.f32 v42, v41;
	v47 =	vadd.f32 v44, v43  }
0x219: {  	v18 =	vadd.f32 v20, v18;
	v19 =	vadd.f32 v19, v45;
	_ =	sdelay $0x1  }
0x21a: {  	v18 =	vadd.f32 v46, v18;
	v19 =	vadd.f32 v19, v47;
	_ =	sdelay $0x1  }
0x21b: {  	v18 =	vadd.f32 v19, v18;
	_ =	sdelay $0x1  }
0x21c: {  	[tilespmem:$0x1DB91] =	vst v18  }
0x21d: {  	v18 =	vld.idx.msk [tilespmem:v17+s19+$0x13B80 ss:$0x1], $0xffff  }
0x21e: {  	v19 =	vld.idx.msk [tilespmem:v17+s19+$0x18B80 ss:$0x1], $0xffff  }
0x21f: {  	v48 =	vld.idx.msk [tilespmem:v17+s19+$0x13B90 ss:$0x1], $0xffff  }
0x220: {  	v49 =	vld.idx.msk [tilespmem:v17+s19+$0x18B90 ss:$0x1], $0xffff  }
0x221: {  	v50 =	vld.idx.msk [tilespmem:v17+s19+$0x13BA0 ss:$0x1], $0xffff  }
0x222: {  	v51 =	vld.idx.msk [tilespmem:v17+s19+$0x18BA0 ss:$0x1], $0xffff  }
0x223: {  	v52 =	vld.idx.msk [tilespmem:v17+s19+$0x13BB0 ss:$0x1], $0xffff  }
0x224: {  	v53 =	vld.idx.msk [tilespmem:v17+s19+$0x18BB0 ss:$0x1], $0xffff  }
0x225: {  	v54 =	vld.idx.msk [tilespmem:v17+s19+$0x13BC0 ss:$0x1], $0xffff  }
0x226: {  	v55 =	vld.idx.msk [tilespmem:v17+s19+$0x18BC0 ss:$0x1], $0xffff  }
0x227: {  	v56 =	vld.idx.msk [tilespmem:v17+s19+$0x13BD0 ss:$0x1], $0xffff  }
0x228: {  	v57 =	vld.idx.msk [tilespmem:v17+s19+$0x18BD0 ss:$0x1], $0xffff  }
0x229: {  	v58 =	vld.idx.msk [tilespmem:v17+s19+$0x13BE0 ss:$0x1], $0xffff  }
0x22a: {  	v59 =	vld.idx.msk [tilespmem:v17+s19+$0x18BE0 ss:$0x1], $0xffff  }
0x22b: {  	v60 =	vld.idx.msk [tilespmem:v17+s19+$0x13BF0 ss:$0x1], $0xffff  }
0x22c: {  	v18 =	vmul.f32 v19, v18;
	v19 =	vld.idx.msk [tilespmem:v17+s19+$0x18BF0 ss:$0x1], $0xffff;
	_ =	sdelay $0x1  }
0x22d: {  	v20 =	vmul.f32 v49, v48;
	v61 =	vmul.f32 v51, v50  }
0x22e: {  	v62 =	vmul.f32 v53, v52;
	v63 =	vmul.f32 v55, v54  }
0x22f: {  	v33 =	vmul.f32 v57, v56;
	v34 =	vmul.f32 v59, v58  }
0x230: {  	v18 =	vmul.f32 v1, v18;
	v19 =	vmul.f32 v19, v60  }
0x231: {  	v35 =	vadd.f32 v62, v61;
	v36 =	vadd.f32 v33, v63  }
0x232: {  	v18 =	vadd.f32 v20, v18;
	v19 =	vadd.f32 v19, v34;
	_ =	sdelay $0x1  }
0x233: {  	v18 =	vadd.f32 v35, v18;
	v19 =	vadd.f32 v19, v36;
	_ =	sdelay $0x1  }
0x234: {  	v18 =	vadd.f32 v19, v18;
	_ =	sdelay $0x1  }
0x235: {  	[tilespmem:$0x1DBA2] =	vst v18  }
0x236: {  	v18 =	vld.idx.msk [tilespmem:v17+s19+$0x13C00 ss:$0x1], $0xffff  }
0x237: {  	v19 =	vld.idx.msk [tilespmem:v17+s19+$0x18C00 ss:$0x1], $0xffff  }
0x238: {  	v37 =	vld.idx.msk [tilespmem:v17+s19+$0x13C10 ss:$0x1], $0xffff  }
0x239: {  	v38 =	vld.idx.msk [tilespmem:v17+s19+$0x18C10 ss:$0x1], $0xffff  }
0x23a: {  	v39 =	vld.idx.msk [tilespmem:v17+s19+$0x13C20 ss:$0x1], $0xffff  }
0x23b: {  	v40 =	vld.idx.msk [tilespmem:v17+s19+$0x18C20 ss:$0x1], $0xffff  }
0x23c: {  	v41 =	vld.idx.msk [tilespmem:v17+s19+$0x13C30 ss:$0x1], $0xffff  }
0x23d: {  	v42 =	vld.idx.msk [tilespmem:v17+s19+$0x18C30 ss:$0x1], $0xffff  }
0x23e: {  	v43 =	vld.idx.msk [tilespmem:v17+s19+$0x13C40 ss:$0x1], $0xffff  }
0x23f: {  	v44 =	vld.idx.msk [tilespmem:v17+s19+$0x18C40 ss:$0x1], $0xffff  }
0x240: {  	v45 =	vld.idx.msk [tilespmem:v17+s19+$0x13C50 ss:$0x1], $0xffff  }
0x241: {  	v46 =	vld.idx.msk [tilespmem:v17+s19+$0x18C50 ss:$0x1], $0xffff  }
0x242: {  	v47 =	vld.idx.msk [tilespmem:v17+s19+$0x13C60 ss:$0x1], $0xffff  }
0x243: {  	v48 =	vld.idx.msk [tilespmem:v17+s19+$0x18C60 ss:$0x1], $0xffff  }
0x244: {  	v49 =	vld.idx.msk [tilespmem:v17+s19+$0x13C70 ss:$0x1], $0xffff  }
0x245: {  	v18 =	vmul.f32 v19, v18;
	v19 =	vld.idx.msk [tilespmem:v17+s19+$0x18C70 ss:$0x1], $0xffff;
	_ =	sdelay $0x1  }
0x246: {  	v20 =	vmul.f32 v38, v37;
	v50 =	vmul.f32 v40, v39  }
0x247: {  	v51 =	vmul.f32 v42, v41;
	v52 =	vmul.f32 v44, v43  }
0x248: {  	v53 =	vmul.f32 v46, v45;
	v54 =	vmul.f32 v48, v47  }
0x249: {  	v18 =	vmul.f32 v1, v18;
	v19 =	vmul.f32 v19, v49  }
0x24a: {  	v55 =	vadd.f32 v51, v50;
	v56 =	vadd.f32 v53, v52  }
0x24b: {  	v18 =	vadd.f32 v20, v18;
	v19 =	vadd.f32 v19, v54;
	_ =	sdelay $0x1  }
0x24c: {  	v18 =	vadd.f32 v55, v18;
	v19 =	vadd.f32 v19, v56;
	_ =	sdelay $0x1  }
0x24d: {  	v18 =	vadd.f32 v19, v18;
	_ =	sdelay $0x1  }
0x24e: {  	[tilespmem:$0x1DBB3] =	vst v18  }
0x24f: {  	v18 =	vld.idx.msk [tilespmem:v17+s19+$0x13C80 ss:$0x1], $0xffff  }
0x250: {  	v19 =	vld.idx.msk [tilespmem:v17+s19+$0x18C80 ss:$0x1], $0xffff  }
0x251: {  	v57 =	vld.idx.msk [tilespmem:v17+s19+$0x13C90 ss:$0x1], $0xffff  }
0x252: {  	v58 =	vld.idx.msk [tilespmem:v17+s19+$0x18C90 ss:$0x1], $0xffff  }
0x253: {  	v59 =	vld.idx.msk [tilespmem:v17+s19+$0x13CA0 ss:$0x1], $0xffff  }
0x254: {  	v60 =	vld.idx.msk [tilespmem:v17+s19+$0x18CA0 ss:$0x1], $0xffff  }
0x255: {  	v61 =	vld.idx.msk [tilespmem:v17+s19+$0x13CB0 ss:$0x1], $0xffff  }
0x256: {  	v62 =	vld.idx.msk [tilespmem:v17+s19+$0x18CB0 ss:$0x1], $0xffff  }
0x257: {  	v63 =	vld.idx.msk [tilespmem:v17+s19+$0x13CC0 ss:$0x1], $0xffff  }
0x258: {  	v36 =	vld.idx.msk [tilespmem:v17+s19+$0x18CC0 ss:$0x1], $0xffff  }
0x259: {  	v37 =	vld.idx.msk [tilespmem:v17+s19+$0x13CD0 ss:$0x1], $0xffff  }
0x25a: {  	v38 =	vld.idx.msk [tilespmem:v17+s19+$0x18CD0 ss:$0x1], $0xffff  }
0x25b: {  	v39 =	vld.idx.msk [tilespmem:v17+s19+$0x13CE0 ss:$0x1], $0xffff  }
0x25c: {  	v40 =	vld.idx.msk [tilespmem:v17+s19+$0x18CE0 ss:$0x1], $0xffff  }
0x25d: {  	v41 =	vld.idx.msk [tilespmem:v17+s19+$0x13CF0 ss:$0x1], $0xffff  }
0x25e: {  	v18 =	vmul.f32 v19, v18;
	v19 =	vld.idx.msk [tilespmem:v17+s19+$0x18CF0 ss:$0x1], $0xffff;
	_ =	sdelay $0x1  }
0x25f: {  	v20 =	vmul.f32 v58, v57;
	v42 =	vmul.f32 v60, v59  }
0x260: {  	v43 =	vmul.f32 v62, v61;
	v44 =	vmul.f32 v36, v63  }
0x261: {  	v45 =	vmul.f32 v38, v37;
	v46 =	vmul.f32 v40, v39  }
0x262: {  	v18 =	vmul.f32 v1, v18;
	v19 =	vmul.f32 v19, v41  }
0x263: {  	v47 =	vadd.f32 v43, v42;
	v48 =	vadd.f32 v45, v44  }
0x264: {  	v18 =	vadd.f32 v20, v18;
	v19 =	vadd.f32 v19, v46;
	_ =	sdelay $0x1  }
0x265: {  	v18 =	vadd.f32 v47, v18;
	v19 =	vadd.f32 v19, v48;
	_ =	sdelay $0x1  }
0x266: {  	v18 =	vadd.f32 v19, v18;
	_ =	sdelay $0x1  }
0x267: {  	[tilespmem:$0x1DBC4] =	vst v18  }
0x268: {  	v18 =	vld.idx.msk [tilespmem:v17+s19+$0x13D00 ss:$0x1], $0xffff  }
0x269: {  	v19 =	vld.idx.msk [tilespmem:v17+s19+$0x18D00 ss:$0x1], $0xffff  }
0x26a: {  	v49 =	vld.idx.msk [tilespmem:v17+s19+$0x13D10 ss:$0x1], $0xffff  }
0x26b: {  	v50 =	vld.idx.msk [tilespmem:v17+s19+$0x18D10 ss:$0x1], $0xffff  }
0x26c: {  	v51 =	vld.idx.msk [tilespmem:v17+s19+$0x13D20 ss:$0x1], $0xffff  }
0x26d: {  	v52 =	vld.idx.msk [tilespmem:v17+s19+$0x18D20 ss:$0x1], $0xffff  }
0x26e: {  	v53 =	vld.idx.msk [tilespmem:v17+s19+$0x13D30 ss:$0x1], $0xffff  }
0x26f: {  	v54 =	vld.idx.msk [tilespmem:v17+s19+$0x18D30 ss:$0x1], $0xffff  }
0x270: {  	v55 =	vld.idx.msk [tilespmem:v17+s19+$0x13D40 ss:$0x1], $0xffff  }
0x271: {  	v56 =	vld.idx.msk [tilespmem:v17+s19+$0x18D40 ss:$0x1], $0xffff  }
0x272: {  	v57 =	vld.idx.msk [tilespmem:v17+s19+$0x13D50 ss:$0x1], $0xffff  }
0x273: {  	v58 =	vld.idx.msk [tilespmem:v17+s19+$0x18D50 ss:$0x1], $0xffff  }
0x274: {  	v59 =	vld.idx.msk [tilespmem:v17+s19+$0x13D60 ss:$0x1], $0xffff  }
0x275: {  	v60 =	vld.idx.msk [tilespmem:v17+s19+$0x18D60 ss:$0x1], $0xffff  }
0x276: {  	v61 =	vld.idx.msk [tilespmem:v17+s19+$0x13D70 ss:$0x1], $0xffff  }
0x277: {  	v18 =	vmul.f32 v19, v18;
	v19 =	vld.idx.msk [tilespmem:v17+s19+$0x18D70 ss:$0x1], $0xffff;
	_ =	sdelay $0x1  }
0x278: {  	v20 =	vmul.f32 v50, v49;
	v62 =	vmul.f32 v52, v51  }
0x279: {  	v63 =	vmul.f32 v54, v53;
	v33 =	vmul.f32 v56, v55  }
0x27a: {  	v34 =	vmul.f32 v58, v57;
	v35 =	vmul.f32 v60, v59  }
0x27b: {  	v18 =	vmul.f32 v1, v18;
	v19 =	vmul.f32 v19, v61  }
0x27c: {  	v36 =	vadd.f32 v63, v62;
	v37 =	vadd.f32 v34, v33  }
0x27d: {  	v18 =	vadd.f32 v20, v18;
	v19 =	vadd.f32 v19, v35;
	_ =	sdelay $0x1  }
0x27e: {  	v18 =	vadd.f32 v36, v18;
	v19 =	vadd.f32 v19, v37;
	_ =	sdelay $0x1  }
0x27f: {  	v18 =	vadd.f32 v19, v18;
	_ =	sdelay $0x1  }
0x280: {  	[tilespmem:$0x1DBD5] =	vst v18  }
0x281: {  	v18 =	vld.idx.msk [tilespmem:v17+s19+$0x13D80 ss:$0x1], $0xffff  }
0x282: {  	v19 =	vld.idx.msk [tilespmem:v17+s19+$0x18D80 ss:$0x1], $0xffff  }
0x283: {  	v38 =	vld.idx.msk [tilespmem:v17+s19+$0x13D90 ss:$0x1], $0xffff  }
0x284: {  	v39 =	vld.idx.msk [tilespmem:v17+s19+$0x18D90 ss:$0x1], $0xffff  }
0x285: {  	v40 =	vld.idx.msk [tilespmem:v17+s19+$0x13DA0 ss:$0x1], $0xffff  }
0x286: {  	v41 =	vld.idx.msk [tilespmem:v17+s19+$0x18DA0 ss:$0x1], $0xffff  }
0x287: {  	v42 =	vld.idx.msk [tilespmem:v17+s19+$0x13DB0 ss:$0x1], $0xffff  }
0x288: {  	v43 =	vld.idx.msk [tilespmem:v17+s19+$0x18DB0 ss:$0x1], $0xffff  }
0x289: {  	v44 =	vld.idx.msk [tilespmem:v17+s19+$0x13DC0 ss:$0x1], $0xffff  }
0x28a: {  	v45 =	vld.idx.msk [tilespmem:v17+s19+$0x18DC0 ss:$0x1], $0xffff  }
0x28b: {  	v46 =	vld.idx.msk [tilespmem:v17+s19+$0x13DD0 ss:$0x1], $0xffff  }
0x28c: {  	v47 =	vld.idx.msk [tilespmem:v17+s19+$0x18DD0 ss:$0x1], $0xffff  }
0x28d: {  	v48 =	vld.idx.msk [tilespmem:v17+s19+$0x13DE0 ss:$0x1], $0xffff  }
0x28e: {  	v49 =	vld.idx.msk [tilespmem:v17+s19+$0x18DE0 ss:$0x1], $0xffff  }
0x28f: {  	v50 =	vld.idx.msk [tilespmem:v17+s19+$0x13DF0 ss:$0x1], $0xffff  }
0x290: {  	v18 =	vmul.f32 v19, v18;
	v19 =	vld.idx.msk [tilespmem:v17+s19+$0x18DF0 ss:$0x1], $0xffff;
	_ =	sdelay $0x1  }
0x291: {  	v20 =	vmul.f32 v39, v38;
	v51 =	vmul.f32 v41, v40  }
0x292: {  	v52 =	vmul.f32 v43, v42;
	v53 =	vmul.f32 v45, v44  }
0x293: {  	v54 =	vmul.f32 v47, v46;
	v55 =	vmul.f32 v49, v48  }
0x294: {  	v18 =	vmul.f32 v1, v18;
	v19 =	vmul.f32 v19, v50  }
0x295: {  	v56 =	vadd.f32 v52, v51;
	v57 =	vadd.f32 v54, v53  }
0x296: {  	v18 =	vadd.f32 v20, v18;
	v19 =	vadd.f32 v19, v55;
	_ =	sdelay $0x1  }
0x297: {  	v18 =	vadd.f32 v56, v18;
	v19 =	vadd.f32 v19, v57;
	_ =	sdelay $0x1  }
0x298: {  	v18 =	vadd.f32 v19, v18;
	_ =	sdelay $0x1  }
0x299: {  	[tilespmem:$0x1DBE6] =	vst v18  }
0x29a: {  	v18 =	vld.idx.msk [tilespmem:v17+s19+$0x13E00 ss:$0x1], $0xffff  }
0x29b: {  	v19 =	vld.idx.msk [tilespmem:v17+s19+$0x18E00 ss:$0x1], $0xffff  }
0x29c: {  	v58 =	vld.idx.msk [tilespmem:v17+s19+$0x13E10 ss:$0x1], $0xffff  }
0x29d: {  	v59 =	vld.idx.msk [tilespmem:v17+s19+$0x18E10 ss:$0x1], $0xffff  }
0x29e: {  	v60 =	vld.idx.msk [tilespmem:v17+s19+$0x13E20 ss:$0x1], $0xffff  }
0x29f: {  	v61 =	vld.idx.msk [tilespmem:v17+s19+$0x18E20 ss:$0x1], $0xffff  }
0x2a0: {  	v62 =	vld.idx.msk [tilespmem:v17+s19+$0x13E30 ss:$0x1], $0xffff  }
0x2a1: {  	v63 =	vld.idx.msk [tilespmem:v17+s19+$0x18E30 ss:$0x1], $0xffff  }
0x2a2: {  	v36 =	vld.idx.msk [tilespmem:v17+s19+$0x13E40 ss:$0x1], $0xffff  }
0x2a3: {  	v37 =	vld.idx.msk [tilespmem:v17+s19+$0x18E40 ss:$0x1], $0xffff  }
0x2a4: {  	v38 =	vld.idx.msk [tilespmem:v17+s19+$0x13E50 ss:$0x1], $0xffff  }
0x2a5: {  	v39 =	vld.idx.msk [tilespmem:v17+s19+$0x18E50 ss:$0x1], $0xffff  }
0x2a6: {  	v40 =	vld.idx.msk [tilespmem:v17+s19+$0x13E60 ss:$0x1], $0xffff  }
0x2a7: {  	v41 =	vld.idx.msk [tilespmem:v17+s19+$0x18E60 ss:$0x1], $0xffff  }
0x2a8: {  	v42 =	vld.idx.msk [tilespmem:v17+s19+$0x13E70 ss:$0x1], $0xffff  }
0x2a9: {  	v18 =	vmul.f32 v19, v18;
	v19 =	vld.idx.msk [tilespmem:v17+s19+$0x18E70 ss:$0x1], $0xffff;
	_ =	sdelay $0x1  }
0x2aa: {  	v20 =	vmul.f32 v59, v58;
	v43 =	vmul.f32 v61, v60  }
0x2ab: {  	v44 =	vmul.f32 v63, v62;
	v45 =	vmul.f32 v37, v36  }
0x2ac: {  	v46 =	vmul.f32 v39, v38;
	v47 =	vmul.f32 v41, v40  }
0x2ad: {  	v18 =	vmul.f32 v1, v18;
	v19 =	vmul.f32 v19, v42  }
0x2ae: {  	v48 =	vadd.f32 v44, v43;
	v49 =	vadd.f32 v46, v45  }
0x2af: {  	v18 =	vadd.f32 v20, v18;
	v19 =	vadd.f32 v19, v47;
	_ =	sdelay $0x1  }
0x2b0: {  	v18 =	vadd.f32 v48, v18;
	v19 =	vadd.f32 v19, v49;
	_ =	sdelay $0x1  }
0x2b1: {  	v18 =	vadd.f32 v19, v18;
	_ =	sdelay $0x1  }
0x2b2: {  	[tilespmem:$0x1DBF7] =	vst v18  }
0x2b3: {  	v18 =	vld.idx.msk [tilespmem:v17+s19+$0x13E80 ss:$0x1], $0xffff  }
0x2b4: {  	v19 =	vld.idx.msk [tilespmem:v17+s19+$0x18E80 ss:$0x1], $0xffff  }
0x2b5: {  	v50 =	vld.idx.msk [tilespmem:v17+s19+$0x13E90 ss:$0x1], $0xffff  }
0x2b6: {  	v51 =	vld.idx.msk [tilespmem:v17+s19+$0x18E90 ss:$0x1], $0xffff  }
0x2b7: {  	v52 =	vld.idx.msk [tilespmem:v17+s19+$0x13EA0 ss:$0x1], $0xffff  }
0x2b8: {  	v53 =	vld.idx.msk [tilespmem:v17+s19+$0x18EA0 ss:$0x1], $0xffff  }
0x2b9: {  	v54 =	vld.idx.msk [tilespmem:v17+s19+$0x13EB0 ss:$0x1], $0xffff  }
0x2ba: {  	v55 =	vld.idx.msk [tilespmem:v17+s19+$0x18EB0 ss:$0x1], $0xffff  }
0x2bb: {  	v56 =	vld.idx.msk [tilespmem:v17+s19+$0x13EC0 ss:$0x1], $0xffff  }
0x2bc: {  	v57 =	vld.idx.msk [tilespmem:v17+s19+$0x18EC0 ss:$0x1], $0xffff  }
0x2bd: {  	v58 =	vld.idx.msk [tilespmem:v17+s19+$0x13ED0 ss:$0x1], $0xffff  }
0x2be: {  	v59 =	vld.idx.msk [tilespmem:v17+s19+$0x18ED0 ss:$0x1], $0xffff  }
0x2bf: {  	v60 =	vld.idx.msk [tilespmem:v17+s19+$0x13EE0 ss:$0x1], $0xffff  }
0x2c0: {  	v61 =	vld.idx.msk [tilespmem:v17+s19+$0x18EE0 ss:$0x1], $0xffff  }
0x2c1: {  	v62 =	vld.idx.msk [tilespmem:v17+s19+$0x13EF0 ss:$0x1], $0xffff  }
0x2c2: {  	v18 =	vmul.f32 v19, v18;
	v19 =	vld.idx.msk [tilespmem:v17+s19+$0x18EF0 ss:$0x1], $0xffff;
	_ =	sdelay $0x1  }
0x2c3: {  	v20 =	vmul.f32 v51, v50;
	v63 =	vmul.f32 v53, v52  }
0x2c4: {  	v33 =	vmul.f32 v55, v54;
	v34 =	vmul.f32 v57, v56  }
0x2c5: {  	v35 =	vmul.f32 v59, v58;
	v36 =	vmul.f32 v61, v60  }
0x2c6: {  	v18 =	vmul.f32 v1, v18;
	v19 =	vmul.f32 v19, v62  }
0x2c7: {  	v37 =	vadd.f32 v33, v63;
	v38 =	vadd.f32 v35, v34  }
0x2c8: {  	v18 =	vadd.f32 v20, v18;
	v19 =	vadd.f32 v19, v36;
	_ =	sdelay $0x1  }
0x2c9: {  	v18 =	vadd.f32 v37, v18;
	v19 =	vadd.f32 v19, v38;
	_ =	sdelay $0x1  }
0x2ca: {  	v18 =	vadd.f32 v19, v18;
	_ =	sdelay $0x1  }
0x2cb: {  	[tilespmem:$0x1DC08] =	vst v18  }
0x2cc: {  	v18 =	vld.idx.msk [tilespmem:v17+s19+$0x13F00 ss:$0x1], $0xffff  }
0x2cd: {  	v19 =	vld.idx.msk [tilespmem:v17+s19+$0x18F00 ss:$0x1], $0xffff  }
0x2ce: {  	v39 =	vld.idx.msk [tilespmem:v17+s19+$0x13F10 ss:$0x1], $0xffff  }
0x2cf: {  	v40 =	vld.idx.msk [tilespmem:v17+s19+$0x18F10 ss:$0x1], $0xffff  }
0x2d0: {  	v41 =	vld.idx.msk [tilespmem:v17+s19+$0x13F20 ss:$0x1], $0xffff  }
0x2d1: {  	v42 =	vld.idx.msk [tilespmem:v17+s19+$0x18F20 ss:$0x1], $0xffff  }
0x2d2: {  	v43 =	vld.idx.msk [tilespmem:v17+s19+$0x13F30 ss:$0x1], $0xffff  }
0x2d3: {  	v44 =	vld.idx.msk [tilespmem:v17+s19+$0x18F30 ss:$0x1], $0xffff  }
0x2d4: {  	v45 =	vld.idx.msk [tilespmem:v17+s19+$0x13F40 ss:$0x1], $0xffff  }
0x2d5: {  	v46 =	vld.idx.msk [tilespmem:v17+s19+$0x18F40 ss:$0x1], $0xffff  }
0x2d6: {  	v47 =	vld.idx.msk [tilespmem:v17+s19+$0x13F50 ss:$0x1], $0xffff  }
0x2d7: {  	v48 =	vld.idx.msk [tilespmem:v17+s19+$0x18F50 ss:$0x1], $0xffff  }
0x2d8: {  	v49 =	vld.idx.msk [tilespmem:v17+s19+$0x13F60 ss:$0x1], $0xffff  }
0x2d9: {  	v50 =	vld.idx.msk [tilespmem:v17+s19+$0x18F60 ss:$0x1], $0xffff  }
0x2da: {  	v51 =	vld.idx.msk [tilespmem:v17+s19+$0x13F70 ss:$0x1], $0xffff  }
0x2db: {  	v18 =	vmul.f32 v19, v18;
	v19 =	vld.idx.msk [tilespmem:v17+s19+$0x18F70 ss:$0x1], $0xffff;
	_ =	sdelay $0x1  }
0x2dc: {  	v20 =	vmul.f32 v40, v39;
	v52 =	vmul.f32 v42, v41  }
0x2dd: {  	v53 =	vmul.f32 v44, v43;
	v54 =	vmul.f32 v46, v45  }
0x2de: {  	v55 =	vmul.f32 v48, v47;
	v56 =	vmul.f32 v50, v49  }
0x2df: {  	v18 =	vmul.f32 v1, v18;
	v19 =	vmul.f32 v19, v51  }
0x2e0: {  	v57 =	vadd.f32 v53, v52;
	v58 =	vadd.f32 v55, v54  }
0x2e1: {  	v18 =	vadd.f32 v20, v18;
	v19 =	vadd.f32 v19, v56;
	_ =	sdelay $0x1  }
0x2e2: {  	v18 =	vadd.f32 v57, v18;
	v19 =	vadd.f32 v19, v58;
	_ =	sdelay $0x1  }
0x2e3: {  	v18 =	vadd.f32 v19, v18;
	_ =	sdelay $0x1  }
0x2e4: {  	[tilespmem:$0x1DC19] =	vst v18  }
0x2e5: {  	v18 =	vld.idx.msk [tilespmem:v17+s19+$0x13F80 ss:$0x1], $0xffff  }
0x2e6: {  	v19 =	vld.idx.msk [tilespmem:v17+s19+$0x18F80 ss:$0x1], $0xffff  }
0x2e7: {  	v59 =	vld.idx.msk [tilespmem:v17+s19+$0x13F90 ss:$0x1], $0xffff  }
0x2e8: {  	v60 =	vld.idx.msk [tilespmem:v17+s19+$0x18F90 ss:$0x1], $0xffff  }
0x2e9: {  	v61 =	vld.idx.msk [tilespmem:v17+s19+$0x13FA0 ss:$0x1], $0xffff  }
0x2ea: {  	v62 =	vld.idx.msk [tilespmem:v17+s19+$0x18FA0 ss:$0x1], $0xffff  }
0x2eb: {  	v63 =	vld.idx.msk [tilespmem:v17+s19+$0x13FB0 ss:$0x1], $0xffff  }
0x2ec: {  	v36 =	vld.idx.msk [tilespmem:v17+s19+$0x18FB0 ss:$0x1], $0xffff  }
0x2ed: {  	v37 =	vld.idx.msk [tilespmem:v17+s19+$0x13FC0 ss:$0x1], $0xffff  }
0x2ee: {  	v38 =	vld.idx.msk [tilespmem:v17+s19+$0x18FC0 ss:$0x1], $0xffff  }
0x2ef: {  	v39 =	vld.idx.msk [tilespmem:v17+s19+$0x13FD0 ss:$0x1], $0xffff  }
0x2f0: {  	v40 =	vld.idx.msk [tilespmem:v17+s19+$0x18FD0 ss:$0x1], $0xffff  }
0x2f1: {  	v41 =	vld.idx.msk [tilespmem:v17+s19+$0x13FE0 ss:$0x1], $0xffff  }
0x2f2: {  	v42 =	vld.idx.msk [tilespmem:v17+s19+$0x18FE0 ss:$0x1], $0xffff  }
0x2f3: {  	v43 =	vld.idx.msk [tilespmem:v17+s19+$0x13FF0 ss:$0x1], $0xffff  }
0x2f4: {  	v18 =	vmul.f32 v19, v18;
	v19 =	vld.idx.msk [tilespmem:v17+s19+$0x18FF0 ss:$0x1], $0xffff;
	_ =	sdelay $0x1  }
0x2f5: {  	v20 =	vmul.f32 v60, v59;
	v44 =	vmul.f32 v62, v61  }
0x2f6: {  	v45 =	vmul.f32 v36, v63;
	v46 =	vmul.f32 v38, v37  }
0x2f7: {  	v47 =	vmul.f32 v40, v39;
	v48 =	vmul.f32 v42, v41  }
0x2f8: {  	v18 =	vmul.f32 v1, v18;
	v19 =	vmul.f32 v19, v43  }
0x2f9: {  	v49 =	vadd.f32 v45, v44;
	v50 =	vadd.f32 v47, v46  }
0x2fa: {  	v18 =	vadd.f32 v20, v18;
	v19 =	vadd.f32 v19, v48;
	_ =	sdelay $0x1  }
0x2fb: {  	v18 =	vadd.f32 v49, v18;
	v19 =	vadd.f32 v19, v50;
	_ =	sdelay $0x1  }
0x2fc: {  	v18 =	vadd.f32 v19, v18;
	_ =	sdelay $0x1  }
0x2fd: {  	[tilespmem:$0x1DC2A] =	vst v18  }
0x2fe: {  	v18 =	vld.idx.msk [tilespmem:v17+s19+$0x14000 ss:$0x1], $0xffff  }
0x2ff: {  	v19 =	vld.idx.msk [tilespmem:v17+s19+$0x19000 ss:$0x1], $0xffff  }
0x300: {  	v51 =	vld.idx.msk [tilespmem:v17+s19+$0x14010 ss:$0x1], $0xffff  }
0x301: {  	v52 =	vld.idx.msk [tilespmem:v17+s19+$0x19010 ss:$0x1], $0xffff  }
0x302: {  	v53 =	vld.idx.msk [tilespmem:v17+s19+$0x14020 ss:$0x1], $0xffff  }
0x303: {  	v54 =	vld.idx.msk [tilespmem:v17+s19+$0x19020 ss:$0x1], $0xffff  }
0x304: {  	v55 =	vld.idx.msk [tilespmem:v17+s19+$0x14030 ss:$0x1], $0xffff  }
0x305: {  	v56 =	vld.idx.msk [tilespmem:v17+s19+$0x19030 ss:$0x1], $0xffff  }
0x306: {  	v57 =	vld.idx.msk [tilespmem:v17+s19+$0x14040 ss:$0x1], $0xffff  }
0x307: {  	v58 =	vld.idx.msk [tilespmem:v17+s19+$0x19040 ss:$0x1], $0xffff  }
0x308: {  	v59 =	vld.idx.msk [tilespmem:v17+s19+$0x14050 ss:$0x1], $0xffff  }
0x309: {  	v60 =	vld.idx.msk [tilespmem:v17+s19+$0x19050 ss:$0x1], $0xffff  }
0x30a: {  	v61 =	vld.idx.msk [tilespmem:v17+s19+$0x14060 ss:$0x1], $0xffff  }
0x30b: {  	v62 =	vld.idx.msk [tilespmem:v17+s19+$0x19060 ss:$0x1], $0xffff  }
0x30c: {  	v63 =	vld.idx.msk [tilespmem:v17+s19+$0x14070 ss:$0x1], $0xffff  }
0x30d: {  	v18 =	vmul.f32 v19, v18;
	v19 =	vld.idx.msk [tilespmem:v17+s19+$0x19070 ss:$0x1], $0xffff;
	_ =	sdelay $0x1  }
0x30e: {  	v20 =	vmul.f32 v52, v51;
	v33 =	vmul.f32 v54, v53  }
0x30f: {  	v34 =	vmul.f32 v56, v55;
	v35 =	vmul.f32 v58, v57  }
0x310: {  	v36 =	vmul.f32 v60, v59;
	v37 =	vmul.f32 v62, v61  }
0x311: {  	v18 =	vmul.f32 v1, v18;
	v19 =	vmul.f32 v19, v63  }
0x312: {  	v38 =	vadd.f32 v34, v33;
	v39 =	vadd.f32 v36, v35  }
0x313: {  	v18 =	vadd.f32 v20, v18;
	v19 =	vadd.f32 v19, v37;
	_ =	sdelay $0x1  }
0x314: {  	v18 =	vadd.f32 v38, v18;
	v19 =	vadd.f32 v19, v39;
	_ =	sdelay $0x1  }
0x315: {  	v18 =	vadd.f32 v19, v18;
	_ =	sdelay $0x1  }
0x316: {  	[tilespmem:$0x1DC3B] =	vst v18  }
0x317: {  	v18 =	vld.idx.msk [tilespmem:v17+s19+$0x14080 ss:$0x1], $0xffff  }
0x318: {  	v19 =	vld.idx.msk [tilespmem:v17+s19+$0x19080 ss:$0x1], $0xffff  }
0x319: {  	v40 =	vld.idx.msk [tilespmem:v17+s19+$0x14090 ss:$0x1], $0xffff  }
0x31a: {  	v41 =	vld.idx.msk [tilespmem:v17+s19+$0x19090 ss:$0x1], $0xffff  }
0x31b: {  	v42 =	vld.idx.msk [tilespmem:v17+s19+$0x140A0 ss:$0x1], $0xffff  }
0x31c: {  	v43 =	vld.idx.msk [tilespmem:v17+s19+$0x190A0 ss:$0x1], $0xffff  }
0x31d: {  	v44 =	vld.idx.msk [tilespmem:v17+s19+$0x140B0 ss:$0x1], $0xffff  }
0x31e: {  	v45 =	vld.idx.msk [tilespmem:v17+s19+$0x190B0 ss:$0x1], $0xffff  }
0x31f: {  	v46 =	vld.idx.msk [tilespmem:v17+s19+$0x140C0 ss:$0x1], $0xffff  }
0x320: {  	v47 =	vld.idx.msk [tilespmem:v17+s19+$0x190C0 ss:$0x1], $0xffff  }
0x321: {  	v48 =	vld.idx.msk [tilespmem:v17+s19+$0x140D0 ss:$0x1], $0xffff  }
0x322: {  	v49 =	vld.idx.msk [tilespmem:v17+s19+$0x190D0 ss:$0x1], $0xffff  }
0x323: {  	v50 =	vld.idx.msk [tilespmem:v17+s19+$0x140E0 ss:$0x1], $0xffff  }
0x324: {  	v51 =	vld.idx.msk [tilespmem:v17+s19+$0x190E0 ss:$0x1], $0xffff  }
0x325: {  	v52 =	vld.idx.msk [tilespmem:v17+s19+$0x140F0 ss:$0x1], $0xffff  }
0x326: {  	v18 =	vmul.f32 v19, v18;
	v19 =	vld.idx.msk [tilespmem:v17+s19+$0x190F0 ss:$0x1], $0xffff;
	_ =	sdelay $0x1  }
0x327: {  	v20 =	vmul.f32 v41, v40;
	v53 =	vmul.f32 v43, v42  }
0x328: {  	v54 =	vmul.f32 v45, v44;
	v55 =	vmul.f32 v47, v46  }
0x329: {  	v56 =	vmul.f32 v49, v48;
	v57 =	vmul.f32 v51, v50  }
0x32a: {  	v18 =	vmul.f32 v1, v18;
	v19 =	vmul.f32 v19, v52  }
0x32b: {  	v58 =	vadd.f32 v54, v53;
	v59 =	vadd.f32 v56, v55  }
0x32c: {  	v18 =	vadd.f32 v20, v18;
	v19 =	vadd.f32 v19, v57;
	_ =	sdelay $0x1  }
0x32d: {  	v18 =	vadd.f32 v58, v18;
	v19 =	vadd.f32 v19, v59;
	_ =	sdelay $0x1  }
0x32e: {  	v18 =	vadd.f32 v19, v18;
	_ =	sdelay $0x1  }
0x32f: {  	[tilespmem:$0x1DC4C] =	vst v18  }
0x330: {  	v18 =	vld.idx.msk [tilespmem:v17+s19+$0x14100 ss:$0x1], $0xffff  }
0x331: {  	v19 =	vld.idx.msk [tilespmem:v17+s19+$0x19100 ss:$0x1], $0xffff  }
0x332: {  	v60 =	vld.idx.msk [tilespmem:v17+s19+$0x14110 ss:$0x1], $0xffff  }
0x333: {  	v61 =	vld.idx.msk [tilespmem:v17+s19+$0x19110 ss:$0x1], $0xffff  }
0x334: {  	v62 =	vld.idx.msk [tilespmem:v17+s19+$0x14120 ss:$0x1], $0xffff  }
0x335: {  	v63 =	vld.idx.msk [tilespmem:v17+s19+$0x19120 ss:$0x1], $0xffff  }
0x336: {  	v36 =	vld.idx.msk [tilespmem:v17+s19+$0x14130 ss:$0x1], $0xffff  }
0x337: {  	v37 =	vld.idx.msk [tilespmem:v17+s19+$0x19130 ss:$0x1], $0xffff  }
0x338: {  	v38 =	vld.idx.msk [tilespmem:v17+s19+$0x14140 ss:$0x1], $0xffff  }
0x339: {  	v39 =	vld.idx.msk [tilespmem:v17+s19+$0x19140 ss:$0x1], $0xffff  }
0x33a: {  	v40 =	vld.idx.msk [tilespmem:v17+s19+$0x14150 ss:$0x1], $0xffff  }
0x33b: {  	v41 =	vld.idx.msk [tilespmem:v17+s19+$0x19150 ss:$0x1], $0xffff  }
0x33c: {  	v42 =	vld.idx.msk [tilespmem:v17+s19+$0x14160 ss:$0x1], $0xffff  }
0x33d: {  	v43 =	vld.idx.msk [tilespmem:v17+s19+$0x19160 ss:$0x1], $0xffff  }
0x33e: {  	v44 =	vld.idx.msk [tilespmem:v17+s19+$0x14170 ss:$0x1], $0xffff  }
0x33f: {  	v18 =	vmul.f32 v19, v18;
	v19 =	vld.idx.msk [tilespmem:v17+s19+$0x19170 ss:$0x1], $0xffff;
	_ =	sdelay $0x1  }
0x340: {  	v20 =	vmul.f32 v61, v60;
	v45 =	vmul.f32 v63, v62  }
0x341: {  	v46 =	vmul.f32 v37, v36;
	v47 =	vmul.f32 v39, v38  }
0x342: {  	v48 =	vmul.f32 v41, v40;
	v49 =	vmul.f32 v43, v42  }
0x343: {  	v18 =	vmul.f32 v1, v18;
	v19 =	vmul.f32 v19, v44  }
0x344: {  	v50 =	vadd.f32 v46, v45;
	v51 =	vadd.f32 v48, v47  }
0x345: {  	v18 =	vadd.f32 v20, v18;
	v19 =	vadd.f32 v19, v49;
	_ =	sdelay $0x1  }
0x346: {  	v18 =	vadd.f32 v50, v18;
	v19 =	vadd.f32 v19, v51;
	_ =	sdelay $0x1  }
0x347: {  	v18 =	vadd.f32 v19, v18;
	_ =	sdelay $0x1  }
0x348: {  	[tilespmem:$0x1DC5D] =	vst v18  }
0x349: {  	v18 =	vld.idx.msk [tilespmem:v17+s19+$0x14180 ss:$0x1], $0xffff  }
0x34a: {  	v19 =	vld.idx.msk [tilespmem:v17+s19+$0x19180 ss:$0x1], $0xffff  }
0x34b: {  	v52 =	vld.idx.msk [tilespmem:v17+s19+$0x14190 ss:$0x1], $0xffff  }
0x34c: {  	v53 =	vld.idx.msk [tilespmem:v17+s19+$0x19190 ss:$0x1], $0xffff  }
0x34d: {  	v54 =	vld.idx.msk [tilespmem:v17+s19+$0x141A0 ss:$0x1], $0xffff  }
0x34e: {  	v55 =	vld.idx.msk [tilespmem:v17+s19+$0x191A0 ss:$0x1], $0xffff  }
0x34f: {  	v56 =	vld.idx.msk [tilespmem:v17+s19+$0x141B0 ss:$0x1], $0xffff  }
0x350: {  	v57 =	vld.idx.msk [tilespmem:v17+s19+$0x191B0 ss:$0x1], $0xffff  }
0x351: {  	v58 =	vld.idx.msk [tilespmem:v17+s19+$0x141C0 ss:$0x1], $0xffff  }
0x352: {  	v59 =	vld.idx.msk [tilespmem:v17+s19+$0x191C0 ss:$0x1], $0xffff  }
0x353: {  	v60 =	vld.idx.msk [tilespmem:v17+s19+$0x141D0 ss:$0x1], $0xffff  }
0x354: {  	v61 =	vld.idx.msk [tilespmem:v17+s19+$0x191D0 ss:$0x1], $0xffff  }
0x355: {  	v62 =	vld.idx.msk [tilespmem:v17+s19+$0x141E0 ss:$0x1], $0xffff  }
0x356: {  	v63 =	vld.idx.msk [tilespmem:v17+s19+$0x191E0 ss:$0x1], $0xffff  }
0x357: {  	v36 =	vld.idx.msk [tilespmem:v17+s19+$0x141F0 ss:$0x1], $0xffff  }
0x358: {  	v18 =	vmul.f32 v19, v18;
	v19 =	vld.idx.msk [tilespmem:v17+s19+$0x191F0 ss:$0x1], $0xffff;
	_ =	sdelay $0x1  }
0x359: {  	v20 =	vmul.f32 v53, v52;
	v37 =	vmul.f32 v55, v54  }
0x35a: {  	v38 =	vmul.f32 v57, v56;
	v39 =	vmul.f32 v59, v58  }
0x35b: {  	v40 =	vmul.f32 v61, v60;
	v41 =	vmul.f32 v63, v62  }
0x35c: {  	v18 =	vmul.f32 v1, v18;
	v19 =	vmul.f32 v19, v36  }
0x35d: {  	v42 =	vadd.f32 v38, v37;
	v43 =	vadd.f32 v40, v39  }
0x35e: {  	v18 =	vadd.f32 v20, v18;
	v19 =	vadd.f32 v19, v41;
	_ =	sdelay $0x1  }
0x35f: {  	v18 =	vadd.f32 v42, v18;
	v19 =	vadd.f32 v19, v43;
	_ =	sdelay $0x1  }
0x360: {  	v18 =	vadd.f32 v19, v18;
	_ =	sdelay $0x1  }
0x361: {  	[tilespmem:$0x1DC6E] =	vst v18  }
0x362: {  	v18 =	vld.idx.msk [tilespmem:v17+s19+$0x14200 ss:$0x1], $0xffff  }
0x363: {  	v19 =	vld.idx.msk [tilespmem:v17+s19+$0x19200 ss:$0x1], $0xffff  }
0x364: {  	v44 =	vld.idx.msk [tilespmem:v17+s19+$0x14210 ss:$0x1], $0xffff  }
0x365: {  	v45 =	vld.idx.msk [tilespmem:v17+s19+$0x19210 ss:$0x1], $0xffff  }
0x366: {  	v46 =	vld.idx.msk [tilespmem:v17+s19+$0x14220 ss:$0x1], $0xffff  }
0x367: {  	v47 =	vld.idx.msk [tilespmem:v17+s19+$0x19220 ss:$0x1], $0xffff  }
0x368: {  	v48 =	vld.idx.msk [tilespmem:v17+s19+$0x14230 ss:$0x1], $0xffff  }
0x369: {  	v49 =	vld.idx.msk [tilespmem:v17+s19+$0x19230 ss:$0x1], $0xffff  }
0x36a: {  	v50 =	vld.idx.msk [tilespmem:v17+s19+$0x14240 ss:$0x1], $0xffff  }
0x36b: {  	v51 =	vld.idx.msk [tilespmem:v17+s19+$0x19240 ss:$0x1], $0xffff  }
0x36c: {  	v52 =	vld.idx.msk [tilespmem:v17+s19+$0x14250 ss:$0x1], $0xffff  }
0x36d: {  	v53 =	vld.idx.msk [tilespmem:v17+s19+$0x19250 ss:$0x1], $0xffff  }
0x36e: {  	v54 =	vld.idx.msk [tilespmem:v17+s19+$0x14260 ss:$0x1], $0xffff  }
0x36f: {  	v55 =	vld.idx.msk [tilespmem:v17+s19+$0x19260 ss:$0x1], $0xffff  }
0x370: {  	v56 =	vld.idx.msk [tilespmem:v17+s19+$0x14270 ss:$0x1], $0xffff  }
0x371: {  	v18 =	vmul.f32 v19, v18;
	v19 =	vld.idx.msk [tilespmem:v17+s19+$0x19270 ss:$0x1], $0xffff;
	_ =	sdelay $0x1  }
0x372: {  	v20 =	vmul.f32 v45, v44;
	v57 =	vmul.f32 v47, v46  }
0x373: {  	v58 =	vmul.f32 v49, v48;
	v59 =	vmul.f32 v51, v50  }
0x374: {  	v60 =	vmul.f32 v53, v52;
	v61 =	vmul.f32 v55, v54  }
0x375: {  	v18 =	vmul.f32 v1, v18;
	v19 =	vmul.f32 v19, v56  }
0x376: {  	v62 =	vadd.f32 v58, v57;
	v63 =	vadd.f32 v60, v59  }
0x377: {  	v18 =	vadd.f32 v20, v18;
	v19 =	vadd.f32 v19, v61  }
0x378: {  	p1 =	sne.s32 s3, $0x4  }
.Ltmp0:
0x379: {  	v18 =	vadd.f32 v62, v18;
	v19 =	vadd.f32 v19, v63;
	(pc) =	sbr.rel @p1 .LBB2_3-.Ltmp0, $3  }
0x37a: {  	_ = 	snop  }
0x37b: {  	v18 =	vadd.f32 v19, v18;
	_ =	sdelay $0x1  }
0x37c: {  	s3 =	sadd.s32 $0x1, s3;
	[tilespmem:$0x1DC7F] =	vst v18  }
0x37d: {  	_ =	sdelay $0x3  }
0x37e: {  	v17 =	vld.idx.msk [tilespmem:v0+s25+$0x0], $0xffff  }
0x37f: {  	v18 =	vld.idx.msk [tilespmem:v2+s25+$0x0], $0xffff  }
0x380: {  	v19 =	vld.idx.msk [tilespmem:v3+s25+$0x0], $0xffff  }
0x381: {  	v20 =	vld.idx.msk [tilespmem:v4+s25+$0x0], $0xffff  }
0x382: {  	v21 =	vld.idx.msk [tilespmem:v5+s25+$0x0], $0xffff  }
0x383: {  	v22 =	vld.idx.msk [tilespmem:v6+s25+$0x0], $0xffff  }
0x384: {  	v23 =	vld.idx.msk [tilespmem:v7+s25+$0x0], $0xffff  }
0x385: {  	v24 =	vld.idx.msk [tilespmem:v8+s25+$0x0], $0xffff  }
0x386: {  	v25 =	vld.idx.msk [tilespmem:v9+s25+$0x0], $0xffff  }
0x387: {  	v26 =	vld.idx.msk [tilespmem:v10+s25+$0x0], $0xffff  }
0x388: {  	v27 =	vld.idx.msk [tilespmem:v11+s25+$0x0], $0xffff  }
0x389: {  	v28 =	vld.idx.msk [tilespmem:v12+s25+$0x0], $0xffff  }
0x38a: {  	v29 =	vld.idx.msk [tilespmem:v13+s25+$0x0], $0xffff  }
0x38b: {  	v30 =	vld.idx.msk [tilespmem:v14+s25+$0x0], $0xffff  }
0x38c: {  	v31 =	vld.idx.msk [tilespmem:v15+s25+$0x0], $0xffff  }
0x38d: {  	v32 =	vld.idx.msk [tilespmem:v16+s25+$0x0], $0xffff;
	_ =	sdelay $0x1  }
0x38e: {  	v17 =	vadd.f32 v18, v17;
	v18 =	vadd.f32 v20, v19  }
0x38f: {  	v19 =	vadd.f32 v22, v21;
	v58 =	vadd.f32 v24, v23  }
0x390: {  	v59 =	vadd.f32 v26, v25;
	v60 =	vadd.f32 v28, v27  }
0x391: {  	v61 =	vadd.f32 v30, v29;
	v62 =	vadd.f32 v32, v31  }
0x392: {  	v17 =	vadd.f32 v18, v17;
	v18 =	vadd.f32 v58, v19  }
0x393: {  	v19 =	vadd.f32 v60, v59;
	v63 =	vadd.f32 v62, v61;
	_ =	sdelay $0x1  }
0x394: {  	s0 =	smul.u32 $0x50, s28;
	p1 =	sne.s32 s29, $0x7D;
	v17 =	vadd.f32 v18, v17;
	v18 =	vadd.f32 v63, v19  }
.Ltmp1:
0x395: {  	_ = 	snop;
	(pc) =	sbr.rel @p1 .LBB2_2-.Ltmp1, $4  }
0x396: {  	s0 =	sadd.s32 s6, s0;
	v17 =	vadd.f32 v18, v17  }
0x397: {  	s0 =	sshrl.u32 s0, $0x3  }
0x398: {  	s28 =	smov.u32 s29;
	s0 =	sadd.s32 s7, s0;
	[tilespmem:s30+$0x1DAC0] =	vst v17  }
0x399: {  	[hbm4b:s0+s5] =	stream.linear.scatter [tilespmem:s31], [sflag:$0x3], $0x50, $0x38;
	[tilespmem:$0x1DD00] =	vst v63  }
0x39a: {  	s26 =	sadd.s32 $0x1, s26  }
0x39b: {  	_ =	swait.ge [sflag:s24], $0x50;
	p1 =	sne.s32 s26, s13  }
.Ltmp2:
0x39c: {  	[sflag:s24] =	ssyncset.done $0x0;
	(pc) =	sbr.rel @p1 .LBB2_1-.Ltmp2, $4  }
0x39d: {  	[sflag:s24] =	ssyncadd.s32 $0xFFFFFFB0  }
0x39e: {  	_ =	swait.ge [sflag:s24], $0x50  }
0x39f: {  	[sflag:s24] =	ssyncset.done $0x0  }
0x3a0: {  	[sflag:s24] =	ssyncadd.s32 $0xFFFFFFB0  }
0x3a1: {  	_ =	sfence.sel $0x180000  }
0x3a2: {  	[bflag:$0x0] =	sbarrier.arrive $0xFFFF  }
0x3a3: {  	_ =	strace $0x90000047  }
0x3a4: {  	[bflag:$0x2] =	sbarrier.arrive $0xFFFF  }
0x3a5: {  	s0 =	rddreg [dreg:$0x4]  }
0x3a6: {  	s0 =	sadd.s32 @!p0 $0x100000, s0  }
0x3a7: {  	[sflag:s0] =	ssyncadd.tile.s32 @!p0 $0x1;
	_ =	shalt  }
.Lfunc_end2:
_tile_overlayer_lowered:
.L_overlay_start_2:
0x3a8: {  	(tag) =	ssettag $0x2  }
0x3a9: {  	s0 =	rddreg [dreg:$0x0];
	s2 =	stileid.u32  }
0x3aa: {  	s1 =	rddreg [dreg:$0x1];
	p0 =	sne.s32 s2, $0x0  }
0x3ab: {  	s3 =	rddreg [dreg:$0x2];
	[bflag:$0x3] =	sbarrier.arrive $0xFFFF;
	s2 =	simm.s32 @!p0 $0x1C04  }
0x3ac: {  	[timem:s3], [sflag:s2] =	dma.local @!p0 [hbm:s0], s1  }
0x3ad: {  	s0 =	simm.s32 @!p0 $0x4  }
0x3ae: {  	_ =	swait.ge @!p0 [sflag:s0], s1  }
0x3af: {  	s1 =	ssub.s32 @!p0 $0x0, s1;
	[sflag:s0] =	ssyncset.done @!p0 $0x0  }
0x3b0: {  	[sflag:s0] =	ssyncadd.s32 @!p0 s1  }
0x3b1: {  	[bflag:$0x3] =	sbarrier.arrive $0xFFFF  }
0x3b2: {  	_ =	shalt  }

</sc_bundles>
